<compile_context>
chip_gen: v7x
topology: tpu7x:2x2x1
jax: 0.10.2.dev20260603
libtpu: 0.0.44.dev20260713+nightly
codegen_flags: <defaults>
</compile_context>

<pallas_src>
import functools

import jax
import jax.numpy as jnp
from jax import lax
from jax.experimental import pallas as pl
from jax.experimental.pallas import tpu as pltpu
from jax.experimental.pallas import tpu_sc as plsc

N = 10000
E = 320000
F = 128
H = 8
D = 16
HD = H * D
ROW = HD + 2 * H
NEG_SLOPE = 0.2

NC = 2
NS = 16
NW = NC * NS
CHUNK = 80
EPT = E // NW
NCHUNKS = EPT // CHUNK
RPT = N // NS


def _prep_body(x_ref, w_ref, al_ref, ar_ref, hs_ref, er_ref):
    h = jnp.dot(x_ref[...], w_ref[...], preferred_element_type=jnp.float32)
    hs_ref[:, :HD] = h
    row = lax.broadcasted_iota(jnp.int32, (2 * H, F), 0)
    col = lax.broadcasted_iota(jnp.int32, (2 * H, F), 1)
    sel = (col // D) == row
    alt = jnp.where(sel, al_ref[...], 0.0)
    art = jnp.where(sel, ar_ref[...], 0.0)
    dn = (((1,), (1,)), ((), ()))
    pad = jnp.where(lax.broadcasted_iota(jnp.int32, (1, 2 * H), 1) < H, 0.0, -1e30)
    hs_ref[:, HD:ROW] = lax.dot_general(h, alt, dn, preferred_element_type=jnp.float32) + pad
    er_ref[...] = lax.dot_general(h, art, dn, preferred_element_type=jnp.float32) + pad


def _fin_body(p0_ref, p1_ref, o_ref):
    a = p0_ref[...] + p1_ref[...]
    msg = a[:, :HD]
    den = a[:, HD:HD + H]
    recip = 1.0 / (den + 1e-9)
    r8 = lax.broadcasted_iota(jnp.int32, (H, HD), 0)
    c8 = lax.broadcasted_iota(jnp.int32, (H, HD), 1)
    expand = ((c8 // D) == r8).astype(jnp.float32)
    o_ref[...] = msg * jnp.dot(recip, expand, preferred_element_type=jnp.float32)


def _edge_compute(hs_v, er_v, out_v):
    @plsc.parallel_loop(0, CHUNK, step=1, unroll=8)
    def _body(e):
        el = hs_v[e, pl.ds(HD, 16)]
        er = er_v[e, pl.ds(0, 16)]
        s = el + er
        ex = jnp.exp(jnp.maximum(s, NEG_SLOPE * s))
        out_v[e, pl.ds(HD, 16)] = ex
        for hh in range(H):
            sx = jnp.broadcast_to(ex[hh], (16,))
            hv = hs_v[e, pl.ds(hh * D, 16)]
            out_v[e, pl.ds(hh * D, 16)] = hv * sx


def _edge_body(src_hbm, dst_hbm, hs_hbm, er_hbm, out_hbm,
               src_a, dst_a, hs_a, er_a,
               src_b, dst_b, hs_b, er_b,
               out_v, acc,
               hsem_a, esem_a, hsem_b, esem_b, isem_a, isem_b):
    cid = lax.axis_index("c")
    sid = lax.axis_index("s")
    wid = cid * NS + sid
    base = wid * EPT

    @plsc.parallel_loop(0, CHUNK, step=1, unroll=8)
    def _zrow(r):
        for c2 in range(ROW // 16):
            out_v[r, pl.ds(c2 * 16, 16)] = jnp.zeros((16,), jnp.float32)

    for k in range(RPT // CHUNK):
        pltpu.sync_copy(out_v, acc.at[pl.ds(sid * RPT + k * CHUNK, CHUNK)])
    _rem = RPT - (RPT // CHUNK) * CHUNK
    if _rem:
        pltpu.sync_copy(out_v.at[pl.ds(0, _rem)],
                        acc.at[pl.ds(sid * RPT + (RPT // CHUNK) * CHUNK, _rem)])
    plsc.subcore_barrier()

    def fetch_idx(c, sv, dv, isem):
        off = base + jnp.minimum(c, NCHUNKS - 1) * CHUNK
        pltpu.async_copy(src_hbm.at[pl.ds(off, CHUNK)], sv, isem)
        pltpu.async_copy(dst_hbm.at[pl.ds(off, CHUNK)], dv, isem)

    def wait_idx(sv, dv, isem):
        pltpu.make_async_copy(src_hbm.at[pl.ds(0, CHUNK)], sv, isem).wait()
        pltpu.make_async_copy(dst_hbm.at[pl.ds(0, CHUNK)], dv, isem).wait()

    def start_gathers(sv, dv, hv, ev, hsem, esem):
        pltpu.async_copy(hs_hbm.at[sv], hv, hsem)
        pltpu.async_copy(er_hbm.at[dv], ev, esem)

    def wait_gathers(sv, dv, hv, ev, hsem, esem):
        pltpu.make_async_copy(hs_hbm.at[sv], hv, hsem).wait()
        pltpu.make_async_copy(er_hbm.at[dv], ev, esem).wait()

    fetch_idx(0, src_a, dst_a, isem_a)
    wait_idx(src_a, dst_a, isem_a)
    start_gathers(src_a, dst_a, hs_a, er_a, hsem_a, esem_a)
    fetch_idx(1, src_b, dst_b, isem_b)

    def pair_body(j, carry):
        wait_idx(src_b, dst_b, isem_b)
        start_gathers(src_b, dst_b, hs_b, er_b, hsem_b, esem_b)
        wait_gathers(src_a, dst_a, hs_a, er_a, hsem_a, esem_a)
        _edge_compute(hs_a, er_a, out_v)
        pltpu.sync_copy(out_v, acc.at[dst_a], add=True)
        fetch_idx(2 * j + 2, src_a, dst_a, isem_a)

        wait_idx(src_a, dst_a, isem_a)
        start_gathers(src_a, dst_a, hs_a, er_a, hsem_a, esem_a)
        wait_gathers(src_b, dst_b, hs_b, er_b, hsem_b, esem_b)
        _edge_compute(hs_b, er_b, out_v)
        pltpu.sync_copy(out_v, acc.at[dst_b], add=True)
        fetch_idx(2 * j + 3, src_b, dst_b, isem_b)
        return carry

    lax.fori_loop(0, NCHUNKS // 2, pair_body, 0)

    wait_idx(src_b, dst_b, isem_b)
    wait_gathers(src_a, dst_a, hs_a, er_a, hsem_a, esem_a)
    _edge_compute(hs_a, er_a, out_v)
    pltpu.sync_copy(out_v, acc.at[dst_a], add=True)

    plsc.subcore_barrier()
    pltpu.sync_copy(acc.at[pl.ds(sid * RPT, RPT)],
                    out_hbm.at[pl.ds(cid * N + sid * RPT, RPT)])


@jax.jit
def kernel(x, edge_index, W, attn_l, attn_r):
    srcp = edge_index[0].astype(jnp.int32)
    dstp = edge_index[1].astype(jnp.int32)

    bn = 1000
    grid = N // bn
    hs, er = pl.pallas_call(
        _prep_body,
        grid=(grid,),
        in_specs=[
            pl.BlockSpec((bn, F), lambda i: (i, 0)),
            pl.BlockSpec((F, HD), lambda i: (0, 0)),
            pl.BlockSpec((1, F), lambda i: (0, 0)),
            pl.BlockSpec((1, F), lambda i: (0, 0)),
        ],
        out_specs=[
            pl.BlockSpec((bn, ROW), lambda i: (i, 0)),
            pl.BlockSpec((bn, 2 * H), lambda i: (i, 0)),
        ],
        out_shape=[
            jax.ShapeDtypeStruct((N, ROW), jnp.float32),
            jax.ShapeDtypeStruct((N, 2 * H), jnp.float32),
        ],
    )(x, W, attn_l.reshape(1, F), attn_r.reshape(1, F))

    mesh = plsc.VectorSubcoreMesh(core_axis_name="c", subcore_axis_name="s",
                                  num_cores=NC, num_subcores=NS)
    partials = pl.kernel(
        _edge_body,
        out_type=jax.ShapeDtypeStruct((NC * N, ROW), jnp.float32),
        mesh=mesh,
        scratch_types=(
            [pltpu.VMEM((CHUNK,), jnp.int32),
             pltpu.VMEM((CHUNK,), jnp.int32),
             pltpu.VMEM((CHUNK, ROW), jnp.float32),
             pltpu.VMEM((CHUNK, 2 * H), jnp.float32)] * 2 +
            [pltpu.VMEM((CHUNK, ROW), jnp.float32),
             pltpu.VMEM_SHARED((N, ROW), jnp.float32),
             pltpu.SemaphoreType.DMA,
             pltpu.SemaphoreType.DMA,
             pltpu.SemaphoreType.DMA,
             pltpu.SemaphoreType.DMA,
             pltpu.SemaphoreType.DMA,
             pltpu.SemaphoreType.DMA]
        ),
        compiler_params=pltpu.CompilerParams(use_tc_tiling_on_sc=False),
    )(srcp, dstp, hs, er)

    feat = pl.pallas_call(
        _fin_body,
        grid=(grid,),
        in_specs=[
            pl.BlockSpec((bn, ROW), lambda i: (i, 0)),
            pl.BlockSpec((bn, ROW), lambda i: (i + grid, 0)),
        ],
        out_specs=pl.BlockSpec((bn, HD), lambda i: (i, 0)),
        out_shape=jax.ShapeDtypeStruct((N, HD), jnp.float32),
    )(partials, partials)
    return feat

# --- scband reference (transcript-rebuilt; emitter-appended) ---
"""Pipeline reference for scband-message-passing-39960375722434 (READ-ONLY COPY).

The authoritative reference and input builder live on the scoring server;
editing this copy changes nothing except your own understanding.
"""

import jax, jax.numpy as jnp
import numpy as np

N = 10000
E = 320000
IN_FEATS = 128
H = 8   # num_attention_heads
D = 16  # hidden_feats per head
NEG_SLOPE = 0.2


def setup_inputs(seed: int = 0) -> dict:
    key = jax.random.key(seed)
    k1, k2, k3, k4, k5 = jax.random.split(key, 5)
    x = jax.random.normal(k1, (N, IN_FEATS), dtype=jnp.float32)
    edge_index = jax.random.randint(k2, (2, E), 0, N)
    # learned parameters for one GATConv step
    W = jax.random.normal(k3, (IN_FEATS, H * D), dtype=jnp.float32) * (1.0 / np.sqrt(IN_FEATS))
    attn_l = jax.random.normal(k4, (H, D), dtype=jnp.float32) * 0.1
    attn_r = jax.random.normal(k5, (H, D), dtype=jnp.float32) * 0.1
    return {"x": x, "edge_index": edge_index, "W": W, "attn_l": attn_l, "attn_r": attn_r}


def reference(x, edge_index, W, attn_l, attn_r):
    src = edge_index[0]
    dst = edge_index[1]
    # node-wise linear projection into H heads of dim D
    h = (x @ W).reshape(N, H, D)                       # [N, H, D]
    el = jnp.sum(h * attn_l[None, :, :], axis=-1)      # [N, H]
    er = jnp.sum(h * attn_r[None, :, :], axis=-1)      # [N, H]
    # edge-wise attention logits (gather over src/dst)
    e = jax.nn.leaky_relu(el[src] + er[dst], negative_slope=NEG_SLOPE)  # [E, H]
    # edge-softmax over incoming edges of each dst node
    m = jax.ops.segment_max(e, dst, num_segments=N)    # [N, H]
    ex = jnp.exp(e - m[dst])                           # [E, H]
    denom = jax.ops.segment_sum(ex, dst, num_segments=N)  # [N, H]
    alpha = ex / (denom[dst] + 1e-9)                   # [E, H]
    # message = attention-weighted source features; scatter-add to dst
    msg = h[src] * alpha[:, :, None]                   # [E, H, D]
    out = jax.ops.segment_sum(msg, dst, num_segments=N)  # [N, H, D]
    # attn_agg_mode == 'concat' -> flatten heads; no activation, no residual, no bias
    feat = out.reshape(N, H * D)                       # [N, 128]
    return feat

if __name__ == "__main__":
    import jax
    _d = setup_inputs()
    print(jax.jit(kernel)(*tuple(_d.values())))

</pallas_src>

<mosaic_0001>
#map = affine_map<(d0, d1) -> (0)>
#map1 = affine_map<(d0, d1) -> (0, 0)>
module attributes {stable_mosaic.version = 14 : i64} {
  func.func @_edge_body(%arg0: i32, %arg1: i32, %arg2: memref<320000xi32, #tpu.memory_space<hbm>>, %arg3: memref<320000xi32, #tpu.memory_space<hbm>>, %arg4: memref<10000x144xf32, #tpu.memory_space<hbm>>, %arg5: memref<10000x16xf32, #tpu.memory_space<hbm>>, %arg6: memref<20000x144xf32, #tpu.memory_space<hbm>>, %arg7: memref<80xi32, #tpu.memory_space<vmem>>, %arg8: memref<80xi32, #tpu.memory_space<vmem>>, %arg9: memref<80x144xf32, #tpu.memory_space<vmem>>, %arg10: memref<80x16xf32, #tpu.memory_space<vmem>>, %arg11: memref<80xi32, #tpu.memory_space<vmem>>, %arg12: memref<80xi32, #tpu.memory_space<vmem>>, %arg13: memref<80x144xf32, #tpu.memory_space<vmem>>, %arg14: memref<80x16xf32, #tpu.memory_space<vmem>>, %arg15: memref<80x144xf32, #tpu.memory_space<vmem>>, %arg16: memref<10000x144xf32, #tpu.memory_space<vmem_shared>>, %arg17: memref<!tpu.dma_semaphore, #tpu.memory_space<semaphore_mem>>, %arg18: memref<!tpu.dma_semaphore, #tpu.memory_space<semaphore_mem>>, %arg19: memref<!tpu.dma_semaphore, #tpu.memory_space<semaphore_mem>>, %arg20: memref<!tpu.dma_semaphore, #tpu.memory_space<semaphore_mem>>, %arg21: memref<!tpu.dma_semaphore, #tpu.memory_space<semaphore_mem>>, %arg22: memref<!tpu.dma_semaphore, #tpu.memory_space<semaphore_mem>>) attributes {dimension_semantics = [#tpu.dimension_semantics<core_parallel>, #tpu.dimension_semantics<subcore_parallel>], iteration_bounds = array<i64: 2, 16>, scalar_prefetch = 0 : i64, scratch_operands = 16 : i64, tpu.core_type = #tpu.core_type<sc_vector_subcore>, window_params = [{transform_indices = #map}, {transform_indices = #map}, {transform_indices = #map1}, {transform_indices = #map1}, {transform_indices = #map1}]} {
    %mul3A = arith.constant 16 : i32
    %mul3A_0 = arith.muli %arg0, %mul3A : i32
    %add3A = arith.addi %mul3A_0, %arg1 : i32
    %mul3A_1 = arith.constant 10000 : i32
    %mul3A_2 = arith.muli %add3A, %mul3A_1 : i32
    %parallel_loop3A = arith.constant 0 : i32
    %parallel_loop3A_3 = arith.constant 80 : i32
    %parallel_loop3A_4 = arith.constant 1 : i32
    scf.for %parallel_loop3A_98 = %parallel_loop3A to %parallel_loop3A_3 step %parallel_loop3A_4  : i32 {
      %parallel_loop3A_99 = arith.constant 0.000000e+00 : f32
      %parallel_loop3A_100 = vector.broadcast %parallel_loop3A_99 : f32 to vector<16xf32>
      %parallel_loop3A_101 = arith.index_cast %parallel_loop3A_98 : i32 to index
      %parallel_loop3A_102 = arith.constant 0 : index
      %parallel_loop3A_103 = tpu.vector_load %arg15[%parallel_loop3A_101, %parallel_loop3A_102] {strides = array<i32>} : memref<80x144xf32, #tpu.memory_space<vmem>>, vector<1x16xf32>,
      %parallel_loop3A_104 = vector.shape_cast %parallel_loop3A_103 : vector<1x16xf32> to vector<16xf32>
      %parallel_loop3A_105 = vector.shape_cast %parallel_loop3A_100 : vector<16xf32> to vector<1x16xf32>
      tpu.vector_store %arg15[%parallel_loop3A_101, %parallel_loop3A_102], %parallel_loop3A_105 {strides = array<i32>} : memref<80x144xf32, #tpu.memory_space<vmem>>, vector<1x16xf32>,
      %parallel_loop3A_106 = arith.constant 0.000000e+00 : f32
      %parallel_loop3A_107 = vector.broadcast %parallel_loop3A_106 : f32 to vector<16xf32>
      %parallel_loop3A_108 = arith.index_cast %parallel_loop3A_98 : i32 to index
      %parallel_loop3A_109 = arith.constant 16 : index
      %parallel_loop3A_110 = tpu.vector_load %arg15[%parallel_loop3A_108, %parallel_loop3A_109] {strides = array<i32>} : memref<80x144xf32, #tpu.memory_space<vmem>>, vector<1x16xf32>,
      %parallel_loop3A_111 = vector.shape_cast %parallel_loop3A_110 : vector<1x16xf32> to vector<16xf32>
      %parallel_loop3A_112 = vector.shape_cast %parallel_loop3A_107 : vector<16xf32> to vector<1x16xf32>
      tpu.vector_store %arg15[%parallel_loop3A_108, %parallel_loop3A_109], %parallel_loop3A_112 {strides = array<i32>} : memref<80x144xf32, #tpu.memory_space<vmem>>, vector<1x16xf32>,
      %parallel_loop3A_113 = arith.constant 0.000000e+00 : f32
      %parallel_loop3A_114 = vector.broadcast %parallel_loop3A_113 : f32 to vector<16xf32>
      %parallel_loop3A_115 = arith.index_cast %parallel_loop3A_98 : i32 to index
      %parallel_loop3A_116 = arith.constant 32 : index
      %parallel_loop3A_117 = tpu.vector_load %arg15[%parallel_loop3A_115, %parallel_loop3A_116] {strides = array<i32>} : memref<80x144xf32, #tpu.memory_space<vmem>>, vector<1x16xf32>,
      %parallel_loop3A_118 = vector.shape_cast %parallel_loop3A_117 : vector<1x16xf32> to vector<16xf32>
      %parallel_loop3A_119 = vector.shape_cast %parallel_loop3A_114 : vector<16xf32> to vector<1x16xf32>
      tpu.vector_store %arg15[%parallel_loop3A_115, %parallel_loop3A_116], %parallel_loop3A_119 {strides = array<i32>} : memref<80x144xf32, #tpu.memory_space<vmem>>, vector<1x16xf32>,
      %parallel_loop3A_120 = arith.constant 0.000000e+00 : f32
      %parallel_loop3A_121 = vector.broadcast %parallel_loop3A_120 : f32 to vector<16xf32>
      %parallel_loop3A_122 = arith.index_cast %parallel_loop3A_98 : i32 to index
      %parallel_loop3A_123 = arith.constant 48 : index
      %parallel_loop3A_124 = tpu.vector_load %arg15[%parallel_loop3A_122, %parallel_loop3A_123] {strides = array<i32>} : memref<80x144xf32, #tpu.memory_space<vmem>>, vector<1x16xf32>,
      %parallel_loop3A_125 = vector.shape_cast %parallel_loop3A_124 : vector<1x16xf32> to vector<16xf32>
      %parallel_loop3A_126 = vector.shape_cast %parallel_loop3A_121 : vector<16xf32> to vector<1x16xf32>
      tpu.vector_store %arg15[%parallel_loop3A_122, %parallel_loop3A_123], %parallel_loop3A_126 {strides = array<i32>} : memref<80x144xf32, #tpu.memory_space<vmem>>, vector<1x16xf32>,
      %parallel_loop3A_127 = arith.constant 0.000000e+00 : f32
      %parallel_loop3A_128 = vector.broadcast %parallel_loop3A_127 : f32 to vector<16xf32>
      %parallel_loop3A_129 = arith.index_cast %parallel_loop3A_98 : i32 to index
      %parallel_loop3A_130 = arith.constant 64 : index
      %parallel_loop3A_131 = tpu.vector_load %arg15[%parallel_loop3A_129, %parallel_loop3A_130] {strides = array<i32>} : memref<80x144xf32, #tpu.memory_space<vmem>>, vector<1x16xf32>,
      %parallel_loop3A_132 = vector.shape_cast %parallel_loop3A_131 : vector<1x16xf32> to vector<16xf32>
      %parallel_loop3A_133 = vector.shape_cast %parallel_loop3A_128 : vector<16xf32> to vector<1x16xf32>
      tpu.vector_store %arg15[%parallel_loop3A_129, %parallel_loop3A_130], %parallel_loop3A_133 {strides = array<i32>} : memref<80x144xf32, #tpu.memory_space<vmem>>, vector<1x16xf32>,
      %parallel_loop3A_134 = arith.constant 0.000000e+00 : f32
      %parallel_loop3A_135 = vector.broadcast %parallel_loop3A_134 : f32 to vector<16xf32>
      %parallel_loop3A_136 = arith.index_cast %parallel_loop3A_98 : i32 to index
      %parallel_loop3A_137 = arith.constant 80 : index
      %parallel_loop3A_138 = tpu.vector_load %arg15[%parallel_loop3A_136, %parallel_loop3A_137] {strides = array<i32>} : memref<80x144xf32, #tpu.memory_space<vmem>>, vector<1x16xf32>,
      %parallel_loop3A_139 = vector.shape_cast %parallel_loop3A_138 : vector<1x16xf32> to vector<16xf32>
      %parallel_loop3A_140 = vector.shape_cast %parallel_loop3A_135 : vector<16xf32> to vector<1x16xf32>
      tpu.vector_store %arg15[%parallel_loop3A_136, %parallel_loop3A_137], %parallel_loop3A_140 {strides = array<i32>} : memref<80x144xf32, #tpu.memory_space<vmem>>, vector<1x16xf32>,
      %parallel_loop3A_141 = arith.constant 0.000000e+00 : f32
      %parallel_loop3A_142 = vector.broadcast %parallel_loop3A_141 : f32 to vector<16xf32>
      %parallel_loop3A_143 = arith.index_cast %parallel_loop3A_98 : i32 to index
      %parallel_loop3A_144 = arith.constant 96 : index
      %parallel_loop3A_145 = tpu.vector_load %arg15[%parallel_loop3A_143, %parallel_loop3A_144] {strides = array<i32>} : memref<80x144xf32, #tpu.memory_space<vmem>>, vector<1x16xf32>,
      %parallel_loop3A_146 = vector.shape_cast %parallel_loop3A_145 : vector<1x16xf32> to vector<16xf32>
      %parallel_loop3A_147 = vector.shape_cast %parallel_loop3A_142 : vector<16xf32> to vector<1x16xf32>
      tpu.vector_store %arg15[%parallel_loop3A_143, %parallel_loop3A_144], %parallel_loop3A_147 {strides = array<i32>} : memref<80x144xf32, #tpu.memory_space<vmem>>, vector<1x16xf32>,
      %parallel_loop3A_148 = arith.constant 0.000000e+00 : f32
      %parallel_loop3A_149 = vector.broadcast %parallel_loop3A_148 : f32 to vector<16xf32>
      %parallel_loop3A_150 = arith.index_cast %parallel_loop3A_98 : i32 to index
      %parallel_loop3A_151 = arith.constant 112 : index
      %parallel_loop3A_152 = tpu.vector_load %arg15[%parallel_loop3A_150, %parallel_loop3A_151] {strides = array<i32>} : memref<80x144xf32, #tpu.memory_space<vmem>>, vector<1x16xf32>,
      %parallel_loop3A_153 = vector.shape_cast %parallel_loop3A_152 : vector<1x16xf32> to vector<16xf32>
      %parallel_loop3A_154 = vector.shape_cast %parallel_loop3A_149 : vector<16xf32> to vector<1x16xf32>
      tpu.vector_store %arg15[%parallel_loop3A_150, %parallel_loop3A_151], %parallel_loop3A_154 {strides = array<i32>} : memref<80x144xf32, #tpu.memory_space<vmem>>, vector<1x16xf32>,
      %parallel_loop3A_155 = arith.constant 0.000000e+00 : f32
      %parallel_loop3A_156 = vector.broadcast %parallel_loop3A_155 : f32 to vector<16xf32>
      %parallel_loop3A_157 = arith.index_cast %parallel_loop3A_98 : i32 to index
      %parallel_loop3A_158 = arith.constant 128 : index
      %parallel_loop3A_159 = tpu.vector_load %arg15[%parallel_loop3A_157, %parallel_loop3A_158] {strides = array<i32>} : memref<80x144xf32, #tpu.memory_space<vmem>>, vector<1x16xf32>,
      %parallel_loop3A_160 = vector.shape_cast %parallel_loop3A_159 : vector<1x16xf32> to vector<16xf32>
      %parallel_loop3A_161 = vector.shape_cast %parallel_loop3A_156 : vector<16xf32> to vector<1x16xf32>
      tpu.vector_store %arg15[%parallel_loop3A_157, %parallel_loop3A_158], %parallel_loop3A_161 {strides = array<i32>} : memref<80x144xf32, #tpu.memory_space<vmem>>, vector<1x16xf32>,
    } {sc.loop_unroll_factor = 8 : i64, sc.parallel_access}
    %mul3A_5 = arith.constant 625 : i32
    %mul3A_6 = arith.muli %arg1, %mul3A_5 : i32
    %add3A_7 = arith.constant 0 : i32
    %add3A_8 = arith.addi %mul3A_6, %add3A_7 : i32
    "tpu.region"() ({
      %run_scoped3A = tpu.sem_alloc : memref<!tpu.dma_semaphore, #tpu.memory_space<semaphore_mem>>
      %dma_start3A_98 = arith.constant 0 : i32
      %dma_start3A_99 = tpu.memref_slice %arg16[%add3A_8, %dma_start3A_98] : memref<10000x144xf32, #tpu.memory_space<vmem_shared>> -> memref<80x144xf32, #tpu.memory_space<vmem_shared>>
      %dma_start3A_100 = arith.constant 0 : i32
      %dma_start3A_101 = tpu.memref_slice %arg16[%add3A_8, %dma_start3A_100] : memref<10000x144xf32, #tpu.memory_space<vmem_shared>> -> memref<80x144xf32, #tpu.memory_space<vmem_shared>>
      tpu.enqueue_dma source(%arg15 : memref<80x144xf32, #tpu.memory_space<vmem>>) target(%dma_start3A_101 : memref<80x144xf32, #tpu.memory_space<vmem_shared>>) target_semaphore(%run_scoped3A : memref<!tpu.dma_semaphore, #tpu.memory_space<semaphore_mem>>)
      %dma_wait3A_102 = arith.constant 0 : i32
      %dma_wait3A_103 = tpu.memref_slice %arg16[%add3A_8, %dma_wait3A_102] : memref<10000x144xf32, #tpu.memory_space<vmem_shared>> -> memref<80x144xf32, #tpu.memory_space<vmem_shared>>
      %dma_wait3A_104 = arith.constant 0 : i32
      %dma_wait3A_105 = tpu.memref_slice %arg16[%add3A_8, %dma_wait3A_104] : memref<10000x144xf32, #tpu.memory_space<vmem_shared>> -> memref<80x144xf32, #tpu.memory_space<vmem_shared>>
      tpu.wait_dma2 semaphore(%run_scoped3A : memref<!tpu.dma_semaphore, #tpu.memory_space<semaphore_mem>>) src(%arg15 : memref<80x144xf32, #tpu.memory_space<vmem>>) dst(%dma_wait3A_105 : memref<80x144xf32, #tpu.memory_space<vmem_shared>>)
      tpu.yield
    }) : () -> ()
    %mul3A_9 = arith.constant 625 : i32
    %mul3A_10 = arith.muli %arg1, %mul3A_9 : i32
    %add3A_11 = arith.constant 80 : i32
    %add3A_12 = arith.addi %mul3A_10, %add3A_11 : i32
    "tpu.region"() ({
      %run_scoped3A = tpu.sem_alloc : memref<!tpu.dma_semaphore, #tpu.memory_space<semaphore_mem>>
      %dma_start3A_98 = arith.constant 0 : i32
      %dma_start3A_99 = tpu.memref_slice %arg16[%add3A_12, %dma_start3A_98] : memref<10000x144xf32, #tpu.memory_space<vmem_shared>> -> memref<80x144xf32, #tpu.memory_space<vmem_shared>>
      %dma_start3A_100 = arith.constant 0 : i32
      %dma_start3A_101 = tpu.memref_slice %arg16[%add3A_12, %dma_start3A_100] : memref<10000x144xf32, #tpu.memory_space<vmem_shared>> -> memref<80x144xf32, #tpu.memory_space<vmem_shared>>
      tpu.enqueue_dma source(%arg15 : memref<80x144xf32, #tpu.memory_space<vmem>>) target(%dma_start3A_101 : memref<80x144xf32, #tpu.memory_space<vmem_shared>>) target_semaphore(%run_scoped3A : memref<!tpu.dma_semaphore, #tpu.memory_space<semaphore_mem>>)
      %dma_wait3A_102 = arith.constant 0 : i32
      %dma_wait3A_103 = tpu.memref_slice %arg16[%add3A_12, %dma_wait3A_102] : memref<10000x144xf32, #tpu.memory_space<vmem_shared>> -> memref<80x144xf32, #tpu.memory_space<vmem_shared>>
      %dma_wait3A_104 = arith.constant 0 : i32
      %dma_wait3A_105 = tpu.memref_slice %arg16[%add3A_12, %dma_wait3A_104] : memref<10000x144xf32, #tpu.memory_space<vmem_shared>> -> memref<80x144xf32, #tpu.memory_space<vmem_shared>>
      tpu.wait_dma2 semaphore(%run_scoped3A : memref<!tpu.dma_semaphore, #tpu.memory_space<semaphore_mem>>) src(%arg15 : memref<80x144xf32, #tpu.memory_space<vmem>>) dst(%dma_wait3A_105 : memref<80x144xf32, #tpu.memory_space<vmem_shared>>)
      tpu.yield
    }) : () -> ()
    %mul3A_13 = arith.constant 625 : i32
    %mul3A_14 = arith.muli %arg1, %mul3A_13 : i32
    %add3A_15 = arith.constant 160 : i32
    %add3A_16 = arith.addi %mul3A_14, %add3A_15 : i32
    "tpu.region"() ({
      %run_scoped3A = tpu.sem_alloc : memref<!tpu.dma_semaphore, #tpu.memory_space<semaphore_mem>>
      %dma_start3A_98 = arith.constant 0 : i32
      %dma_start3A_99 = tpu.memref_slice %arg16[%add3A_16, %dma_start3A_98] : memref<10000x144xf32, #tpu.memory_space<vmem_shared>> -> memref<80x144xf32, #tpu.memory_space<vmem_shared>>
      %dma_start3A_100 = arith.constant 0 : i32
      %dma_start3A_101 = tpu.memref_slice %arg16[%add3A_16, %dma_start3A_100] : memref<10000x144xf32, #tpu.memory_space<vmem_shared>> -> memref<80x144xf32, #tpu.memory_space<vmem_shared>>
      tpu.enqueue_dma source(%arg15 : memref<80x144xf32, #tpu.memory_space<vmem>>) target(%dma_start3A_101 : memref<80x144xf32, #tpu.memory_space<vmem_shared>>) target_semaphore(%run_scoped3A : memref<!tpu.dma_semaphore, #tpu.memory_space<semaphore_mem>>)
      %dma_wait3A_102 = arith.constant 0 : i32
      %dma_wait3A_103 = tpu.memref_slice %arg16[%add3A_16, %dma_wait3A_102] : memref<10000x144xf32, #tpu.memory_space<vmem_shared>> -> memref<80x144xf32, #tpu.memory_space<vmem_shared>>
      %dma_wait3A_104 = arith.constant 0 : i32
      %dma_wait3A_105 = tpu.memref_slice %arg16[%add3A_16, %dma_wait3A_104] : memref<10000x144xf32, #tpu.memory_space<vmem_shared>> -> memref<80x144xf32, #tpu.memory_space<vmem_shared>>
      tpu.wait_dma2 semaphore(%run_scoped3A : memref<!tpu.dma_semaphore, #tpu.memory_space<semaphore_mem>>) src(%arg15 : memref<80x144xf32, #tpu.memory_space<vmem>>) dst(%dma_wait3A_105 : memref<80x144xf32, #tpu.memory_space<vmem_shared>>)
      tpu.yield
    }) : () -> ()
    %mul3A_17 = arith.constant 625 : i32
    %mul3A_18 = arith.muli %arg1, %mul3A_17 : i32
    %add3A_19 = arith.constant 240 : i32
    %add3A_20 = arith.addi %mul3A_18, %add3A_19 : i32
    "tpu.region"() ({
      %run_scoped3A = tpu.sem_alloc : memref<!tpu.dma_semaphore, #tpu.memory_space<semaphore_mem>>
      %dma_start3A_98 = arith.constant 0 : i32
      %dma_start3A_99 = tpu.memref_slice %arg16[%add3A_20, %dma_start3A_98] : memref<10000x144xf32, #tpu.memory_space<vmem_shared>> -> memref<80x144xf32, #tpu.memory_space<vmem_shared>>
      %dma_start3A_100 = arith.constant 0 : i32
      %dma_start3A_101 = tpu.memref_slice %arg16[%add3A_20, %dma_start3A_100] : memref<10000x144xf32, #tpu.memory_space<vmem_shared>> -> memref<80x144xf32, #tpu.memory_space<vmem_shared>>
      tpu.enqueue_dma source(%arg15 : memref<80x144xf32, #tpu.memory_space<vmem>>) target(%dma_start3A_101 : memref<80x144xf32, #tpu.memory_space<vmem_shared>>) target_semaphore(%run_scoped3A : memref<!tpu.dma_semaphore, #tpu.memory_space<semaphore_mem>>)
      %dma_wait3A_102 = arith.constant 0 : i32
      %dma_wait3A_103 = tpu.memref_slice %arg16[%add3A_20, %dma_wait3A_102] : memref<10000x144xf32, #tpu.memory_space<vmem_shared>> -> memref<80x144xf32, #tpu.memory_space<vmem_shared>>
      %dma_wait3A_104 = arith.constant 0 : i32
      %dma_wait3A_105 = tpu.memref_slice %arg16[%add3A_20, %dma_wait3A_104] : memref<10000x144xf32, #tpu.memory_space<vmem_shared>> -> memref<80x144xf32, #tpu.memory_space<vmem_shared>>
      tpu.wait_dma2 semaphore(%run_scoped3A : memref<!tpu.dma_semaphore, #tpu.memory_space<semaphore_mem>>) src(%arg15 : memref<80x144xf32, #tpu.memory_space<vmem>>) dst(%dma_wait3A_105 : memref<80x144xf32, #tpu.memory_space<vmem_shared>>)
      tpu.yield
    }) : () -> ()
    %mul3A_21 = arith.constant 625 : i32
    %mul3A_22 = arith.muli %arg1, %mul3A_21 : i32
    %add3A_23 = arith.constant 320 : i32
    %add3A_24 = arith.addi %mul3A_22, %add3A_23 : i32
    "tpu.region"() ({
      %run_scoped3A = tpu.sem_alloc : memref<!tpu.dma_semaphore, #tpu.memory_space<semaphore_mem>>
      %dma_start3A_98 = arith.constant 0 : i32
      %dma_start3A_99 = tpu.memref_slice %arg16[%add3A_24, %dma_start3A_98] : memref<10000x144xf32, #tpu.memory_space<vmem_shared>> -> memref<80x144xf32, #tpu.memory_space<vmem_shared>>
      %dma_start3A_100 = arith.constant 0 : i32
      %dma_start3A_101 = tpu.memref_slice %arg16[%add3A_24, %dma_start3A_100] : memref<10000x144xf32, #tpu.memory_space<vmem_shared>> -> memref<80x144xf32, #tpu.memory_space<vmem_shared>>
      tpu.enqueue_dma source(%arg15 : memref<80x144xf32, #tpu.memory_space<vmem>>) target(%dma_start3A_101 : memref<80x144xf32, #tpu.memory_space<vmem_shared>>) target_semaphore(%run_scoped3A : memref<!tpu.dma_semaphore, #tpu.memory_space<semaphore_mem>>)
      %dma_wait3A_102 = arith.constant 0 : i32
      %dma_wait3A_103 = tpu.memref_slice %arg16[%add3A_24, %dma_wait3A_102] : memref<10000x144xf32, #tpu.memory_space<vmem_shared>> -> memref<80x144xf32, #tpu.memory_space<vmem_shared>>
      %dma_wait3A_104 = arith.constant 0 : i32
      %dma_wait3A_105 = tpu.memref_slice %arg16[%add3A_24, %dma_wait3A_104] : memref<10000x144xf32, #tpu.memory_space<vmem_shared>> -> memref<80x144xf32, #tpu.memory_space<vmem_shared>>
      tpu.wait_dma2 semaphore(%run_scoped3A : memref<!tpu.dma_semaphore, #tpu.memory_space<semaphore_mem>>) src(%arg15 : memref<80x144xf32, #tpu.memory_space<vmem>>) dst(%dma_wait3A_105 : memref<80x144xf32, #tpu.memory_space<vmem_shared>>)
      tpu.yield
    }) : () -> ()
    %mul3A_25 = arith.constant 625 : i32
    %mul3A_26 = arith.muli %arg1, %mul3A_25 : i32
    %add3A_27 = arith.constant 400 : i32
    %add3A_28 = arith.addi %mul3A_26, %add3A_27 : i32
    "tpu.region"() ({
      %run_scoped3A = tpu.sem_alloc : memref<!tpu.dma_semaphore, #tpu.memory_space<semaphore_mem>>
      %dma_start3A_98 = arith.constant 0 : i32
      %dma_start3A_99 = tpu.memref_slice %arg16[%add3A_28, %dma_start3A_98] : memref<10000x144xf32, #tpu.memory_space<vmem_shared>> -> memref<80x144xf32, #tpu.memory_space<vmem_shared>>
      %dma_start3A_100 = arith.constant 0 : i32
      %dma_start3A_101 = tpu.memref_slice %arg16[%add3A_28, %dma_start3A_100] : memref<10000x144xf32, #tpu.memory_space<vmem_shared>> -> memref<80x144xf32, #tpu.memory_space<vmem_shared>>
      tpu.enqueue_dma source(%arg15 : memref<80x144xf32, #tpu.memory_space<vmem>>) target(%dma_start3A_101 : memref<80x144xf32, #tpu.memory_space<vmem_shared>>) target_semaphore(%run_scoped3A : memref<!tpu.dma_semaphore, #tpu.memory_space<semaphore_mem>>)
      %dma_wait3A_102 = arith.constant 0 : i32
      %dma_wait3A_103 = tpu.memref_slice %arg16[%add3A_28, %dma_wait3A_102] : memref<10000x144xf32, #tpu.memory_space<vmem_shared>> -> memref<80x144xf32, #tpu.memory_space<vmem_shared>>
      %dma_wait3A_104 = arith.constant 0 : i32
      %dma_wait3A_105 = tpu.memref_slice %arg16[%add3A_28, %dma_wait3A_104] : memref<10000x144xf32, #tpu.memory_space<vmem_shared>> -> memref<80x144xf32, #tpu.memory_space<vmem_shared>>
      tpu.wait_dma2 semaphore(%run_scoped3A : memref<!tpu.dma_semaphore, #tpu.memory_space<semaphore_mem>>) src(%arg15 : memref<80x144xf32, #tpu.memory_space<vmem>>) dst(%dma_wait3A_105 : memref<80x144xf32, #tpu.memory_space<vmem_shared>>)
      tpu.yield
    }) : () -> ()
    %mul3A_29 = arith.constant 625 : i32
    %mul3A_30 = arith.muli %arg1, %mul3A_29 : i32
    %add3A_31 = arith.constant 480 : i32
    %add3A_32 = arith.addi %mul3A_30, %add3A_31 : i32
    "tpu.region"() ({
      %run_scoped3A = tpu.sem_alloc : memref<!tpu.dma_semaphore, #tpu.memory_space<semaphore_mem>>
      %dma_start3A_98 = arith.constant 0 : i32
      %dma_start3A_99 = tpu.memref_slice %arg16[%add3A_32, %dma_start3A_98] : memref<10000x144xf32, #tpu.memory_space<vmem_shared>> -> memref<80x144xf32, #tpu.memory_space<vmem_shared>>
      %dma_start3A_100 = arith.constant 0 : i32
      %dma_start3A_101 = tpu.memref_slice %arg16[%add3A_32, %dma_start3A_100] : memref<10000x144xf32, #tpu.memory_space<vmem_shared>> -> memref<80x144xf32, #tpu.memory_space<vmem_shared>>
      tpu.enqueue_dma source(%arg15 : memref<80x144xf32, #tpu.memory_space<vmem>>) target(%dma_start3A_101 : memref<80x144xf32, #tpu.memory_space<vmem_shared>>) target_semaphore(%run_scoped3A : memref<!tpu.dma_semaphore, #tpu.memory_space<semaphore_mem>>)
      %dma_wait3A_102 = arith.constant 0 : i32
      %dma_wait3A_103 = tpu.memref_slice %arg16[%add3A_32, %dma_wait3A_102] : memref<10000x144xf32, #tpu.memory_space<vmem_shared>> -> memref<80x144xf32, #tpu.memory_space<vmem_shared>>
      %dma_wait3A_104 = arith.constant 0 : i32
      %dma_wait3A_105 = tpu.memref_slice %arg16[%add3A_32, %dma_wait3A_104] : memref<10000x144xf32, #tpu.memory_space<vmem_shared>> -> memref<80x144xf32, #tpu.memory_space<vmem_shared>>
      tpu.wait_dma2 semaphore(%run_scoped3A : memref<!tpu.dma_semaphore, #tpu.memory_space<semaphore_mem>>) src(%arg15 : memref<80x144xf32, #tpu.memory_space<vmem>>) dst(%dma_wait3A_105 : memref<80x144xf32, #tpu.memory_space<vmem_shared>>)
      tpu.yield
    }) : () -> ()
    %mul3A_33 = arith.constant 625 : i32
    %mul3A_34 = arith.muli %arg1, %mul3A_33 : i32
    %add3A_35 = arith.constant 560 : i32
    %add3A_36 = arith.addi %mul3A_34, %add3A_35 : i32
    "tpu.region"() ({
      %run_scoped3A = tpu.sem_alloc : memref<!tpu.dma_semaphore, #tpu.memory_space<semaphore_mem>>
      %dma_start3A_98 = arith.constant 0 : i32
      %dma_start3A_99 = arith.constant 0 : i32
      %dma_start3A_100 = tpu.memref_slice %arg15[%dma_start3A_98, %dma_start3A_99] : memref<80x144xf32, #tpu.memory_space<vmem>> -> memref<65x144xf32, #tpu.memory_space<vmem>>
      %dma_start3A_101 = arith.constant 0 : i32
      %dma_start3A_102 = tpu.memref_slice %arg16[%add3A_36, %dma_start3A_101] : memref<10000x144xf32, #tpu.memory_space<vmem_shared>> -> memref<65x144xf32, #tpu.memory_space<vmem_shared>>
      %dma_start3A_103 = arith.constant 0 : i32
      %dma_start3A_104 = tpu.memref_slice %arg16[%add3A_36, %dma_start3A_103] : memref<10000x144xf32, #tpu.memory_space<vmem_shared>> -> memref<65x144xf32, #tpu.memory_space<vmem_shared>>
      %dma_start3A_105 = arith.constant 0 : i32
      %dma_start3A_106 = arith.constant 0 : i32
      %dma_start3A_107 = tpu.memref_slice %arg15[%dma_start3A_105, %dma_start3A_106] : memref<80x144xf32, #tpu.memory_space<vmem>> -> memref<65x144xf32, #tpu.memory_space<vmem>>
      tpu.enqueue_dma source(%dma_start3A_107 : memref<65x144xf32, #tpu.memory_space<vmem>>) target(%dma_start3A_104 : memref<65x144xf32, #tpu.memory_space<vmem_shared>>) target_semaphore(%run_scoped3A : memref<!tpu.dma_semaphore, #tpu.memory_space<semaphore_mem>>)
      %dma_wait3A_108 = arith.constant 0 : i32
      %dma_wait3A_109 = arith.constant 0 : i32
      %dma_wait3A_110 = tpu.memref_slice %arg15[%dma_wait3A_108, %dma_wait3A_109] : memref<80x144xf32, #tpu.memory_space<vmem>> -> memref<65x144xf32, #tpu.memory_space<vmem>>
      %dma_wait3A_111 = arith.constant 0 : i32
      %dma_wait3A_112 = tpu.memref_slice %arg16[%add3A_36, %dma_wait3A_111] : memref<10000x144xf32, #tpu.memory_space<vmem_shared>> -> memref<65x144xf32, #tpu.memory_space<vmem_shared>>
      %dma_wait3A_113 = arith.constant 0 : i32
      %dma_wait3A_114 = tpu.memref_slice %arg16[%add3A_36, %dma_wait3A_113] : memref<10000x144xf32, #tpu.memory_space<vmem_shared>> -> memref<65x144xf32, #tpu.memory_space<vmem_shared>>
      %dma_wait3A_115 = arith.constant 0 : i32
      %dma_wait3A_116 = arith.constant 0 : i32
      %dma_wait3A_117 = tpu.memref_slice %arg15[%dma_wait3A_115, %dma_wait3A_116] : memref<80x144xf32, #tpu.memory_space<vmem>> -> memref<65x144xf32, #tpu.memory_space<vmem>>
      tpu.wait_dma2 semaphore(%run_scoped3A : memref<!tpu.dma_semaphore, #tpu.memory_space<semaphore_mem>>) src(%dma_wait3A_117 : memref<65x144xf32, #tpu.memory_space<vmem>>) dst(%dma_wait3A_114 : memref<65x144xf32, #tpu.memory_space<vmem_shared>>)
      tpu.yield
    }) : () -> ()
    %barrier3A = arith.constant 0 : index
    tpu.barrier barrier_id(%barrier3A)
    %min3A = arith.constant 0 : i32
    %min3A_37 = arith.constant 124 : i32
    %min3A_38 = arith.minsi %min3A, %min3A_37 : i32
    %mul3A_39 = arith.constant 80 : i32
    %mul3A_40 = arith.muli %min3A_38, %mul3A_39 : i32
    %add3A_41 = arith.addi %mul3A_2, %mul3A_40 : i32
    %dma_start3A = tpu.memref_slice %arg2[%add3A_41] : memref<320000xi32, #tpu.memory_space<hbm>> -> memref<80xi32, #tpu.memory_space<hbm>>
    %dma_start3A_42 = tpu.memref_slice %arg2[%add3A_41] : memref<320000xi32, #tpu.memory_space<hbm>> -> memref<80xi32, #tpu.memory_space<hbm>>
    tpu.enqueue_dma source(%dma_start3A_42 : memref<80xi32, #tpu.memory_space<hbm>>) target(%arg7 : memref<80xi32, #tpu.memory_space<vmem>>) target_semaphore(%arg21 : memref<!tpu.dma_semaphore, #tpu.memory_space<semaphore_mem>>)
    %dma_start3A_43 = tpu.memref_slice %arg3[%add3A_41] : memref<320000xi32, #tpu.memory_space<hbm>> -> memref<80xi32, #tpu.memory_space<hbm>>
    %dma_start3A_44 = tpu.memref_slice %arg3[%add3A_41] : memref<320000xi32, #tpu.memory_space<hbm>> -> memref<80xi32, #tpu.memory_space<hbm>>
    tpu.enqueue_dma source(%dma_start3A_44 : memref<80xi32, #tpu.memory_space<hbm>>) target(%arg8 : memref<80xi32, #tpu.memory_space<vmem>>) target_semaphore(%arg21 : memref<!tpu.dma_semaphore, #tpu.memory_space<semaphore_mem>>)
    %dma_wait3A = arith.constant 0 : i32
    %dma_wait3A_45 = tpu.memref_slice %arg2[%dma_wait3A] : memref<320000xi32, #tpu.memory_space<hbm>> -> memref<80xi32, #tpu.memory_space<hbm>>
    %dma_wait3A_46 = arith.constant 0 : i32
    %dma_wait3A_47 = tpu.memref_slice %arg2[%dma_wait3A_46] : memref<320000xi32, #tpu.memory_space<hbm>> -> memref<80xi32, #tpu.memory_space<hbm>>
    tpu.wait_dma2 semaphore(%arg21 : memref<!tpu.dma_semaphore, #tpu.memory_space<semaphore_mem>>) src(%dma_wait3A_47 : memref<80xi32, #tpu.memory_space<hbm>>) dst(%arg7 : memref<80xi32, #tpu.memory_space<vmem>>)
    %dma_wait3A_48 = arith.constant 0 : i32
    %dma_wait3A_49 = tpu.memref_slice %arg3[%dma_wait3A_48] : memref<320000xi32, #tpu.memory_space<hbm>> -> memref<80xi32, #tpu.memory_space<hbm>>
    %dma_wait3A_50 = arith.constant 0 : i32
    %dma_wait3A_51 = tpu.memref_slice %arg3[%dma_wait3A_50] : memref<320000xi32, #tpu.memory_space<hbm>> -> memref<80xi32, #tpu.memory_space<hbm>>
    tpu.wait_dma2 semaphore(%arg21 : memref<!tpu.dma_semaphore, #tpu.memory_space<semaphore_mem>>) src(%dma_wait3A_51 : memref<80xi32, #tpu.memory_space<hbm>>) dst(%arg8 : memref<80xi32, #tpu.memory_space<vmem>>)
    %dma_start3A_52 = arith.constant 0 : i32
    %dma_start3A_53 = arith.constant 0 : i32
    %dma_start3A_54 = tpu.memref_slice %arg4[%dma_start3A_52, %dma_start3A_53] : memref<10000x144xf32, #tpu.memory_space<hbm>> -> memref<10000x144xf32, #tpu.memory_space<hbm>>
    tpu.enqueue_indirect_dma source(%dma_start3A_54 : memref<10000x144xf32, #tpu.memory_space<hbm>>) target(%arg9 : memref<80x144xf32, #tpu.memory_space<vmem>>) offsets(%arg7 : memref<80xi32, #tpu.memory_space<vmem>>) semaphore(%arg17 : memref<!tpu.dma_semaphore, #tpu.memory_space<semaphore_mem>>)
    %dma_start3A_55 = arith.constant 0 : i32
    %dma_start3A_56 = arith.constant 0 : i32
    %dma_start3A_57 = tpu.memref_slice %arg5[%dma_start3A_55, %dma_start3A_56] : memref<10000x16xf32, #tpu.memory_space<hbm>> -> memref<10000x16xf32, #tpu.memory_space<hbm>>
    tpu.enqueue_indirect_dma source(%dma_start3A_57 : memref<10000x16xf32, #tpu.memory_space<hbm>>) target(%arg10 : memref<80x16xf32, #tpu.memory_space<vmem>>) offsets(%arg8 : memref<80xi32, #tpu.memory_space<vmem>>) semaphore(%arg18 : memref<!tpu.dma_semaphore, #tpu.memory_space<semaphore_mem>>)
    %min3A_58 = arith.constant 1 : i32
    %min3A_59 = arith.constant 124 : i32
    %min3A_60 = arith.minsi %min3A_58, %min3A_59 : i32
    %mul3A_61 = arith.constant 80 : i32
    %mul3A_62 = arith.muli %min3A_60, %mul3A_61 : i32
    %add3A_63 = arith.addi %mul3A_2, %mul3A_62 : i32
    %dma_start3A_64 = tpu.memref_slice %arg2[%add3A_63] : memref<320000xi32, #tpu.memory_space<hbm>> -> memref<80xi32, #tpu.memory_space<hbm>>
    %dma_start3A_65 = tpu.memref_slice %arg2[%add3A_63] : memref<320000xi32, #tpu.memory_space<hbm>> -> memref<80xi32, #tpu.memory_space<hbm>>
    tpu.enqueue_dma source(%dma_start3A_65 : memref<80xi32, #tpu.memory_space<hbm>>) target(%arg11 : memref<80xi32, #tpu.memory_space<vmem>>) target_semaphore(%arg22 : memref<!tpu.dma_semaphore, #tpu.memory_space<semaphore_mem>>)
    %dma_start3A_66 = tpu.memref_slice %arg3[%add3A_63] : memref<320000xi32, #tpu.memory_space<hbm>> -> memref<80xi32, #tpu.memory_space<hbm>>
    %dma_start3A_67 = tpu.memref_slice %arg3[%add3A_63] : memref<320000xi32, #tpu.memory_space<hbm>> -> memref<80xi32, #tpu.memory_space<hbm>>
    tpu.enqueue_dma source(%dma_start3A_67 : memref<80xi32, #tpu.memory_space<hbm>>) target(%arg12 : memref<80xi32, #tpu.memory_space<vmem>>) target_semaphore(%arg22 : memref<!tpu.dma_semaphore, #tpu.memory_space<semaphore_mem>>)
    %scan3A = arith.constant 0 : i32
    %scan3A_68 = arith.constant 0 : i32
    %scan3A_69 = arith.constant 62 : i32
    %scan3A_70 = arith.addi %scan3A_68, %scan3A_69 : i32
    %scan3A_71 = arith.constant 1 : i32
    scf.for %scan3A_98 = %scan3A_68 to %scan3A_70 step %scan3A_71  : i32 {
      %dma_wait3A_99 = arith.constant 0 : i32
      %dma_wait3A_100 = tpu.memref_slice %arg2[%dma_wait3A_99] : memref<320000xi32, #tpu.memory_space<hbm>> -> memref<80xi32, #tpu.memory_space<hbm>>
      %dma_wait3A_101 = arith.constant 0 : i32
      %dma_wait3A_102 = tpu.memref_slice %arg2[%dma_wait3A_101] : memref<320000xi32, #tpu.memory_space<hbm>> -> memref<80xi32, #tpu.memory_space<hbm>>
      tpu.wait_dma2 semaphore(%arg22 : memref<!tpu.dma_semaphore, #tpu.memory_space<semaphore_mem>>) src(%dma_wait3A_102 : memref<80xi32, #tpu.memory_space<hbm>>) dst(%arg11 : memref<80xi32, #tpu.memory_space<vmem>>)
      %dma_wait3A_103 = arith.constant 0 : i32
      %dma_wait3A_104 = tpu.memref_slice %arg3[%dma_wait3A_103] : memref<320000xi32, #tpu.memory_space<hbm>> -> memref<80xi32, #tpu.memory_space<hbm>>
      %dma_wait3A_105 = arith.constant 0 : i32
      %dma_wait3A_106 = tpu.memref_slice %arg3[%dma_wait3A_105] : memref<320000xi32, #tpu.memory_space<hbm>> -> memref<80xi32, #tpu.memory_space<hbm>>
      tpu.wait_dma2 semaphore(%arg22 : memref<!tpu.dma_semaphore, #tpu.memory_space<semaphore_mem>>) src(%dma_wait3A_106 : memref<80xi32, #tpu.memory_space<hbm>>) dst(%arg12 : memref<80xi32, #tpu.memory_space<vmem>>)
      %dma_start3A_107 = arith.constant 0 : i32
      %dma_start3A_108 = arith.constant 0 : i32
      %dma_start3A_109 = tpu.memref_slice %arg4[%dma_start3A_107, %dma_start3A_108] : memref<10000x144xf32, #tpu.memory_space<hbm>> -> memref<10000x144xf32, #tpu.memory_space<hbm>>
      tpu.enqueue_indirect_dma source(%dma_start3A_109 : memref<10000x144xf32, #tpu.memory_space<hbm>>) target(%arg13 : memref<80x144xf32, #tpu.memory_space<vmem>>) offsets(%arg11 : memref<80xi32, #tpu.memory_space<vmem>>) semaphore(%arg19 : memref<!tpu.dma_semaphore, #tpu.memory_space<semaphore_mem>>)
      %dma_start3A_110 = arith.constant 0 : i32
      %dma_start3A_111 = arith.constant 0 : i32
      %dma_start3A_112 = tpu.memref_slice %arg5[%dma_start3A_110, %dma_start3A_111] : memref<10000x16xf32, #tpu.memory_space<hbm>> -> memref<10000x16xf32, #tpu.memory_space<hbm>>
      tpu.enqueue_indirect_dma source(%dma_start3A_112 : memref<10000x16xf32, #tpu.memory_space<hbm>>) target(%arg14 : memref<80x16xf32, #tpu.memory_space<vmem>>) offsets(%arg12 : memref<80xi32, #tpu.memory_space<vmem>>) semaphore(%arg20 : memref<!tpu.dma_semaphore, #tpu.memory_space<semaphore_mem>>)
      %dma_wait3A_113 = arith.constant 0 : i32
      %dma_wait3A_114 = arith.constant 0 : i32
      %dma_wait3A_115 = tpu.memref_slice %arg4[%dma_wait3A_113, %dma_wait3A_114] : memref<10000x144xf32, #tpu.memory_space<hbm>> -> memref<10000x144xf32, #tpu.memory_space<hbm>>
      tpu.wait_indirect_dma semaphore(%arg17 : memref<!tpu.dma_semaphore, #tpu.memory_space<semaphore_mem>>) src(%dma_wait3A_115 : memref<10000x144xf32, #tpu.memory_space<hbm>>) dst(%arg9 : memref<80x144xf32, #tpu.memory_space<vmem>>)
      %dma_wait3A_116 = arith.constant 0 : i32
      %dma_wait3A_117 = arith.constant 0 : i32
      %dma_wait3A_118 = tpu.memref_slice %arg5[%dma_wait3A_116, %dma_wait3A_117] : memref<10000x16xf32, #tpu.memory_space<hbm>> -> memref<10000x16xf32, #tpu.memory_space<hbm>>
      tpu.wait_indirect_dma semaphore(%arg18 : memref<!tpu.dma_semaphore, #tpu.memory_space<semaphore_mem>>) src(%dma_wait3A_118 : memref<10000x16xf32, #tpu.memory_space<hbm>>) dst(%arg10 : memref<80x16xf32, #tpu.memory_space<vmem>>)
      %parallel_loop3A_119 = arith.constant 0 : i32
      %parallel_loop3A_120 = arith.constant 80 : i32
      %parallel_loop3A_121 = arith.constant 1 : i32
      scf.for %parallel_loop3A_171 = %parallel_loop3A_119 to %parallel_loop3A_120 step %parallel_loop3A_121  : i32 {
        %parallel_loop3A_172 = arith.index_cast %parallel_loop3A_171 : i32 to index
        %parallel_loop3A_173 = arith.constant 128 : index
        %parallel_loop3A_174 = tpu.vector_load %arg9[%parallel_loop3A_172, %parallel_loop3A_173] {strides = array<i32>} : memref<80x144xf32, #tpu.memory_space<vmem>>, vector<1x16xf32>,
        %parallel_loop3A_175 = vector.shape_cast %parallel_loop3A_174 : vector<1x16xf32> to vector<16xf32>
        %parallel_loop3A_176 = arith.index_cast %parallel_loop3A_171 : i32 to index
        %parallel_loop3A_177 = arith.constant 0 : index
        %parallel_loop3A_178 = tpu.vector_load %arg10[%parallel_loop3A_176, %parallel_loop3A_177] {strides = array<i32>} : memref<80x16xf32, #tpu.memory_space<vmem>>, vector<1x16xf32>,
        %parallel_loop3A_179 = vector.shape_cast %parallel_loop3A_178 : vector<1x16xf32> to vector<16xf32>
        %parallel_loop3A_180 = arith.addf %parallel_loop3A_175, %parallel_loop3A_179 : vector<16xf32>
        %parallel_loop3A_181 = arith.constant 2.000000e-01 : f32
        %parallel_loop3A_182 = vector.broadcast %parallel_loop3A_181 : f32 to vector<16xf32>
        %parallel_loop3A_183 = arith.mulf %parallel_loop3A_182, %parallel_loop3A_180 : vector<16xf32>
        %parallel_loop3A_184 = arith.maximumf %parallel_loop3A_180, %parallel_loop3A_183 : vector<16xf32>
        %parallel_loop3A_185 = math.exp %parallel_loop3A_184 : vector<16xf32>
        %parallel_loop3A_186 = arith.index_cast %parallel_loop3A_171 : i32 to index
        %parallel_loop3A_187 = arith.constant 128 : index
        %parallel_loop3A_188 = tpu.vector_load %arg15[%parallel_loop3A_186, %parallel_loop3A_187] {strides = array<i32>} : memref<80x144xf32, #tpu.memory_space<vmem>>, vector<1x16xf32>,
        %parallel_loop3A_189 = vector.shape_cast %parallel_loop3A_188 : vector<1x16xf32> to vector<16xf32>
        %parallel_loop3A_190 = vector.shape_cast %parallel_loop3A_185 : vector<16xf32> to vector<1x16xf32>
        tpu.vector_store %arg15[%parallel_loop3A_186, %parallel_loop3A_187], %parallel_loop3A_190 {strides = array<i32>} : memref<80x144xf32, #tpu.memory_space<vmem>>, vector<1x16xf32>,
        %parallel_loop3A_191 = vector.extract_strided_slice %parallel_loop3A_185 {offsets = [0], sizes = [1], strides = [1]} : vector<16xf32> to vector<1xf32>
        %parallel_loop3A_192 = vector.extract %parallel_loop3A_191[0] : f32 from vector<1xf32>
        %parallel_loop3A_193 = vector.broadcast %parallel_loop3A_192 : f32 to vector<16xf32>
        %parallel_loop3A_194 = arith.index_cast %parallel_loop3A_171 : i32 to index
        %parallel_loop3A_195 = arith.constant 0 : index
        %parallel_loop3A_196 = tpu.vector_load %arg9[%parallel_loop3A_194, %parallel_loop3A_195] {strides = array<i32>} : memref<80x144xf32, #tpu.memory_space<vmem>>, vector<1x16xf32>,
        %parallel_loop3A_197 = vector.shape_cast %parallel_loop3A_196 : vector<1x16xf32> to vector<16xf32>
        %parallel_loop3A_198 = arith.mulf %parallel_loop3A_197, %parallel_loop3A_193 : vector<16xf32>
        %parallel_loop3A_199 = arith.index_cast %parallel_loop3A_171 : i32 to index
        %parallel_loop3A_200 = arith.constant 0 : index
        %parallel_loop3A_201 = tpu.vector_load %arg15[%parallel_loop3A_199, %parallel_loop3A_200] {strides = array<i32>} : memref<80x144xf32, #tpu.memory_space<vmem>>, vector<1x16xf32>,
        %parallel_loop3A_202 = vector.shape_cast %parallel_loop3A_201 : vector<1x16xf32> to vector<16xf32>
        %parallel_loop3A_203 = vector.shape_cast %parallel_loop3A_198 : vector<16xf32> to vector<1x16xf32>
        tpu.vector_store %arg15[%parallel_loop3A_199, %parallel_loop3A_200], %parallel_loop3A_203 {strides = array<i32>} : memref<80x144xf32, #tpu.memory_space<vmem>>, vector<1x16xf32>,
        %parallel_loop3A_204 = vector.extract_strided_slice %parallel_loop3A_185 {offsets = [1], sizes = [1], strides = [1]} : vector<16xf32> to vector<1xf32>
        %parallel_loop3A_205 = vector.extract %parallel_loop3A_204[0] : f32 from vector<1xf32>
        %parallel_loop3A_206 = vector.broadcast %parallel_loop3A_205 : f32 to vector<16xf32>
        %parallel_loop3A_207 = arith.index_cast %parallel_loop3A_171 : i32 to index
        %parallel_loop3A_208 = arith.constant 16 : index
        %parallel_loop3A_209 = tpu.vector_load %arg9[%parallel_loop3A_207, %parallel_loop3A_208] {strides = array<i32>} : memref<80x144xf32, #tpu.memory_space<vmem>>, vector<1x16xf32>,
        %parallel_loop3A_210 = vector.shape_cast %parallel_loop3A_209 : vector<1x16xf32> to vector<16xf32>
        %parallel_loop3A_211 = arith.mulf %parallel_loop3A_210, %parallel_loop3A_206 : vector<16xf32>
        %parallel_loop3A_212 = arith.index_cast %parallel_loop3A_171 : i32 to index
        %parallel_loop3A_213 = arith.constant 16 : index
        %parallel_loop3A_214 = tpu.vector_load %arg15[%parallel_loop3A_212, %parallel_loop3A_213] {strides = array<i32>} : memref<80x144xf32, #tpu.memory_space<vmem>>, vector<1x16xf32>,
        %parallel_loop3A_215 = vector.shape_cast %parallel_loop3A_214 : vector<1x16xf32> to vector<16xf32>
        %parallel_loop3A_216 = vector.shape_cast %parallel_loop3A_211 : vector<16xf32> to vector<1x16xf32>
        tpu.vector_store %arg15[%parallel_loop3A_212, %parallel_loop3A_213], %parallel_loop3A_216 {strides = array<i32>} : memref<80x144xf32, #tpu.memory_space<vmem>>, vector<1x16xf32>,
        %parallel_loop3A_217 = vector.extract_strided_slice %parallel_loop3A_185 {offsets = [2], sizes = [1], strides = [1]} : vector<16xf32> to vector<1xf32>
        %parallel_loop3A_218 = vector.extract %parallel_loop3A_217[0] : f32 from vector<1xf32>
        %parallel_loop3A_219 = vector.broadcast %parallel_loop3A_218 : f32 to vector<16xf32>
        %parallel_loop3A_220 = arith.index_cast %parallel_loop3A_171 : i32 to index
        %parallel_loop3A_221 = arith.constant 32 : index
        %parallel_loop3A_222 = tpu.vector_load %arg9[%parallel_loop3A_220, %parallel_loop3A_221] {strides = array<i32>} : memref<80x144xf32, #tpu.memory_space<vmem>>, vector<1x16xf32>,
        %parallel_loop3A_223 = vector.shape_cast %parallel_loop3A_222 : vector<1x16xf32> to vector<16xf32>
        %parallel_loop3A_224 = arith.mulf %parallel_loop3A_223, %parallel_loop3A_219 : vector<16xf32>
        %parallel_loop3A_225 = arith.index_cast %parallel_loop3A_171 : i32 to index
        %parallel_loop3A_226 = arith.constant 32 : index
        %parallel_loop3A_227 = tpu.vector_load %arg15[%parallel_loop3A_225, %parallel_loop3A_226] {strides = array<i32>} : memref<80x144xf32, #tpu.memory_space<vmem>>, vector<1x16xf32>,
        %parallel_loop3A_228 = vector.shape_cast %parallel_loop3A_227 : vector<1x16xf32> to vector<16xf32>
        %parallel_loop3A_229 = vector.shape_cast %parallel_loop3A_224 : vector<16xf32> to vector<1x16xf32>
        tpu.vector_store %arg15[%parallel_loop3A_225, %parallel_loop3A_226], %parallel_loop3A_229 {strides = array<i32>} : memref<80x144xf32, #tpu.memory_space<vmem>>, vector<1x16xf32>,
        %parallel_loop3A_230 = vector.extract_strided_slice %parallel_loop3A_185 {offsets = [3], sizes = [1], strides = [1]} : vector<16xf32> to vector<1xf32>
        %parallel_loop3A_231 = vector.extract %parallel_loop3A_230[0] : f32 from vector<1xf32>
        %parallel_loop3A_232 = vector.broadcast %parallel_loop3A_231 : f32 to vector<16xf32>
        %parallel_loop3A_233 = arith.index_cast %parallel_loop3A_171 : i32 to index
        %parallel_loop3A_234 = arith.constant 48 : index
        %parallel_loop3A_235 = tpu.vector_load %arg9[%parallel_loop3A_233, %parallel_loop3A_234] {strides = array<i32>} : memref<80x144xf32, #tpu.memory_space<vmem>>, vector<1x16xf32>,
        %parallel_loop3A_236 = vector.shape_cast %parallel_loop3A_235 : vector<1x16xf32> to vector<16xf32>
        %parallel_loop3A_237 = arith.mulf %parallel_loop3A_236, %parallel_loop3A_232 : vector<16xf32>
        %parallel_loop3A_238 = arith.index_cast %parallel_loop3A_171 : i32 to index
        %parallel_loop3A_239 = arith.constant 48 : index
        %parallel_loop3A_240 = tpu.vector_load %arg15[%parallel_loop3A_238, %parallel_loop3A_239] {strides = array<i32>} : memref<80x144xf32, #tpu.memory_space<vmem>>, vector<1x16xf32>,
        %parallel_loop3A_241 = vector.shape_cast %parallel_loop3A_240 : vector<1x16xf32> to vector<16xf32>
        %parallel_loop3A_242 = vector.shape_cast %parallel_loop3A_237 : vector<16xf32> to vector<1x16xf32>
        tpu.vector_store %arg15[%parallel_loop3A_238, %parallel_loop3A_239], %parallel_loop3A_242 {strides = array<i32>} : memref<80x144xf32, #tpu.memory_space<vmem>>, vector<1x16xf32>,
        %parallel_loop3A_243 = vector.extract_strided_slice %parallel_loop3A_185 {offsets = [4], sizes = [1], strides = [1]} : vector<16xf32> to vector<1xf32>
        %parallel_loop3A_244 = vector.extract %parallel_loop3A_243[0] : f32 from vector<1xf32>
        %parallel_loop3A_245 = vector.broadcast %parallel_loop3A_244 : f32 to vector<16xf32>
        %parallel_loop3A_246 = arith.index_cast %parallel_loop3A_171 : i32 to index
        %parallel_loop3A_247 = arith.constant 64 : index
        %parallel_loop3A_248 = tpu.vector_load %arg9[%parallel_loop3A_246, %parallel_loop3A_247] {strides = array<i32>} : memref<80x144xf32, #tpu.memory_space<vmem>>, vector<1x16xf32>,
        %parallel_loop3A_249 = vector.shape_cast %parallel_loop3A_248 : vector<1x16xf32> to vector<16xf32>
        %parallel_loop3A_250 = arith.mulf %parallel_loop3A_249, %parallel_loop3A_245 : vector<16xf32>
        %parallel_loop3A_251 = arith.index_cast %parallel_loop3A_171 : i32 to index
        %parallel_loop3A_252 = arith.constant 64 : index
        %parallel_loop3A_253 = tpu.vector_load %arg15[%parallel_loop3A_251, %parallel_loop3A_252] {strides = array<i32>} : memref<80x144xf32, #tpu.memory_space<vmem>>, vector<1x16xf32>,
        %parallel_loop3A_254 = vector.shape_cast %parallel_loop3A_253 : vector<1x16xf32> to vector<16xf32>
        %parallel_loop3A_255 = vector.shape_cast %parallel_loop3A_250 : vector<16xf32> to vector<1x16xf32>
        tpu.vector_store %arg15[%parallel_loop3A_251, %parallel_loop3A_252], %parallel_loop3A_255 {strides = array<i32>} : memref<80x144xf32, #tpu.memory_space<vmem>>, vector<1x16xf32>,
        %parallel_loop3A_256 = vector.extract_strided_slice %parallel_loop3A_185 {offsets = [5], sizes = [1], strides = [1]} : vector<16xf32> to vector<1xf32>
        %parallel_loop3A_257 = vector.extract %parallel_loop3A_256[0] : f32 from vector<1xf32>
        %parallel_loop3A_258 = vector.broadcast %parallel_loop3A_257 : f32 to vector<16xf32>
        %parallel_loop3A_259 = arith.index_cast %parallel_loop3A_171 : i32 to index
        %parallel_loop3A_260 = arith.constant 80 : index
        %parallel_loop3A_261 = tpu.vector_load %arg9[%parallel_loop3A_259, %parallel_loop3A_260] {strides = array<i32>} : memref<80x144xf32, #tpu.memory_space<vmem>>, vector<1x16xf32>,
        %parallel_loop3A_262 = vector.shape_cast %parallel_loop3A_261 : vector<1x16xf32> to vector<16xf32>
        %parallel_loop3A_263 = arith.mulf %parallel_loop3A_262, %parallel_loop3A_258 : vector<16xf32>
        %parallel_loop3A_264 = arith.index_cast %parallel_loop3A_171 : i32 to index
        %parallel_loop3A_265 = arith.constant 80 : index
        %parallel_loop3A_266 = tpu.vector_load %arg15[%parallel_loop3A_264, %parallel_loop3A_265] {strides = array<i32>} : memref<80x144xf32, #tpu.memory_space<vmem>>, vector<1x16xf32>,
        %parallel_loop3A_267 = vector.shape_cast %parallel_loop3A_266 : vector<1x16xf32> to vector<16xf32>
        %parallel_loop3A_268 = vector.shape_cast %parallel_loop3A_263 : vector<16xf32> to vector<1x16xf32>
        tpu.vector_store %arg15[%parallel_loop3A_264, %parallel_loop3A_265], %parallel_loop3A_268 {strides = array<i32>} : memref<80x144xf32, #tpu.memory_space<vmem>>, vector<1x16xf32>,
        %parallel_loop3A_269 = vector.extract_strided_slice %parallel_loop3A_185 {offsets = [6], sizes = [1], strides = [1]} : vector<16xf32> to vector<1xf32>
        %parallel_loop3A_270 = vector.extract %parallel_loop3A_269[0] : f32 from vector<1xf32>
        %parallel_loop3A_271 = vector.broadcast %parallel_loop3A_270 : f32 to vector<16xf32>
        %parallel_loop3A_272 = arith.index_cast %parallel_loop3A_171 : i32 to index
        %parallel_loop3A_273 = arith.constant 96 : index
        %parallel_loop3A_274 = tpu.vector_load %arg9[%parallel_loop3A_272, %parallel_loop3A_273] {strides = array<i32>} : memref<80x144xf32, #tpu.memory_space<vmem>>, vector<1x16xf32>,
        %parallel_loop3A_275 = vector.shape_cast %parallel_loop3A_274 : vector<1x16xf32> to vector<16xf32>
        %parallel_loop3A_276 = arith.mulf %parallel_loop3A_275, %parallel_loop3A_271 : vector<16xf32>
        %parallel_loop3A_277 = arith.index_cast %parallel_loop3A_171 : i32 to index
        %parallel_loop3A_278 = arith.constant 96 : index
        %parallel_loop3A_279 = tpu.vector_load %arg15[%parallel_loop3A_277, %parallel_loop3A_278] {strides = array<i32>} : memref<80x144xf32, #tpu.memory_space<vmem>>, vector<1x16xf32>,
        %parallel_loop3A_280 = vector.shape_cast %parallel_loop3A_279 : vector<1x16xf32> to vector<16xf32>
        %parallel_loop3A_281 = vector.shape_cast %parallel_loop3A_276 : vector<16xf32> to vector<1x16xf32>
        tpu.vector_store %arg15[%parallel_loop3A_277, %parallel_loop3A_278], %parallel_loop3A_281 {strides = array<i32>} : memref<80x144xf32, #tpu.memory_space<vmem>>, vector<1x16xf32>,
        %parallel_loop3A_282 = vector.extract_strided_slice %parallel_loop3A_185 {offsets = [7], sizes = [1], strides = [1]} : vector<16xf32> to vector<1xf32>
        %parallel_loop3A_283 = vector.extract %parallel_loop3A_282[0] : f32 from vector<1xf32>
        %parallel_loop3A_284 = vector.broadcast %parallel_loop3A_283 : f32 to vector<16xf32>
        %parallel_loop3A_285 = arith.index_cast %parallel_loop3A_171 : i32 to index
        %parallel_loop3A_286 = arith.constant 112 : index
        %parallel_loop3A_287 = tpu.vector_load %arg9[%parallel_loop3A_285, %parallel_loop3A_286] {strides = array<i32>} : memref<80x144xf32, #tpu.memory_space<vmem>>, vector<1x16xf32>,
        %parallel_loop3A_288 = vector.shape_cast %parallel_loop3A_287 : vector<1x16xf32> to vector<16xf32>
        %parallel_loop3A_289 = arith.mulf %parallel_loop3A_288, %parallel_loop3A_284 : vector<16xf32>
        %parallel_loop3A_290 = arith.index_cast %parallel_loop3A_171 : i32 to index
        %parallel_loop3A_291 = arith.constant 112 : index
        %parallel_loop3A_292 = tpu.vector_load %arg15[%parallel_loop3A_290, %parallel_loop3A_291] {strides = array<i32>} : memref<80x144xf32, #tpu.memory_space<vmem>>, vector<1x16xf32>,
        %parallel_loop3A_293 = vector.shape_cast %parallel_loop3A_292 : vector<1x16xf32> to vector<16xf32>
        %parallel_loop3A_294 = vector.shape_cast %parallel_loop3A_289 : vector<16xf32> to vector<1x16xf32>
        tpu.vector_store %arg15[%parallel_loop3A_290, %parallel_loop3A_291], %parallel_loop3A_294 {strides = array<i32>} : memref<80x144xf32, #tpu.memory_space<vmem>>, vector<1x16xf32>,
      } {sc.loop_unroll_factor = 8 : i64, sc.parallel_access}
      "tpu.region"() ({
        %run_scoped3A = tpu.sem_alloc : memref<!tpu.dma_semaphore, #tpu.memory_space<semaphore_mem>>
        %dma_start3A_171 = arith.constant 0 : i32
        %dma_start3A_172 = arith.constant 0 : i32
        %dma_start3A_173 = tpu.memref_slice %arg16[%dma_start3A_171, %dma_start3A_172] : memref<10000x144xf32, #tpu.memory_space<vmem_shared>> -> memref<10000x144xf32, #tpu.memory_space<vmem_shared>>
        tpu.enqueue_indirect_dma source(%arg15 : memref<80x144xf32, #tpu.memory_space<vmem>>) target(%dma_start3A_173 : memref<10000x144xf32, #tpu.memory_space<vmem_shared>>) offsets(%arg8 : memref<80xi32, #tpu.memory_space<vmem>>) semaphore(%run_scoped3A : memref<!tpu.dma_semaphore, #tpu.memory_space<semaphore_mem>>) {add = true}
        %dma_wait3A_174 = arith.constant 0 : i32
        %dma_wait3A_175 = arith.constant 0 : i32
        %dma_wait3A_176 = tpu.memref_slice %arg16[%dma_wait3A_174, %dma_wait3A_175] : memref<10000x144xf32, #tpu.memory_space<vmem_shared>> -> memref<10000x144xf32, #tpu.memory_space<vmem_shared>>
        tpu.wait_indirect_dma semaphore(%run_scoped3A : memref<!tpu.dma_semaphore, #tpu.memory_space<semaphore_mem>>) src(%arg15 : memref<80x144xf32, #tpu.memory_space<vmem>>) dst(%dma_wait3A_176 : memref<10000x144xf32, #tpu.memory_space<vmem_shared>>)
        tpu.yield
      }) : () -> ()
      %mul3A_122 = arith.constant 2 : i32
      %mul3A_123 = arith.muli %mul3A_122, %scan3A_98 : i32
      %add3A_124 = arith.constant 2 : i32
      %add3A_125 = arith.addi %mul3A_123, %add3A_124 : i32
      %min3A_126 = arith.constant 124 : i32
      %min3A_127 = arith.minsi %add3A_125, %min3A_126 : i32
      %mul3A_128 = arith.constant 80 : i32
      %mul3A_129 = arith.muli %min3A_127, %mul3A_128 : i32
      %add3A_130 = arith.addi %mul3A_2, %mul3A_129 : i32
      %dma_start3A_131 = tpu.memref_slice %arg2[%add3A_130] : memref<320000xi32, #tpu.memory_space<hbm>> -> memref<80xi32, #tpu.memory_space<hbm>>
      %dma_start3A_132 = tpu.memref_slice %arg2[%add3A_130] : memref<320000xi32, #tpu.memory_space<hbm>> -> memref<80xi32, #tpu.memory_space<hbm>>
      tpu.enqueue_dma source(%dma_start3A_132 : memref<80xi32, #tpu.memory_space<hbm>>) target(%arg7 : memref<80xi32, #tpu.memory_space<vmem>>) target_semaphore(%arg21 : memref<!tpu.dma_semaphore, #tpu.memory_space<semaphore_mem>>)
      %dma_start3A_133 = tpu.memref_slice %arg3[%add3A_130] : memref<320000xi32, #tpu.memory_space<hbm>> -> memref<80xi32, #tpu.memory_space<hbm>>
      %dma_start3A_134 = tpu.memref_slice %arg3[%add3A_130] : memref<320000xi32, #tpu.memory_space<hbm>> -> memref<80xi32, #tpu.memory_space<hbm>>
      tpu.enqueue_dma source(%dma_start3A_134 : memref<80xi32, #tpu.memory_space<hbm>>) target(%arg8 : memref<80xi32, #tpu.memory_space<vmem>>) target_semaphore(%arg21 : memref<!tpu.dma_semaphore, #tpu.memory_space<semaphore_mem>>)
      %dma_wait3A_135 = arith.constant 0 : i32
      %dma_wait3A_136 = tpu.memref_slice %arg2[%dma_wait3A_135] : memref<320000xi32, #tpu.memory_space<hbm>> -> memref<80xi32, #tpu.memory_space<hbm>>
      %dma_wait3A_137 = arith.constant 0 : i32
      %dma_wait3A_138 = tpu.memref_slice %arg2[%dma_wait3A_137] : memref<320000xi32, #tpu.memory_space<hbm>> -> memref<80xi32, #tpu.memory_space<hbm>>
      tpu.wait_dma2 semaphore(%arg21 : memref<!tpu.dma_semaphore, #tpu.memory_space<semaphore_mem>>) src(%dma_wait3A_138 : memref<80xi32, #tpu.memory_space<hbm>>) dst(%arg7 : memref<80xi32, #tpu.memory_space<vmem>>)
      %dma_wait3A_139 = arith.constant 0 : i32
      %dma_wait3A_140 = tpu.memref_slice %arg3[%dma_wait3A_139] : memref<320000xi32, #tpu.memory_space<hbm>> -> memref<80xi32, #tpu.memory_space<hbm>>
      %dma_wait3A_141 = arith.constant 0 : i32
      %dma_wait3A_142 = tpu.memref_slice %arg3[%dma_wait3A_141] : memref<320000xi32, #tpu.memory_space<hbm>> -> memref<80xi32, #tpu.memory_space<hbm>>
      tpu.wait_dma2 semaphore(%arg21 : memref<!tpu.dma_semaphore, #tpu.memory_space<semaphore_mem>>) src(%dma_wait3A_142 : memref<80xi32, #tpu.memory_space<hbm>>) dst(%arg8 : memref<80xi32, #tpu.memory_space<vmem>>)
      %dma_start3A_143 = arith.constant 0 : i32
      %dma_start3A_144 = arith.constant 0 : i32
      %dma_start3A_145 = tpu.memref_slice %arg4[%dma_start3A_143, %dma_start3A_144] : memref<10000x144xf32, #tpu.memory_space<hbm>> -> memref<10000x144xf32, #tpu.memory_space<hbm>>
      tpu.enqueue_indirect_dma source(%dma_start3A_145 : memref<10000x144xf32, #tpu.memory_space<hbm>>) target(%arg9 : memref<80x144xf32, #tpu.memory_space<vmem>>) offsets(%arg7 : memref<80xi32, #tpu.memory_space<vmem>>) semaphore(%arg17 : memref<!tpu.dma_semaphore, #tpu.memory_space<semaphore_mem>>)
      %dma_start3A_146 = arith.constant 0 : i32
      %dma_start3A_147 = arith.constant 0 : i32
      %dma_start3A_148 = tpu.memref_slice %arg5[%dma_start3A_146, %dma_start3A_147] : memref<10000x16xf32, #tpu.memory_space<hbm>> -> memref<10000x16xf32, #tpu.memory_space<hbm>>
      tpu.enqueue_indirect_dma source(%dma_start3A_148 : memref<10000x16xf32, #tpu.memory_space<hbm>>) target(%arg10 : memref<80x16xf32, #tpu.memory_space<vmem>>) offsets(%arg8 : memref<80xi32, #tpu.memory_space<vmem>>) semaphore(%arg18 : memref<!tpu.dma_semaphore, #tpu.memory_space<semaphore_mem>>)
      %dma_wait3A_149 = arith.constant 0 : i32
      %dma_wait3A_150 = arith.constant 0 : i32
      %dma_wait3A_151 = tpu.memref_slice %arg4[%dma_wait3A_149, %dma_wait3A_150] : memref<10000x144xf32, #tpu.memory_space<hbm>> -> memref<10000x144xf32, #tpu.memory_space<hbm>>
      tpu.wait_indirect_dma semaphore(%arg19 : memref<!tpu.dma_semaphore, #tpu.memory_space<semaphore_mem>>) src(%dma_wait3A_151 : memref<10000x144xf32, #tpu.memory_space<hbm>>) dst(%arg13 : memref<80x144xf32, #tpu.memory_space<vmem>>)
      %dma_wait3A_152 = arith.constant 0 : i32
      %dma_wait3A_153 = arith.constant 0 : i32
      %dma_wait3A_154 = tpu.memref_slice %arg5[%dma_wait3A_152, %dma_wait3A_153] : memref<10000x16xf32, #tpu.memory_space<hbm>> -> memref<10000x16xf32, #tpu.memory_space<hbm>>
      tpu.wait_indirect_dma semaphore(%arg20 : memref<!tpu.dma_semaphore, #tpu.memory_space<semaphore_mem>>) src(%dma_wait3A_154 : memref<10000x16xf32, #tpu.memory_space<hbm>>) dst(%arg14 : memref<80x16xf32, #tpu.memory_space<vmem>>)
      %parallel_loop3A_155 = arith.constant 0 : i32
      %parallel_loop3A_156 = arith.constant 80 : i32
      %parallel_loop3A_157 = arith.constant 1 : i32
      scf.for %parallel_loop3A_171 = %parallel_loop3A_155 to %parallel_loop3A_156 step %parallel_loop3A_157  : i32 {
        %parallel_loop3A_172 = arith.index_cast %parallel_loop3A_171 : i32 to index
        %parallel_loop3A_173 = arith.constant 128 : index
        %parallel_loop3A_174 = tpu.vector_load %arg13[%parallel_loop3A_172, %parallel_loop3A_173] {strides = array<i32>} : memref<80x144xf32, #tpu.memory_space<vmem>>, vector<1x16xf32>,
        %parallel_loop3A_175 = vector.shape_cast %parallel_loop3A_174 : vector<1x16xf32> to vector<16xf32>
        %parallel_loop3A_176 = arith.index_cast %parallel_loop3A_171 : i32 to index
        %parallel_loop3A_177 = arith.constant 0 : index
        %parallel_loop3A_178 = tpu.vector_load %arg14[%parallel_loop3A_176, %parallel_loop3A_177] {strides = array<i32>} : memref<80x16xf32, #tpu.memory_space<vmem>>, vector<1x16xf32>,
        %parallel_loop3A_179 = vector.shape_cast %parallel_loop3A_178 : vector<1x16xf32> to vector<16xf32>
        %parallel_loop3A_180 = arith.addf %parallel_loop3A_175, %parallel_loop3A_179 : vector<16xf32>
        %parallel_loop3A_181 = arith.constant 2.000000e-01 : f32
        %parallel_loop3A_182 = vector.broadcast %parallel_loop3A_181 : f32 to vector<16xf32>
        %parallel_loop3A_183 = arith.mulf %parallel_loop3A_182, %parallel_loop3A_180 : vector<16xf32>
        %parallel_loop3A_184 = arith.maximumf %parallel_loop3A_180, %parallel_loop3A_183 : vector<16xf32>
        %parallel_loop3A_185 = math.exp %parallel_loop3A_184 : vector<16xf32>
        %parallel_loop3A_186 = arith.index_cast %parallel_loop3A_171 : i32 to index
        %parallel_loop3A_187 = arith.constant 128 : index
        %parallel_loop3A_188 = tpu.vector_load %arg15[%parallel_loop3A_186, %parallel_loop3A_187] {strides = array<i32>} : memref<80x144xf32, #tpu.memory_space<vmem>>, vector<1x16xf32>,
        %parallel_loop3A_189 = vector.shape_cast %parallel_loop3A_188 : vector<1x16xf32> to vector<16xf32>
        %parallel_loop3A_190 = vector.shape_cast %parallel_loop3A_185 : vector<16xf32> to vector<1x16xf32>
        tpu.vector_store %arg15[%parallel_loop3A_186, %parallel_loop3A_187], %parallel_loop3A_190 {strides = array<i32>} : memref<80x144xf32, #tpu.memory_space<vmem>>, vector<1x16xf32>,
        %parallel_loop3A_191 = vector.extract_strided_slice %parallel_loop3A_185 {offsets = [0], sizes = [1], strides = [1]} : vector<16xf32> to vector<1xf32>
        %parallel_loop3A_192 = vector.extract %parallel_loop3A_191[0] : f32 from vector<1xf32>
        %parallel_loop3A_193 = vector.broadcast %parallel_loop3A_192 : f32 to vector<16xf32>
        %parallel_loop3A_194 = arith.index_cast %parallel_loop3A_171 : i32 to index
        %parallel_loop3A_195 = arith.constant 0 : index
        %parallel_loop3A_196 = tpu.vector_load %arg13[%parallel_loop3A_194, %parallel_loop3A_195] {strides = array<i32>} : memref<80x144xf32, #tpu.memory_space<vmem>>, vector<1x16xf32>,
        %parallel_loop3A_197 = vector.shape_cast %parallel_loop3A_196 : vector<1x16xf32> to vector<16xf32>
        %parallel_loop3A_198 = arith.mulf %parallel_loop3A_197, %parallel_loop3A_193 : vector<16xf32>
        %parallel_loop3A_199 = arith.index_cast %parallel_loop3A_171 : i32 to index
        %parallel_loop3A_200 = arith.constant 0 : index
        %parallel_loop3A_201 = tpu.vector_load %arg15[%parallel_loop3A_199, %parallel_loop3A_200] {strides = array<i32>} : memref<80x144xf32, #tpu.memory_space<vmem>>, vector<1x16xf32>,
        %parallel_loop3A_202 = vector.shape_cast %parallel_loop3A_201 : vector<1x16xf32> to vector<16xf32>
        %parallel_loop3A_203 = vector.shape_cast %parallel_loop3A_198 : vector<16xf32> to vector<1x16xf32>
        tpu.vector_store %arg15[%parallel_loop3A_199, %parallel_loop3A_200], %parallel_loop3A_203 {strides = array<i32>} : memref<80x144xf32, #tpu.memory_space<vmem>>, vector<1x16xf32>,
        %parallel_loop3A_204 = vector.extract_strided_slice %parallel_loop3A_185 {offsets = [1], sizes = [1], strides = [1]} : vector<16xf32> to vector<1xf32>
        %parallel_loop3A_205 = vector.extract %parallel_loop3A_204[0] : f32 from vector<1xf32>
        %parallel_loop3A_206 = vector.broadcast %parallel_loop3A_205 : f32 to vector<16xf32>
        %parallel_loop3A_207 = arith.index_cast %parallel_loop3A_171 : i32 to index
        %parallel_loop3A_208 = arith.constant 16 : index
        %parallel_loop3A_209 = tpu.vector_load %arg13[%parallel_loop3A_207, %parallel_loop3A_208] {strides = array<i32>} : memref<80x144xf32, #tpu.memory_space<vmem>>, vector<1x16xf32>,
        %parallel_loop3A_210 = vector.shape_cast %parallel_loop3A_209 : vector<1x16xf32> to vector<16xf32>
        %parallel_loop3A_211 = arith.mulf %parallel_loop3A_210, %parallel_loop3A_206 : vector<16xf32>
        %parallel_loop3A_212 = arith.index_cast %parallel_loop3A_171 : i32 to index
        %parallel_loop3A_213 = arith.constant 16 : index
        %parallel_loop3A_214 = tpu.vector_load %arg15[%parallel_loop3A_212, %parallel_loop3A_213] {strides = array<i32>} : memref<80x144xf32, #tpu.memory_space<vmem>>, vector<1x16xf32>,
        %parallel_loop3A_215 = vector.shape_cast %parallel_loop3A_214 : vector<1x16xf32> to vector<16xf32>
        %parallel_loop3A_216 = vector.shape_cast %parallel_loop3A_211 : vector<16xf32> to vector<1x16xf32>
        tpu.vector_store %arg15[%parallel_loop3A_212, %parallel_loop3A_213], %parallel_loop3A_216 {strides = array<i32>} : memref<80x144xf32, #tpu.memory_space<vmem>>, vector<1x16xf32>,
        %parallel_loop3A_217 = vector.extract_strided_slice %parallel_loop3A_185 {offsets = [2], sizes = [1], strides = [1]} : vector<16xf32> to vector<1xf32>
        %parallel_loop3A_218 = vector.extract %parallel_loop3A_217[0] : f32 from vector<1xf32>
        %parallel_loop3A_219 = vector.broadcast %parallel_loop3A_218 : f32 to vector<16xf32>
        %parallel_loop3A_220 = arith.index_cast %parallel_loop3A_171 : i32 to index
        %parallel_loop3A_221 = arith.constant 32 : index
        %parallel_loop3A_222 = tpu.vector_load %arg13[%parallel_loop3A_220, %parallel_loop3A_221] {strides = array<i32>} : memref<80x144xf32, #tpu.memory_space<vmem>>, vector<1x16xf32>,
        %parallel_loop3A_223 = vector.shape_cast %parallel_loop3A_222 : vector<1x16xf32> to vector<16xf32>
        %parallel_loop3A_224 = arith.mulf %parallel_loop3A_223, %parallel_loop3A_219 : vector<16xf32>
        %parallel_loop3A_225 = arith.index_cast %parallel_loop3A_171 : i32 to index
        %parallel_loop3A_226 = arith.constant 32 : index
        %parallel_loop3A_227 = tpu.vector_load %arg15[%parallel_loop3A_225, %parallel_loop3A_226] {strides = array<i32>} : memref<80x144xf32, #tpu.memory_space<vmem>>, vector<1x16xf32>,
        %parallel_loop3A_228 = vector.shape_cast %parallel_loop3A_227 : vector<1x16xf32> to vector<16xf32>
        %parallel_loop3A_229 = vector.shape_cast %parallel_loop3A_224 : vector<16xf32> to vector<1x16xf32>
        tpu.vector_store %arg15[%parallel_loop3A_225, %parallel_loop3A_226], %parallel_loop3A_229 {strides = array<i32>} : memref<80x144xf32, #tpu.memory_space<vmem>>, vector<1x16xf32>,
        %parallel_loop3A_230 = vector.extract_strided_slice %parallel_loop3A_185 {offsets = [3], sizes = [1], strides = [1]} : vector<16xf32> to vector<1xf32>
        %parallel_loop3A_231 = vector.extract %parallel_loop3A_230[0] : f32 from vector<1xf32>
        %parallel_loop3A_232 = vector.broadcast %parallel_loop3A_231 : f32 to vector<16xf32>
        %parallel_loop3A_233 = arith.index_cast %parallel_loop3A_171 : i32 to index
        %parallel_loop3A_234 = arith.constant 48 : index
        %parallel_loop3A_235 = tpu.vector_load %arg13[%parallel_loop3A_233, %parallel_loop3A_234] {strides = array<i32>} : memref<80x144xf32, #tpu.memory_space<vmem>>, vector<1x16xf32>,
        %parallel_loop3A_236 = vector.shape_cast %parallel_loop3A_235 : vector<1x16xf32> to vector<16xf32>
        %parallel_loop3A_237 = arith.mulf %parallel_loop3A_236, %parallel_loop3A_232 : vector<16xf32>
        %parallel_loop3A_238 = arith.index_cast %parallel_loop3A_171 : i32 to index
        %parallel_loop3A_239 = arith.constant 48 : index
        %parallel_loop3A_240 = tpu.vector_load %arg15[%parallel_loop3A_238, %parallel_loop3A_239] {strides = array<i32>} : memref<80x144xf32, #tpu.memory_space<vmem>>, vector<1x16xf32>,
        %parallel_loop3A_241 = vector.shape_cast %parallel_loop3A_240 : vector<1x16xf32> to vector<16xf32>
        %parallel_loop3A_242 = vector.shape_cast %parallel_loop3A_237 : vector<16xf32> to vector<1x16xf32>
        tpu.vector_store %arg15[%parallel_loop3A_238, %parallel_loop3A_239], %parallel_loop3A_242 {strides = array<i32>} : memref<80x144xf32, #tpu.memory_space<vmem>>, vector<1x16xf32>,
        %parallel_loop3A_243 = vector.extract_strided_slice %parallel_loop3A_185 {offsets = [4], sizes = [1], strides = [1]} : vector<16xf32> to vector<1xf32>
        %parallel_loop3A_244 = vector.extract %parallel_loop3A_243[0] : f32 from vector<1xf32>
        %parallel_loop3A_245 = vector.broadcast %parallel_loop3A_244 : f32 to vector<16xf32>
        %parallel_loop3A_246 = arith.index_cast %parallel_loop3A_171 : i32 to index
        %parallel_loop3A_247 = arith.constant 64 : index
        %parallel_loop3A_248 = tpu.vector_load %arg13[%parallel_loop3A_246, %parallel_loop3A_247] {strides = array<i32>} : memref<80x144xf32, #tpu.memory_space<vmem>>, vector<1x16xf32>,
        %parallel_loop3A_249 = vector.shape_cast %parallel_loop3A_248 : vector<1x16xf32> to vector<16xf32>
        %parallel_loop3A_250 = arith.mulf %parallel_loop3A_249, %parallel_loop3A_245 : vector<16xf32>
        %parallel_loop3A_251 = arith.index_cast %parallel_loop3A_171 : i32 to index
        %parallel_loop3A_252 = arith.constant 64 : index
        %parallel_loop3A_253 = tpu.vector_load %arg15[%parallel_loop3A_251, %parallel_loop3A_252] {strides = array<i32>} : memref<80x144xf32, #tpu.memory_space<vmem>>, vector<1x16xf32>,
        %parallel_loop3A_254 = vector.shape_cast %parallel_loop3A_253 : vector<1x16xf32> to vector<16xf32>
        %parallel_loop3A_255 = vector.shape_cast %parallel_loop3A_250 : vector<16xf32> to vector<1x16xf32>
        tpu.vector_store %arg15[%parallel_loop3A_251, %parallel_loop3A_252], %parallel_loop3A_255 {strides = array<i32>} : memref<80x144xf32, #tpu.memory_space<vmem>>, vector<1x16xf32>,
        %parallel_loop3A_256 = vector.extract_strided_slice %parallel_loop3A_185 {offsets = [5], sizes = [1], strides = [1]} : vector<16xf32> to vector<1xf32>
        %parallel_loop3A_257 = vector.extract %parallel_loop3A_256[0] : f32 from vector<1xf32>
        %parallel_loop3A_258 = vector.broadcast %parallel_loop3A_257 : f32 to vector<16xf32>
        %parallel_loop3A_259 = arith.index_cast %parallel_loop3A_171 : i32 to index
        %parallel_loop3A_260 = arith.constant 80 : index
        %parallel_loop3A_261 = tpu.vector_load %arg13[%parallel_loop3A_259, %parallel_loop3A_260] {strides = array<i32>} : memref<80x144xf32, #tpu.memory_space<vmem>>, vector<1x16xf32>,
        %parallel_loop3A_262 = vector.shape_cast %parallel_loop3A_261 : vector<1x16xf32> to vector<16xf32>
        %parallel_loop3A_263 = arith.mulf %parallel_loop3A_262, %parallel_loop3A_258 : vector<16xf32>
        %parallel_loop3A_264 = arith.index_cast %parallel_loop3A_171 : i32 to index
        %parallel_loop3A_265 = arith.constant 80 : index
        %parallel_loop3A_266 = tpu.vector_load %arg15[%parallel_loop3A_264, %parallel_loop3A_265] {strides = array<i32>} : memref<80x144xf32, #tpu.memory_space<vmem>>, vector<1x16xf32>,
        %parallel_loop3A_267 = vector.shape_cast %parallel_loop3A_266 : vector<1x16xf32> to vector<16xf32>
        %parallel_loop3A_268 = vector.shape_cast %parallel_loop3A_263 : vector<16xf32> to vector<1x16xf32>
        tpu.vector_store %arg15[%parallel_loop3A_264, %parallel_loop3A_265], %parallel_loop3A_268 {strides = array<i32>} : memref<80x144xf32, #tpu.memory_space<vmem>>, vector<1x16xf32>,
        %parallel_loop3A_269 = vector.extract_strided_slice %parallel_loop3A_185 {offsets = [6], sizes = [1], strides = [1]} : vector<16xf32> to vector<1xf32>
        %parallel_loop3A_270 = vector.extract %parallel_loop3A_269[0] : f32 from vector<1xf32>
        %parallel_loop3A_271 = vector.broadcast %parallel_loop3A_270 : f32 to vector<16xf32>
        %parallel_loop3A_272 = arith.index_cast %parallel_loop3A_171 : i32 to index
        %parallel_loop3A_273 = arith.constant 96 : index
        %parallel_loop3A_274 = tpu.vector_load %arg13[%parallel_loop3A_272, %parallel_loop3A_273] {strides = array<i32>} : memref<80x144xf32, #tpu.memory_space<vmem>>, vector<1x16xf32>,
        %parallel_loop3A_275 = vector.shape_cast %parallel_loop3A_274 : vector<1x16xf32> to vector<16xf32>
        %parallel_loop3A_276 = arith.mulf %parallel_loop3A_275, %parallel_loop3A_271 : vector<16xf32>
        %parallel_loop3A_277 = arith.index_cast %parallel_loop3A_171 : i32 to index
        %parallel_loop3A_278 = arith.constant 96 : index
        %parallel_loop3A_279 = tpu.vector_load %arg15[%parallel_loop3A_277, %parallel_loop3A_278] {strides = array<i32>} : memref<80x144xf32, #tpu.memory_space<vmem>>, vector<1x16xf32>,
        %parallel_loop3A_280 = vector.shape_cast %parallel_loop3A_279 : vector<1x16xf32> to vector<16xf32>
        %parallel_loop3A_281 = vector.shape_cast %parallel_loop3A_276 : vector<16xf32> to vector<1x16xf32>
        tpu.vector_store %arg15[%parallel_loop3A_277, %parallel_loop3A_278], %parallel_loop3A_281 {strides = array<i32>} : memref<80x144xf32, #tpu.memory_space<vmem>>, vector<1x16xf32>,
        %parallel_loop3A_282 = vector.extract_strided_slice %parallel_loop3A_185 {offsets = [7], sizes = [1], strides = [1]} : vector<16xf32> to vector<1xf32>
        %parallel_loop3A_283 = vector.extract %parallel_loop3A_282[0] : f32 from vector<1xf32>
        %parallel_loop3A_284 = vector.broadcast %parallel_loop3A_283 : f32 to vector<16xf32>
        %parallel_loop3A_285 = arith.index_cast %parallel_loop3A_171 : i32 to index
        %parallel_loop3A_286 = arith.constant 112 : index
        %parallel_loop3A_287 = tpu.vector_load %arg13[%parallel_loop3A_285, %parallel_loop3A_286] {strides = array<i32>} : memref<80x144xf32, #tpu.memory_space<vmem>>, vector<1x16xf32>,
        %parallel_loop3A_288 = vector.shape_cast %parallel_loop3A_287 : vector<1x16xf32> to vector<16xf32>
        %parallel_loop3A_289 = arith.mulf %parallel_loop3A_288, %parallel_loop3A_284 : vector<16xf32>
        %parallel_loop3A_290 = arith.index_cast %parallel_loop3A_171 : i32 to index
        %parallel_loop3A_291 = arith.constant 112 : index
        %parallel_loop3A_292 = tpu.vector_load %arg15[%parallel_loop3A_290, %parallel_loop3A_291] {strides = array<i32>} : memref<80x144xf32, #tpu.memory_space<vmem>>, vector<1x16xf32>,
        %parallel_loop3A_293 = vector.shape_cast %parallel_loop3A_292 : vector<1x16xf32> to vector<16xf32>
        %parallel_loop3A_294 = vector.shape_cast %parallel_loop3A_289 : vector<16xf32> to vector<1x16xf32>
        tpu.vector_store %arg15[%parallel_loop3A_290, %parallel_loop3A_291], %parallel_loop3A_294 {strides = array<i32>} : memref<80x144xf32, #tpu.memory_space<vmem>>, vector<1x16xf32>,
      } {sc.loop_unroll_factor = 8 : i64, sc.parallel_access}
      "tpu.region"() ({
        %run_scoped3A = tpu.sem_alloc : memref<!tpu.dma_semaphore, #tpu.memory_space<semaphore_mem>>
        %dma_start3A_171 = arith.constant 0 : i32
        %dma_start3A_172 = arith.constant 0 : i32
        %dma_start3A_173 = tpu.memref_slice %arg16[%dma_start3A_171, %dma_start3A_172] : memref<10000x144xf32, #tpu.memory_space<vmem_shared>> -> memref<10000x144xf32, #tpu.memory_space<vmem_shared>>
        tpu.enqueue_indirect_dma source(%arg15 : memref<80x144xf32, #tpu.memory_space<vmem>>) target(%dma_start3A_173 : memref<10000x144xf32, #tpu.memory_space<vmem_shared>>) offsets(%arg12 : memref<80xi32, #tpu.memory_space<vmem>>) semaphore(%run_scoped3A : memref<!tpu.dma_semaphore, #tpu.memory_space<semaphore_mem>>) {add = true}
        %dma_wait3A_174 = arith.constant 0 : i32
        %dma_wait3A_175 = arith.constant 0 : i32
        %dma_wait3A_176 = tpu.memref_slice %arg16[%dma_wait3A_174, %dma_wait3A_175] : memref<10000x144xf32, #tpu.memory_space<vmem_shared>> -> memref<10000x144xf32, #tpu.memory_space<vmem_shared>>
        tpu.wait_indirect_dma semaphore(%run_scoped3A : memref<!tpu.dma_semaphore, #tpu.memory_space<semaphore_mem>>) src(%arg15 : memref<80x144xf32, #tpu.memory_space<vmem>>) dst(%dma_wait3A_176 : memref<10000x144xf32, #tpu.memory_space<vmem_shared>>)
        tpu.yield
      }) : () -> ()
      %mul3A_158 = arith.constant 2 : i32
      %mul3A_159 = arith.muli %mul3A_158, %scan3A_98 : i32
      %add3A_160 = arith.constant 3 : i32
      %add3A_161 = arith.addi %mul3A_159, %add3A_160 : i32
      %min3A_162 = arith.constant 124 : i32
      %min3A_163 = arith.minsi %add3A_161, %min3A_162 : i32
      %mul3A_164 = arith.constant 80 : i32
      %mul3A_165 = arith.muli %min3A_163, %mul3A_164 : i32
      %add3A_166 = arith.addi %mul3A_2, %mul3A_165 : i32
      %dma_start3A_167 = tpu.memref_slice %arg2[%add3A_166] : memref<320000xi32, #tpu.memory_space<hbm>> -> memref<80xi32, #tpu.memory_space<hbm>>
      %dma_start3A_168 = tpu.memref_slice %arg2[%add3A_166] : memref<320000xi32, #tpu.memory_space<hbm>> -> memref<80xi32, #tpu.memory_space<hbm>>
      tpu.enqueue_dma source(%dma_start3A_168 : memref<80xi32, #tpu.memory_space<hbm>>) target(%arg11 : memref<80xi32, #tpu.memory_space<vmem>>) target_semaphore(%arg22 : memref<!tpu.dma_semaphore, #tpu.memory_space<semaphore_mem>>)
      %dma_start3A_169 = tpu.memref_slice %arg3[%add3A_166] : memref<320000xi32, #tpu.memory_space<hbm>> -> memref<80xi32, #tpu.memory_space<hbm>>
      %dma_start3A_170 = tpu.memref_slice %arg3[%add3A_166] : memref<320000xi32, #tpu.memory_space<hbm>> -> memref<80xi32, #tpu.memory_space<hbm>>
      tpu.enqueue_dma source(%dma_start3A_170 : memref<80xi32, #tpu.memory_space<hbm>>) target(%arg12 : memref<80xi32, #tpu.memory_space<vmem>>) target_semaphore(%arg22 : memref<!tpu.dma_semaphore, #tpu.memory_space<semaphore_mem>>)
    }
    %scan3A_72 = arith.constant 62 : i32
    %dma_wait3A_73 = arith.constant 0 : i32
    %dma_wait3A_74 = tpu.memref_slice %arg2[%dma_wait3A_73] : memref<320000xi32, #tpu.memory_space<hbm>> -> memref<80xi32, #tpu.memory_space<hbm>>
    %dma_wait3A_75 = arith.constant 0 : i32
    %dma_wait3A_76 = tpu.memref_slice %arg2[%dma_wait3A_75] : memref<320000xi32, #tpu.memory_space<hbm>> -> memref<80xi32, #tpu.memory_space<hbm>>
    tpu.wait_dma2 semaphore(%arg22 : memref<!tpu.dma_semaphore, #tpu.memory_space<semaphore_mem>>) src(%dma_wait3A_76 : memref<80xi32, #tpu.memory_space<hbm>>) dst(%arg11 : memref<80xi32, #tpu.memory_space<vmem>>)
    %dma_wait3A_77 = arith.constant 0 : i32
    %dma_wait3A_78 = tpu.memref_slice %arg3[%dma_wait3A_77] : memref<320000xi32, #tpu.memory_space<hbm>> -> memref<80xi32, #tpu.memory_space<hbm>>
    %dma_wait3A_79 = arith.constant 0 : i32
    %dma_wait3A_80 = tpu.memref_slice %arg3[%dma_wait3A_79] : memref<320000xi32, #tpu.memory_space<hbm>> -> memref<80xi32, #tpu.memory_space<hbm>>
    tpu.wait_dma2 semaphore(%arg22 : memref<!tpu.dma_semaphore, #tpu.memory_space<semaphore_mem>>) src(%dma_wait3A_80 : memref<80xi32, #tpu.memory_space<hbm>>) dst(%arg12 : memref<80xi32, #tpu.memory_space<vmem>>)
    %dma_wait3A_81 = arith.constant 0 : i32
    %dma_wait3A_82 = arith.constant 0 : i32
    %dma_wait3A_83 = tpu.memref_slice %arg4[%dma_wait3A_81, %dma_wait3A_82] : memref<10000x144xf32, #tpu.memory_space<hbm>> -> memref<10000x144xf32, #tpu.memory_space<hbm>>
    tpu.wait_indirect_dma semaphore(%arg17 : memref<!tpu.dma_semaphore, #tpu.memory_space<semaphore_mem>>) src(%dma_wait3A_83 : memref<10000x144xf32, #tpu.memory_space<hbm>>) dst(%arg9 : memref<80x144xf32, #tpu.memory_space<vmem>>)
    %dma_wait3A_84 = arith.constant 0 : i32
    %dma_wait3A_85 = arith.constant 0 : i32
    %dma_wait3A_86 = tpu.memref_slice %arg5[%dma_wait3A_84, %dma_wait3A_85] : memref<10000x16xf32, #tpu.memory_space<hbm>> -> memref<10000x16xf32, #tpu.memory_space<hbm>>
    tpu.wait_indirect_dma semaphore(%arg18 : memref<!tpu.dma_semaphore, #tpu.memory_space<semaphore_mem>>) src(%dma_wait3A_86 : memref<10000x16xf32, #tpu.memory_space<hbm>>) dst(%arg10 : memref<80x16xf32, #tpu.memory_space<vmem>>)
    %parallel_loop3A_87 = arith.constant 0 : i32
    %parallel_loop3A_88 = arith.constant 80 : i32
    %parallel_loop3A_89 = arith.constant 1 : i32
    scf.for %parallel_loop3A_98 = %parallel_loop3A_87 to %parallel_loop3A_88 step %parallel_loop3A_89  : i32 {
      %parallel_loop3A_99 = arith.index_cast %parallel_loop3A_98 : i32 to index
      %parallel_loop3A_100 = arith.constant 128 : index
      %parallel_loop3A_101 = tpu.vector_load %arg9[%parallel_loop3A_99, %parallel_loop3A_100] {strides = array<i32>} : memref<80x144xf32, #tpu.memory_space<vmem>>, vector<1x16xf32>,
      %parallel_loop3A_102 = vector.shape_cast %parallel_loop3A_101 : vector<1x16xf32> to vector<16xf32>
      %parallel_loop3A_103 = arith.index_cast %parallel_loop3A_98 : i32 to index
      %parallel_loop3A_104 = arith.constant 0 : index
      %parallel_loop3A_105 = tpu.vector_load %arg10[%parallel_loop3A_103, %parallel_loop3A_104] {strides = array<i32>} : memref<80x16xf32, #tpu.memory_space<vmem>>, vector<1x16xf32>,
      %parallel_loop3A_106 = vector.shape_cast %parallel_loop3A_105 : vector<1x16xf32> to vector<16xf32>
      %parallel_loop3A_107 = arith.addf %parallel_loop3A_102, %parallel_loop3A_106 : vector<16xf32>
      %parallel_loop3A_108 = arith.constant 2.000000e-01 : f32
      %parallel_loop3A_109 = vector.broadcast %parallel_loop3A_108 : f32 to vector<16xf32>
      %parallel_loop3A_110 = arith.mulf %parallel_loop3A_109, %parallel_loop3A_107 : vector<16xf32>
      %parallel_loop3A_111 = arith.maximumf %parallel_loop3A_107, %parallel_loop3A_110 : vector<16xf32>
      %parallel_loop3A_112 = math.exp %parallel_loop3A_111 : vector<16xf32>
      %parallel_loop3A_113 = arith.index_cast %parallel_loop3A_98 : i32 to index
      %parallel_loop3A_114 = arith.constant 128 : index
      %parallel_loop3A_115 = tpu.vector_load %arg15[%parallel_loop3A_113, %parallel_loop3A_114] {strides = array<i32>} : memref<80x144xf32, #tpu.memory_space<vmem>>, vector<1x16xf32>,
      %parallel_loop3A_116 = vector.shape_cast %parallel_loop3A_115 : vector<1x16xf32> to vector<16xf32>
      %parallel_loop3A_117 = vector.shape_cast %parallel_loop3A_112 : vector<16xf32> to vector<1x16xf32>
      tpu.vector_store %arg15[%parallel_loop3A_113, %parallel_loop3A_114], %parallel_loop3A_117 {strides = array<i32>} : memref<80x144xf32, #tpu.memory_space<vmem>>, vector<1x16xf32>,
      %parallel_loop3A_118 = vector.extract_strided_slice %parallel_loop3A_112 {offsets = [0], sizes = [1], strides = [1]} : vector<16xf32> to vector<1xf32>
      %parallel_loop3A_119 = vector.extract %parallel_loop3A_118[0] : f32 from vector<1xf32>
      %parallel_loop3A_120 = vector.broadcast %parallel_loop3A_119 : f32 to vector<16xf32>
      %parallel_loop3A_121 = arith.index_cast %parallel_loop3A_98 : i32 to index
      %parallel_loop3A_122 = arith.constant 0 : index
      %parallel_loop3A_123 = tpu.vector_load %arg9[%parallel_loop3A_121, %parallel_loop3A_122] {strides = array<i32>} : memref<80x144xf32, #tpu.memory_space<vmem>>, vector<1x16xf32>,
      %parallel_loop3A_124 = vector.shape_cast %parallel_loop3A_123 : vector<1x16xf32> to vector<16xf32>
      %parallel_loop3A_125 = arith.mulf %parallel_loop3A_124, %parallel_loop3A_120 : vector<16xf32>
      %parallel_loop3A_126 = arith.index_cast %parallel_loop3A_98 : i32 to index
      %parallel_loop3A_127 = arith.constant 0 : index
      %parallel_loop3A_128 = tpu.vector_load %arg15[%parallel_loop3A_126, %parallel_loop3A_127] {strides = array<i32>} : memref<80x144xf32, #tpu.memory_space<vmem>>, vector<1x16xf32>,
      %parallel_loop3A_129 = vector.shape_cast %parallel_loop3A_128 : vector<1x16xf32> to vector<16xf32>
      %parallel_loop3A_130 = vector.shape_cast %parallel_loop3A_125 : vector<16xf32> to vector<1x16xf32>
      tpu.vector_store %arg15[%parallel_loop3A_126, %parallel_loop3A_127], %parallel_loop3A_130 {strides = array<i32>} : memref<80x144xf32, #tpu.memory_space<vmem>>, vector<1x16xf32>,
      %parallel_loop3A_131 = vector.extract_strided_slice %parallel_loop3A_112 {offsets = [1], sizes = [1], strides = [1]} : vector<16xf32> to vector<1xf32>
      %parallel_loop3A_132 = vector.extract %parallel_loop3A_131[0] : f32 from vector<1xf32>
      %parallel_loop3A_133 = vector.broadcast %parallel_loop3A_132 : f32 to vector<16xf32>
      %parallel_loop3A_134 = arith.index_cast %parallel_loop3A_98 : i32 to index
      %parallel_loop3A_135 = arith.constant 16 : index
      %parallel_loop3A_136 = tpu.vector_load %arg9[%parallel_loop3A_134, %parallel_loop3A_135] {strides = array<i32>} : memref<80x144xf32, #tpu.memory_space<vmem>>, vector<1x16xf32>,
      %parallel_loop3A_137 = vector.shape_cast %parallel_loop3A_136 : vector<1x16xf32> to vector<16xf32>
      %parallel_loop3A_138 = arith.mulf %parallel_loop3A_137, %parallel_loop3A_133 : vector<16xf32>
      %parallel_loop3A_139 = arith.index_cast %parallel_loop3A_98 : i32 to index
      %parallel_loop3A_140 = arith.constant 16 : index
      %parallel_loop3A_141 = tpu.vector_load %arg15[%parallel_loop3A_139, %parallel_loop3A_140] {strides = array<i32>} : memref<80x144xf32, #tpu.memory_space<vmem>>, vector<1x16xf32>,
      %parallel_loop3A_142 = vector.shape_cast %parallel_loop3A_141 : vector<1x16xf32> to vector<16xf32>
      %parallel_loop3A_143 = vector.shape_cast %parallel_loop3A_138 : vector<16xf32> to vector<1x16xf32>
      tpu.vector_store %arg15[%parallel_loop3A_139, %parallel_loop3A_140], %parallel_loop3A_143 {strides = array<i32>} : memref<80x144xf32, #tpu.memory_space<vmem>>, vector<1x16xf32>,
      %parallel_loop3A_144 = vector.extract_strided_slice %parallel_loop3A_112 {offsets = [2], sizes = [1], strides = [1]} : vector<16xf32> to vector<1xf32>
      %parallel_loop3A_145 = vector.extract %parallel_loop3A_144[0] : f32 from vector<1xf32>
      %parallel_loop3A_146 = vector.broadcast %parallel_loop3A_145 : f32 to vector<16xf32>
      %parallel_loop3A_147 = arith.index_cast %parallel_loop3A_98 : i32 to index
      %parallel_loop3A_148 = arith.constant 32 : index
      %parallel_loop3A_149 = tpu.vector_load %arg9[%parallel_loop3A_147, %parallel_loop3A_148] {strides = array<i32>} : memref<80x144xf32, #tpu.memory_space<vmem>>, vector<1x16xf32>,
      %parallel_loop3A_150 = vector.shape_cast %parallel_loop3A_149 : vector<1x16xf32> to vector<16xf32>
      %parallel_loop3A_151 = arith.mulf %parallel_loop3A_150, %parallel_loop3A_146 : vector<16xf32>
      %parallel_loop3A_152 = arith.index_cast %parallel_loop3A_98 : i32 to index
      %parallel_loop3A_153 = arith.constant 32 : index
      %parallel_loop3A_154 = tpu.vector_load %arg15[%parallel_loop3A_152, %parallel_loop3A_153] {strides = array<i32>} : memref<80x144xf32, #tpu.memory_space<vmem>>, vector<1x16xf32>,
      %parallel_loop3A_155 = vector.shape_cast %parallel_loop3A_154 : vector<1x16xf32> to vector<16xf32>
      %parallel_loop3A_156 = vector.shape_cast %parallel_loop3A_151 : vector<16xf32> to vector<1x16xf32>
      tpu.vector_store %arg15[%parallel_loop3A_152, %parallel_loop3A_153], %parallel_loop3A_156 {strides = array<i32>} : memref<80x144xf32, #tpu.memory_space<vmem>>, vector<1x16xf32>,
      %parallel_loop3A_157 = vector.extract_strided_slice %parallel_loop3A_112 {offsets = [3], sizes = [1], strides = [1]} : vector<16xf32> to vector<1xf32>
      %parallel_loop3A_158 = vector.extract %parallel_loop3A_157[0] : f32 from vector<1xf32>
      %parallel_loop3A_159 = vector.broadcast %parallel_loop3A_158 : f32 to vector<16xf32>
      %parallel_loop3A_160 = arith.index_cast %parallel_loop3A_98 : i32 to index
      %parallel_loop3A_161 = arith.constant 48 : index
      %parallel_loop3A_162 = tpu.vector_load %arg9[%parallel_loop3A_160, %parallel_loop3A_161] {strides = array<i32>} : memref<80x144xf32, #tpu.memory_space<vmem>>, vector<1x16xf32>,
      %parallel_loop3A_163 = vector.shape_cast %parallel_loop3A_162 : vector<1x16xf32> to vector<16xf32>
      %parallel_loop3A_164 = arith.mulf %parallel_loop3A_163, %parallel_loop3A_159 : vector<16xf32>
      %parallel_loop3A_165 = arith.index_cast %parallel_loop3A_98 : i32 to index
      %parallel_loop3A_166 = arith.constant 48 : index
      %parallel_loop3A_167 = tpu.vector_load %arg15[%parallel_loop3A_165, %parallel_loop3A_166] {strides = array<i32>} : memref<80x144xf32, #tpu.memory_space<vmem>>, vector<1x16xf32>,
      %parallel_loop3A_168 = vector.shape_cast %parallel_loop3A_167 : vector<1x16xf32> to vector<16xf32>
      %parallel_loop3A_169 = vector.shape_cast %parallel_loop3A_164 : vector<16xf32> to vector<1x16xf32>
      tpu.vector_store %arg15[%parallel_loop3A_165, %parallel_loop3A_166], %parallel_loop3A_169 {strides = array<i32>} : memref<80x144xf32, #tpu.memory_space<vmem>>, vector<1x16xf32>,
      %parallel_loop3A_170 = vector.extract_strided_slice %parallel_loop3A_112 {offsets = [4], sizes = [1], strides = [1]} : vector<16xf32> to vector<1xf32>
      %parallel_loop3A_171 = vector.extract %parallel_loop3A_170[0] : f32 from vector<1xf32>
      %parallel_loop3A_172 = vector.broadcast %parallel_loop3A_171 : f32 to vector<16xf32>
      %parallel_loop3A_173 = arith.index_cast %parallel_loop3A_98 : i32 to index
      %parallel_loop3A_174 = arith.constant 64 : index
      %parallel_loop3A_175 = tpu.vector_load %arg9[%parallel_loop3A_173, %parallel_loop3A_174] {strides = array<i32>} : memref<80x144xf32, #tpu.memory_space<vmem>>, vector<1x16xf32>,
      %parallel_loop3A_176 = vector.shape_cast %parallel_loop3A_175 : vector<1x16xf32> to vector<16xf32>
      %parallel_loop3A_177 = arith.mulf %parallel_loop3A_176, %parallel_loop3A_172 : vector<16xf32>
      %parallel_loop3A_178 = arith.index_cast %parallel_loop3A_98 : i32 to index
      %parallel_loop3A_179 = arith.constant 64 : index
      %parallel_loop3A_180 = tpu.vector_load %arg15[%parallel_loop3A_178, %parallel_loop3A_179] {strides = array<i32>} : memref<80x144xf32, #tpu.memory_space<vmem>>, vector<1x16xf32>,
      %parallel_loop3A_181 = vector.shape_cast %parallel_loop3A_180 : vector<1x16xf32> to vector<16xf32>
      %parallel_loop3A_182 = vector.shape_cast %parallel_loop3A_177 : vector<16xf32> to vector<1x16xf32>
      tpu.vector_store %arg15[%parallel_loop3A_178, %parallel_loop3A_179], %parallel_loop3A_182 {strides = array<i32>} : memref<80x144xf32, #tpu.memory_space<vmem>>, vector<1x16xf32>,
      %parallel_loop3A_183 = vector.extract_strided_slice %parallel_loop3A_112 {offsets = [5], sizes = [1], strides = [1]} : vector<16xf32> to vector<1xf32>
      %parallel_loop3A_184 = vector.extract %parallel_loop3A_183[0] : f32 from vector<1xf32>
      %parallel_loop3A_185 = vector.broadcast %parallel_loop3A_184 : f32 to vector<16xf32>
      %parallel_loop3A_186 = arith.index_cast %parallel_loop3A_98 : i32 to index
      %parallel_loop3A_187 = arith.constant 80 : index
      %parallel_loop3A_188 = tpu.vector_load %arg9[%parallel_loop3A_186, %parallel_loop3A_187] {strides = array<i32>} : memref<80x144xf32, #tpu.memory_space<vmem>>, vector<1x16xf32>,
      %parallel_loop3A_189 = vector.shape_cast %parallel_loop3A_188 : vector<1x16xf32> to vector<16xf32>
      %parallel_loop3A_190 = arith.mulf %parallel_loop3A_189, %parallel_loop3A_185 : vector<16xf32>
      %parallel_loop3A_191 = arith.index_cast %parallel_loop3A_98 : i32 to index
      %parallel_loop3A_192 = arith.constant 80 : index
      %parallel_loop3A_193 = tpu.vector_load %arg15[%parallel_loop3A_191, %parallel_loop3A_192] {strides = array<i32>} : memref<80x144xf32, #tpu.memory_space<vmem>>, vector<1x16xf32>,
      %parallel_loop3A_194 = vector.shape_cast %parallel_loop3A_193 : vector<1x16xf32> to vector<16xf32>
      %parallel_loop3A_195 = vector.shape_cast %parallel_loop3A_190 : vector<16xf32> to vector<1x16xf32>
      tpu.vector_store %arg15[%parallel_loop3A_191, %parallel_loop3A_192], %parallel_loop3A_195 {strides = array<i32>} : memref<80x144xf32, #tpu.memory_space<vmem>>, vector<1x16xf32>,
      %parallel_loop3A_196 = vector.extract_strided_slice %parallel_loop3A_112 {offsets = [6], sizes = [1], strides = [1]} : vector<16xf32> to vector<1xf32>
      %parallel_loop3A_197 = vector.extract %parallel_loop3A_196[0] : f32 from vector<1xf32>
      %parallel_loop3A_198 = vector.broadcast %parallel_loop3A_197 : f32 to vector<16xf32>
      %parallel_loop3A_199 = arith.index_cast %parallel_loop3A_98 : i32 to index
      %parallel_loop3A_200 = arith.constant 96 : index
      %parallel_loop3A_201 = tpu.vector_load %arg9[%parallel_loop3A_199, %parallel_loop3A_200] {strides = array<i32>} : memref<80x144xf32, #tpu.memory_space<vmem>>, vector<1x16xf32>,
      %parallel_loop3A_202 = vector.shape_cast %parallel_loop3A_201 : vector<1x16xf32> to vector<16xf32>
      %parallel_loop3A_203 = arith.mulf %parallel_loop3A_202, %parallel_loop3A_198 : vector<16xf32>
      %parallel_loop3A_204 = arith.index_cast %parallel_loop3A_98 : i32 to index
      %parallel_loop3A_205 = arith.constant 96 : index
      %parallel_loop3A_206 = tpu.vector_load %arg15[%parallel_loop3A_204, %parallel_loop3A_205] {strides = array<i32>} : memref<80x144xf32, #tpu.memory_space<vmem>>, vector<1x16xf32>,
      %parallel_loop3A_207 = vector.shape_cast %parallel_loop3A_206 : vector<1x16xf32> to vector<16xf32>
      %parallel_loop3A_208 = vector.shape_cast %parallel_loop3A_203 : vector<16xf32> to vector<1x16xf32>
      tpu.vector_store %arg15[%parallel_loop3A_204, %parallel_loop3A_205], %parallel_loop3A_208 {strides = array<i32>} : memref<80x144xf32, #tpu.memory_space<vmem>>, vector<1x16xf32>,
      %parallel_loop3A_209 = vector.extract_strided_slice %parallel_loop3A_112 {offsets = [7], sizes = [1], strides = [1]} : vector<16xf32> to vector<1xf32>
      %parallel_loop3A_210 = vector.extract %parallel_loop3A_209[0] : f32 from vector<1xf32>
      %parallel_loop3A_211 = vector.broadcast %parallel_loop3A_210 : f32 to vector<16xf32>
      %parallel_loop3A_212 = arith.index_cast %parallel_loop3A_98 : i32 to index
      %parallel_loop3A_213 = arith.constant 112 : index
      %parallel_loop3A_214 = tpu.vector_load %arg9[%parallel_loop3A_212, %parallel_loop3A_213] {strides = array<i32>} : memref<80x144xf32, #tpu.memory_space<vmem>>, vector<1x16xf32>,
      %parallel_loop3A_215 = vector.shape_cast %parallel_loop3A_214 : vector<1x16xf32> to vector<16xf32>
      %parallel_loop3A_216 = arith.mulf %parallel_loop3A_215, %parallel_loop3A_211 : vector<16xf32>
      %parallel_loop3A_217 = arith.index_cast %parallel_loop3A_98 : i32 to index
      %parallel_loop3A_218 = arith.constant 112 : index
      %parallel_loop3A_219 = tpu.vector_load %arg15[%parallel_loop3A_217, %parallel_loop3A_218] {strides = array<i32>} : memref<80x144xf32, #tpu.memory_space<vmem>>, vector<1x16xf32>,
      %parallel_loop3A_220 = vector.shape_cast %parallel_loop3A_219 : vector<1x16xf32> to vector<16xf32>
      %parallel_loop3A_221 = vector.shape_cast %parallel_loop3A_216 : vector<16xf32> to vector<1x16xf32>
      tpu.vector_store %arg15[%parallel_loop3A_217, %parallel_loop3A_218], %parallel_loop3A_221 {strides = array<i32>} : memref<80x144xf32, #tpu.memory_space<vmem>>, vector<1x16xf32>,
    } {sc.loop_unroll_factor = 8 : i64, sc.parallel_access}
    "tpu.region"() ({
      %run_scoped3A = tpu.sem_alloc : memref<!tpu.dma_semaphore, #tpu.memory_space<semaphore_mem>>
      %dma_start3A_98 = arith.constant 0 : i32
      %dma_start3A_99 = arith.constant 0 : i32
      %dma_start3A_100 = tpu.memref_slice %arg16[%dma_start3A_98, %dma_start3A_99] : memref<10000x144xf32, #tpu.memory_space<vmem_shared>> -> memref<10000x144xf32, #tpu.memory_space<vmem_shared>>
      tpu.enqueue_indirect_dma source(%arg15 : memref<80x144xf32, #tpu.memory_space<vmem>>) target(%dma_start3A_100 : memref<10000x144xf32, #tpu.memory_space<vmem_shared>>) offsets(%arg8 : memref<80xi32, #tpu.memory_space<vmem>>) semaphore(%run_scoped3A : memref<!tpu.dma_semaphore, #tpu.memory_space<semaphore_mem>>) {add = true}
      %dma_wait3A_101 = arith.constant 0 : i32
      %dma_wait3A_102 = arith.constant 0 : i32
      %dma_wait3A_103 = tpu.memref_slice %arg16[%dma_wait3A_101, %dma_wait3A_102] : memref<10000x144xf32, #tpu.memory_space<vmem_shared>> -> memref<10000x144xf32, #tpu.memory_space<vmem_shared>>
      tpu.wait_indirect_dma semaphore(%run_scoped3A : memref<!tpu.dma_semaphore, #tpu.memory_space<semaphore_mem>>) src(%arg15 : memref<80x144xf32, #tpu.memory_space<vmem>>) dst(%dma_wait3A_103 : memref<10000x144xf32, #tpu.memory_space<vmem_shared>>)
      tpu.yield
    }) : () -> ()
    %barrier3A_90 = arith.constant 0 : index
    tpu.barrier barrier_id(%barrier3A_90)
    %mul3A_91 = arith.constant 625 : i32
    %mul3A_92 = arith.muli %arg1, %mul3A_91 : i32
    %mul3A_93 = arith.constant 10000 : i32
    %mul3A_94 = arith.muli %arg0, %mul3A_93 : i32
    %mul3A_95 = arith.constant 625 : i32
    %mul3A_96 = arith.muli %arg1, %mul3A_95 : i32
    %add3A_97 = arith.addi %mul3A_94, %mul3A_96 : i32
    "tpu.region"() ({
      %run_scoped3A = tpu.sem_alloc : memref<!tpu.dma_semaphore, #tpu.memory_space<semaphore_mem>>
      %dma_start3A_98 = arith.constant 0 : i32
      %dma_start3A_99 = tpu.memref_slice %arg6[%add3A_97, %dma_start3A_98] : memref<20000x144xf32, #tpu.memory_space<hbm>> -> memref<625x144xf32, #tpu.memory_space<hbm>>
      %dma_start3A_100 = arith.constant 0 : i32
      %dma_start3A_101 = tpu.memref_slice %arg16[%mul3A_92, %dma_start3A_100] : memref<10000x144xf32, #tpu.memory_space<vmem_shared>> -> memref<625x144xf32, #tpu.memory_space<vmem_shared>>
      tpu.enqueue_dma source(%dma_start3A_101 : memref<625x144xf32, #tpu.memory_space<vmem_shared>>) target(%dma_start3A_99 : memref<625x144xf32, #tpu.memory_space<hbm>>) target_semaphore(%run_scoped3A : memref<!tpu.dma_semaphore, #tpu.memory_space<semaphore_mem>>)
      %dma_wait3A_102 = arith.constant 0 : i32
      %dma_wait3A_103 = tpu.memref_slice %arg6[%add3A_97, %dma_wait3A_102] : memref<20000x144xf32, #tpu.memory_space<hbm>> -> memref<625x144xf32, #tpu.memory_space<hbm>>
      %dma_wait3A_104 = arith.constant 0 : i32
      %dma_wait3A_105 = tpu.memref_slice %arg16[%mul3A_92, %dma_wait3A_104] : memref<10000x144xf32, #tpu.memory_space<vmem_shared>> -> memref<625x144xf32, #tpu.memory_space<vmem_shared>>
      tpu.wait_dma2 semaphore(%run_scoped3A : memref<!tpu.dma_semaphore, #tpu.memory_space<semaphore_mem>>) src(%dma_wait3A_105 : memref<625x144xf32, #tpu.memory_space<vmem_shared>>) dst(%dma_wait3A_103 : memref<625x144xf32, #tpu.memory_space<hbm>>)
      tpu.yield
    }) : () -> ()
    return
  }
}

module attributes {stable_mosaic.version = 14 : i64} {
  func.func @_prep_body(%arg0: i32, %arg1: memref<1000x128xf32, #tpu.memory_space<vmem>>, %arg2: memref<128x128xf32, #tpu.memory_space<vmem>>, %arg3: memref<1x128xf32, #tpu.memory_space<vmem>>, %arg4: memref<1x128xf32, #tpu.memory_space<vmem>>, %arg5: memref<1000x144xf32, #tpu.memory_space<vmem>>, %arg6: memref<1000x16xf32, #tpu.memory_space<vmem>>) attributes {dimension_semantics = [#tpu.dimension_semantics<arbitrary>], iteration_bounds = array<i64: 10>, scalar_prefetch = 0 : i64, scratch_operands = 0 : i64, tpu.core_type = #tpu.core_type<tc>, window_params = [{transform_indices = @transform_0, window_bounds = array<i64: 1000, 128>}, {pipeline_mode = #tpu.pipeline_mode<synchronous>, transform_indices = @transform_1, window_bounds = array<i64: 128, 128>}, {pipeline_mode = #tpu.pipeline_mode<synchronous>, transform_indices = @transform_2, window_bounds = array<i64: 1, 128>}, {pipeline_mode = #tpu.pipeline_mode<synchronous>, transform_indices = @transform_3, window_bounds = array<i64: 1, 128>}, {transform_indices = @transform_4, window_bounds = array<i64: 1000, 144>}, {transform_indices = @transform_5, window_bounds = array<i64: 1000, 16>}]} {
    %get3A = arith.constant 0 : index
    %get3A_0 = arith.constant 0 : index
    %get3A_1 = vector.load %arg1[%get3A, %get3A_0] : memref<1000x128xf32, #tpu.memory_space<vmem>>, vector<1000x128xf32>
    %get3A_2 = arith.constant 0 : index
    %get3A_3 = arith.constant 0 : index
    %get3A_4 = vector.load %arg2[%get3A_2, %get3A_3] : memref<128x128xf32, #tpu.memory_space<vmem>>, vector<128x128xf32>
    %dot_general3A = arith.constant dense<0.000000e+00> : vector<1000x128xf32>
    %dot_general3A_5 = tpu.matmul %get3A_1, %get3A_4, %dot_general3A {dimension_numbers = #tpu.dot_dimension_numbers<[1], [0], [0], [1], [0, 0, 1, 1], [], []>, transpose_lhs_hint = false} : vector<1000x128xf32>, vector<128x128xf32>, vector<1000x128xf32> -> vector<1000x128xf32>
    %swap3A = arith.constant 0 : index
    %swap3A_6 = arith.constant 0 : index
    %swap3A_7 = vector.load %arg5[%swap3A, %swap3A_6] : memref<1000x144xf32, #tpu.memory_space<vmem>>, vector<1000x128xf32>
    tpu.vector_store %arg5[%swap3A, %swap3A_6], %dot_general3A_5 {strides = array<i32>} : memref<1000x144xf32, #tpu.memory_space<vmem>>, vector<1000x128xf32>,
    %iota3A = tpu.iota {dimensions = array<i32: 0>} : vector<16x128xi32>
    %iota3A_8 = tpu.iota {dimensions = array<i32: 1>} : vector<16x128xi32>
    %jit3A = arith.constant 16 : i32
    %div3A = vector.broadcast %jit3A : i32 to vector<16x128xi32>
    %div3A_9 = arith.divsi %iota3A_8, %div3A : vector<16x128xi32>
    %sign3A = arith.constant 0 : i32
    %sign3A_10 = vector.broadcast %sign3A : i32 to vector<16x128xi32>
    %sign3A_11 = arith.cmpi sgt, %iota3A_8, %sign3A_10 : vector<16x128xi32>
    %sign3A_12 = arith.extui %sign3A_11 : vector<16x128xi1> to vector<16x128xi32>
    %sign3A_13 = arith.constant 0 : i32
    %sign3A_14 = vector.broadcast %sign3A_13 : i32 to vector<16x128xi32>
    %sign3A_15 = arith.cmpi slt, %iota3A_8, %sign3A_14 : vector<16x128xi32>
    %sign3A_16 = arith.extui %sign3A_15 : vector<16x128xi1> to vector<16x128xi32>
    %sign3A_17 = arith.subi %sign3A_12, %sign3A_16 : vector<16x128xi32>
    %sign3A_18 = arith.constant 0 : i32
    %sign3A_19 = arith.cmpi sgt, %jit3A, %sign3A_18 : i32
    %sign3A_20 = arith.extui %sign3A_19 : i1 to i32
    %sign3A_21 = arith.constant 0 : i32
    %sign3A_22 = arith.cmpi slt, %jit3A, %sign3A_21 : i32
    %sign3A_23 = arith.extui %sign3A_22 : i1 to i32
    %sign3A_24 = arith.subi %sign3A_20, %sign3A_23 : i32
    %ne3A = vector.broadcast %sign3A_24 : i32 to vector<16x128xi32>
    %ne3A_25 = arith.cmpi ne, %sign3A_17, %ne3A : vector<16x128xi32>
    %rem3A = vector.broadcast %jit3A : i32 to vector<16x128xi32>
    %rem3A_26 = arith.remsi %iota3A_8, %rem3A : vector<16x128xi32>
    %ne3A_27 = arith.constant 0 : i32
    %ne3A_28 = vector.broadcast %ne3A_27 : i32 to vector<16x128xi32>
    %ne3A_29 = arith.cmpi ne, %rem3A_26, %ne3A_28 : vector<16x128xi32>
    %and3A = arith.andi %ne3A_25, %ne3A_29 : vector<16x128xi1>
    %sub3A = arith.constant 1 : i32
    %sub3A_30 = vector.broadcast %sub3A : i32 to vector<16x128xi32>
    %sub3A_31 = arith.subi %div3A_9, %sub3A_30 : vector<16x128xi32>
    %select_n3A = arith.select %and3A, %sub3A_31, %div3A_9 : vector<16x128xi1>, vector<16x128xi32>
    %eq3A = arith.cmpi eq, %select_n3A, %iota3A : vector<16x128xi32>
    %get3A_32 = arith.constant 0 : index
    %get3A_33 = arith.constant 0 : index
    %get3A_34 = vector.load %arg3[%get3A_32, %get3A_33] : memref<1x128xf32, #tpu.memory_space<vmem>>, vector<1x128xf32>
    %jit3A_35 = arith.constant 0.000000e+00 : f32
    %broadcast_in_dim3A = vector.shape_cast %get3A_34 : vector<1x128xf32> to vector<1x128xf32>
    %broadcast_in_dim3A_36 = vector.broadcast %broadcast_in_dim3A : vector<1x128xf32> to vector<16x128xf32>
    %broadcast_in_dim3A_37 = vector.broadcast %jit3A_35 : f32 to vector<16x128xf32>
    %select_n3A_38 = arith.select %eq3A, %broadcast_in_dim3A_36, %broadcast_in_dim3A_37 : vector<16x128xi1>, vector<16x128xf32>
    %get3A_39 = arith.constant 0 : index
    %get3A_40 = arith.constant 0 : index
    %get3A_41 = vector.load %arg4[%get3A_39, %get3A_40] : memref<1x128xf32, #tpu.memory_space<vmem>>, vector<1x128xf32>
    %jit3A_42 = arith.constant 0.000000e+00 : f32
    %broadcast_in_dim3A_43 = vector.shape_cast %get3A_41 : vector<1x128xf32> to vector<1x128xf32>
    %broadcast_in_dim3A_44 = vector.broadcast %broadcast_in_dim3A_43 : vector<1x128xf32> to vector<16x128xf32>
    %broadcast_in_dim3A_45 = vector.broadcast %jit3A_42 : f32 to vector<16x128xf32>
    %select_n3A_46 = arith.select %eq3A, %broadcast_in_dim3A_44, %broadcast_in_dim3A_45 : vector<16x128xi1>, vector<16x128xf32>
    %iota3A_47 = tpu.iota {dimensions = array<i32: 1>} : vector<1x16xi32>
    %lt3A = arith.constant 8 : i32
    %lt3A_48 = vector.broadcast %lt3A : i32 to vector<1x16xi32>
    %lt3A_49 = arith.cmpi slt, %iota3A_47, %lt3A_48 : vector<1x16xi32>
    %jit3A_50 = arith.constant 0.000000e+00 : f32
    %jit3A_51 = arith.constant -1.000000e+30 : f32
    %broadcast_in_dim3A_52 = vector.broadcast %jit3A_50 : f32 to vector<1x16xf32>
    %broadcast_in_dim3A_53 = vector.broadcast %jit3A_51 : f32 to vector<1x16xf32>
    %select_n3A_54 = arith.select %lt3A_49, %broadcast_in_dim3A_52, %broadcast_in_dim3A_53 : vector<1x16xi1>, vector<1x16xf32>
    %dot_general3A_55 = arith.constant dense<0.000000e+00> : vector<1000x16xf32>
    %dot_general3A_56 = tpu.matmul %dot_general3A_5, %select_n3A_38, %dot_general3A_55 {dimension_numbers = #tpu.dot_dimension_numbers<[1], [1], [0], [0], [0, 0, 1, 0], [], []>, transpose_lhs_hint = false} : vector<1000x128xf32>, vector<16x128xf32>, vector<1000x16xf32> -> vector<1000x16xf32>
    %add3A = vector.broadcast %select_n3A_54 : vector<1x16xf32> to vector<1000x16xf32>
    %add3A_57 = arith.addf %dot_general3A_56, %add3A : vector<1000x16xf32>
    %swap3A_58 = arith.constant 0 : index
    %swap3A_59 = arith.constant 128 : index
    %swap3A_60 = vector.load %arg5[%swap3A_58, %swap3A_59] : memref<1000x144xf32, #tpu.memory_space<vmem>>, vector<1000x16xf32>
    tpu.vector_store %arg5[%swap3A_58, %swap3A_59], %add3A_57 {strides = array<i32>} : memref<1000x144xf32, #tpu.memory_space<vmem>>, vector<1000x16xf32>,
    %dot_general3A_61 = arith.constant dense<0.000000e+00> : vector<1000x16xf32>
    %dot_general3A_62 = tpu.matmul %dot_general3A_5, %select_n3A_46, %dot_general3A_61 {dimension_numbers = #tpu.dot_dimension_numbers<[1], [1], [0], [0], [0, 0, 1, 0], [], []>, transpose_lhs_hint = false} : vector<1000x128xf32>, vector<16x128xf32>, vector<1000x16xf32> -> vector<1000x16xf32>
    %add3A_63 = vector.broadcast %select_n3A_54 : vector<1x16xf32> to vector<1000x16xf32>
    %add3A_64 = arith.addf %dot_general3A_62, %add3A_63 : vector<1000x16xf32>
    %swap3A_65 = arith.constant 0 : index
    %swap3A_66 = arith.constant 0 : index
    %swap3A_67 = vector.load %arg6[%swap3A_65, %swap3A_66] : memref<1000x16xf32, #tpu.memory_space<vmem>>, vector<1000x16xf32>
    tpu.vector_store %arg6[%swap3A_65, %swap3A_66], %add3A_64 {strides = array<i32>} : memref<1000x16xf32, #tpu.memory_space<vmem>>, vector<1000x16xf32>,
    return
  }
  func.func @transform_0(%arg0: i32) -> (i32, i32) {
    %c0_i32 = arith.constant 0 : i32
    %c0_i32_0 = arith.constant 0 : i32
    return %arg0, %c0_i32 : i32, i32
  }
  func.func @transform_1(%arg0: i32) -> (i32, i32) {
    %c0_i32 = arith.constant 0 : i32
    %c0_i32_0 = arith.constant 0 : i32
    %c0_i32_1 = arith.constant 0 : i32
    return %c0_i32, %c0_i32_0 : i32, i32
  }
  func.func @transform_2(%arg0: i32) -> (i32, i32) {
    %c0_i32 = arith.constant 0 : i32
    %c0_i32_0 = arith.constant 0 : i32
    %c0_i32_1 = arith.constant 0 : i32
    return %c0_i32, %c0_i32_0 : i32, i32
  }
  func.func @transform_3(%arg0: i32) -> (i32, i32) {
    %c0_i32 = arith.constant 0 : i32
    %c0_i32_0 = arith.constant 0 : i32
    %c0_i32_1 = arith.constant 0 : i32
    return %c0_i32, %c0_i32_0 : i32, i32
  }
  func.func @transform_4(%arg0: i32) -> (i32, i32) {
    %c0_i32 = arith.constant 0 : i32
    %c0_i32_0 = arith.constant 0 : i32
    return %arg0, %c0_i32 : i32, i32
  }
  func.func @transform_5(%arg0: i32) -> (i32, i32) {
    %c0_i32 = arith.constant 0 : i32
    %c0_i32_0 = arith.constant 0 : i32
    return %arg0, %c0_i32 : i32, i32
  }
}

module attributes {stable_mosaic.version = 14 : i64} {
  func.func @_fin_body(%arg0: i32, %arg1: memref<1000x144xf32, #tpu.memory_space<vmem>>, %arg2: memref<1000x144xf32, #tpu.memory_space<vmem>>, %arg3: memref<1000x128xf32, #tpu.memory_space<vmem>>) attributes {dimension_semantics = [#tpu.dimension_semantics<arbitrary>], iteration_bounds = array<i64: 10>, scalar_prefetch = 0 : i64, scratch_operands = 0 : i64, tpu.core_type = #tpu.core_type<tc>, window_params = [{transform_indices = @transform_0, window_bounds = array<i64: 1000, 144>}, {transform_indices = @transform_1, window_bounds = array<i64: 1000, 144>}, {transform_indices = @transform_2, window_bounds = array<i64: 1000, 128>}]} {
    %get3A = arith.constant 0 : index
    %get3A_0 = arith.constant 0 : index
    %get3A_1 = vector.load %arg1[%get3A, %get3A_0] : memref<1000x144xf32, #tpu.memory_space<vmem>>, vector<1000x144xf32>
    %get3A_2 = arith.constant 0 : index
    %get3A_3 = arith.constant 0 : index
    %get3A_4 = vector.load %arg2[%get3A_2, %get3A_3] : memref<1000x144xf32, #tpu.memory_space<vmem>>, vector<1000x144xf32>
    %add3A = arith.addf %get3A_1, %get3A_4 : vector<1000x144xf32>
    %slice3A = vector.extract_strided_slice %add3A {offsets = [0, 0], sizes = [1000, 128], strides = [1, 1]} : vector<1000x144xf32> to vector<1000x128xf32>
    %slice3A_5 = vector.extract_strided_slice %add3A {offsets = [0, 128], sizes = [1000, 8], strides = [1, 1]} : vector<1000x144xf32> to vector<1000x8xf32>
    %add3A_6 = arith.constant 9.99999971E-10 : f32
    %add3A_7 = vector.broadcast %add3A_6 : f32 to vector<1000x8xf32>
    %add3A_8 = arith.addf %slice3A_5, %add3A_7 : vector<1000x8xf32>
    %div3A = arith.constant 1.000000e+00 : f32
    %div3A_9 = vector.broadcast %div3A : f32 to vector<1000x8xf32>
    %div3A_10 = arith.divf %div3A_9, %add3A_8 : vector<1000x8xf32>
    %iota3A = tpu.iota {dimensions = array<i32: 0>} : vector<8x128xi32>
    %iota3A_11 = tpu.iota {dimensions = array<i32: 1>} : vector<8x128xi32>
    %jit3A = arith.constant 16 : i32
    %div3A_12 = vector.broadcast %jit3A : i32 to vector<8x128xi32>
    %div3A_13 = arith.divsi %iota3A_11, %div3A_12 : vector<8x128xi32>
    %sign3A = arith.constant 0 : i32
    %sign3A_14 = vector.broadcast %sign3A : i32 to vector<8x128xi32>
    %sign3A_15 = arith.cmpi sgt, %iota3A_11, %sign3A_14 : vector<8x128xi32>
    %sign3A_16 = arith.extui %sign3A_15 : vector<8x128xi1> to vector<8x128xi32>
    %sign3A_17 = arith.constant 0 : i32
    %sign3A_18 = vector.broadcast %sign3A_17 : i32 to vector<8x128xi32>
    %sign3A_19 = arith.cmpi slt, %iota3A_11, %sign3A_18 : vector<8x128xi32>
    %sign3A_20 = arith.extui %sign3A_19 : vector<8x128xi1> to vector<8x128xi32>
    %sign3A_21 = arith.subi %sign3A_16, %sign3A_20 : vector<8x128xi32>
    %sign3A_22 = arith.constant 0 : i32
    %sign3A_23 = arith.cmpi sgt, %jit3A, %sign3A_22 : i32
    %sign3A_24 = arith.extui %sign3A_23 : i1 to i32
    %sign3A_25 = arith.constant 0 : i32
    %sign3A_26 = arith.cmpi slt, %jit3A, %sign3A_25 : i32
    %sign3A_27 = arith.extui %sign3A_26 : i1 to i32
    %sign3A_28 = arith.subi %sign3A_24, %sign3A_27 : i32
    %ne3A = vector.broadcast %sign3A_28 : i32 to vector<8x128xi32>
    %ne3A_29 = arith.cmpi ne, %sign3A_21, %ne3A : vector<8x128xi32>
    %rem3A = vector.broadcast %jit3A : i32 to vector<8x128xi32>
    %rem3A_30 = arith.remsi %iota3A_11, %rem3A : vector<8x128xi32>
    %ne3A_31 = arith.constant 0 : i32
    %ne3A_32 = vector.broadcast %ne3A_31 : i32 to vector<8x128xi32>
    %ne3A_33 = arith.cmpi ne, %rem3A_30, %ne3A_32 : vector<8x128xi32>
    %and3A = arith.andi %ne3A_29, %ne3A_33 : vector<8x128xi1>
    %sub3A = arith.constant 1 : i32
    %sub3A_34 = vector.broadcast %sub3A : i32 to vector<8x128xi32>
    %sub3A_35 = arith.subi %div3A_13, %sub3A_34 : vector<8x128xi32>
    %select_n3A = arith.select %and3A, %sub3A_35, %div3A_13 : vector<8x128xi1>, vector<8x128xi32>
    %eq3A = arith.cmpi eq, %select_n3A, %iota3A : vector<8x128xi32>
    %convert_element_type3A = arith.extui %eq3A : vector<8x128xi1> to vector<8x128xi32>
    %convert_element_type3A_36 = arith.sitofp %convert_element_type3A : vector<8x128xi32> to vector<8x128xf32>
    %dot_general3A = arith.constant dense<0.000000e+00> : vector<1000x128xf32>
    %dot_general3A_37 = tpu.matmul %div3A_10, %convert_element_type3A_36, %dot_general3A {dimension_numbers = #tpu.dot_dimension_numbers<[1], [0], [0], [1], [0, 0, 1, 1], [], []>, transpose_lhs_hint = false} : vector<1000x8xf32>, vector<8x128xf32>, vector<1000x128xf32> -> vector<1000x128xf32>
    %mul3A = arith.mulf %slice3A, %dot_general3A_37 : vector<1000x128xf32>
    %swap3A = arith.constant 0 : index
    %swap3A_38 = arith.constant 0 : index
    %swap3A_39 = vector.load %arg3[%swap3A, %swap3A_38] : memref<1000x128xf32, #tpu.memory_space<vmem>>, vector<1000x128xf32>
    tpu.vector_store %arg3[%swap3A, %swap3A_38], %mul3A {strides = array<i32>} : memref<1000x128xf32, #tpu.memory_space<vmem>>, vector<1000x128xf32>,
    return
  }
  func.func @transform_0(%arg0: i32) -> (i32, i32) {
    %c0_i32 = arith.constant 0 : i32
    %c0_i32_0 = arith.constant 0 : i32
    return %arg0, %c0_i32 : i32, i32
  }
  func.func @transform_1(%arg0: i32) -> (i32, i32) {
    %add3A = arith.constant 10 : i32
    %add3A_0 = arith.addi %arg0, %add3A : i32
    %c0_i32 = arith.constant 0 : i32
    %c0_i32_1 = arith.constant 0 : i32
    return %add3A_0, %c0_i32 : i32, i32
  }
  func.func @transform_2(%arg0: i32) -> (i32, i32) {
    %c0_i32 = arith.constant 0 : i32
    %c0_i32_0 = arith.constant 0 : i32
    return %arg0, %c0_i32 : i32, i32
  }
}

</mosaic_0001>

<sc_bundles>
// kernel: kernel.5.cloned.1.call-start
scs
__scs_entry_jumppad:
0x0: {  	(pc) =	sbr.rel $0x88, $3  }
0x1: {  	(tag) =	ssettag $0x0;
	lr =	simm.s32 $0x1  }
0x2: {  	[smem:$0x3F9C] =	sst lr;
	_ =	strace $0xD0000000  }
0x3: {  	_ = 	snop  }
0x4: {  	_ = 	snop  }
0x5: {  	_ = 	snop  }
0x6: {  	_ = 	snop  }
0x7: {  	_ = 	snop  }
__scs_overlays_trampoline_lowered:
0x8: {  	[smem:$0x3FAB] =	sst s0  }
0x9: {  	[smem:$0x3FAC] =	sst s1  }
0xa: {  	[smem:$0x3FAD] =	sst s2  }
0xb: {  	[smem:$0x3FAE] =	sst s3  }
0xc: {  	[smem:$0x3FAF] =	sst s4  }
0xd: {  	[smem:$0x3FB0] =	sst s5  }
0xe: {  	[smem:$0x3FB1] =	sst s6  }
0xf: {  	[smem:$0x3FB2] =	sst s7  }
0x10: {  	[smem:$0x3FB3] =	sst s8  }
0x11: {  	[smem:$0x3FB4] =	sst s9;
	s0 =	simm.s32 @!p0 $0x0  }
0x12: {  	s1 =	sld [smem:$0x3F9A];
	s0 =	simm.s32 @p0 $0x1  }
0x13: {  	[smem:$0x3FB5] =	sst s0;
	s0 =	simm.s32 @!p1 $0x0  }
0x14: {  	s2 =	sld [smem:$0x3F99];
	s0 =	simm.s32 @p1 $0x1  }
0x15: {  	[smem:$0x3FB6] =	sst s0;
	s0 =	simm.s32 @!p2 $0x0  }
0x16: {  	s3 =	sld [smem:$0x3FDB];
	s0 =	simm.s32 @p2 $0x1  }
0x17: {  	s4 =	simm.s32 $0x1BF5;
	[smem:$0x3FB8] =	sst s0  }
0x18: {  	s0 =	sld [smem:$0x3F9B];
	_ =	swait.ge [sflag:s4], $0x0  }
0x19: {  	s7 =	sld [smem:$0x3F9C]  }
0x1a: {  	s8 =	sadd.s32 $0xFFFFE003, lr  }
0x1b: {  	s9 =	sadd.s32 $0xFFFFFEF7, lr;
	s5 =	simm.s32 $0xFFFFFFFF;
	p2 =	slt.u32 s8, $0xFFFFF086  }
0x1c: {  	p1 =	slt.u32 s9, $0xF7A;
	s5 =	simm.s32 @!p2 $0x0  }
0x1d: {  	s5 =	simm.s32 @p1 $0x1;
	p0 =	seq.s32 s7, s2  }
0x1e: {  	s7 =	smul.u32 @!p0 $0xF7A, s2;
	p2 =	seq.s32 @!p0 s5, $0x0  }
0x1f: {  	s9 =	smul.u32 $0xF7A, s1;
	s8 =	simm.s32 @!p0 $0x1BF5;
	p2 =	por !p2, p0  }
0x20: {  	[sflag:s8] =	ssyncset.s32 @!p0 $0xFFFFF086;
	s6 =	sadd.s32 @!p0 s3, s7;
	s7 =	simm.s32 @!p0 $0x108  }
0x21: {  	s3 =	sadd.s32 s3, s9;
	s6 =	sadd.s32 @!p0 $0x88, s6;
	s7 =	simm.s32 @p2 $0x1082  }
0x22: {  	[simem:s7], [sflag:s8] =	dma.local @!p0 [hbm:s6], $0xF7A  }
0x23: {  	s9 =	sor.u32 $0xD0000000, s2;
	s6 =	simm.s32 $0x108;
	_ =	swait.ge @!p0 [sflag:s8], $0x0  }
0x24: {  	s3 =	sadd.s32 $0x88, s3;
	s6 =	simm.s32 @!p1 $0x1082;
	[sflag:s4] =	ssyncset.s32 $0xFFFFF086  }
0x25: {  	[simem:s6], [sflag:s4] =	dma.local [hbm:s3], $0xF7A  }
0x26: {  	[smem:$0x3F9C] =	sst s1;
	(tag) =	ssettag s2;
	_ =	strace s9  }
0x27: {  	s1 =	sld [smem:$0x3FAC]  }
0x28: {  	s2 =	sld [smem:$0x3FAD]  }
0x29: {  	s4 =	sld [smem:$0x3FAF]  }
0x2a: {  	p0 =	seq.s32 s5, $0x0;
	s5 =	sld [smem:$0x3FB0]  }
0x2b: {  	s6 =	sld [smem:$0x3FB1]  }
0x2c: {  	s7 =	sld [smem:$0x3FB2]  }
0x2d: {  	s3 =	simm.s32 $0x108;
	s8 =	sld [smem:$0x3FB3]  }
0x2e: {  	s3 =	simm.s32 @!p0 $0x1082;
	s9 =	sld [smem:$0x3FB4]  }
0x2f: {  	lr =	sadd.s32 s0, s3;
	s0 =	sld [smem:$0x3FAB]  }
0x30: {  	s3 =	sld [smem:$0x3FAE]  }
0x31: {  	[smem:$0x3FB7] =	sst s10  }
0x32: {  	s10 =	sld [smem:$0x3FB5];
	_ =	sdelay $0x3  }
0x33: {  	p0 =	seq.s32 s10, $0x1;
	s10 =	sld [smem:$0x3FB7];
	_ =	sdelay $0x3  }
0x34: {  	[smem:$0x3FB7] =	sst s10  }
0x35: {  	s10 =	sld [smem:$0x3FB6];
	_ =	sdelay $0x3  }
0x36: {  	p1 =	seq.s32 s10, $0x1;
	s10 =	sld [smem:$0x3FB7];
	_ =	sdelay $0x3  }
0x37: {  	[smem:$0x3FB7] =	sst s10  }
0x38: {  	s10 =	sld [smem:$0x3FB8]  }
0x39: {  	_ = 	snop;
	(pc) =	sbr.ind lr, $3  }
0x3a: {  	_ = 	snop  }
0x3b: {  	_ = 	snop  }
0x3c: {  	p2 =	seq.s32 s10, $0x1;
	s10 =	sld [smem:$0x3FB7]  }
0x3d: {  	_ =	shalt  }
0x3e: {  	_ =	shalt  }
0x3f: {  	_ =	shalt  }
0x40: {  	_ =	shalt  }
0x41: {  	_ =	shalt  }
0x42: {  	_ =	shalt  }
0x43: {  	_ =	shalt  }
0x44: {  	_ =	shalt  }
0x45: {  	_ =	shalt  }
0x46: {  	_ =	shalt  }
0x47: {  	_ =	shalt  }
0x48: {  	_ =	shalt  }
0x49: {  	_ =	shalt  }
0x4a: {  	_ =	shalt  }
0x4b: {  	_ =	shalt  }
0x4c: {  	_ =	shalt  }
0x4d: {  	_ =	shalt  }
0x4e: {  	_ =	shalt  }
0x4f: {  	_ =	shalt  }
0x50: {  	_ =	shalt  }
0x51: {  	_ =	shalt  }
0x52: {  	_ =	shalt  }
0x53: {  	_ =	shalt  }
0x54: {  	_ =	shalt  }
0x55: {  	_ =	shalt  }
0x56: {  	_ =	shalt  }
0x57: {  	_ =	shalt  }
0x58: {  	_ =	shalt  }
0x59: {  	_ =	shalt  }
0x5a: {  	_ =	shalt  }
0x5b: {  	_ =	shalt  }
0x5c: {  	_ =	shalt  }
0x5d: {  	_ =	shalt  }
0x5e: {  	_ =	shalt  }
0x5f: {  	_ =	shalt  }
0x60: {  	_ =	shalt  }
0x61: {  	_ =	shalt  }
0x62: {  	_ =	shalt  }
0x63: {  	_ =	shalt  }
0x64: {  	_ =	shalt  }
0x65: {  	_ =	shalt  }
0x66: {  	_ =	shalt  }
0x67: {  	_ =	shalt  }
0x68: {  	_ =	shalt  }
0x69: {  	_ =	shalt  }
0x6a: {  	_ =	shalt  }
0x6b: {  	_ =	shalt  }
0x6c: {  	_ =	shalt  }
0x6d: {  	_ =	shalt  }
0x6e: {  	_ =	shalt  }
0x6f: {  	_ =	shalt  }
0x70: {  	_ =	shalt  }
0x71: {  	_ =	shalt  }
0x72: {  	_ =	shalt  }
0x73: {  	_ =	shalt  }
0x74: {  	_ =	shalt  }
0x75: {  	_ =	shalt  }
0x76: {  	_ =	shalt  }
0x77: {  	_ =	shalt  }
0x78: {  	_ =	shalt  }
0x79: {  	_ =	shalt  }
0x7a: {  	_ =	shalt  }
0x7b: {  	_ =	shalt  }
0x7c: {  	_ =	shalt  }
0x7d: {  	_ =	shalt  }
0x7e: {  	_ =	shalt  }
0x7f: {  	_ =	shalt  }
0x80: {  	_ =	shalt  }
0x81: {  	_ =	shalt  }
0x82: {  	_ =	shalt  }
0x83: {  	_ =	shalt  }
0x84: {  	_ =	shalt  }
0x85: {  	_ =	shalt  }
0x86: {  	_ =	shalt  }
0x87: {  	_ =	shalt  }
.Lfunc_end0:
.L_simem_size_0:
called_computation_lowered:
.L_overlay_start_0:
0x88: {  	s2 =	sld [smem:$0x3FD9]  }
0x89: {  	s3 =	sld [smem:$0x3FFE];
	_ =	sdelay $0x1  }
0x8a: {  	s1 =	srdreg.scid  }
0x8b: {  	s0 =	sand.u32 $0x1, s1  }
0x8c: {  	s17 =	sshll.u32 s0, $0xA;
	s2 =	sadd.s32 s3, s2  }
0x8d: {  	s2 =	sadd.s32 s2, s17  }
0x8e: {  	[smem:$0x3FC3] =	sst s2  }
0x8f: {  	_ = 	snop  }
0x90: {  	s2 =	sld [smem:$0x3FD0];
	(tm) =	ssettm $0x1  }
0x91: {  	s18 =	sld [smem:$0x3FFB];
	_ =	sdelay $0x3  }
0x92: {  	_ =	strace s18  }
0x93: {  	s3 =	sld [smem:$0x3FFC];
	_ =	sdelay $0x3  }
0x94: {  	_ =	strace s3  }
0x95: {  	s3 =	sld [smem:$0x3FFD];
	_ =	sdelay $0x3  }
0x96: {  	_ =	strace s3  }
0x97: {  	_ =	strace $0x8FFFFFFF  }
0x98: {  	s19 =	sld [smem:$0x3FDB];
	_ =	sdelay $0x1  }
0x99: {  	s4 =	simm.s32 $_scs_section_size  }
0x9a: {  	s5 =	simm.s32 $_size__tile_overlayer_lowered;
	s6 =	simm.s32 $_tile_overlayer_lowered  }
0x9b: {  	s22 =	simm.s32 $0x1BFF;
	s21 =	sshll.u32 s6, $0x1;
	s3 =	sadd.s32 s4, s19  }
0x9c: {  	s7 =	simm.s32 $0x0;
	s20 =	sshll.u32 s5, $0x1;
	s5 =	sadd.s32 s21, s3  }
0x9d: {  	[timem:s7], [sflag:s22] =	dma.local [hbm:s5], s20  }
0x9e: {  	_ =	swait.ge [sflag:s22], s20  }
0x9f: {  	s4 =	ssub.s32 $0x0, s20;
	[sflag:s22] =	ssyncset.done $0x0  }
0xa0: {  	[sflag:s22] =	ssyncadd.s32 s4;
	_ =	sdelay $0x1  }
0xa1: {  	s23 =	simm.s32 $0x1B8B  }
0xa2: {  	_ =	swait.ge [sflag:s23], $0x1  }
0xa3: {  	[sflag:s23] =	ssyncset.done $0x0  }
0xa4: {  	s25 =	simm.s32 $0x1B8E;
	s24 =	sld [smem:$0x3FFE];
	[sflag:s23] =	ssyncadd.s32 $0xFFFFFFFF  }
0xa5: {  	s26 =	simm.s32 $execute0_lowered;
	[smem:$0x3FD2] =	sst s25  }
0xa6: {  	s5 =	sshll.u32 s26, $0x1;
	_ =	strace $0x80000046;
	[dreg:$0x1] =	wrdreg $0xFFFFFFFF  }
0xa7: {  	s28 =	simm.s32 $_size_execute0_lowered;
	s3 =	sadd.s32 s3, s5;
	[dreg:$0x0] =	wrdreg $0x0  }
0xa8: {  	s5 =	sshll.u32 s28, $0x1;
	[dreg:$0x2] =	wrdreg s3  }
0xa9: {  	[dreg:$0x3] =	wrdreg s5  }
0xaa: {  	[dreg:$0x4] =	wrdreg $0xC0  }
0xab: {  	_ =	task [dreg:s7], $0x5FFFF  }
0xac: {  	[dreg:$0x1] =	wrdreg $0xFFFFFFFF  }
0xad: {  	[dreg:$0x0] =	wrdreg $0x60  }
0xae: {  	[dreg:$0x2] =	wrdreg s24  }
0xaf: {  	[dreg:$0x3] =	wrdreg s2  }
0xb0: {  	[dreg:$0x4] =	wrdreg $0x92400  }
0xb1: {  	[dreg:$0x5] =	wrdreg $0x9  }
0xb2: {  	_ =	task.clear_ibuf [dreg:s7], $0x6FFFF;
	_ =	strace $0x90000046  }
0xb3: {  	s29 =	simm.s32 $0x9;
	_ =	strace $0x80000048  }
0xb4: {  	_ =	swait.ge [sflag:s29], $0x1  }
0xb5: {  	[sflag:s29] =	ssyncadd.s32 $0xFFFFFFFF  }
0xb6: {  	_ =	strace $0x90000048  }
0xb7: {  	_ =	sfence  }
0xb8: {  	s30 =	sld [smem:$0x0];
	_ =	sdelay $0x2  }
0xb9: {  	s31 =	sshll.u32 s1, $0xD;
	s1 =	sshrl.u32 s1, $0x2  }
0xba: {  	s3 =	sand.u32 $0x4000, s31;
	s1 =	sadd.s32 s1, s30  }
0xbb: {  	s0 =	sor.u32 s3, s0;
	s1 =	sshll.u32 s1, $0x11  }
0xbc: {  	s0 =	sor.u32 s1, s0  }
0xbd: {  	s0 =	sadd.s32 $0x8F2B, s0  }
0xbe: {  	[sflag:s0] =	ssyncadd.remote.s32 $0x1  }
0xbf: {  	_ =	sfence.sel $0xFFFF  }
0xc0: {  	[dreg:$0x0] =	wrdreg $0xFFFFFFFF;
	(pc) =	sbr.abs _section_cstart, $3  }
0xc1: {  	[dreg:$0x1] =	wrdreg $0xFFFFFFFF  }
0xc2: {  	_ =	task.clear_ibuf [dreg:s7], $0x2FFFF;
	_ =	strace $0x9FFFFFFF  }
0xc3: {  	(tm) =	ssettm $0x7FFFFFFF  }
tec
execute0_lowered:
.L_overlay_start_1:
0x0: {  	(tag) =	ssettag $0x1  }
0x1: {  	s0 =	rddreg [dreg:$0x0]  }
0x2: {  	s2 =	rddreg [dreg:$0x1]  }
0x3: {  	s3 =	rddreg [dreg:$0x2]  }
0x4: {  	s1 =	srdreg.scid;
	s11 =	stileid.u32  }
0x5: {  	s4 =	simm.s32 $0x0;
	s28 =	simm.s32 $0x5;
	s29 =	simm.s32 $0xA0  }
0x6: {  	s30 =	simm.s32 $0x2DA0;
	s31 =	simm.s32 $0x32A0;
	s1 =	sand.u32 $0x1, s1  }
0x7: {  	s8 =	smul.u32 $0x2BF2, s11;
	[smem:$0x7FF] =	sst s4;
	s5 =	sadd.s32 $0x200, s0  }
0x8: {  	s6 =	sadd.s32 $0xA000, s0;
	s7 =	sadd.s32 $0x36000, s0;
	s12 =	smul.u32 $0x57E40, s11  }
0x9: {  	s9 =	smul.u32 $0x2BF20, s1;
	s13 =	ssub.s32 $0x2, s1;
	s1 =	sshll.u32 s1, $0x4  }
0xa: {  	_ =	strace $0x80000047;
	s10 =	sshrl.u32 s13, $0x1;
	s1 =	sor.u32 s11, s1  }
0xb: {  	s11 =	simm.s32 $0x1;
	s8 =	sadd.s32 s8, s9;
	s9 =	sshrl.u32 s12, $0x2  }
0xc: {  	s1 =	smul.u32 $0x2710, s1;
	s12 =	simm.s32 $0x2;
	s15 =	sadd.s32 s9, s3  }
0xd: {  	s0 =	sadd.s32 s8, s0;
	s9 =	sadd.s32 $0x2D00, s15;
	[dreg:$0x4] =	wrdreg s15  }
0xe: {  	s8 =	ssub.s32 s13, s10;
	s14 =	sadd.s32 $0x5A00, s15;
	[dreg:$0x5] =	wrdreg s9  }
0xf: {  	s10 =	simm.s32 $0x6040;
	s16 =	sadd.s32 $0x8700, s15;
	[dreg:$0x6] =	wrdreg s14  }
0x10: {  	s13 =	simm.s32 $0x3;
	s17 =	sadd.s32 $0xB400, s15;
	[dreg:$0x7] =	wrdreg s16  }
0x11: {  	s18 =	sadd.s32 $0xE100, s15;
	s19 =	sshrl.u32 s1, $0x3;
	[dreg:$0x8] =	wrdreg s17  }
0x12: {  	s20 =	sadd.s32 $0x10E00, s15;
	s21 =	sadd.s32 $0x13B00, s15;
	[dreg:$0x9] =	wrdreg s18  }
0x13: {  	s0 =	sadd.s32 $0x3B000, s0;
	s26 =	smax.u32 s8, $0x1;
	[dreg:$0xa] =	wrdreg s20  }
0x14: {  	[dreg:$0xb] =	wrdreg s21;
	s22 =	sadd.s32 $0xA, s19;
	s23 =	sadd.s32 s5, s19  }
0x15: {  	s9 =	sadd.s32 s2, s19;
	s20 =	sadd.s32 $0xA0, s1;
	[dreg:$0x10] =	wrdreg s0  }
0x16: {  	s21 =	sadd.s32 $0xF0, s1;
	[dreg:$0x11] =	wrdreg s26;
	s26 =	simm.s32 $0x50  }
0x17: {  	s0 =	simm.s32 $0x32F0;
	s1 =	simm.s32 $0x6;
	[dreg:$0xc] =	wrdreg s23  }
0x18: {  	s14 =	simm.s32 $0x4;
	[dreg:$0xd] =	wrdreg s9;
	s24 =	sadd.s32 s5, s22  }
0x19: {  	s25 =	sadd.s32 s2, s22;
	s9 =	simm.s32 $0x0;
	[dreg:$0xe] =	wrdreg s24  }
0x1a: {  	v0 =	vimm.f32 $0.0e+00;
	[dreg:$0xf] =	wrdreg s25;
	s24 =	simm.s32 $0x6540;
	s25 =	simm.s32 $0x7  }
.LBB2_1:
0x1b: {  	[dreg:$0x12] =	wrdreg s9;
	s8 =	simm.s32 $0x6780  }
0x1c: {  	[tilespmem:s8+$0xFFFFFDC0] =	vst v0  }
0x1d: {  	[tilespmem:s8+$0x230] =	vst v0  }
0x1e: {  	[tilespmem:s8+$0x220] =	vst v0  }
0x1f: {  	[tilespmem:s8+$0x210] =	vst v0  }
0x20: {  	[tilespmem:s8+$0x200] =	vst v0  }
0x21: {  	[tilespmem:s8+$0x1F0] =	vst v0  }
0x22: {  	[tilespmem:s8+$0x1E0] =	vst v0  }
0x23: {  	[tilespmem:s8+$0x1D0] =	vst v0  }
0x24: {  	[tilespmem:s8+$0x1C0] =	vst v0  }
0x25: {  	[tilespmem:s8+$0x1B0] =	vst v0  }
0x26: {  	[tilespmem:s8+$0x1A0] =	vst v0  }
0x27: {  	[tilespmem:s8+$0x190] =	vst v0  }
0x28: {  	[tilespmem:s8+$0x180] =	vst v0  }
0x29: {  	[tilespmem:s8+$0x170] =	vst v0  }
0x2a: {  	[tilespmem:s8+$0x160] =	vst v0  }
0x2b: {  	[tilespmem:s8+$0x150] =	vst v0  }
0x2c: {  	[tilespmem:s8+$0x140] =	vst v0  }
0x2d: {  	[tilespmem:s8+$0x130] =	vst v0  }
0x2e: {  	[tilespmem:s8+$0x120] =	vst v0  }
0x2f: {  	[tilespmem:s8+$0x110] =	vst v0  }
0x30: {  	[tilespmem:s8+$0x100] =	vst v0  }
0x31: {  	[tilespmem:s8+$0xF0] =	vst v0  }
0x32: {  	[tilespmem:s8+$0xE0] =	vst v0  }
0x33: {  	[tilespmem:s8+$0xD0] =	vst v0  }
0x34: {  	[tilespmem:s8+$0xC0] =	vst v0  }
0x35: {  	[tilespmem:s8+$0xB0] =	vst v0  }
0x36: {  	[tilespmem:s8+$0xA0] =	vst v0  }
0x37: {  	[tilespmem:s8+$0x90] =	vst v0  }
0x38: {  	[tilespmem:s8+$0x80] =	vst v0  }
0x39: {  	[tilespmem:s8+$0x70] =	vst v0  }
0x3a: {  	[tilespmem:s8+$0x60] =	vst v0  }
0x3b: {  	[tilespmem:s8+$0x50] =	vst v0  }
0x3c: {  	[tilespmem:s8+$0x40] =	vst v0  }
0x3d: {  	[tilespmem:s8+$0x30] =	vst v0  }
0x3e: {  	[tilespmem:s8+$0x20] =	vst v0  }
0x3f: {  	[tilespmem:s8+$0x10] =	vst v0  }
0x40: {  	[tilespmem:s8+$0x0] =	vst v0  }
0x41: {  	[tilespmem:s8+$0xFFFFFFF0] =	vst v0  }
0x42: {  	[tilespmem:s8+$0xFFFFFFE0] =	vst v0  }
0x43: {  	[tilespmem:s8+$0xFFFFFFD0] =	vst v0  }
0x44: {  	[tilespmem:s8+$0xFFFFFFC0] =	vst v0  }
0x45: {  	[tilespmem:s8+$0xFFFFFFB0] =	vst v0  }
0x46: {  	[tilespmem:s8+$0xFFFFFFA0] =	vst v0  }
0x47: {  	[tilespmem:s8+$0xFFFFFF90] =	vst v0  }
0x48: {  	[tilespmem:s8+$0xFFFFFF80] =	vst v0  }
0x49: {  	[tilespmem:s8+$0xFFFFFF70] =	vst v0  }
0x4a: {  	[tilespmem:s8+$0xFFFFFF60] =	vst v0  }
0x4b: {  	[tilespmem:s8+$0xFFFFFF50] =	vst v0  }
0x4c: {  	[tilespmem:s8+$0xFFFFFF40] =	vst v0  }
0x4d: {  	[tilespmem:s8+$0xFFFFFF30] =	vst v0  }
0x4e: {  	[tilespmem:s8+$0xFFFFFF20] =	vst v0  }
0x4f: {  	[tilespmem:s8+$0xFFFFFF10] =	vst v0  }
0x50: {  	[tilespmem:s8+$0xFFFFFF00] =	vst v0  }
0x51: {  	[tilespmem:s8+$0xFFFFFEF0] =	vst v0  }
0x52: {  	[tilespmem:s8+$0xFFFFFEE0] =	vst v0  }
0x53: {  	[tilespmem:s8+$0xFFFFFED0] =	vst v0  }
0x54: {  	[tilespmem:s8+$0xFFFFFEC0] =	vst v0  }
0x55: {  	[tilespmem:s8+$0xFFFFFEB0] =	vst v0  }
0x56: {  	[tilespmem:s8+$0xFFFFFEA0] =	vst v0  }
0x57: {  	[tilespmem:s8+$0xFFFFFE90] =	vst v0  }
0x58: {  	[tilespmem:s8+$0xFFFFFE80] =	vst v0  }
0x59: {  	[tilespmem:s8+$0xFFFFFE70] =	vst v0  }
0x5a: {  	[tilespmem:s8+$0xFFFFFE60] =	vst v0  }
0x5b: {  	[tilespmem:s8+$0xFFFFFE50] =	vst v0  }
0x5c: {  	[tilespmem:s8+$0xFFFFFE40] =	vst v0  }
0x5d: {  	[tilespmem:s8+$0xFFFFFE30] =	vst v0  }
0x5e: {  	[tilespmem:s8+$0xFFFFFE20] =	vst v0  }
0x5f: {  	[tilespmem:s8+$0xFFFFFE10] =	vst v0  }
0x60: {  	[tilespmem:s8+$0xFFFFFE00] =	vst v0  }
0x61: {  	[tilespmem:s8+$0xFFFFFDF0] =	vst v0  }
0x62: {  	s9 =	simm.s32 $0x0;
	[tilespmem:s8+$0xFFFFFDE0] =	vst v0  }
.LBB2_2:
0x63: {  	s9 =	sadd.s32 $0x8, s9;
	[tilespmem:s8+$0xFFFFFDD0] =	vst v0;
	s8 =	sadd.s32 $0x480, s8  }
0x64: {  	[tilespmem:s8+$0xFFFFFDC0] =	vst v0;
	p0 =	slt.u32 s9, $0x48  }
0x65: {  	[tilespmem:s8+$0x230] =	vst v0  }
0x66: {  	[tilespmem:s8+$0x220] =	vst v0  }
0x67: {  	[tilespmem:s8+$0x210] =	vst v0  }
0x68: {  	[tilespmem:s8+$0x200] =	vst v0  }
0x69: {  	[tilespmem:s8+$0x1F0] =	vst v0  }
0x6a: {  	[tilespmem:s8+$0x1E0] =	vst v0  }
0x6b: {  	[tilespmem:s8+$0x1D0] =	vst v0  }
0x6c: {  	[tilespmem:s8+$0x1C0] =	vst v0  }
0x6d: {  	[tilespmem:s8+$0x1B0] =	vst v0  }
0x6e: {  	[tilespmem:s8+$0x1A0] =	vst v0  }
0x6f: {  	[tilespmem:s8+$0x190] =	vst v0  }
0x70: {  	[tilespmem:s8+$0x180] =	vst v0  }
0x71: {  	[tilespmem:s8+$0x170] =	vst v0  }
0x72: {  	[tilespmem:s8+$0x160] =	vst v0  }
0x73: {  	[tilespmem:s8+$0x150] =	vst v0  }
0x74: {  	[tilespmem:s8+$0x140] =	vst v0  }
0x75: {  	[tilespmem:s8+$0x130] =	vst v0  }
0x76: {  	[tilespmem:s8+$0x120] =	vst v0  }
0x77: {  	[tilespmem:s8+$0x110] =	vst v0  }
0x78: {  	[tilespmem:s8+$0x100] =	vst v0  }
0x79: {  	[tilespmem:s8+$0xF0] =	vst v0  }
0x7a: {  	[tilespmem:s8+$0xE0] =	vst v0  }
0x7b: {  	[tilespmem:s8+$0xD0] =	vst v0  }
0x7c: {  	[tilespmem:s8+$0xC0] =	vst v0  }
0x7d: {  	[tilespmem:s8+$0xB0] =	vst v0  }
0x7e: {  	[tilespmem:s8+$0xA0] =	vst v0  }
0x7f: {  	[tilespmem:s8+$0x90] =	vst v0  }
0x80: {  	[tilespmem:s8+$0x80] =	vst v0  }
0x81: {  	[tilespmem:s8+$0x70] =	vst v0  }
0x82: {  	[tilespmem:s8+$0x60] =	vst v0  }
0x83: {  	[tilespmem:s8+$0x50] =	vst v0  }
0x84: {  	[tilespmem:s8+$0x40] =	vst v0  }
0x85: {  	[tilespmem:s8+$0x30] =	vst v0  }
0x86: {  	[tilespmem:s8+$0x20] =	vst v0  }
0x87: {  	[tilespmem:s8+$0x10] =	vst v0  }
0x88: {  	[tilespmem:s8+$0x0] =	vst v0  }
0x89: {  	[tilespmem:s8+$0xFFFFFFF0] =	vst v0  }
0x8a: {  	[tilespmem:s8+$0xFFFFFFE0] =	vst v0  }
0x8b: {  	[tilespmem:s8+$0xFFFFFFD0] =	vst v0  }
0x8c: {  	[tilespmem:s8+$0xFFFFFFC0] =	vst v0  }
0x8d: {  	[tilespmem:s8+$0xFFFFFFB0] =	vst v0  }
0x8e: {  	[tilespmem:s8+$0xFFFFFFA0] =	vst v0  }
0x8f: {  	[tilespmem:s8+$0xFFFFFF90] =	vst v0  }
0x90: {  	[tilespmem:s8+$0xFFFFFF80] =	vst v0  }
0x91: {  	[tilespmem:s8+$0xFFFFFF70] =	vst v0  }
0x92: {  	[tilespmem:s8+$0xFFFFFF60] =	vst v0  }
0x93: {  	[tilespmem:s8+$0xFFFFFF50] =	vst v0  }
0x94: {  	[tilespmem:s8+$0xFFFFFF40] =	vst v0  }
0x95: {  	[tilespmem:s8+$0xFFFFFF30] =	vst v0  }
0x96: {  	[tilespmem:s8+$0xFFFFFF20] =	vst v0  }
0x97: {  	[tilespmem:s8+$0xFFFFFF10] =	vst v0  }
0x98: {  	[tilespmem:s8+$0xFFFFFF00] =	vst v0  }
0x99: {  	[tilespmem:s8+$0xFFFFFEF0] =	vst v0  }
0x9a: {  	[tilespmem:s8+$0xFFFFFEE0] =	vst v0  }
0x9b: {  	[tilespmem:s8+$0xFFFFFED0] =	vst v0  }
0x9c: {  	[tilespmem:s8+$0xFFFFFEC0] =	vst v0  }
0x9d: {  	[tilespmem:s8+$0xFFFFFEB0] =	vst v0  }
0x9e: {  	[tilespmem:s8+$0xFFFFFEA0] =	vst v0  }
0x9f: {  	[tilespmem:s8+$0xFFFFFE90] =	vst v0  }
0xa0: {  	[tilespmem:s8+$0xFFFFFE80] =	vst v0  }
0xa1: {  	[tilespmem:s8+$0xFFFFFE70] =	vst v0  }
0xa2: {  	[tilespmem:s8+$0xFFFFFE60] =	vst v0  }
0xa3: {  	[tilespmem:s8+$0xFFFFFE50] =	vst v0  }
0xa4: {  	[tilespmem:s8+$0xFFFFFE40] =	vst v0  }
0xa5: {  	[tilespmem:s8+$0xFFFFFE30] =	vst v0  }
.Ltmp0:
0xa6: {  	[tilespmem:s8+$0xFFFFFE20] =	vst v0;
	(pc) =	sbr.rel @p0 .LBB2_2-.Ltmp0, $4  }
0xa7: {  	[tilespmem:s8+$0xFFFFFE10] =	vst v0  }
0xa8: {  	[tilespmem:s8+$0xFFFFFE00] =	vst v0  }
0xa9: {  	[tilespmem:s8+$0xFFFFFDF0] =	vst v0  }
0xaa: {  	[tilespmem:s8+$0xFFFFFDE0] =	vst v0  }
0xab: {  	[tilespmem:s8+$0xFFFFFDD0] =	vst v0  }
0xac: {  	[spmem:s15] =	stream.linear.scatter [tilespmem:s24], [sflag:$0x7], $0x2D00, $0x38;
	[tilespmem:$0x1F1D0] =	vst v63  }
0xad: {  	_ =	swait.ge [sflag:s25], $0x2D00  }
0xae: {  	[sflag:s25] =	ssyncset.done $0x0  }
0xaf: {  	s19 =	rddreg [dreg:$0x5];
	[sflag:s25] =	ssyncadd.s32 $0xFFFFD300  }
0xb0: {  	[spmem:s19] =	stream.linear.scatter [tilespmem:s24], [sflag:$0x7], $0x2D00, $0x38;
	[tilespmem:$0x1F1D0] =	vst v63  }
0xb1: {  	_ =	swait.ge [sflag:s25], $0x2D00  }
0xb2: {  	[sflag:s25] =	ssyncset.done $0x0  }
0xb3: {  	s22 =	rddreg [dreg:$0x6];
	[sflag:s25] =	ssyncadd.s32 $0xFFFFD300  }
0xb4: {  	[spmem:s22] =	stream.linear.scatter [tilespmem:s24], [sflag:$0x7], $0x2D00, $0x38;
	[tilespmem:$0x1F1D0] =	vst v63  }
0xb5: {  	_ =	swait.ge [sflag:s25], $0x2D00  }
0xb6: {  	[sflag:s25] =	ssyncset.done $0x0  }
0xb7: {  	s23 =	rddreg [dreg:$0x7];
	[sflag:s25] =	ssyncadd.s32 $0xFFFFD300  }
0xb8: {  	[spmem:s23] =	stream.linear.scatter [tilespmem:s24], [sflag:$0x7], $0x2D00, $0x38;
	[tilespmem:$0x1F1D0] =	vst v63  }
0xb9: {  	_ =	swait.ge [sflag:s25], $0x2D00  }
0xba: {  	[sflag:s25] =	ssyncset.done $0x0  }
0xbb: {  	s9 =	rddreg [dreg:$0x8];
	[sflag:s25] =	ssyncadd.s32 $0xFFFFD300  }
0xbc: {  	[spmem:s9] =	stream.linear.scatter [tilespmem:s24], [sflag:$0x7], $0x2D00, $0x38;
	[tilespmem:$0x1F1D0] =	vst v63  }
0xbd: {  	_ =	swait.ge [sflag:s25], $0x2D00  }
0xbe: {  	[sflag:s25] =	ssyncset.done $0x0  }
0xbf: {  	s15 =	rddreg [dreg:$0x9];
	[sflag:s25] =	ssyncadd.s32 $0xFFFFD300  }
0xc0: {  	[spmem:s15] =	stream.linear.scatter [tilespmem:s24], [sflag:$0x7], $0x2D00, $0x38;
	[tilespmem:$0x1F1D0] =	vst v63  }
0xc1: {  	_ =	swait.ge [sflag:s25], $0x2D00  }
0xc2: {  	[sflag:s25] =	ssyncset.done $0x0  }
0xc3: {  	s16 =	rddreg [dreg:$0xa];
	[sflag:s25] =	ssyncadd.s32 $0xFFFFD300  }
0xc4: {  	[spmem:s16] =	stream.linear.scatter [tilespmem:s24], [sflag:$0x7], $0x2D00, $0x38;
	[tilespmem:$0x1F1D0] =	vst v63  }
0xc5: {  	_ =	swait.ge [sflag:s25], $0x2D00  }
0xc6: {  	[sflag:s25] =	ssyncset.done $0x0  }
0xc7: {  	s17 =	rddreg [dreg:$0xb];
	[sflag:s25] =	ssyncadd.s32 $0xFFFFD300  }
0xc8: {  	[spmem:s17] =	stream.linear.scatter [tilespmem:s24], [sflag:$0x7], $0x2490, $0x38;
	[tilespmem:$0x1F1D0] =	vst v63  }
0xc9: {  	_ =	swait.ge [sflag:s25], $0x2490  }
0xca: {  	[sflag:s25] =	ssyncset.done $0x0  }
0xcb: {  	[sflag:s25] =	ssyncadd.s32 $0xFFFFDB70  }
0xcc: {  	[bflag:$0x0] =	sbarrier.arrive $0xFFFF  }
0xcd: {  	s16 =	simm.s32 $0x0;
	s18 =	rddreg [dreg:$0xc]  }
0xce: {  	[tilespmem:s16], [sflag:$0x5] =	stream.linear.gather [hbm4b:s18+s16], $0x50, $0x38;
	[tilespmem:$0x1F1D0] =	vst v63  }
0xcf: {  	s19 =	rddreg [dreg:$0xd]  }
0xd0: {  	[tilespmem:s26], [sflag:$0x5] =	stream.linear.gather [hbm4b:s19+s16], $0x50, $0x38;
	[tilespmem:$0x1F1D0] =	vst v63  }
0xd1: {  	_ =	swait.ge [sflag:s28], $0x50  }
0xd2: {  	[sflag:s28] =	ssyncset.done $0x0  }
0xd3: {  	[sflag:s28] =	ssyncadd.s32 $0xFFFFFFB0  }
0xd4: {  	_ =	swait.ge [sflag:s28], $0x50  }
0xd5: {  	[sflag:s28] =	ssyncset.done $0x0  }
0xd6: {  	[sflag:s28] =	ssyncadd.s32 $0xFFFFFFB0  }
0xd7: {  	[tilespmem:s29], [sflag:$0x1] =	stream.indirect.gather [hbm4b:s6+s26], $0x90, s16, s26, $0xb8;
	[tilespmem:$0x1F1D0] =	vst v63  }
0xd8: {  	_ = 	snop  }
0xd9: {  	[tilespmem:s30], [sflag:$0x2] =	stream.indirect.gather [hbm4b:s7+s26], $0x10, s26, s26, $0xb8;
	[tilespmem:$0x1F1D0] =	vst v63  }
0xda: {  	s22 =	rddreg [dreg:$0xe]  }
0xdb: {  	[tilespmem:s31], [sflag:$0x6] =	stream.linear.gather [hbm4b:s22+s16], $0x50, $0x38;
	[tilespmem:$0x1F1D0] =	vst v63  }
0xdc: {  	s23 =	rddreg [dreg:$0xf]  }
0xdd: {  	[tilespmem:s0], [sflag:$0x6] =	stream.linear.gather [hbm4b:s23+s16], $0x50, $0x38;
	[tilespmem:$0x1F1D0] =	vst v63  }
.LBB2_4:
0xde: {  	_ =	swait.ge [sflag:s1], $0x50  }
0xdf: {  	[sflag:s1] =	ssyncset.done $0x0  }
0xe0: {  	[sflag:s1] =	ssyncadd.s32 $0xFFFFFFB0  }
0xe1: {  	_ =	swait.ge [sflag:s1], $0x50  }
0xe2: {  	[sflag:s1] =	ssyncset.done $0x0  }
0xe3: {  	s8 =	simm.s32 $0x3340;
	[sflag:s1] =	ssyncadd.s32 $0xFFFFFFB0  }
0xe4: {  	[tilespmem:s8], [sflag:$0x3] =	stream.indirect.gather [hbm4b:s6+s26], $0x90, s31, s26, $0xb8;
	[tilespmem:$0x1F1D0] =	vst v63  }
0xe5: {  	_ = 	snop  }
0xe6: {  	[tilespmem:s10], [sflag:$0x4] =	stream.indirect.gather [hbm4b:s7+s26], $0x10, s0, s26, $0xb8;
	[tilespmem:$0x1F1D0] =	vst v63  }
0xe7: {  	_ =	swait.ge [sflag:s11], $0x2D00  }
0xe8: {  	[sflag:s11] =	ssyncset.done $0x0  }
0xe9: {  	[sflag:s11] =	ssyncadd.s32 $0xFFFFD300  }
0xea: {  	_ =	swait.ge [sflag:s12], $0x500  }
0xeb: {  	[sflag:s12] =	ssyncset.done $0x0  }
0xec: {  	s15 =	simm.s32 $0x2E0;
	[sflag:s12] =	ssyncadd.s32 $0xFFFFFB00  }
0xed: {  	s22 =	simm.s32 $0x2DE0;
	v1 =	vld [tilespmem:s15+$0x230]  }
0xee: {  	v2 =	vld [tilespmem:s22+$0x30];
	_ =	sdelay $0x1  }
0xef: {  	v3 =	vld [tilespmem:s22+$0xFFFFFFC0]  }
0xf0: {  	v4 =	vld [tilespmem:s15+$0xFFFFFED0]  }
0xf1: {  	v5 =	vld [tilespmem:s22+$0xFFFFFFD0]  }
0xf2: {  	v6 =	vld [tilespmem:s15+$0xFFFFFF60];
	v1 =	vadd.f32 v2, v1  }
0xf3: {  	v7 =	vld [tilespmem:s22+$0xFFFFFFE0]  }
0xf4: {  	v8 =	vld [tilespmem:s22+$0xFFFFFFF0];
	v9 =	vmul.f32 $2.000000030e-01, v1  }
0xf5: {  	v10 =	vld [tilespmem:s15+$0x80]  }
0xf6: {  	v2 =	vld [tilespmem:s15+$0xFFFFFFF0];
	v1 =	vmax.f32 v1, v9  }
0xf7: {  	v11 =	vld [tilespmem:s22+$0x0];
	v1 =	vmul.f32 $1.442695020e+00, v1  }
0xf8: {  	v12 =	vld [tilespmem:s15+$0x1A0];
	v4 =	vadd.f32 v5, v4  }
0xf9: {  	v5 =	vld [tilespmem:s15+$0x110];
	v6 =	vadd.f32 v7, v6;
	(erf) = vpow2.f32 v1  }
0xfa: {  	v7 =	vld [tilespmem:s22+$0x10];
	v9 =	vmul.f32 $2.000000030e-01, v4  }
0xfb: {  	v2 =	vadd.f32 v8, v2;
	v8 =	vld [tilespmem:s22+$0x20];
	v1 =	vmul.f32 $2.000000030e-01, v6  }
0xfc: {  	v4 =	vmax.f32 v4, v9;
	v9 =	vld [tilespmem:s15+$0xFFFFFE40]  }
0xfd: {  	v4 =	vmul.f32 $1.442695020e+00, v4;
	v1 =	vmax.f32 v6, v1  }
0xfe: {  	v10 =	vadd.f32 v11, v10;
	v6 =	vmul.f32 $2.000000030e-01, v2;
	v1 =	vmul.f32 $1.442695020e+00, v1  }
0xff: {  	v5 =	vadd.f32 v7, v5;
	(erf) = vpow2.f32 v4  }
0x100: {  	v4 =	vadd.f32 v8, v12;
	v2 =	vmax.f32 v2, v6;
	v6 =	vmul.f32 $2.000000030e-01, v10  }
0x101: {  	v7 =	vmul.f32 $2.000000030e-01, v5;
	v3 =	vadd.f32 v3, v9;
	v2 =	vmul.f32 $1.442695020e+00, v2  }
0x102: {  	s17 =	simm.s32 $0x6780;
	v8 =	vmul.f32 $2.000000030e-01, v4;
	(erf) = vpow2.f32 v1;
	v6 =	vmax.f32 v10, v6;
	v1 =	vpop (erf)  }
0x103: {  	v5 =	vmax.f32 v5, v7;
	v7 =	vmul.f32 $2.000000030e-01, v3;
	v6 =	vmul.f32 $1.442695020e+00, v6;
	[tilespmem:s17+$0x230] =	vst v1  }
0x104: {  	v4 =	vmax.f32 v4, v8;
	(erf) = vpow2.f32 v2;
	v2 =	vmul.f32 $1.442695020e+00, v5;
	v5 =	vld [tilespmem:s15+$0x1B0]  }
0x105: {  	v3 =	vmax.f32 v3, v7;
	v4 =	vmul.f32 $1.442695020e+00, v4;
	(erf) = vpow2.f32 v6  }
0x106: {  	s18 =	simm.s32 $0x760;
	(erf) = vpow2.f32 v2;
	v2 =	vmul.f32 $1.442695020e+00, v3  }
0x107: {  	s23 =	simm.s32 $0x2E60;
	v25 =	vld [tilespmem:s18+$0xFFFFFED0];
	v3 =	vbroadcast v1, $0x0;
	(erf) = vpow2.f32 v4  }
0x108: {  	v28 =	vld [tilespmem:s23+$0xFFFFFFD0];
	(erf) = vpow2.f32 v2  }
0x109: {  	v31 =	vld [tilespmem:s18+$0xFFFFFF60];
	v2 =	vmul.f32 v3, v5  }
0x10a: {  	v34 =	vld [tilespmem:s23+$0xFFFFFFE0];
	v4 =	vpop (erf)  }
0x10b: {  	v36 =	vld [tilespmem:s18+$0xFFFFFFF0];
	[tilespmem:s17+$0xFFFFFED0] =	vst v4  }
0x10c: {  	v5 =	vld [tilespmem:s15+$0xFFFFFE50];
	v3 =	vpop (erf);
	[tilespmem:s17+$0x1B0] =	vst v2  }
0x10d: {  	v11 =	vbroadcast v4, $0x0;
	[tilespmem:s17+$0xFFFFFF60] =	vst v3;
	v6 =	vld [tilespmem:s15+$0x1C0];
	v2 =	vpop (erf)  }
0x10e: {  	v7 =	vld [tilespmem:s15+$0xFFFFFEE0];
	[tilespmem:s17+$0xFFFFFFF0] =	vst v2;
	v9 =	vpop (erf)  }
0x10f: {  	v12 =	vld [tilespmem:s15+$0xFFFFFF70];
	[tilespmem:s17+$0x80] =	vst v9;
	v10 =	vpop (erf)  }
0x110: {  	v14 =	vbroadcast v1, $0x1;
	v13 =	vld [tilespmem:s15+$0x0];
	[tilespmem:s17+$0x110] =	vst v10;
	v8 =	vpop (erf)  }
0x111: {  	v15 =	vbroadcast v3, $0x0;
	v5 =	vmul.f32 v11, v5;
	v16 =	vld [tilespmem:s15+$0x90];
	[tilespmem:s17+$0x1A0] =	vst v8;
	v11 =	vpop (erf)  }
0x112: {  	v17 =	vbroadcast v2, $0x0;
	v6 =	vmul.f32 v14, v6;
	[tilespmem:s17+$0xFFFFFE40] =	vst v11;
	v18 =	vld [tilespmem:s15+$0x120]  }
0x113: {  	v7 =	vmul.f32 v15, v7;
	[tilespmem:s17+$0xFFFFFE50] =	vst v5;
	v14 =	vbroadcast v9, $0x0;
	v15 =	vld [tilespmem:s15+$0xFFFFFDC0]  }
0x114: {  	v5 =	vbroadcast v10, $0x0;
	[tilespmem:s17+$0x1C0] =	vst v6;
	v12 =	vmul.f32 v17, v12;
	v17 =	vld [tilespmem:s15+$0xFFFFFE60]  }
0x115: {  	[tilespmem:s17+$0xFFFFFEE0] =	vst v7;
	v6 =	vbroadcast v8, $0x0;
	v7 =	vld [tilespmem:s15+$0x1D0];
	v13 =	vmul.f32 v14, v13  }
0x116: {  	v14 =	vbroadcast v11, $0x0;
	v5 =	vmul.f32 v5, v16;
	v16 =	vld [tilespmem:s15+$0xFFFFFEF0];
	[tilespmem:s17+$0xFFFFFF70] =	vst v12  }
0x117: {  	v12 =	vbroadcast v4, $0x1;
	v19 =	vld [tilespmem:s15+$0xFFFFFF80];
	[tilespmem:s17+$0x0] =	vst v13;
	v6 =	vmul.f32 v6, v18  }
0x118: {  	v13 =	vmul.f32 v14, v15;
	v14 =	vld [tilespmem:s15+$0x10];
	[tilespmem:s17+$0x90] =	vst v5;
	v5 =	vbroadcast v1, $0x2  }
0x119: {  	v15 =	vbroadcast v3, $0x1;
	v12 =	vmul.f32 v12, v17;
	v17 =	vld [tilespmem:s15+$0xA0];
	[tilespmem:s17+$0x120] =	vst v6  }
0x11a: {  	v6 =	vbroadcast v2, $0x1;
	[tilespmem:s17+$0xFFFFFDC0] =	vst v13;
	v13 =	vld [tilespmem:s15+$0x130];
	v5 =	vmul.f32 v5, v7  }
0x11b: {  	v7 =	vbroadcast v9, $0x1;
	v18 =	vld [tilespmem:s15+$0xFFFFFDD0];
	[tilespmem:s17+$0xFFFFFE60] =	vst v12;
	v12 =	vmul.f32 v15, v16  }
0x11c: {  	v15 =	vbroadcast v10, $0x1;
	v16 =	vld [tilespmem:s15+$0xFFFFFE70];
	v6 =	vmul.f32 v6, v19;
	[tilespmem:s17+$0x1D0] =	vst v5  }
0x11d: {  	v5 =	vbroadcast v8, $0x1;
	[tilespmem:s17+$0xFFFFFEF0] =	vst v12;
	v7 =	vmul.f32 v7, v14;
	v12 =	vld [tilespmem:s15+$0x1E0]  }
0x11e: {  	v14 =	vbroadcast v11, $0x1;
	v19 =	vld [tilespmem:s15+$0xFFFFFF00];
	[tilespmem:s17+$0xFFFFFF80] =	vst v6;
	v6 =	vmul.f32 v15, v17  }
0x11f: {  	v15 =	vbroadcast v4, $0x2;
	v17 =	vld [tilespmem:s15+$0xFFFFFF90];
	[tilespmem:s17+$0x10] =	vst v7;
	v5 =	vmul.f32 v5, v13  }
0x120: {  	v7 =	vmul.f32 v14, v18;
	v13 =	vld [tilespmem:s15+$0x20];
	[tilespmem:s17+$0xA0] =	vst v6;
	v6 =	vbroadcast v1, $0x3  }
0x121: {  	v14 =	vbroadcast v3, $0x2;
	v15 =	vmul.f32 v15, v16;
	v16 =	vld [tilespmem:s15+$0xB0];
	[tilespmem:s17+$0x130] =	vst v5  }
0x122: {  	v5 =	vbroadcast v2, $0x2;
	[tilespmem:s17+$0xFFFFFDD0] =	vst v7;
	v7 =	vld [tilespmem:s15+$0x140];
	v6 =	vmul.f32 v12, v6  }
0x123: {  	v12 =	vbroadcast v9, $0x2;
	v18 =	vld [tilespmem:s15+$0xFFFFFDE0];
	[tilespmem:s17+$0xFFFFFE70] =	vst v15;
	v14 =	vmul.f32 v14, v19  }
0x124: {  	v15 =	vbroadcast v10, $0x2;
	v19 =	vld [tilespmem:s15+$0xFFFFFE80];
	v5 =	vmul.f32 v5, v17;
	[tilespmem:s17+$0x1E0] =	vst v6  }
0x125: {  	v6 =	vbroadcast v8, $0x2;
	[tilespmem:s17+$0xFFFFFF00] =	vst v14;
	v12 =	vmul.f32 v12, v13;
	v13 =	vld [tilespmem:s15+$0x1F0]  }
0x126: {  	v14 =	vbroadcast v11, $0x2;
	v17 =	vld [tilespmem:s15+$0xFFFFFF10];
	[tilespmem:s17+$0xFFFFFF90] =	vst v5;
	v5 =	vmul.f32 v15, v16  }
0x127: {  	v15 =	vbroadcast v4, $0x3;
	v16 =	vld [tilespmem:s15+$0xFFFFFFA0];
	[tilespmem:s17+$0x20] =	vst v12;
	v6 =	vmul.f32 v6, v7  }
0x128: {  	v7 =	vmul.f32 v14, v18;
	v12 =	vld [tilespmem:s15+$0x30];
	[tilespmem:s17+$0xB0] =	vst v5;
	v5 =	vbroadcast v1, $0x4  }
0x129: {  	v14 =	vbroadcast v3, $0x3;
	v15 =	vmul.f32 v19, v15;
	v18 =	vld [tilespmem:s15+$0xC0];
	[tilespmem:s17+$0x140] =	vst v6  }
0x12a: {  	v6 =	vbroadcast v2, $0x3;
	[tilespmem:s17+$0xFFFFFDE0] =	vst v7;
	v7 =	vld [tilespmem:s15+$0x150];
	v5 =	vmul.f32 v13, v5  }
0x12b: {  	v13 =	vbroadcast v9, $0x3;
	v19 =	vld [tilespmem:s15+$0xFFFFFDF0];
	[tilespmem:s17+$0xFFFFFE80] =	vst v15;
	v14 =	vmul.f32 v17, v14  }
0x12c: {  	v15 =	vbroadcast v10, $0x3;
	v17 =	vld [tilespmem:s15+$0xFFFFFE90];
	v6 =	vmul.f32 v16, v6;
	[tilespmem:s17+$0x1F0] =	vst v5  }
0x12d: {  	v5 =	vbroadcast v8, $0x3;
	[tilespmem:s17+$0xFFFFFF10] =	vst v14;
	v12 =	vmul.f32 v12, v13;
	v13 =	vld [tilespmem:s15+$0x200]  }
0x12e: {  	v14 =	vbroadcast v11, $0x3;
	v16 =	vld [tilespmem:s15+$0xFFFFFF20];
	[tilespmem:s17+$0xFFFFFFA0] =	vst v6;
	v6 =	vmul.f32 v18, v15  }
0x12f: {  	v15 =	vbroadcast v4, $0x4;
	v18 =	vld [tilespmem:s15+$0xFFFFFFB0];
	[tilespmem:s17+$0x30] =	vst v12;
	v5 =	vmul.f32 v7, v5  }
0x130: {  	v7 =	vmul.f32 v19, v14;
	v12 =	vld [tilespmem:s15+$0x40];
	[tilespmem:s17+$0xC0] =	vst v6;
	v6 =	vbroadcast v1, $0x5  }
0x131: {  	v14 =	vbroadcast v3, $0x4;
	v15 =	vmul.f32 v17, v15;
	v17 =	vld [tilespmem:s15+$0xD0];
	[tilespmem:s17+$0x150] =	vst v5  }
0x132: {  	v5 =	vbroadcast v2, $0x4;
	[tilespmem:s17+$0xFFFFFDF0] =	vst v7;
	v7 =	vld [tilespmem:s15+$0x160];
	v6 =	vmul.f32 v13, v6  }
0x133: {  	v38 =	vld [tilespmem:s23+$0xFFFFFFF0];
	v13 =	vbroadcast v9, $0x4;
	[tilespmem:s17+$0xFFFFFE90] =	vst v15;
	v14 =	vmul.f32 v16, v14  }
0x134: {  	v19 =	vld [tilespmem:s15+$0xFFFFFE00];
	v15 =	vbroadcast v10, $0x4;
	v5 =	vmul.f32 v18, v5;
	[tilespmem:s17+$0x200] =	vst v6  }
0x135: {  	v16 =	vld [tilespmem:s15+$0xFFFFFEA0];
	v6 =	vbroadcast v8, $0x4;
	[tilespmem:s17+$0xFFFFFF20] =	vst v14;
	v12 =	vmul.f32 v12, v13  }
0x136: {  	v25 =	vadd.f32 v28, v25;
	v18 =	vld [tilespmem:s15+$0xFFFFFF30];
	[tilespmem:s17+$0xFFFFFFB0] =	vst v5;
	v5 =	vmul.f32 v17, v15  }
0x137: {  	v15 =	vld [tilespmem:s15+$0xFFFFFFC0];
	[tilespmem:s17+$0x40] =	vst v12;
	v6 =	vmul.f32 v7, v6  }
0x138: {  	v62 =	vmul.f32 $2.000000030e-01, v25;
	v37 =	vbroadcast v1, $0x6;
	[tilespmem:s17+$0xD0] =	vst v5;
	v5 =	vld [tilespmem:s18+$0x230]  }
0x139: {  	v21 =	vbroadcast v4, $0x5;
	v14 =	vbroadcast v11, $0x4;
	[tilespmem:s17+$0x160] =	vst v6;
	v6 =	vld [tilespmem:s23+$0x30]  }
0x13a: {  	v32 =	vbroadcast v4, $0x6;
	v23 =	vbroadcast v3, $0x5;
	v12 =	vld [tilespmem:s15+$0x50]  }
0x13b: {  	v33 =	vbroadcast v3, $0x6;
	v7 =	vmul.f32 v19, v14;
	v14 =	vld [tilespmem:s15+$0xE0]  }
0x13c: {  	v24 =	vbroadcast v2, $0x5;
	v16 =	vmul.f32 v16, v21;
	v21 =	vld [tilespmem:s18+$0x80]  }
0x13d: {  	v26 =	vbroadcast v9, $0x5;
	v27 =	vbroadcast v10, $0x5;
	[tilespmem:s17+$0xFFFFFE00] =	vst v7;
	v17 =	vld [tilespmem:s15+$0x170]  }
0x13e: {  	v29 =	vbroadcast v8, $0x5;
	v20 =	vbroadcast v11, $0x5;
	v19 =	vld [tilespmem:s15+$0xFFFFFE10];
	v35 =	vadd.f32 v6, v5  }
0x13f: {  	v30 =	vbroadcast v11, $0x6;
	v18 =	vmul.f32 v18, v23;
	v23 =	vld [tilespmem:s23+$0x0]  }
0x140: {  	v22 =	vld [tilespmem:s23+$0xFFFFFFC0];
	v12 =	vmul.f32 v12, v26;
	v26 =	vadd.f32 v34, v31;
	v39 =	vmul.f32 $2.000000030e-01, v35  }
0x141: {  	v28 =	vld [tilespmem:s23+$0x10];
	v15 =	vmul.f32 v15, v24;
	v14 =	vmul.f32 v14, v27;
	v27 =	vadd.f32 v38, v36  }
0x142: {  	v24 =	vld [tilespmem:s18+$0x110];
	v63 =	vmul.f32 $2.000000030e-01, v26;
	v17 =	vmul.f32 v17, v29;
	v35 =	vmax.f32 v35, v39  }
0x143: {  	v13 =	vld [tilespmem:s15+$0x210];
	v41 =	vmul.f32 $2.000000030e-01, v27;
	v35 =	vmul.f32 $1.442695020e+00, v35  }
0x144: {  	v40 =	vld [tilespmem:s23+$0x20];
	v21 =	vadd.f32 v23, v21;
	v19 =	vmul.f32 v19, v20;
	v20 =	vmax.f32 v25, v62  }
0x145: {  	v29 =	vld [tilespmem:s18+$0xFFFFFE40];
	v23 =	vmax.f32 v26, v63;
	v20 =	vmul.f32 $1.442695020e+00, v20;
	(erf) = vpow2.f32 v35  }
0x146: {  	v7 =	vbroadcast v10, $0x6;
	v31 =	vld [tilespmem:s18+$0x1A0];
	v25 =	vmax.f32 v27, v41;
	[tilespmem:s17+$0xFFFFFE10] =	vst v19;
	v19 =	vmul.f32 $1.442695020e+00, v23  }
0x147: {  	v23 =	vadd.f32 v28, v24;
	v24 =	vmul.f32 $1.442695020e+00, v25;
	(erf) = vpow2.f32 v20  }
0x148: {  	v13 =	vmul.f32 v13, v37;
	(erf) = vpow2.f32 v19  }
0x149: {  	[tilespmem:s17+$0xFFFFFEA0] =	vst v16;
	v26 =	vmul.f32 $2.000000030e-01, v21;
	v25 =	vld [tilespmem:s15+$0xFFFFFE20];
	(erf) = vpow2.f32 v24  }
0x14a: {  	[tilespmem:s17+$0x210] =	vst v13;
	v13 =	vld [tilespmem:s15+$0xFFFFFEB0];
	v6 =	vbroadcast v2, $0x6;
	v16 =	vmul.f32 $2.000000030e-01, v23;
	v22 =	vadd.f32 v22, v29  }
0x14b: {  	[tilespmem:s17+$0xFFFFFF30] =	vst v18;
	v5 =	vbroadcast v9, $0x6;
	v20 =	vmax.f32 v21, v26;
	v21 =	vadd.f32 v40, v31  }
0x14c: {  	[tilespmem:s17+$0xE0] =	vst v14;
	v14 =	vbroadcast v4, $0x7;
	v18 =	vmax.f32 v23, v16;
	v23 =	vmul.f32 $2.000000030e-01, v22  }
0x14d: {  	[tilespmem:s17+$0xFFFFFFC0] =	vst v15;
	v20 =	vmul.f32 $1.442695020e+00, v20;
	v19 =	vmul.f32 $2.000000030e-01, v21  }
0x14e: {  	s19 =	simm.s32 $0x6C00;
	[tilespmem:s17+$0x50] =	vst v12;
	v12 =	vld [tilespmem:s15+$0xFFFFFFD0];
	v18 =	vmul.f32 $1.442695020e+00, v18;
	v24 =	vmul.f32 v25, v30;
	v16 =	vpop (erf)  }
0x14f: {  	v13 =	vmul.f32 v13, v32;
	v27 =	vld [tilespmem:s15+$0x220];
	(erf) = vpow2.f32 v20;
	v19 =	vmax.f32 v21, v19;
	[tilespmem:s19+$0x230] =	vst v16  }
0x150: {  	v15 =	vmax.f32 v22, v23;
	(erf) = vpow2.f32 v18;
	v20 =	vmul.f32 $1.442695020e+00, v19;
	v22 =	vpop (erf);
	v23 =	vld [tilespmem:s18+$0x1B0]  }
0x151: {  	v28 =	vld [tilespmem:s15+$0xFFFFFF40];
	[tilespmem:s17+$0xFFFFFEB0] =	vst v13;
	v13 =	vbroadcast v3, $0x7;
	v3 =	vbroadcast v9, $0x7;
	v26 =	vpop (erf)  }
0x152: {  	v15 =	vmul.f32 $1.442695020e+00, v15;
	v21 =	vld [tilespmem:s15+$0xF0];
	[tilespmem:s17+$0xFFFFFE20] =	vst v24;
	(erf) = vpow2.f32 v20;
	v24 =	vpop (erf)  }
0x153: {  	v19 =	vld [tilespmem:s15+$0x60];
	v20 =	vbroadcast v8, $0x6;
	v18 =	vbroadcast v16, $0x0;
	[tilespmem:s19+$0xFFFFFFF0] =	vst v24  }
0x154: {  	[tilespmem:s17+$0x170] =	vst v17;
	(erf) = vpow2.f32 v15;
	v15 =	vbroadcast v11, $0x7;
	v42 =	vld [tilespmem:s18+$0xFFFFFF70]  }
0x155: {  	v17 =	vld [tilespmem:s15+$0xFFFFFE30];
	[tilespmem:s19+$0xFFFFFED0] =	vst v22;
	v47 =	vbroadcast v24, $0x0;
	v4 =	vmul.f32 v18, v23  }
0x156: {  	v9 =	vld [tilespmem:s18+$0xFFFFFE50];
	[tilespmem:s19+$0xFFFFFF60] =	vst v26;
	v23 =	vbroadcast v1, $0x7;
	v1 =	vbroadcast v2, $0x7  }
0x157: {  	v30 =	vld [tilespmem:s18+$0xFFFFFEE0];
	v2 =	vbroadcast v8, $0x7;
	v8 =	vmul.f32 v28, v33  }
0x158: {  	v11 =	vld [tilespmem:s15+$0x180];
	[tilespmem:s19+$0x1B0] =	vst v4;
	v4 =	vbroadcast v10, $0x7;
	v23 =	vmul.f32 v27, v23;
	v27 =	vpop (erf)  }
0x159: {  	v10 =	vbroadcast v22, $0x0;
	v29 =	vld [tilespmem:s18+$0x1C0];
	[tilespmem:s19+$0x80] =	vst v27;
	v28 =	vpop (erf);
	v32 =	vmul.f32 v47, v42  }
0x15a: {  	v45 =	vbroadcast v26, $0x0;
	v43 =	vld [tilespmem:s18+$0x0];
	[tilespmem:s19+$0x110] =	vst v28  }
0x15b: {  	v25 =	vpop (erf);
	v9 =	vmul.f32 v10, v9;
	v46 =	vld [tilespmem:s18+$0x90];
	[tilespmem:s19+$0xFFFFFF70] =	vst v32  }
0x15c: {  	v44 =	vbroadcast v16, $0x1;
	v30 =	vmul.f32 v45, v30;
	[tilespmem:s19+$0x1A0] =	vst v25;
	v40 =	vld [tilespmem:s18+$0xFFFFFF80]  }
0x15d: {  	v31 =	vbroadcast v22, $0x1;
	v49 =	vbroadcast v27, $0x0;
	v48 =	vld [tilespmem:s18+$0x120];
	[tilespmem:s19+$0xFFFFFE50] =	vst v9  }
0x15e: {  	[tilespmem:s19+$0xFFFFFEE0] =	vst v30;
	v10 =	vpop (erf);
	v9 =	vbroadcast v28, $0x0;
	v51 =	vld [tilespmem:s18+$0xFFFFFE60];
	v29 =	vmul.f32 v44, v29  }
0x15f: {  	v57 =	vbroadcast v24, $0x1;
	v53 =	vld [tilespmem:s18+$0xFFFFFEF0];
	[tilespmem:s19+$0xFFFFFE40] =	vst v10;
	v34 =	vmul.f32 v49, v43  }
0x160: {  	v50 =	vld [tilespmem:s18+$0xFFFFFDC0];
	[tilespmem:s19+$0x1C0] =	vst v29;
	v29 =	vbroadcast v25, $0x0;
	v9 =	vmul.f32 v9, v46  }
0x161: {  	s22 =	simm.s32 $0xBE0;
	v54 =	vbroadcast v26, $0x1;
	v30 =	vld [tilespmem:s18+$0x1D0];
	[tilespmem:s19+$0x0] =	vst v34;
	v36 =	vmul.f32 v57, v40  }
0x162: {  	v15 =	vmul.f32 v17, v15;
	v17 =	vld [tilespmem:s22+$0xFFFFFE40];
	v29 =	vmul.f32 v29, v48;
	[tilespmem:s19+$0x90] =	vst v9  }
0x163: {  	v52 =	vbroadcast v10, $0x0;
	v56 =	vld [tilespmem:s18+$0x10];
	v31 =	vmul.f32 v31, v51;
	[tilespmem:s19+$0xFFFFFF80] =	vst v36  }
0x164: {  	v9 =	vbroadcast v16, $0x2;
	v58 =	vld [tilespmem:s18+$0xA0];
	[tilespmem:s19+$0x120] =	vst v29  }
0x165: {  	v55 =	vmul.f32 v52, v50;
	[tilespmem:s19+$0xFFFFFE60] =	vst v31;
	v31 =	vmul.f32 v54, v53;
	v46 =	vld [tilespmem:s18+$0xFFFFFF90]  }
0x166: {  	v59 =	vld [tilespmem:s18+$0x130];
	v9 =	vmul.f32 v9, v30;
	v30 =	vbroadcast v27, $0x1  }
0x167: {  	v61 =	vbroadcast v28, $0x1;
	[tilespmem:s19+$0xFFFFFDC0] =	vst v55;
	v62 =	vld [tilespmem:s18+$0xFFFFFE70]  }
0x168: {  	v45 =	vbroadcast v24, $0x2;
	v60 =	vld [tilespmem:s18+$0xFFFFFDD0];
	[tilespmem:s19+$0xFFFFFEF0] =	vst v31;
	v30 =	vmul.f32 v30, v56  }
0x169: {  	v18 =	vld [tilespmem:s15+$0xFFFFFEC0];
	[tilespmem:s19+$0x1D0] =	vst v9;
	v9 =	vbroadcast v25, $0x1;
	v32 =	vmul.f32 v61, v58  }
0x16a: {  	v33 =	vbroadcast v22, $0x2;
	v44 =	vld [tilespmem:s18+$0xFFFFFF00];
	v36 =	vmul.f32 v45, v46;
	[tilespmem:s19+$0x10] =	vst v30  }
0x16b: {  	v63 =	vbroadcast v10, $0x1;
	v31 =	vld [tilespmem:s18+$0x1E0];
	v9 =	vmul.f32 v9, v59;
	[tilespmem:s19+$0xA0] =	vst v32  }
0x16c: {  	v33 =	vmul.f32 v33, v62;
	v47 =	vld [tilespmem:s18+$0x20];
	[tilespmem:s19+$0xFFFFFF90] =	vst v36  }
0x16d: {  	v29 =	vbroadcast v26, $0x2;
	v30 =	vmul.f32 v63, v60;
	v50 =	vld [tilespmem:s18+$0xB0];
	[tilespmem:s19+$0x130] =	vst v9  }
0x16e: {  	v48 =	vbroadcast v16, $0x3;
	[tilespmem:s19+$0xFFFFFE70] =	vst v33;
	v58 =	vld [tilespmem:s18+$0xFFFFFFA0]  }
0x16f: {  	v9 =	vbroadcast v27, $0x2;
	v29 =	vmul.f32 v29, v44;
	[tilespmem:s19+$0xFFFFFDD0] =	vst v30;
	v30 =	vld [tilespmem:s18+$0x140]  }
0x170: {  	[tilespmem:s17+$0x220] =	vst v23;
	v51 =	vbroadcast v28, $0x2;
	v54 =	vld [tilespmem:s18+$0xFFFFFE80];
	v31 =	vmul.f32 v31, v48  }
0x171: {  	s8 =	simm.s32 $0x2EE0;
	v61 =	vbroadcast v24, $0x3;
	v52 =	vld [tilespmem:s18+$0xFFFFFDE0];
	[tilespmem:s19+$0xFFFFFF00] =	vst v29;
	v9 =	vmul.f32 v9, v47  }
0x172: {  	v23 =	vld [tilespmem:s8+$0x0];
	v53 =	vbroadcast v25, $0x2;
	[tilespmem:s19+$0x1E0] =	vst v31;
	v32 =	vmul.f32 v51, v50  }
0x173: {  	v55 =	vbroadcast v22, $0x3;
	v56 =	vld [tilespmem:s18+$0xFFFFFF10];
	v35 =	vmul.f32 v58, v61;
	[tilespmem:s19+$0x20] =	vst v9  }
0x174: {  	v49 =	vbroadcast v10, $0x2;
	v29 =	vld [tilespmem:s18+$0x1F0];
	v9 =	vmul.f32 v53, v30;
	[tilespmem:s19+$0xB0] =	vst v32  }
0x175: {  	v21 =	vmul.f32 v21, v7;
	v34 =	vmul.f32 v54, v55;
	v59 =	vld [tilespmem:s18+$0x30];
	[tilespmem:s19+$0xFFFFFFA0] =	vst v35  }
0x176: {  	v57 =	vbroadcast v26, $0x3;
	v30 =	vmul.f32 v49, v52;
	v62 =	vld [tilespmem:s18+$0xC0];
	[tilespmem:s19+$0x140] =	vst v9  }
0x177: {  	v41 =	vbroadcast v22, $0x5;
	v60 =	vbroadcast v16, $0x4;
	[tilespmem:s19+$0xFFFFFE80] =	vst v34;
	v52 =	vld [tilespmem:s18+$0xFFFFFFB0]  }
0x178: {  	v19 =	vmul.f32 v19, v5;
	v45 =	vmul.f32 v56, v57;
	[tilespmem:s19+$0xFFFFFDE0] =	vst v30;
	v30 =	vld [tilespmem:s18+$0x150]  }
0x179: {  	v7 =	vbroadcast v24, $0x7;
	v47 =	vld [tilespmem:s18+$0xFFFFFE90];
	v29 =	vmul.f32 v29, v60  }
0x17a: {  	v20 =	vmul.f32 v11, v20;
	v11 =	vbroadcast v22, $0x7;
	v44 =	vld [tilespmem:s18+$0xFFFFFDF0];
	[tilespmem:s19+$0xFFFFFF10] =	vst v45  }
0x17b: {  	v46 =	vbroadcast v25, $0x3;
	v54 =	vbroadcast v24, $0x4;
	v50 =	vld [tilespmem:s18+$0xFFFFFF20];
	[tilespmem:s19+$0x1F0] =	vst v29  }
0x17c: {  	v63 =	vbroadcast v28, $0x3;
	v9 =	vbroadcast v27, $0x3;
	v48 =	vld [tilespmem:s18+$0x200]  }
0x17d: {  	v49 =	vbroadcast v22, $0x4;
	v36 =	vmul.f32 v52, v54;
	v52 =	vld [tilespmem:s8+$0xFFFFFFC0]  }
0x17e: {  	v31 =	vbroadcast v10, $0x3;
	v9 =	vmul.f32 v59, v9;
	v54 =	vld [tilespmem:s22+$0x80]  }
0x17f: {  	v32 =	vmul.f32 v62, v63;
	v34 =	vmul.f32 v47, v49;
	v49 =	vld [tilespmem:s22+$0x230]  }
0x180: {  	v5 =	vbroadcast v28, $0x7;
	[tilespmem:s19+$0x30] =	vst v9;
	v47 =	vbroadcast v22, $0x6;
	v22 =	vld [tilespmem:s8+$0xFFFFFFE0]  }
0x181: {  	v9 =	vmul.f32 v30, v46;
	[tilespmem:s19+$0xC0] =	vst v32;
	v30 =	vmul.f32 v44, v31;
	v31 =	vld [tilespmem:s18+$0x40]  }
0x182: {  	v18 =	vmul.f32 v18, v14;
	v51 =	vbroadcast v26, $0x4;
	v55 =	vld [tilespmem:s18+$0xD0];
	[tilespmem:s19+$0xFFFFFFB0] =	vst v36  }
0x183: {  	v39 =	vbroadcast v10, $0x5;
	v33 =	vbroadcast v27, $0x6;
	[tilespmem:s19+$0x150] =	vst v9;
	v63 =	vld [tilespmem:s18+$0xFFFFFFC0]  }
0x184: {  	v53 =	vbroadcast v16, $0x5;
	[tilespmem:s19+$0xFFFFFE90] =	vst v34;
	v58 =	vmul.f32 v50, v51;
	v51 =	vld [tilespmem:s8+$0x30]  }
0x185: {  	v56 =	vbroadcast v28, $0x4;
	v45 =	vbroadcast v10, $0x6;
	[tilespmem:s19+$0xFFFFFDF0] =	vst v30;
	v30 =	vld [tilespmem:s18+$0x160]  }
0x186: {  	v29 =	vbroadcast v10, $0x4;
	v59 =	vbroadcast v25, $0x4;
	v60 =	vld [tilespmem:s18+$0xFFFFFEA0]  }
0x187: {  	v62 =	vbroadcast v26, $0x5;
	v10 =	vbroadcast v10, $0x7;
	v57 =	vld [tilespmem:s18+$0xFFFFFE00]  }
0x188: {  	v9 =	vbroadcast v27, $0x4;
	v32 =	vmul.f32 v48, v53;
	[tilespmem:s19+$0xFFFFFF20] =	vst v58;
	v53 =	vld [tilespmem:s22+$0xFFFFFF60]  }
0x189: {  	v44 =	vbroadcast v28, $0x5;
	v34 =	vbroadcast v24, $0x6;
	v42 =	vld [tilespmem:s18+$0xFFFFFF30]  }
0x18a: {  	[tilespmem:s19+$0x200] =	vst v32;
	v9 =	vmul.f32 v31, v9;
	v32 =	vbroadcast v28, $0x6;
	v28 =	vld [tilespmem:s8+$0x10]  }
0x18b: {  	v48 =	vbroadcast v26, $0x6;
	v61 =	vmul.f32 v55, v56;
	v31 =	vld [tilespmem:s18+$0x210]  }
0x18c: {  	v56 =	vbroadcast v16, $0x6;
	[tilespmem:s19+$0x40] =	vst v9;
	v37 =	vmul.f32 v60, v41;
	v60 =	vld [tilespmem:s22+$0xFFFFFED0]  }
0x18d: {  	v9 =	vmul.f32 v30, v59;
	[tilespmem:s19+$0xD0] =	vst v61;
	v59 =	vmul.f32 v12, v6;
	v61 =	vld [tilespmem:s8+$0xFFFFFFD0]  }
0x18e: {  	[tilespmem:s17+$0xF0] =	vst v21;
	v12 =	vbroadcast v26, $0x7;
	v26 =	vadd.f32 v51, v49;
	v49 =	vld [tilespmem:s8+$0xFFFFFFF0];
	v29 =	vmul.f32 v57, v29  }
0x18f: {  	v58 =	vbroadcast v27, $0x5;
	v30 =	vld [tilespmem:s18+$0x50];
	v57 =	vbroadcast v24, $0x5;
	[tilespmem:s19+$0x160] =	vst v9  }
0x190: {  	v17 =	vadd.f32 v52, v17;
	v51 =	vmul.f32 $2.000000030e-01, v26;
	[tilespmem:s19+$0xFFFFFE00] =	vst v29;
	v29 =	vld [tilespmem:s18+$0x170];
	v9 =	vmul.f32 v31, v56  }
0x191: {  	[tilespmem:s17+$0xFFFFFF40] =	vst v8;
	v16 =	vbroadcast v16, $0x7;
	v35 =	vmul.f32 v63, v57;
	v63 =	vld [tilespmem:s22+$0xFFFFFFF0]  }
0x192: {  	v21 =	vmul.f32 $2.000000030e-01, v17;
	v22 =	vadd.f32 v22, v53;
	v8 =	vmax.f32 v26, v51;
	v26 =	vld [tilespmem:s22+$0x110];
	[tilespmem:s19+$0x210] =	vst v9  }
0x193: {  	v6 =	vbroadcast v27, $0x7;
	v36 =	vmul.f32 v42, v62;
	v50 =	vld [tilespmem:s18+$0x220]  }
0x194: {  	v57 =	vmul.f32 $2.000000030e-01, v22;
	v46 =	vld [tilespmem:s18+$0xFFFFFE10];
	v27 =	vmul.f32 $1.442695020e+00, v8  }
0x195: {  	[tilespmem:s17+$0x60] =	vst v19;
	v31 =	vbroadcast v25, $0x5;
	v24 =	vadd.f32 v61, v60;
	v8 =	vbroadcast v25, $0x7  }
0x196: {  	[tilespmem:s17+$0xFFFFFE30] =	vst v15;
	v23 =	vadd.f32 v23, v54;
	v43 =	vld [tilespmem:s18+$0xE0];
	v9 =	vbroadcast v25, $0x6;
	(erf) = vpow2.f32 v27  }
0x197: {  	[tilespmem:s19+$0xFFFFFEA0] =	vst v37;
	v56 =	vld [tilespmem:s22+$0x1A0];
	v30 =	vmul.f32 v30, v58;
	v25 =	vmul.f32 $2.000000030e-01, v24;
	v55 =	vadd.f32 v49, v63  }
0x198: {  	[tilespmem:s19+$0xFFFFFFC0] =	vst v35;
	v27 =	vld [tilespmem:s8+$0x20];
	v29 =	vmul.f32 v29, v31;
	v26 =	vadd.f32 v28, v26;
	v16 =	vmul.f32 v50, v16  }
0x199: {  	v58 =	vld [tilespmem:s15+$0xFFFFFF50];
	[tilespmem:s19+$0x50] =	vst v30;
	v31 =	vmul.f32 v46, v39;
	v14 =	vmax.f32 v24, v25;
	v30 =	vmul.f32 $2.000000030e-01, v55  }
0x19a: {  	v22 =	vmax.f32 v22, v57;
	v38 =	vld [tilespmem:s18+$0xFFFFFFD0];
	v14 =	vmul.f32 $1.442695020e+00, v14;
	[tilespmem:s19+$0x220] =	vst v16;
	v16 =	vmul.f32 $2.000000030e-01, v26  }
0x19b: {  	v62 =	vmul.f32 v43, v44;
	v28 =	vld [tilespmem:s18+$0xFFFFFEB0];
	[tilespmem:s19+$0xFFFFFE10] =	vst v31;
	v25 =	vmax.f32 v55, v30;
	v30 =	vmul.f32 $2.000000030e-01, v23  }
0x19c: {  	[tilespmem:s17+$0x180] =	vst v20;
	v22 =	vmul.f32 $1.442695020e+00, v22;
	v24 =	vld [tilespmem:s18+$0xFFFFFE20];
	(erf) = vpow2.f32 v14;
	v16 =	vmax.f32 v26, v16  }
0x19d: {  	[tilespmem:s19+$0xE0] =	vst v62;
	v40 =	vld [tilespmem:s18+$0x60];
	v25 =	vmul.f32 $1.442695020e+00, v25;
	v14 =	vmax.f32 v23, v30;
	v23 =	vadd.f32 v27, v56  }
0x19e: {  	s23 =	simm.s32 $0x7080;
	[tilespmem:s19+$0xFFFFFF30] =	vst v36;
	v39 =	vld [tilespmem:s18+$0xF0];
	(erf) = vpow2.f32 v22;
	v14 =	vmul.f32 $1.442695020e+00, v14  }
0x19f: {  	[tilespmem:s19+$0x170] =	vst v29;
	v29 =	vld [tilespmem:s18+$0xFFFFFF40];
	v19 =	vmul.f32 $2.000000030e-01, v23;
	v22 =	vmul.f32 $1.442695020e+00, v16;
	v16 =	vpop (erf)  }
0x1a0: {  	v15 =	vmax.f32 v17, v21;
	v20 =	vld [tilespmem:s18+$0x180];
	(erf) = vpow2.f32 v25;
	v25 =	vmul.f32 v58, v13;
	[tilespmem:s23+$0x230] =	vst v16  }
0x1a1: {  	[tilespmem:s17+$0xFFFFFFD0] =	vst v59;
	(erf) = vpow2.f32 v14;
	v14 =	vmul.f32 v24, v45;
	v19 =	vmax.f32 v23, v19;
	v21 =	vld [tilespmem:s22+$0x1B0]  }
0x1a2: {  	v13 =	vld [tilespmem:s15+$0xFFFFFFE0];
	v17 =	vmul.f32 $1.442695020e+00, v19;
	(erf) = vpow2.f32 v22  }
0x1a3: {  	v15 =	vmul.f32 $1.442695020e+00, v15;
	[tilespmem:s19+$0xFFFFFE20] =	vst v14;
	v22 =	vmul.f32 v28, v47;
	v14 =	vld [tilespmem:s15+$0x70]  }
0x1a4: {  	[tilespmem:s17+$0xFFFFFEC0] =	vst v18;
	v19 =	vld [tilespmem:s18+$0xFFFFFE30];
	v24 =	vbroadcast v16, $0x0;
	(erf) = vpow2.f32 v17  }
0x1a5: {  	v17 =	vmul.f32 v29, v48;
	v18 =	vpop (erf);
	[tilespmem:s19+$0xFFFFFEB0] =	vst v22;
	(erf) = vpow2.f32 v15;
	v15 =	vld [tilespmem:s15+$0x100]  }
0x1a6: {  	v34 =	vmul.f32 v38, v34;
	[tilespmem:s23+$0xFFFFFED0] =	vst v18;
	v23 =	vld [tilespmem:s18+$0xFFFFFEC0];
	v22 =	vmul.f32 v24, v21  }
0x1a7: {  	v33 =	vmul.f32 v40, v33;
	v32 =	vmul.f32 v39, v32;
	v29 =	vld [tilespmem:s22+$0xFFFFFE50];
	[tilespmem:s19+$0xFFFFFF40] =	vst v17;
	v21 =	vpop (erf)  }
0x1a8: {  	v61 =	vbroadcast v16, $0x1;
	v27 =	vbroadcast v18, $0x0;
	v26 =	vld [tilespmem:s18+$0xFFFFFF50];
	[tilespmem:s23+$0xFFFFFF60] =	vst v21  }
0x1a9: {  	v28 =	vbroadcast v18, $0x1;
	v35 =	vbroadcast v18, $0x2;
	v17 =	vpop (erf);
	v31 =	vld [tilespmem:s22+$0xFFFFFEE0];
	[tilespmem:s23+$0x1B0] =	vst v22  }
0x1aa: {  	v30 =	vbroadcast v21, $0x0;
	v36 =	vbroadcast v21, $0x1;
	[tilespmem:s23+$0xFFFFFFF0] =	vst v17;
	v59 =	vld [tilespmem:s22+$0x1C0];
	v22 =	vpop (erf)  }
0x1ab: {  	v42 =	vbroadcast v21, $0x2;
	v37 =	vbroadcast v17, $0x0;
	v45 =	vld [tilespmem:s22+$0xFFFFFF70];
	[tilespmem:s23+$0x80] =	vst v22;
	v24 =	vpop (erf)  }
0x1ac: {  	v41 =	vbroadcast v17, $0x1;
	v27 =	vmul.f32 v27, v29;
	v29 =	vld [tilespmem:s22+$0x0];
	[tilespmem:s23+$0x110] =	vst v24  }
0x1ad: {  	[tilespmem:s17+$0xFFFFFF50] =	vst v25;
	v43 =	vbroadcast v17, $0x2;
	v58 =	vbroadcast v17, $0x4;
	v25 =	vpop (erf);
	v60 =	vld [tilespmem:s22+$0x90]  }
0x1ae: {  	v46 =	vbroadcast v22, $0x0;
	v62 =	vmul.f32 v30, v31;
	[tilespmem:s23+$0x1A0] =	vst v25;
	v31 =	vpop (erf);
	v30 =	vld [tilespmem:s15+$0x190]  }
0x1af: {  	v47 =	vbroadcast v22, $0x1;
	[tilespmem:s23+$0xFFFFFE40] =	vst v31;
	v55 =	vld [tilespmem:s22+$0x120];
	v44 =	vmul.f32 v61, v59  }
0x1b0: {  	[tilespmem:s23+$0xFFFFFE50] =	vst v27;
	v48 =	vbroadcast v24, $0x0;
	v50 =	vbroadcast v24, $0x1;
	v63 =	vld [tilespmem:s22+$0xFFFFFDC0]  }
0x1b1: {  	v52 =	vbroadcast v24, $0x2;
	v27 =	vmul.f32 v37, v45;
	v37 =	vld [tilespmem:s22+$0xFFFFFE60];
	[tilespmem:s23+$0x1C0] =	vst v44  }
0x1b2: {  	v53 =	vbroadcast v25, $0x0;
	[tilespmem:s23+$0xFFFFFEE0] =	vst v62;
	v29 =	vmul.f32 v46, v29;
	v61 =	vld [tilespmem:s22+$0x1D0]  }
0x1b3: {  	v54 =	vbroadcast v31, $0x0;
	v62 =	vld [tilespmem:s22+$0xFFFFFEF0];
	[tilespmem:s23+$0xFFFFFF70] =	vst v27;
	v60 =	vmul.f32 v48, v60  }
0x1b4: {  	v49 =	vbroadcast v24, $0x4;
	v57 =	vld [tilespmem:s22+$0xFFFFFF80];
	[tilespmem:s23+$0x0] =	vst v29;
	v29 =	vmul.f32 v53, v55  }
0x1b5: {  	v59 =	vbroadcast v16, $0x2;
	v51 =	vmul.f32 v54, v63;
	v63 =	vld [tilespmem:s22+$0x10];
	[tilespmem:s23+$0x90] =	vst v60  }
0x1b6: {  	v56 =	vbroadcast v31, $0x1;
	v28 =	vmul.f32 v28, v37;
	v37 =	vld [tilespmem:s22+$0xA0];
	[tilespmem:s23+$0x120] =	vst v29  }
0x1b7: {  	v45 =	vbroadcast v25, $0x1;
	[tilespmem:s23+$0xFFFFFDC0] =	vst v51;
	v60 =	vld [tilespmem:s22+$0x130];
	v46 =	vmul.f32 v59, v61  }
0x1b8: {  	v44 =	vbroadcast v31, $0x2;
	[tilespmem:s23+$0xFFFFFE60] =	vst v28;
	v28 =	vmul.f32 v36, v62;
	v61 =	vld [tilespmem:s22+$0xFFFFFDD0]  }
0x1b9: {  	v27 =	vbroadcast v22, $0x2;
	v62 =	vld [tilespmem:s22+$0xFFFFFE70];
	v41 =	vmul.f32 v41, v57;
	[tilespmem:s23+$0x1D0] =	vst v46  }
0x1ba: {  	v53 =	vbroadcast v25, $0x2;
	[tilespmem:s23+$0xFFFFFEF0] =	vst v28;
	v28 =	vmul.f32 v47, v63;
	v47 =	vld [tilespmem:s22+$0x1E0]  }
0x1bb: {  	v55 =	vbroadcast v31, $0x3;
	[tilespmem:s23+$0xFFFFFF80] =	vst v41;
	v63 =	vld [tilespmem:s22+$0xFFFFFF00];
	v37 =	vmul.f32 v50, v37  }
0x1bc: {  	v54 =	vbroadcast v21, $0x4;
	v41 =	vld [tilespmem:s22+$0xFFFFFF90];
	[tilespmem:s23+$0x10] =	vst v28;
	v28 =	vmul.f32 v45, v60  }
0x1bd: {  	v48 =	vmul.f32 v56, v61;
	v60 =	vld [tilespmem:s22+$0x20];
	[tilespmem:s23+$0xA0] =	vst v37;
	v61 =	vbroadcast v16, $0x3  }
0x1be: {  	v29 =	vbroadcast v18, $0x3;
	v35 =	vmul.f32 v35, v62;
	v62 =	vld [tilespmem:s22+$0xB0];
	[tilespmem:s23+$0x130] =	vst v28  }
0x1bf: {  	v36 =	vbroadcast v21, $0x3;
	[tilespmem:s23+$0xFFFFFDD0] =	vst v48;
	v48 =	vld [tilespmem:s22+$0x140];
	v37 =	vmul.f32 v47, v61  }
0x1c0: {  	v57 =	vbroadcast v17, $0x3;
	[tilespmem:s23+$0xFFFFFE70] =	vst v35;
	v63 =	vmul.f32 v42, v63;
	v47 =	vld [tilespmem:s22+$0xFFFFFDE0]  }
0x1c1: {  	v51 =	vbroadcast v22, $0x4;
	v42 =	vld [tilespmem:s22+$0xFFFFFE80];
	v41 =	vmul.f32 v43, v41;
	[tilespmem:s23+$0x1E0] =	vst v37  }
0x1c2: {  	v59 =	vbroadcast v18, $0x5;
	[tilespmem:s23+$0xFFFFFF00] =	vst v63;
	v27 =	vmul.f32 v27, v60;
	v60 =	vld [tilespmem:s22+$0x1F0]  }
0x1c3: {  	v46 =	vbroadcast v22, $0x3;
	[tilespmem:s23+$0xFFFFFF90] =	vst v41;
	v61 =	vld [tilespmem:s22+$0xFFFFFF10];
	v62 =	vmul.f32 v52, v62  }
0x1c4: {  	v50 =	vbroadcast v24, $0x3;
	v43 =	vld [tilespmem:s22+$0xFFFFFFA0];
	[tilespmem:s23+$0x20] =	vst v27;
	v27 =	vmul.f32 v53, v48  }
0x1c5: {  	v63 =	vbroadcast v16, $0x4;
	v44 =	vmul.f32 v44, v47;
	v47 =	vld [tilespmem:s22+$0x30];
	[tilespmem:s23+$0xB0] =	vst v62  }
0x1c6: {  	v45 =	vbroadcast v25, $0x3;
	v29 =	vmul.f32 v42, v29;
	v53 =	vld [tilespmem:s22+$0xC0];
	[tilespmem:s23+$0x140] =	vst v27  }
0x1c7: {  	v56 =	vbroadcast v31, $0x4;
	[tilespmem:s23+$0xFFFFFDE0] =	vst v44;
	v27 =	vld [tilespmem:s22+$0x150];
	v35 =	vmul.f32 v60, v63  }
0x1c8: {  	v28 =	vbroadcast v18, $0x4;
	[tilespmem:s23+$0xFFFFFE80] =	vst v29;
	v29 =	vmul.f32 v61, v36;
	v48 =	vld [tilespmem:s22+$0xFFFFFDF0]  }
0x1c9: {  	v41 =	vbroadcast v31, $0x5;
	v37 =	vld [tilespmem:s22+$0xFFFFFE90];
	v57 =	vmul.f32 v43, v57;
	[tilespmem:s23+$0x1F0] =	vst v35  }
0x1ca: {  	v52 =	vbroadcast v25, $0x4;
	[tilespmem:s23+$0xFFFFFF10] =	vst v29;
	v29 =	vmul.f32 v47, v46;
	v46 =	vld [tilespmem:s22+$0x200]  }
0x1cb: {  	v42 =	vbroadcast v22, $0x5;
	[tilespmem:s23+$0xFFFFFFA0] =	vst v57;
	v47 =	vld [tilespmem:s22+$0xFFFFFF20];
	v61 =	vmul.f32 v53, v50  }
0x1cc: {  	v60 =	vbroadcast v21, $0x5;
	v62 =	vld [tilespmem:s22+$0xFFFFFFB0];
	[tilespmem:s23+$0x30] =	vst v29;
	v27 =	vmul.f32 v27, v45  }
0x1cd: {  	v63 =	vbroadcast v16, $0x5;
	v29 =	vmul.f32 v48, v55;
	v48 =	vld [tilespmem:s22+$0x40];
	[tilespmem:s23+$0xC0] =	vst v61  }
0x1ce: {  	v44 =	vbroadcast v17, $0x5;
	v28 =	vmul.f32 v37, v28;
	v55 =	vld [tilespmem:s22+$0xD0];
	[tilespmem:s23+$0x150] =	vst v27  }
0x1cf: {  	v43 =	vbroadcast v24, $0x5;
	[tilespmem:s23+$0xFFFFFDF0] =	vst v29;
	v57 =	vld [tilespmem:s22+$0x160];
	v29 =	vmul.f32 v46, v63  }
0x1d0: {  	v36 =	vbroadcast v31, $0x6;
	[tilespmem:s23+$0xFFFFFE90] =	vst v28;
	v28 =	vmul.f32 v47, v54;
	v61 =	vld [tilespmem:s22+$0xFFFFFE00]  }
0x1d1: {  	v35 =	vbroadcast v18, $0x6;
	v47 =	vld [tilespmem:s22+$0xFFFFFEA0];
	v62 =	vmul.f32 v62, v58;
	[tilespmem:s23+$0x200] =	vst v29  }
0x1d2: {  	v45 =	vbroadcast v25, $0x5;
	[tilespmem:s23+$0xFFFFFF20] =	vst v28;
	v63 =	vmul.f32 v48, v51;
	v51 =	vld [tilespmem:s22+$0x210]  }
0x1d3: {  	v37 =	vbroadcast v21, $0x6;
	[tilespmem:s23+$0xFFFFFFB0] =	vst v62;
	v54 =	vld [tilespmem:s22+$0xFFFFFF30];
	v55 =	vmul.f32 v55, v49  }
0x1d4: {  	v27 =	vbroadcast v17, $0x6;
	v48 =	vld [tilespmem:s22+$0xFFFFFFC0];
	[tilespmem:s23+$0x40] =	vst v63;
	v58 =	vmul.f32 v57, v52  }
0x1d5: {  	v62 =	vbroadcast v16, $0x6;
	v61 =	vmul.f32 v61, v56;
	v49 =	vld [tilespmem:s22+$0x50];
	[tilespmem:s23+$0xD0] =	vst v55  }
0x1d6: {  	v46 =	vbroadcast v25, $0x6;
	v63 =	vmul.f32 v47, v59;
	v47 =	vld [tilespmem:s22+$0xE0];
	[tilespmem:s23+$0x160] =	vst v58  }
0x1d7: {  	v28 =	vbroadcast v22, $0x6;
	[tilespmem:s23+$0xFFFFFE00] =	vst v61;
	v38 =	vld [tilespmem:s22+$0x170];
	v50 =	vmul.f32 v51, v62  }
0x1d8: {  	s9 =	simm.s32 $0x1060;
	s15 =	simm.s32 $0x10;
	v29 =	vbroadcast v24, $0x6;
	[tilespmem:s23+$0xFFFFFEA0] =	vst v63;
	v51 =	vmul.f32 v54, v60;
	v40 =	vld [tilespmem:s22+$0xFFFFFE10]  }
.LBB2_5:
0x1d9: {  	v39 =	vld [tilespmem:s9+$0x230];
	v44 =	vmul.f32 v48, v44;
	[tilespmem:s23+$0x210] =	vst v50;
	v20 =	vmul.f32 v20, v9;
	v9 =	vmov v46  }
0x1da: {  	v31 =	vbroadcast v31, $0x7;
	s8 =	sadd.s32 $0x80, s8;
	[tilespmem:s23+$0xFFFFFF30] =	vst v51;
	v42 =	vmul.f32 v49, v42;
	v46 =	vld [tilespmem:s22+$0x220]  }
0x1db: {  	s15 =	sadd.s32 $0x8, s15;
	v18 =	vbroadcast v18, $0x7;
	v48 =	vld [tilespmem:s8+$0x30];
	[tilespmem:s23+$0xFFFFFFC0] =	vst v44;
	v43 =	vmul.f32 v47, v43  }
0x1dc: {  	v21 =	vbroadcast v21, $0x7;
	p0 =	slt.u32 s15, $0x48;
	v44 =	vld [tilespmem:s8+$0xFFFFFFC0];
	[tilespmem:s23+$0x50] =	vst v42;
	v38 =	vmul.f32 v38, v45  }
0x1dd: {  	v16 =	vbroadcast v16, $0x7;
	v42 =	vld [tilespmem:s9+$0xFFFFFED0];
	v40 =	vmul.f32 v40, v41;
	[tilespmem:s23+$0xE0] =	vst v43  }
0x1de: {  	v17 =	vbroadcast v17, $0x7;
	v22 =	vbroadcast v22, $0x7;
	v41 =	vld [tilespmem:s8+$0xFFFFFFD0];
	[tilespmem:s23+$0x170] =	vst v38  }
0x1df: {  	v24 =	vbroadcast v24, $0x7;
	v38 =	vld [tilespmem:s9+$0xFFFFFF60];
	[tilespmem:s23+$0xFFFFFE10] =	vst v40;
	v16 =	vmul.f32 v46, v16  }
0x1e0: {  	v25 =	vbroadcast v25, $0x7;
	v19 =	vmul.f32 v19, v10;
	v10 =	vmovc v31;
	v40 =	vld [tilespmem:s8+$0xFFFFFFE0];
	v39 =	vadd.f32 v48, v39;
	[tilespmem:s19+$0xFFFFFFD0] =	vst v34  }
0x1e1: {  	v31 =	vld [tilespmem:s9+$0xFFFFFFF0];
	[tilespmem:s23+$0x220] =	vst v16;
	v16 =	vmul.f32 v23, v11;
	v23 =	vmul.f32 v26, v12;
	v11 =	vmovc v18;
	v12 =	vmov v21  }
0x1e2: {  	v13 =	vmul.f32 v13, v1;
	v1 =	vmovc v7;
	v7 =	vmov v17;
	v18 =	vld [tilespmem:s8+$0xFFFFFFF0];
	v21 =	vmul.f32 $2.000000030e-01, v39;
	[tilespmem:s19+$0x60] =	vst v33  }
0x1e3: {  	v14 =	vmul.f32 v14, v3;
	v15 =	vmul.f32 v15, v4;
	v17 =	vadd.f32 v41, v42;
	v26 =	vld [tilespmem:s9+$0x80];
	[tilespmem:s19+$0xF0] =	vst v32  }
0x1e4: {  	v3 =	vmovc v6;
	v6 =	vmov v22;
	v32 =	vld [tilespmem:s8+$0x0];
	v34 =	vmax.f32 v39, v21;
	[tilespmem:s19+$0x180] =	vst v20;
	v20 =	vmul.f32 v30, v2  }
0x1e5: {  	v4 =	vmovc v5;
	v5 =	vmovc v24;
	v21 =	vmul.f32 $2.000000030e-01, v17;
	v22 =	vadd.f32 v40, v38;
	v30 =	vld [tilespmem:s9+$0x110];
	v33 =	vmul.f32 $1.442695020e+00, v34;
	[tilespmem:s19+$0xFFFFFE30] =	vst v19  }
0x1e6: {  	v2 =	vmov v8;
	v8 =	vmov v25;
	v19 =	vld [tilespmem:s8+$0x10];
	[tilespmem:s19+$0xFFFFFEC0] =	vst v16  }
0x1e7: {  	v16 =	vmul.f32 $2.000000030e-01, v22;
	v18 =	vadd.f32 v18, v31;
	v24 =	vld [tilespmem:s9+$0x1A0];
	(erf) = vpow2.f32 v33;
	[tilespmem:s19+$0xFFFFFF50] =	vst v23  }
0x1e8: {  	v17 =	vmax.f32 v17, v21;
	v21 =	vld [tilespmem:s8+$0x20];
	[tilespmem:s17+$0xFFFFFFE0] =	vst v13  }
0x1e9: {  	v13 =	vld [tilespmem:s9+$0xFFFFFE40];
	v16 =	vmax.f32 v22, v16;
	v22 =	vmul.f32 $2.000000030e-01, v18;
	v23 =	vadd.f32 v32, v26;
	[tilespmem:s17+$0x70] =	vst v14  }
0x1ea: {  	v14 =	vmul.f32 $1.442695020e+00, v17;
	v16 =	vmul.f32 $1.442695020e+00, v16;
	v17 =	vld [tilespmem:s22+$0xFFFFFE20];
	[tilespmem:s17+$0x100] =	vst v15  }
0x1eb: {  	v15 =	vmax.f32 v18, v22;
	v18 =	vmul.f32 $2.000000030e-01, v23;
	v19 =	vadd.f32 v19, v30;
	v22 =	vld [tilespmem:s22+$0xFFFFFEB0];
	[tilespmem:s17+$0x190] =	vst v20;
	s17 =	smov.u32 s19;
	s19 =	smov.u32 s23  }
0x1ec: {  	v15 =	vmul.f32 $1.442695020e+00, v15;
	(erf) = vpow2.f32 v14;
	v25 =	vld [tilespmem:s22+$0xFFFFFF40]  }
0x1ed: {  	v14 =	vmax.f32 v23, v18;
	v18 =	vmul.f32 $2.000000030e-01, v19;
	v21 =	vadd.f32 v21, v24;
	v34 =	vld [tilespmem:s22+$0xFFFFFFD0]  }
0x1ee: {  	v23 =	vadd.f32 v44, v13;
	v13 =	vmul.f32 $1.442695020e+00, v14;
	(erf) = vpow2.f32 v16;
	v33 =	vld [tilespmem:s22+$0x60]  }
0x1ef: {  	s23 =	sadd.s32 $0x480, s23;
	v14 =	vmax.f32 v19, v18;
	v18 =	vmul.f32 $2.000000030e-01, v21;
	(erf) = vpow2.f32 v15;
	v32 =	vld [tilespmem:s22+$0xF0]  }
0x1f0: {  	v15 =	vmul.f32 $2.000000030e-01, v23;
	v14 =	vmul.f32 $1.442695020e+00, v14;
	v16 =	vpop (erf);
	v20 =	vld [tilespmem:s22+$0x180]  }
0x1f1: {  	v17 =	vmul.f32 v17, v36;
	v18 =	vmax.f32 v21, v18;
	[tilespmem:s23+$0x230] =	vst v16;
	(erf) = vpow2.f32 v13;
	v13 =	vld [tilespmem:s18+$0xFFFFFFE0]  }
0x1f2: {  	v15 =	vmax.f32 v23, v15;
	v23 =	vmul.f32 $1.442695020e+00, v18;
	v21 =	vld [tilespmem:s9+$0x1B0];
	(erf) = vpow2.f32 v14  }
0x1f3: {  	v15 =	vmul.f32 $1.442695020e+00, v15;
	[tilespmem:s19+$0xFFFFFE20] =	vst v17;
	v17 =	vmul.f32 v22, v35;
	v14 =	vld [tilespmem:s18+$0x70]  }
0x1f4: {  	v22 =	vmul.f32 v25, v37;
	(erf) = vpow2.f32 v23;
	v19 =	vld [tilespmem:s22+$0xFFFFFE30]  }
0x1f5: {  	v24 =	vbroadcast v16, $0x0;
	(erf) = vpow2.f32 v15;
	v18 =	vpop (erf);
	[tilespmem:s19+$0xFFFFFEB0] =	vst v17;
	v15 =	vld [tilespmem:s18+$0x100]  }
0x1f6: {  	[tilespmem:s23+$0xFFFFFED0] =	vst v18;
	v25 =	vbroadcast v18, $0x0;
	v35 =	vbroadcast v18, $0x1;
	v23 =	vld [tilespmem:s22+$0xFFFFFEC0]  }
0x1f7: {  	v36 =	vbroadcast v18, $0x2;
	v30 =	vld [tilespmem:s9+$0xFFFFFE50];
	v24 =	vmul.f32 v24, v21;
	v21 =	vpop (erf);
	[tilespmem:s19+$0xFFFFFF40] =	vst v22  }
0x1f8: {  	[tilespmem:s23+$0xFFFFFF60] =	vst v21;
	v31 =	vbroadcast v21, $0x0;
	v37 =	vbroadcast v21, $0x1;
	v17 =	vpop (erf);
	v26 =	vld [tilespmem:s22+$0xFFFFFF50]  }
0x1f9: {  	v38 =	vld [tilespmem:s9+$0xFFFFFEE0];
	v39 =	vbroadcast v17, $0x0;
	v40 =	vbroadcast v17, $0x1;
	[tilespmem:s23+$0x1B0] =	vst v24  }
0x1fa: {  	v41 =	vbroadcast v21, $0x2;
	v42 =	vbroadcast v17, $0x2;
	[tilespmem:s23+$0xFFFFFFF0] =	vst v17;
	v43 =	vld [tilespmem:s9+$0x1C0];
	v22 =	vpop (erf)  }
0x1fb: {  	v44 =	vld [tilespmem:s9+$0xFFFFFF70];
	[tilespmem:s23+$0x80] =	vst v22;
	v45 =	vbroadcast v22, $0x0;
	v46 =	vbroadcast v22, $0x1;
	v24 =	vpop (erf)  }
0x1fc: {  	v47 =	vmul.f32 v25, v30;
	v48 =	vld [tilespmem:s9+$0x0];
	[tilespmem:s23+$0x110] =	vst v24;
	v49 =	vbroadcast v24, $0x0  }
0x1fd: {  	v52 =	vbroadcast v16, $0x1;
	v51 =	vbroadcast v24, $0x1;
	v50 =	vld [tilespmem:s9+$0x90];
	v25 =	vpop (erf)  }
0x1fe: {  	v38 =	vmul.f32 v31, v38;
	[tilespmem:s23+$0x1A0] =	vst v25;
	v53 =	vbroadcast v25, $0x0;
	v31 =	vpop (erf);
	v30 =	vld [tilespmem:s18+$0x190];
	s18 =	smov.u32 s22;
	s22 =	smov.u32 s9  }
0x1ff: {  	[tilespmem:s23+$0xFFFFFE40] =	vst v31;
	v54 =	vbroadcast v31, $0x0;
	v55 =	vld [tilespmem:s9+$0x120];
	v43 =	vmul.f32 v52, v43  }
0x200: {  	v56 =	vbroadcast v31, $0x1;
	v52 =	vld [tilespmem:s9+$0xFFFFFDC0];
	[tilespmem:s23+$0xFFFFFE50] =	vst v47;
	v39 =	vmul.f32 v39, v44  }
0x201: {  	v47 =	vbroadcast v25, $0x1;
	v44 =	vld [tilespmem:s9+$0xFFFFFE60];
	v45 =	vmul.f32 v45, v48;
	[tilespmem:s23+$0x1C0] =	vst v43  }
0x202: {  	v43 =	vbroadcast v31, $0x2;
	[tilespmem:s23+$0xFFFFFEE0] =	vst v38;
	v38 =	vmul.f32 v49, v50;
	v48 =	vld [tilespmem:s9+$0x1D0]  }
0x203: {  	v50 =	vbroadcast v24, $0x2;
	v49 =	vld [tilespmem:s9+$0xFFFFFEF0];
	[tilespmem:s23+$0xFFFFFF70] =	vst v39;
	v39 =	vbroadcast v22, $0x2  }
0x204: {  	v57 =	vld [tilespmem:s9+$0xFFFFFF80];
	[tilespmem:s23+$0x0] =	vst v45;
	v45 =	vmul.f32 v53, v55;
	v53 =	vbroadcast v25, $0x2  }
0x205: {  	v52 =	vmul.f32 v54, v52;
	v54 =	vld [tilespmem:s9+$0x10];
	[tilespmem:s23+$0x90] =	vst v38;
	v38 =	vbroadcast v16, $0x2  }
0x206: {  	v55 =	vbroadcast v31, $0x3;
	v35 =	vmul.f32 v35, v44;
	v44 =	vld [tilespmem:s9+$0xA0];
	[tilespmem:s23+$0x120] =	vst v45  }
0x207: {  	v45 =	vbroadcast v18, $0x3;
	[tilespmem:s23+$0xFFFFFDC0] =	vst v52;
	v52 =	vld [tilespmem:s9+$0x130];
	v38 =	vmul.f32 v38, v48  }
0x208: {  	v48 =	vld [tilespmem:s9+$0xFFFFFDD0];
	[tilespmem:s23+$0xFFFFFE60] =	vst v35;
	v35 =	vmul.f32 v37, v49;
	v37 =	vbroadcast v21, $0x3  }
0x209: {  	v49 =	vld [tilespmem:s9+$0xFFFFFE70];
	v40 =	vmul.f32 v40, v57;
	v57 =	vbroadcast v17, $0x3;
	[tilespmem:s23+$0x1D0] =	vst v38  }
0x20a: {  	v38 =	vbroadcast v22, $0x3;
	[tilespmem:s23+$0xFFFFFEF0] =	vst v35;
	v35 =	vmul.f32 v46, v54;
	v46 =	vld [tilespmem:s9+$0x1E0]  }
0x20b: {  	v54 =	vld [tilespmem:s9+$0xFFFFFF00];
	[tilespmem:s23+$0xFFFFFF80] =	vst v40;
	v40 =	vmul.f32 v51, v44;
	v51 =	vbroadcast v24, $0x3  }
0x20c: {  	v44 =	vld [tilespmem:s9+$0xFFFFFF90];
	[tilespmem:s23+$0x10] =	vst v35;
	v35 =	vmul.f32 v47, v52;
	v47 =	vbroadcast v25, $0x3  }
0x20d: {  	v48 =	vmul.f32 v56, v48;
	v52 =	vld [tilespmem:s9+$0x20];
	[tilespmem:s23+$0xA0] =	vst v40;
	v40 =	vbroadcast v16, $0x3  }
0x20e: {  	v56 =	vbroadcast v31, $0x4;
	v36 =	vmul.f32 v36, v49;
	v49 =	vld [tilespmem:s9+$0xB0];
	[tilespmem:s23+$0x130] =	vst v35  }
0x20f: {  	v35 =	vbroadcast v18, $0x4;
	[tilespmem:s23+$0xFFFFFDD0] =	vst v48;
	v48 =	vld [tilespmem:s9+$0x140];
	v40 =	vmul.f32 v46, v40  }
0x210: {  	v46 =	vld [tilespmem:s9+$0xFFFFFDE0];
	[tilespmem:s23+$0xFFFFFE70] =	vst v36;
	v36 =	vmul.f32 v41, v54;
	v54 =	vbroadcast v21, $0x4  }
0x211: {  	v59 =	vbroadcast v17, $0x4;
	v58 =	vld [tilespmem:s9+$0xFFFFFE80];
	v41 =	vmul.f32 v42, v44;
	[tilespmem:s23+$0x1E0] =	vst v40  }
0x212: {  	[tilespmem:s23+$0xFFFFFF00] =	vst v36;
	v36 =	vmul.f32 v39, v52;
	v39 =	vbroadcast v22, $0x4;
	v40 =	vld [tilespmem:s9+$0x1F0]  }
0x213: {  	v42 =	vld [tilespmem:s9+$0xFFFFFF10];
	[tilespmem:s23+$0xFFFFFF90] =	vst v41;
	v41 =	vmul.f32 v50, v49;
	v49 =	vbroadcast v24, $0x4  }
0x214: {  	v50 =	vbroadcast v25, $0x4;
	v44 =	vld [tilespmem:s9+$0xFFFFFFA0];
	[tilespmem:s23+$0x20] =	vst v36;
	v36 =	vmul.f32 v53, v48  }
0x215: {  	v48 =	vbroadcast v16, $0x4;
	v43 =	vmul.f32 v43, v46;
	v46 =	vld [tilespmem:s9+$0x30];
	[tilespmem:s23+$0xB0] =	vst v41  }
0x216: {  	v41 =	vbroadcast v31, $0x5;
	v45 =	vmul.f32 v58, v45;
	v52 =	vld [tilespmem:s9+$0xC0];
	[tilespmem:s23+$0x140] =	vst v36  }
0x217: {  	v53 =	vbroadcast v18, $0x5;
	[tilespmem:s23+$0xFFFFFDE0] =	vst v43;
	v36 =	vld [tilespmem:s9+$0x150];
	v40 =	vmul.f32 v40, v48  }
0x218: {  	v58 =	vbroadcast v21, $0x5;
	v48 =	vld [tilespmem:s9+$0xFFFFFDF0];
	[tilespmem:s23+$0xFFFFFE80] =	vst v45;
	v37 =	vmul.f32 v42, v37  }
0x219: {  	v60 =	vld [tilespmem:s9+$0xFFFFFE90];
	v43 =	vmul.f32 v44, v57;
	v44 =	vbroadcast v17, $0x5;
	[tilespmem:s23+$0x1F0] =	vst v40  }
0x21a: {  	v42 =	vbroadcast v22, $0x5;
	[tilespmem:s23+$0xFFFFFF10] =	vst v37;
	v37 =	vmul.f32 v46, v38;
	v38 =	vld [tilespmem:s9+$0x200]  }
0x21b: {  	v40 =	vld [tilespmem:s9+$0xFFFFFF20];
	[tilespmem:s23+$0xFFFFFFA0] =	vst v43;
	v46 =	vmul.f32 v52, v51;
	v43 =	vbroadcast v24, $0x5  }
0x21c: {  	v45 =	vbroadcast v25, $0x5;
	v51 =	vld [tilespmem:s9+$0xFFFFFFB0];
	[tilespmem:s23+$0x30] =	vst v37;
	v37 =	vmul.f32 v36, v47  }
0x21d: {  	v47 =	vmul.f32 v48, v55;
	v48 =	vld [tilespmem:s9+$0x40];
	[tilespmem:s23+$0xC0] =	vst v46;
	v46 =	vbroadcast v16, $0x5  }
0x21e: {  	v36 =	vbroadcast v31, $0x6;
	v52 =	vmul.f32 v60, v35;
	v55 =	vld [tilespmem:s9+$0xD0];
	[tilespmem:s23+$0x150] =	vst v37  }
0x21f: {  	v35 =	vbroadcast v18, $0x6;
	[tilespmem:s23+$0xFFFFFDF0] =	vst v47;
	v47 =	vld [tilespmem:s9+$0x160];
	v38 =	vmul.f32 v38, v46  }
0x220: {  	v37 =	vbroadcast v21, $0x6;
	v57 =	vld [tilespmem:s9+$0xFFFFFE00];
	[tilespmem:s23+$0xFFFFFE90] =	vst v52;
	v40 =	vmul.f32 v40, v54  }
0x221: {  	v52 =	vld [tilespmem:s9+$0xFFFFFEA0];
	v46 =	vmul.f32 v51, v59;
	v51 =	vbroadcast v17, $0x6;
	[tilespmem:s23+$0x200] =	vst v38  }
0x222: {  	[tilespmem:s23+$0xFFFFFF20] =	vst v40;
	v38 =	vmul.f32 v48, v39;
	v39 =	vbroadcast v22, $0x6;
	v40 =	vld [tilespmem:s9+$0x210]  }
0x223: {  	v59 =	vbroadcast v24, $0x6;
	v54 =	vld [tilespmem:s9+$0xFFFFFF30];
	[tilespmem:s23+$0xFFFFFFB0] =	vst v46;
	v55 =	vmul.f32 v55, v49  }
.Ltmp1:
0x224: {  	v46 =	vbroadcast v25, $0x6;
	v48 =	vld [tilespmem:s9+$0xFFFFFFC0];
	[tilespmem:s23+$0x40] =	vst v38;
	v38 =	vmul.f32 v47, v50;
	(pc) =	sbr.rel @p0 .LBB2_5-.Ltmp1, $4  }
0x225: {  	v50 =	vmul.f32 v57, v56;
	v49 =	vld [tilespmem:s9+$0x50];
	[tilespmem:s23+$0xD0] =	vst v55;
	v55 =	vbroadcast v16, $0x6  }
0x226: {  	v34 =	vmul.f32 v34, v27;
	v27 =	vmov v51;
	v52 =	vmul.f32 v52, v53;
	v47 =	vld [tilespmem:s9+$0xE0];
	[tilespmem:s23+$0x160] =	vst v38  }
0x227: {  	v33 =	vmul.f32 v33, v28;
	v28 =	vmov v39;
	[tilespmem:s23+$0xFFFFFE00] =	vst v50;
	v38 =	vld [tilespmem:s9+$0x170];
	v50 =	vmul.f32 v40, v55  }
0x228: {  	v32 =	vmul.f32 v32, v29;
	v29 =	vmov v59;
	s9 =	sadd.s32 $0x480, s9;
	v40 =	vld [tilespmem:s22+$0xFFFFFE10];
	[tilespmem:s23+$0xFFFFFEA0] =	vst v52;
	v51 =	vmul.f32 v54, v58  }
0x229: {  	[tilespmem:s23+$0x210] =	vst v50  }
0x22a: {  	[tilespmem:s19+$0xFFFFFFD0] =	vst v34  }
0x22b: {  	[tilespmem:s19+$0x60] =	vst v33  }
0x22c: {  	v39 =	vmul.f32 v48, v44;
	[tilespmem:s23+$0xFFFFFF30] =	vst v51  }
0x22d: {  	v9 =	vmul.f32 v20, v9;
	[tilespmem:s19+$0xF0] =	vst v32  }
0x22e: {  	v10 =	vmul.f32 v19, v10;
	[tilespmem:s23+$0xFFFFFFC0] =	vst v39  }
0x22f: {  	v11 =	vmul.f32 v23, v11;
	[tilespmem:s19+$0x180] =	vst v9  }
0x230: {  	v1 =	vmul.f32 v13, v1;
	[tilespmem:s19+$0xFFFFFE30] =	vst v10  }
0x231: {  	v3 =	vmul.f32 v14, v3;
	[tilespmem:s19+$0xFFFFFEC0] =	vst v11  }
0x232: {  	v42 =	vmul.f32 v49, v42;
	v62 =	vld [tilespmem:s22+$0x220];
	[tilespmem:s17+$0xFFFFFFE0] =	vst v1  }
0x233: {  	v63 =	vmul.f32 v47, v43;
	[tilespmem:s17+$0x70] =	vst v3  }
0x234: {  	v9 =	vmul.f32 v26, v12;
	[tilespmem:s23+$0x50] =	vst v42  }
0x235: {  	v16 =	vbroadcast v16, $0x7;
	v38 =	vmul.f32 v38, v45;
	[tilespmem:s23+$0xE0] =	vst v63  }
0x236: {  	v40 =	vmul.f32 v40, v41;
	[tilespmem:s19+$0xFFFFFF50] =	vst v9  }
0x237: {  	[tilespmem:s23+$0x170] =	vst v38;
	v16 =	vmul.f32 v62, v16  }
0x238: {  	v4 =	vmul.f32 v15, v4;
	[tilespmem:s23+$0xFFFFFE10] =	vst v40  }
0x239: {  	[tilespmem:s23+$0x220] =	vst v16  }
0x23a: {  	v1 =	vld [tilespmem:s22+$0xFFFFFE20];
	[tilespmem:s17+$0x100] =	vst v4  }
0x23b: {  	v3 =	vld [tilespmem:s22+$0xFFFFFEB0]  }
0x23c: {  	v4 =	vld [tilespmem:s22+$0xFFFFFF40];
	_ =	sdelay $0x1  }
0x23d: {  	v11 =	vld [tilespmem:s22+$0xF0]  }
0x23e: {  	v9 =	vld [tilespmem:s22+$0xFFFFFFD0];
	v1 =	vmul.f32 v1, v36  }
0x23f: {  	v10 =	vld [tilespmem:s22+$0x60];
	v3 =	vmul.f32 v3, v35  }
0x240: {  	v12 =	vld [tilespmem:s22+$0x180];
	[tilespmem:s23+$0xFFFFFE20] =	vst v1;
	v1 =	vmul.f32 v4, v37  }
0x241: {  	v2 =	vmul.f32 v30, v2;
	v4 =	vld [tilespmem:s22+$0xFFFFFE30];
	[tilespmem:s23+$0xFFFFFEB0] =	vst v3  }
0x242: {  	v11 =	vmul.f32 v11, v29;
	[tilespmem:s23+$0xFFFFFF40] =	vst v1;
	v3 =	vld [tilespmem:s22+$0xFFFFFEC0]  }
0x243: {  	[tilespmem:s17+$0x190] =	vst v2;
	v1 =	vmul.f32 v9, v27;
	v2 =	vld [tilespmem:s22+$0xFFFFFF50]  }
0x244: {  	v13 =	vld [tilespmem:s18+$0xFFFFFFE0];
	v9 =	vmul.f32 v10, v28;
	v10 =	vbroadcast v31, $0x7;
	[tilespmem:s23+$0xF0] =	vst v11  }
0x245: {  	v14 =	vld [tilespmem:s18+$0x70];
	v12 =	vmul.f32 v12, v46;
	[tilespmem:s23+$0xFFFFFFD0] =	vst v1;
	v1 =	vbroadcast v18, $0x7  }
0x246: {  	v15 =	vld [tilespmem:s18+$0x100];
	[tilespmem:s23+$0x60] =	vst v9;
	v9 =	vbroadcast v21, $0x7;
	v4 =	vmul.f32 v4, v10  }
0x247: {  	[tilespmem:s23+$0x180] =	vst v12;
	v10 =	vld [tilespmem:s18+$0x190];
	v1 =	vmul.f32 v3, v1  }
0x248: {  	v2 =	vmul.f32 v2, v9;
	[tilespmem:s23+$0xFFFFFE30] =	vst v4;
	v3 =	vld [tilespmem:s22+$0xFFFFFFE0]  }
0x249: {  	v4 =	vmul.f32 v13, v7;
	[tilespmem:s23+$0xFFFFFEC0] =	vst v1;
	v1 =	vld [tilespmem:s22+$0x70]  }
0x24a: {  	v6 =	vmul.f32 v14, v6;
	[tilespmem:s23+$0xFFFFFF50] =	vst v2;
	v2 =	vld [tilespmem:s22+$0x100]  }
0x24b: {  	v5 =	vmul.f32 v15, v5;
	v7 =	vbroadcast v17, $0x7;
	[tilespmem:s19+$0xFFFFFFE0] =	vst v4;
	v4 =	vld [tilespmem:s22+$0x190]  }
0x24c: {  	[tilespmem:s19+$0x70] =	vst v6;
	v9 =	vbroadcast v22, $0x7;
	v8 =	vmul.f32 v10, v8  }
0x24d: {  	v6 =	vbroadcast v24, $0x7;
	[tilespmem:s19+$0x100] =	vst v5;
	v3 =	vmul.f32 v3, v7  }
0x24e: {  	v5 =	vbroadcast v25, $0x7;
	[tilespmem:s19+$0x190] =	vst v8;
	v1 =	vmul.f32 v1, v9  }
0x24f: {  	v2 =	vmul.f32 v2, v6;
	[tilespmem:s23+$0xFFFFFFE0] =	vst v3  }
0x250: {  	v3 =	vmul.f32 v4, v5;
	[tilespmem:s23+$0x70] =	vst v1  }
0x251: {  	[tilespmem:s23+$0x100] =	vst v2  }
0x252: {  	s8 =	smul.u32 $0xA0, s16;
	[tilespmem:s23+$0x190] =	vst v3  }
0x253: {  	[spmem:s3] =	stream.indirect.scatter.add.f32 [tilespmem:s24], [sflag:$0x7], $0x90, s26, s26, $0xb8;
	[tilespmem:$0x1F1D0] =	vst v63  }
0x254: {  	s8 =	sadd.s32 s8, s20;
	_ =	swait.ge [sflag:s25], $0x2D00  }
0x255: {  	s8 =	sshrl.u32 s8, $0x3;
	[sflag:s25] =	ssyncset.done $0x0  }
0x256: {  	s9 =	sadd.s32 s5, s8;
	[sflag:s25] =	ssyncadd.s32 $0xFFFFD300  }
0x257: {  	[tilespmem:s4], [sflag:$0x5] =	stream.linear.gather [hbm4b:s9+s4], $0x50, $0x38;
	[tilespmem:$0x1F1D0] =	vst v63  }
0x258: {  	s8 =	sadd.s32 s2, s8  }
0x259: {  	[tilespmem:s26], [sflag:$0x5] =	stream.linear.gather [hbm4b:s8+s4], $0x50, $0x38;
	[tilespmem:$0x1F1D0] =	vst v63  }
0x25a: {  	_ =	swait.ge [sflag:s28], $0x50  }
0x25b: {  	[sflag:s28] =	ssyncset.done $0x0  }
0x25c: {  	[sflag:s28] =	ssyncadd.s32 $0xFFFFFFB0  }
0x25d: {  	_ =	swait.ge [sflag:s28], $0x50  }
0x25e: {  	[sflag:s28] =	ssyncset.done $0x0  }
0x25f: {  	[sflag:s28] =	ssyncadd.s32 $0xFFFFFFB0  }
0x260: {  	[tilespmem:s29], [sflag:$0x1] =	stream.indirect.gather [hbm4b:s6+s26], $0x90, s4, s26, $0xb8;
	[tilespmem:$0x1F1D0] =	vst v63  }
0x261: {  	_ = 	snop  }
0x262: {  	[tilespmem:s30], [sflag:$0x2] =	stream.indirect.gather [hbm4b:s7+s26], $0x10, s26, s26, $0xb8;
	[tilespmem:$0x1F1D0] =	vst v63  }
0x263: {  	_ =	swait.ge [sflag:s13], $0x2D00  }
0x264: {  	[sflag:s13] =	ssyncset.done $0x0  }
0x265: {  	[sflag:s13] =	ssyncadd.s32 $0xFFFFD300  }
0x266: {  	_ =	swait.ge [sflag:s14], $0x500  }
0x267: {  	[sflag:s14] =	ssyncset.done $0x0  }
0x268: {  	s15 =	simm.s32 $0x3580;
	[sflag:s14] =	ssyncadd.s32 $0xFFFFFB00  }
0x269: {  	s22 =	simm.s32 $0x6080;
	v1 =	vld [tilespmem:s15+$0x230]  }
0x26a: {  	v2 =	vld [tilespmem:s22+$0x30];
	_ =	sdelay $0x1  }
0x26b: {  	v3 =	vld [tilespmem:s22+$0xFFFFFFC0]  }
0x26c: {  	v4 =	vld [tilespmem:s15+$0xFFFFFED0]  }
0x26d: {  	v5 =	vld [tilespmem:s22+$0xFFFFFFD0]  }
0x26e: {  	v6 =	vld [tilespmem:s15+$0xFFFFFF60];
	v1 =	vadd.f32 v2, v1  }
0x26f: {  	v7 =	vld [tilespmem:s22+$0xFFFFFFE0]  }
0x270: {  	v8 =	vld [tilespmem:s22+$0xFFFFFFF0];
	v9 =	vmul.f32 $2.000000030e-01, v1  }
0x271: {  	v10 =	vld [tilespmem:s15+$0x80]  }
0x272: {  	v2 =	vld [tilespmem:s15+$0xFFFFFFF0];
	v1 =	vmax.f32 v1, v9  }
0x273: {  	v11 =	vld [tilespmem:s22+$0x0];
	v1 =	vmul.f32 $1.442695020e+00, v1  }
0x274: {  	v12 =	vld [tilespmem:s15+$0x1A0];
	v4 =	vadd.f32 v5, v4  }
0x275: {  	v5 =	vld [tilespmem:s15+$0x110];
	v6 =	vadd.f32 v7, v6;
	(erf) = vpow2.f32 v1  }
0x276: {  	v7 =	vld [tilespmem:s22+$0x10];
	v9 =	vmul.f32 $2.000000030e-01, v4  }
0x277: {  	v2 =	vadd.f32 v8, v2;
	v8 =	vld [tilespmem:s22+$0x20];
	v1 =	vmul.f32 $2.000000030e-01, v6  }
0x278: {  	v4 =	vmax.f32 v4, v9;
	v9 =	vld [tilespmem:s15+$0xFFFFFE40]  }
0x279: {  	v4 =	vmul.f32 $1.442695020e+00, v4;
	v1 =	vmax.f32 v6, v1  }
0x27a: {  	v10 =	vadd.f32 v11, v10;
	v6 =	vmul.f32 $2.000000030e-01, v2;
	v1 =	vmul.f32 $1.442695020e+00, v1  }
0x27b: {  	v5 =	vadd.f32 v7, v5;
	(erf) = vpow2.f32 v4  }
0x27c: {  	v4 =	vadd.f32 v8, v12;
	v2 =	vmax.f32 v2, v6;
	v6 =	vmul.f32 $2.000000030e-01, v10  }
0x27d: {  	v7 =	vmul.f32 $2.000000030e-01, v5;
	v3 =	vadd.f32 v3, v9;
	v2 =	vmul.f32 $1.442695020e+00, v2  }
0x27e: {  	s17 =	simm.s32 $0x6780;
	v8 =	vmul.f32 $2.000000030e-01, v4;
	(erf) = vpow2.f32 v1;
	v6 =	vmax.f32 v10, v6;
	v1 =	vpop (erf)  }
0x27f: {  	v5 =	vmax.f32 v5, v7;
	v7 =	vmul.f32 $2.000000030e-01, v3;
	v6 =	vmul.f32 $1.442695020e+00, v6;
	[tilespmem:s17+$0x230] =	vst v1  }
0x280: {  	v4 =	vmax.f32 v4, v8;
	(erf) = vpow2.f32 v2;
	v2 =	vmul.f32 $1.442695020e+00, v5;
	v5 =	vld [tilespmem:s15+$0x1B0]  }
0x281: {  	s18 =	simm.s32 $0x3A00;
	v3 =	vmax.f32 v3, v7;
	v4 =	vmul.f32 $1.442695020e+00, v4;
	(erf) = vpow2.f32 v6  }
0x282: {  	s23 =	simm.s32 $0x6100;
	v25 =	vld [tilespmem:s18+$0xFFFFFED0];
	(erf) = vpow2.f32 v2;
	v2 =	vmul.f32 $1.442695020e+00, v3  }
0x283: {  	v28 =	vld [tilespmem:s23+$0xFFFFFFD0];
	v3 =	vbroadcast v1, $0x0;
	(erf) = vpow2.f32 v4  }
0x284: {  	v31 =	vld [tilespmem:s18+$0xFFFFFF60];
	(erf) = vpow2.f32 v2  }
0x285: {  	v47 =	vld [tilespmem:s23+$0xFFFFFFE0];
	v2 =	vmul.f32 v3, v5  }
0x286: {  	v49 =	vld [tilespmem:s18+$0xFFFFFFF0];
	v4 =	vpop (erf)  }
0x287: {  	v51 =	vld [tilespmem:s23+$0xFFFFFFF0];
	[tilespmem:s17+$0xFFFFFED0] =	vst v4  }
0x288: {  	v5 =	vld [tilespmem:s15+$0xFFFFFE50];
	v3 =	vpop (erf);
	[tilespmem:s17+$0x1B0] =	vst v2  }
0x289: {  	v25 =	vadd.f32 v28, v25;
	v11 =	vbroadcast v4, $0x0;
	[tilespmem:s17+$0xFFFFFF60] =	vst v3;
	v6 =	vld [tilespmem:s15+$0x1C0];
	v2 =	vpop (erf)  }
0x28a: {  	v7 =	vld [tilespmem:s15+$0xFFFFFEE0];
	[tilespmem:s17+$0xFFFFFFF0] =	vst v2;
	v9 =	vpop (erf)  }
0x28b: {  	v53 =	vmul.f32 $2.000000030e-01, v25;
	v12 =	vld [tilespmem:s15+$0xFFFFFF70];
	[tilespmem:s17+$0x80] =	vst v9;
	v10 =	vpop (erf)  }
0x28c: {  	v14 =	vbroadcast v1, $0x1;
	v50 =	vbroadcast v1, $0x6;
	v13 =	vld [tilespmem:s15+$0x0];
	[tilespmem:s17+$0x110] =	vst v10;
	v8 =	vpop (erf)  }
0x28d: {  	v15 =	vbroadcast v3, $0x0;
	v5 =	vmul.f32 v11, v5;
	v16 =	vld [tilespmem:s15+$0x90];
	[tilespmem:s17+$0x1A0] =	vst v8;
	v11 =	vpop (erf)  }
0x28e: {  	v17 =	vbroadcast v2, $0x0;
	v6 =	vmul.f32 v14, v6;
	[tilespmem:s17+$0xFFFFFE40] =	vst v11;
	v18 =	vld [tilespmem:s15+$0x120]  }
0x28f: {  	v7 =	vmul.f32 v15, v7;
	[tilespmem:s17+$0xFFFFFE50] =	vst v5;
	v14 =	vbroadcast v9, $0x0;
	v15 =	vld [tilespmem:s15+$0xFFFFFDC0]  }
0x290: {  	v5 =	vbroadcast v10, $0x0;
	[tilespmem:s17+$0x1C0] =	vst v6;
	v12 =	vmul.f32 v17, v12;
	v17 =	vld [tilespmem:s15+$0xFFFFFE60]  }
0x291: {  	[tilespmem:s17+$0xFFFFFEE0] =	vst v7;
	v6 =	vbroadcast v8, $0x0;
	v7 =	vld [tilespmem:s15+$0x1D0];
	v13 =	vmul.f32 v14, v13  }
0x292: {  	v14 =	vbroadcast v11, $0x0;
	v5 =	vmul.f32 v5, v16;
	v16 =	vld [tilespmem:s15+$0xFFFFFEF0];
	[tilespmem:s17+$0xFFFFFF70] =	vst v12  }
0x293: {  	v12 =	vbroadcast v4, $0x1;
	v19 =	vld [tilespmem:s15+$0xFFFFFF80];
	[tilespmem:s17+$0x0] =	vst v13;
	v6 =	vmul.f32 v6, v18  }
0x294: {  	v13 =	vmul.f32 v14, v15;
	v14 =	vld [tilespmem:s15+$0x10];
	[tilespmem:s17+$0x90] =	vst v5;
	v5 =	vbroadcast v1, $0x2  }
0x295: {  	v15 =	vbroadcast v3, $0x1;
	v12 =	vmul.f32 v12, v17;
	v17 =	vld [tilespmem:s15+$0xA0];
	[tilespmem:s17+$0x120] =	vst v6  }
0x296: {  	v6 =	vbroadcast v2, $0x1;
	[tilespmem:s17+$0xFFFFFDC0] =	vst v13;
	v13 =	vld [tilespmem:s15+$0x130];
	v5 =	vmul.f32 v5, v7  }
0x297: {  	v7 =	vbroadcast v9, $0x1;
	v18 =	vld [tilespmem:s15+$0xFFFFFDD0];
	[tilespmem:s17+$0xFFFFFE60] =	vst v12;
	v12 =	vmul.f32 v15, v16  }
0x298: {  	v15 =	vbroadcast v10, $0x1;
	v16 =	vld [tilespmem:s15+$0xFFFFFE70];
	v6 =	vmul.f32 v6, v19;
	[tilespmem:s17+$0x1D0] =	vst v5  }
0x299: {  	v5 =	vbroadcast v8, $0x1;
	[tilespmem:s17+$0xFFFFFEF0] =	vst v12;
	v7 =	vmul.f32 v7, v14;
	v12 =	vld [tilespmem:s15+$0x1E0]  }
0x29a: {  	v14 =	vbroadcast v11, $0x1;
	v19 =	vld [tilespmem:s15+$0xFFFFFF00];
	[tilespmem:s17+$0xFFFFFF80] =	vst v6;
	v6 =	vmul.f32 v15, v17  }
0x29b: {  	v15 =	vbroadcast v4, $0x2;
	v17 =	vld [tilespmem:s15+$0xFFFFFF90];
	[tilespmem:s17+$0x10] =	vst v7;
	v5 =	vmul.f32 v5, v13  }
0x29c: {  	v7 =	vmul.f32 v14, v18;
	v13 =	vld [tilespmem:s15+$0x20];
	[tilespmem:s17+$0xA0] =	vst v6;
	v6 =	vbroadcast v1, $0x3  }
0x29d: {  	v14 =	vbroadcast v3, $0x2;
	v15 =	vmul.f32 v15, v16;
	v16 =	vld [tilespmem:s15+$0xB0];
	[tilespmem:s17+$0x130] =	vst v5  }
0x29e: {  	v5 =	vbroadcast v2, $0x2;
	[tilespmem:s17+$0xFFFFFDD0] =	vst v7;
	v7 =	vld [tilespmem:s15+$0x140];
	v6 =	vmul.f32 v12, v6  }
0x29f: {  	v12 =	vbroadcast v9, $0x2;
	v18 =	vld [tilespmem:s15+$0xFFFFFDE0];
	[tilespmem:s17+$0xFFFFFE70] =	vst v15;
	v14 =	vmul.f32 v14, v19  }
0x2a0: {  	v15 =	vbroadcast v10, $0x2;
	v19 =	vld [tilespmem:s15+$0xFFFFFE80];
	v5 =	vmul.f32 v5, v17;
	[tilespmem:s17+$0x1E0] =	vst v6  }
0x2a1: {  	v6 =	vbroadcast v8, $0x2;
	[tilespmem:s17+$0xFFFFFF00] =	vst v14;
	v12 =	vmul.f32 v12, v13;
	v13 =	vld [tilespmem:s15+$0x1F0]  }
0x2a2: {  	v14 =	vbroadcast v11, $0x2;
	v17 =	vld [tilespmem:s15+$0xFFFFFF10];
	[tilespmem:s17+$0xFFFFFF90] =	vst v5;
	v5 =	vmul.f32 v15, v16  }
0x2a3: {  	v15 =	vbroadcast v4, $0x3;
	v16 =	vld [tilespmem:s15+$0xFFFFFFA0];
	[tilespmem:s17+$0x20] =	vst v12;
	v6 =	vmul.f32 v6, v7  }
0x2a4: {  	v7 =	vmul.f32 v14, v18;
	v12 =	vld [tilespmem:s15+$0x30];
	[tilespmem:s17+$0xB0] =	vst v5;
	v5 =	vbroadcast v1, $0x4  }
0x2a5: {  	v14 =	vbroadcast v3, $0x3;
	v15 =	vmul.f32 v19, v15;
	v18 =	vld [tilespmem:s15+$0xC0];
	[tilespmem:s17+$0x140] =	vst v6  }
0x2a6: {  	v6 =	vbroadcast v2, $0x3;
	[tilespmem:s17+$0xFFFFFDE0] =	vst v7;
	v7 =	vld [tilespmem:s15+$0x150];
	v5 =	vmul.f32 v13, v5  }
0x2a7: {  	v13 =	vbroadcast v9, $0x3;
	v19 =	vld [tilespmem:s15+$0xFFFFFDF0];
	[tilespmem:s17+$0xFFFFFE80] =	vst v15;
	v14 =	vmul.f32 v17, v14  }
0x2a8: {  	v15 =	vbroadcast v10, $0x3;
	v17 =	vld [tilespmem:s15+$0xFFFFFE90];
	v6 =	vmul.f32 v16, v6;
	[tilespmem:s17+$0x1F0] =	vst v5  }
0x2a9: {  	v5 =	vbroadcast v8, $0x3;
	[tilespmem:s17+$0xFFFFFF10] =	vst v14;
	v12 =	vmul.f32 v12, v13;
	v13 =	vld [tilespmem:s15+$0x200]  }
0x2aa: {  	v14 =	vbroadcast v11, $0x3;
	v16 =	vld [tilespmem:s15+$0xFFFFFF20];
	[tilespmem:s17+$0xFFFFFFA0] =	vst v6;
	v6 =	vmul.f32 v18, v15  }
0x2ab: {  	v15 =	vbroadcast v4, $0x4;
	v18 =	vld [tilespmem:s15+$0xFFFFFFB0];
	[tilespmem:s17+$0x30] =	vst v12;
	v5 =	vmul.f32 v7, v5  }
0x2ac: {  	v7 =	vmul.f32 v19, v14;
	v12 =	vld [tilespmem:s15+$0x40];
	[tilespmem:s17+$0xC0] =	vst v6;
	v6 =	vbroadcast v1, $0x5  }
0x2ad: {  	v14 =	vbroadcast v3, $0x4;
	v15 =	vmul.f32 v17, v15;
	v17 =	vld [tilespmem:s15+$0xD0];
	[tilespmem:s17+$0x150] =	vst v5  }
0x2ae: {  	v5 =	vbroadcast v2, $0x4;
	[tilespmem:s17+$0xFFFFFDF0] =	vst v7;
	v7 =	vld [tilespmem:s15+$0x160];
	v6 =	vmul.f32 v13, v6  }
0x2af: {  	v13 =	vbroadcast v9, $0x4;
	v19 =	vld [tilespmem:s15+$0xFFFFFE00];
	[tilespmem:s17+$0xFFFFFE90] =	vst v15;
	v14 =	vmul.f32 v16, v14  }
0x2b0: {  	v15 =	vbroadcast v10, $0x4;
	v16 =	vld [tilespmem:s15+$0xFFFFFEA0];
	v5 =	vmul.f32 v18, v5;
	[tilespmem:s17+$0x200] =	vst v6  }
0x2b1: {  	v6 =	vbroadcast v8, $0x4;
	[tilespmem:s17+$0xFFFFFF20] =	vst v14;
	v12 =	vmul.f32 v12, v13;
	v13 =	vld [tilespmem:s15+$0x210]  }
0x2b2: {  	v21 =	vbroadcast v4, $0x5;
	v18 =	vld [tilespmem:s15+$0xFFFFFF30];
	[tilespmem:s17+$0xFFFFFFB0] =	vst v5;
	v5 =	vmul.f32 v17, v15  }
0x2b3: {  	v45 =	vbroadcast v4, $0x6;
	v15 =	vld [tilespmem:s15+$0xFFFFFFC0];
	[tilespmem:s17+$0x40] =	vst v12;
	v6 =	vmul.f32 v7, v6  }
0x2b4: {  	v23 =	vbroadcast v3, $0x5;
	v46 =	vbroadcast v3, $0x6;
	[tilespmem:s17+$0xD0] =	vst v5;
	v5 =	vld [tilespmem:s18+$0x230]  }
0x2b5: {  	v24 =	vbroadcast v2, $0x5;
	v14 =	vbroadcast v11, $0x4;
	[tilespmem:s17+$0x160] =	vst v6;
	v6 =	vld [tilespmem:s23+$0x30]  }
0x2b6: {  	v26 =	vbroadcast v9, $0x5;
	v27 =	vbroadcast v10, $0x5;
	v12 =	vld [tilespmem:s15+$0x50]  }
0x2b7: {  	v29 =	vbroadcast v8, $0x5;
	v7 =	vmul.f32 v19, v14;
	v14 =	vld [tilespmem:s15+$0xE0]  }
0x2b8: {  	v20 =	vbroadcast v11, $0x5;
	v16 =	vmul.f32 v16, v21;
	v21 =	vld [tilespmem:s18+$0x80]  }
0x2b9: {  	v30 =	vbroadcast v11, $0x6;
	[tilespmem:s17+$0xFFFFFE00] =	vst v7;
	v17 =	vld [tilespmem:s15+$0x170];
	v7 =	vbroadcast v10, $0x6  }
0x2ba: {  	v13 =	vmul.f32 v13, v50;
	v19 =	vld [tilespmem:s15+$0xFFFFFE10];
	v18 =	vmul.f32 v18, v23;
	v48 =	vadd.f32 v6, v5  }
0x2bb: {  	v23 =	vld [tilespmem:s23+$0x0];
	v15 =	vmul.f32 v15, v24;
	v12 =	vmul.f32 v12, v26;
	v26 =	vadd.f32 v47, v31  }
0x2bc: {  	v28 =	vld [tilespmem:s23+$0x10];
	v14 =	vmul.f32 v14, v27;
	v27 =	vadd.f32 v51, v49;
	v52 =	vmul.f32 $2.000000030e-01, v48  }
0x2bd: {  	v24 =	vld [tilespmem:s18+$0x110];
	v6 =	vbroadcast v2, $0x6;
	v54 =	vmul.f32 $2.000000030e-01, v26  }
0x2be: {  	v22 =	vld [tilespmem:s23+$0xFFFFFFC0];
	v17 =	vmul.f32 v17, v29;
	v56 =	vmul.f32 $2.000000030e-01, v27;
	v35 =	vmax.f32 v48, v52  }
0x2bf: {  	v55 =	vld [tilespmem:s23+$0x20];
	[tilespmem:s17+$0xFFFFFEA0] =	vst v16;
	v19 =	vmul.f32 v19, v20;
	v20 =	vmax.f32 v25, v53;
	v35 =	vmul.f32 $1.442695020e+00, v35  }
0x2c0: {  	[tilespmem:s17+$0x210] =	vst v13;
	v13 =	vld [tilespmem:s15+$0xFFFFFEB0];
	v21 =	vadd.f32 v23, v21;
	v23 =	vmax.f32 v26, v54;
	v20 =	vmul.f32 $1.442695020e+00, v20  }
0x2c1: {  	v31 =	vld [tilespmem:s18+$0x1A0];
	v25 =	vmax.f32 v27, v56;
	[tilespmem:s17+$0xFFFFFE10] =	vst v19;
	v19 =	vmul.f32 $1.442695020e+00, v23;
	(erf) = vpow2.f32 v35  }
0x2c2: {  	v29 =	vld [tilespmem:s18+$0xFFFFFE40];
	v23 =	vadd.f32 v28, v24;
	v24 =	vmul.f32 $1.442695020e+00, v25;
	(erf) = vpow2.f32 v20  }
0x2c3: {  	v26 =	vmul.f32 $2.000000030e-01, v21;
	v25 =	vld [tilespmem:s15+$0xFFFFFE20];
	(erf) = vpow2.f32 v19  }
0x2c4: {  	[tilespmem:s17+$0xFFFFFF30] =	vst v18;
	v16 =	vmul.f32 $2.000000030e-01, v23;
	(erf) = vpow2.f32 v24  }
0x2c5: {  	v5 =	vbroadcast v9, $0x6;
	[tilespmem:s17+$0xFFFFFFC0] =	vst v15;
	v13 =	vmul.f32 v13, v45  }
0x2c6: {  	[tilespmem:s17+$0x50] =	vst v12;
	v20 =	vmax.f32 v21, v26;
	v21 =	vadd.f32 v55, v31;
	v18 =	vmax.f32 v23, v16  }
0x2c7: {  	[tilespmem:s17+$0xE0] =	vst v14;
	v22 =	vadd.f32 v22, v29;
	v20 =	vmul.f32 $1.442695020e+00, v20;
	v18 =	vmul.f32 $1.442695020e+00, v18  }
0x2c8: {  	v12 =	vld [tilespmem:s15+$0xFFFFFFD0];
	[tilespmem:s17+$0x170] =	vst v17;
	v19 =	vmul.f32 $2.000000030e-01, v21;
	v24 =	vmul.f32 v25, v30  }
0x2c9: {  	v27 =	vld [tilespmem:s15+$0x220];
	[tilespmem:s17+$0xFFFFFEB0] =	vst v13;
	v23 =	vmul.f32 $2.000000030e-01, v22;
	(erf) = vpow2.f32 v20  }
0x2ca: {  	s19 =	simm.s32 $0x6C00;
	v14 =	vbroadcast v4, $0x7;
	v28 =	vld [tilespmem:s15+$0xFFFFFF40];
	v19 =	vmax.f32 v21, v19;
	(erf) = vpow2.f32 v18;
	[tilespmem:s17+$0xFFFFFE20] =	vst v24;
	v16 =	vpop (erf)  }
0x2cb: {  	v13 =	vbroadcast v3, $0x7;
	v15 =	vmax.f32 v22, v23;
	v20 =	vmul.f32 $1.442695020e+00, v19;
	v17 =	vld [tilespmem:s15+$0xFFFFFE30];
	[tilespmem:s19+$0x230] =	vst v16;
	v22 =	vpop (erf)  }
0x2cc: {  	v3 =	vbroadcast v1, $0x7;
	v15 =	vmul.f32 $1.442695020e+00, v15;
	v23 =	vld [tilespmem:s18+$0x1B0];
	v26 =	vpop (erf)  }
0x2cd: {  	v1 =	vbroadcast v2, $0x7;
	v21 =	vld [tilespmem:s15+$0xF0];
	(erf) = vpow2.f32 v20;
	v24 =	vpop (erf)  }
0x2ce: {  	v19 =	vld [tilespmem:s15+$0x60];
	(erf) = vpow2.f32 v15;
	v15 =	vbroadcast v11, $0x7;
	[tilespmem:s19+$0xFFFFFFF0] =	vst v24  }
0x2cf: {  	v2 =	vbroadcast v9, $0x7;
	v18 =	vbroadcast v16, $0x0;
	v57 =	vld [tilespmem:s18+$0xFFFFFF70]  }
0x2d0: {  	v20 =	vbroadcast v8, $0x6;
	v11 =	vld [tilespmem:s15+$0x180];
	[tilespmem:s19+$0xFFFFFED0] =	vst v22;
	v15 =	vmul.f32 v17, v15  }
0x2d1: {  	s22 =	simm.s32 $0x3E80;
	v9 =	vld [tilespmem:s18+$0xFFFFFE50];
	v62 =	vbroadcast v24, $0x0;
	v4 =	vmul.f32 v18, v23  }
0x2d2: {  	[tilespmem:s19+$0xFFFFFF60] =	vst v26;
	v17 =	vld [tilespmem:s22+$0xFFFFFE40];
	v23 =	vmul.f32 v27, v3;
	v3 =	vbroadcast v8, $0x7;
	v27 =	vpop (erf)  }
0x2d3: {  	v30 =	vld [tilespmem:s18+$0xFFFFFEE0];
	v8 =	vmul.f32 v28, v46;
	v28 =	vpop (erf);
	[tilespmem:s19+$0x1B0] =	vst v4;
	v4 =	vbroadcast v10, $0x7  }
0x2d4: {  	v10 =	vbroadcast v22, $0x0;
	[tilespmem:s19+$0x110] =	vst v28;
	v29 =	vld [tilespmem:s18+$0x1C0];
	v32 =	vmul.f32 v62, v57  }
0x2d5: {  	[tilespmem:s19+$0x80] =	vst v27;
	v61 =	vld [tilespmem:s18+$0x90]  }
0x2d6: {  	v60 =	vbroadcast v26, $0x0;
	v58 =	vld [tilespmem:s18+$0x0];
	v25 =	vpop (erf);
	v9 =	vmul.f32 v10, v9;
	[tilespmem:s19+$0xFFFFFF70] =	vst v32  }
0x2d7: {  	v59 =	vbroadcast v16, $0x1;
	[tilespmem:s19+$0x1A0] =	vst v25;
	v50 =	vld [tilespmem:s18+$0xFFFFFF80]  }
0x2d8: {  	v30 =	vmul.f32 v60, v30;
	v63 =	vld [tilespmem:s18+$0x120];
	v10 =	vpop (erf);
	[tilespmem:s19+$0xFFFFFE50] =	vst v9;
	v9 =	vbroadcast v28, $0x0  }
0x2d9: {  	v44 =	vbroadcast v27, $0x0;
	[tilespmem:s19+$0xFFFFFE40] =	vst v10;
	v46 =	vld [tilespmem:s18+$0xFFFFFE60];
	v29 =	vmul.f32 v59, v29  }
0x2da: {  	v53 =	vbroadcast v24, $0x1;
	[tilespmem:s19+$0xFFFFFEE0] =	vst v30;
	v45 =	vld [tilespmem:s18+$0xFFFFFDC0];
	v9 =	vmul.f32 v9, v61  }
0x2db: {  	v48 =	vld [tilespmem:s18+$0xFFFFFEF0];
	v34 =	vmul.f32 v44, v58;
	[tilespmem:s19+$0x1C0] =	vst v29;
	v29 =	vbroadcast v25, $0x0  }
0x2dc: {  	v31 =	vbroadcast v22, $0x1;
	[tilespmem:s19+$0x90] =	vst v9;
	v30 =	vld [tilespmem:s18+$0x1D0];
	v36 =	vmul.f32 v53, v50  }
0x2dd: {  	v47 =	vbroadcast v10, $0x0;
	[tilespmem:s19+$0x0] =	vst v34;
	v54 =	vld [tilespmem:s18+$0xA0];
	v29 =	vmul.f32 v29, v63  }
0x2de: {  	v49 =	vbroadcast v26, $0x1;
	v52 =	vld [tilespmem:s18+$0x10];
	v31 =	vmul.f32 v31, v46;
	[tilespmem:s19+$0xFFFFFF80] =	vst v36  }
0x2df: {  	v9 =	vbroadcast v16, $0x2;
	v51 =	vmul.f32 v47, v45;
	[tilespmem:s19+$0x120] =	vst v29;
	v62 =	vld [tilespmem:s18+$0xFFFFFF90]  }
0x2e0: {  	v57 =	vbroadcast v28, $0x1;
	[tilespmem:s19+$0xFFFFFE60] =	vst v31;
	v31 =	vmul.f32 v49, v48;
	v55 =	vld [tilespmem:s18+$0x130]  }
0x2e1: {  	[tilespmem:s19+$0xFFFFFDC0] =	vst v51;
	v58 =	vld [tilespmem:s18+$0xFFFFFE70];
	v9 =	vmul.f32 v9, v30;
	v30 =	vbroadcast v27, $0x1  }
0x2e2: {  	v61 =	vbroadcast v24, $0x2;
	v56 =	vld [tilespmem:s18+$0xFFFFFDD0];
	[tilespmem:s19+$0xFFFFFEF0] =	vst v31;
	v32 =	vmul.f32 v57, v54  }
0x2e3: {  	v18 =	vld [tilespmem:s15+$0xFFFFFEC0];
	[tilespmem:s19+$0x1D0] =	vst v9;
	v9 =	vbroadcast v25, $0x1;
	v30 =	vmul.f32 v30, v52  }
0x2e4: {  	v33 =	vbroadcast v22, $0x2;
	v60 =	vld [tilespmem:s18+$0xFFFFFF00];
	[tilespmem:s19+$0xA0] =	vst v32;
	v36 =	vmul.f32 v61, v62  }
0x2e5: {  	v59 =	vbroadcast v10, $0x1;
	v31 =	vld [tilespmem:s18+$0x1E0];
	[tilespmem:s19+$0x10] =	vst v30;
	v9 =	vmul.f32 v9, v55  }
0x2e6: {  	v46 =	vld [tilespmem:s18+$0xB0];
	v33 =	vmul.f32 v33, v58;
	[tilespmem:s19+$0xFFFFFF90] =	vst v36  }
0x2e7: {  	v29 =	vbroadcast v26, $0x2;
	v30 =	vmul.f32 v59, v56;
	v63 =	vld [tilespmem:s18+$0x20];
	[tilespmem:s19+$0x130] =	vst v9  }
0x2e8: {  	v44 =	vbroadcast v16, $0x3;
	[tilespmem:s19+$0xFFFFFE70] =	vst v33;
	v54 =	vld [tilespmem:s18+$0xFFFFFFA0]  }
0x2e9: {  	v47 =	vbroadcast v28, $0x2;
	v29 =	vmul.f32 v29, v60;
	[tilespmem:s19+$0xFFFFFDD0] =	vst v30;
	v30 =	vld [tilespmem:s18+$0x140]  }
0x2ea: {  	[tilespmem:s17+$0x220] =	vst v23;
	v9 =	vbroadcast v27, $0x2;
	v50 =	vld [tilespmem:s18+$0xFFFFFE80];
	v31 =	vmul.f32 v31, v44  }
0x2eb: {  	s8 =	simm.s32 $0x6180;
	v57 =	vbroadcast v24, $0x3;
	v48 =	vld [tilespmem:s18+$0xFFFFFDE0];
	[tilespmem:s19+$0xFFFFFF00] =	vst v29;
	v32 =	vmul.f32 v47, v46  }
0x2ec: {  	v23 =	vld [tilespmem:s8+$0x0];
	v49 =	vbroadcast v25, $0x2;
	[tilespmem:s19+$0x1E0] =	vst v31;
	v9 =	vmul.f32 v9, v63  }
0x2ed: {  	v51 =	vbroadcast v22, $0x3;
	v52 =	vld [tilespmem:s18+$0xFFFFFF10];
	[tilespmem:s19+$0xB0] =	vst v32;
	v35 =	vmul.f32 v54, v57  }
0x2ee: {  	v45 =	vbroadcast v10, $0x2;
	v29 =	vld [tilespmem:s18+$0x1F0];
	[tilespmem:s19+$0x20] =	vst v9;
	v9 =	vmul.f32 v49, v30  }
0x2ef: {  	v58 =	vld [tilespmem:s18+$0xC0];
	v34 =	vmul.f32 v50, v51;
	[tilespmem:s19+$0xFFFFFFA0] =	vst v35  }
0x2f0: {  	v30 =	vmul.f32 v45, v48;
	v55 =	vld [tilespmem:s18+$0x30];
	[tilespmem:s19+$0x140] =	vst v9  }
0x2f1: {  	v53 =	vbroadcast v26, $0x3;
	[tilespmem:s19+$0xFFFFFE80] =	vst v34;
	v46 =	vld [tilespmem:s18+$0xFFFFFFB0]  }
0x2f2: {  	v21 =	vmul.f32 v21, v7;
	v56 =	vbroadcast v16, $0x4;
	[tilespmem:s19+$0xFFFFFDE0] =	vst v30;
	v30 =	vld [tilespmem:s18+$0x150]  }
0x2f3: {  	v59 =	vbroadcast v28, $0x3;
	v61 =	vmul.f32 v52, v53;
	v63 =	vld [tilespmem:s18+$0xFFFFFE90]  }
0x2f4: {  	v9 =	vbroadcast v27, $0x3;
	v29 =	vmul.f32 v29, v56;
	v60 =	vld [tilespmem:s18+$0xFFFFFDF0]  }
0x2f5: {  	v48 =	vbroadcast v24, $0x4;
	[tilespmem:s19+$0xFFFFFF10] =	vst v61;
	v32 =	vmul.f32 v58, v59;
	v56 =	vld [tilespmem:s22+$0x230]  }
0x2f6: {  	v62 =	vbroadcast v25, $0x3;
	v58 =	vld [tilespmem:s8+$0x30];
	[tilespmem:s19+$0x1F0] =	vst v29;
	v9 =	vmul.f32 v55, v9  }
0x2f7: {  	v43 =	vbroadcast v22, $0x4;
	v44 =	vld [tilespmem:s18+$0xFFFFFF20];
	[tilespmem:s19+$0xC0] =	vst v32;
	v36 =	vmul.f32 v46, v48  }
0x2f8: {  	v31 =	vbroadcast v10, $0x3;
	v42 =	vld [tilespmem:s18+$0x200];
	[tilespmem:s19+$0x30] =	vst v9;
	v9 =	vmul.f32 v30, v62  }
0x2f9: {  	v19 =	vmul.f32 v19, v5;
	v49 =	vld [tilespmem:s18+$0xD0];
	v34 =	vmul.f32 v63, v43;
	[tilespmem:s19+$0xFFFFFFB0] =	vst v36  }
0x2fa: {  	v7 =	vbroadcast v24, $0x7;
	v30 =	vmul.f32 v60, v31;
	v31 =	vld [tilespmem:s18+$0x40];
	[tilespmem:s19+$0x150] =	vst v9  }
0x2fb: {  	v20 =	vmul.f32 v11, v20;
	v45 =	vbroadcast v26, $0x4;
	[tilespmem:s19+$0xFFFFFE90] =	vst v34;
	v38 =	vld [tilespmem:s18+$0xFFFFFFC0]  }
0x2fc: {  	v11 =	vbroadcast v22, $0x7;
	v40 =	vbroadcast v27, $0x5;
	[tilespmem:s19+$0xFFFFFDF0] =	vst v30;
	v30 =	vld [tilespmem:s18+$0x160]  }
0x2fd: {  	v5 =	vbroadcast v28, $0x7;
	v52 =	vmul.f32 v44, v45;
	v54 =	vld [tilespmem:s18+$0xFFFFFEA0]  }
0x2fe: {  	v18 =	vmul.f32 v18, v14;
	v47 =	vbroadcast v16, $0x5;
	v51 =	vld [tilespmem:s18+$0xFFFFFE00]  }
0x2ff: {  	v50 =	vbroadcast v28, $0x4;
	v55 =	vbroadcast v22, $0x5;
	[tilespmem:s19+$0xFFFFFF20] =	vst v52;
	v52 =	vld [tilespmem:s8+$0xFFFFFFC0]  }
0x300: {  	v32 =	vmul.f32 v42, v47;
	v47 =	vbroadcast v22, $0x6;
	v22 =	vld [tilespmem:s8+$0xFFFFFFE0]  }
0x301: {  	v39 =	vbroadcast v10, $0x5;
	v59 =	vmul.f32 v49, v50;
	v49 =	vld [tilespmem:s8+$0xFFFFFFF0]  }
0x302: {  	v33 =	vbroadcast v27, $0x6;
	v9 =	vbroadcast v27, $0x4;
	v42 =	vld [tilespmem:s18+$0xFFFFFF30]  }
0x303: {  	v63 =	vbroadcast v28, $0x5;
	[tilespmem:s19+$0x200] =	vst v32;
	v32 =	vbroadcast v28, $0x6;
	v28 =	vld [tilespmem:s8+$0x10]  }
0x304: {  	v61 =	vbroadcast v24, $0x5;
	v9 =	vmul.f32 v31, v9;
	[tilespmem:s19+$0xD0] =	vst v59;
	v31 =	vld [tilespmem:s18+$0x210]  }
0x305: {  	v53 =	vbroadcast v25, $0x4;
	v29 =	vbroadcast v10, $0x4;
	v62 =	vld [tilespmem:s18+$0xE0]  }
0x306: {  	v48 =	vbroadcast v26, $0x6;
	v35 =	vmul.f32 v38, v61;
	v61 =	vld [tilespmem:s8+$0xFFFFFFD0]  }
0x307: {  	v36 =	vbroadcast v26, $0x5;
	[tilespmem:s19+$0x40] =	vst v9;
	v9 =	vmul.f32 v30, v53;
	v53 =	vld [tilespmem:s22+$0xFFFFFF60]  }
0x308: {  	v37 =	vmul.f32 v54, v55;
	v54 =	vld [tilespmem:s22+$0x80];
	v29 =	vmul.f32 v51, v29  }
0x309: {  	v60 =	vbroadcast v16, $0x6;
	v16 =	vbroadcast v16, $0x7;
	v30 =	vld [tilespmem:s18+$0x50];
	[tilespmem:s19+$0x160] =	vst v9  }
0x30a: {  	v59 =	vmul.f32 v12, v6;
	v12 =	vbroadcast v26, $0x7;
	v26 =	vadd.f32 v58, v56;
	[tilespmem:s19+$0xFFFFFE00] =	vst v29;
	v29 =	vld [tilespmem:s18+$0x170]  }
0x30b: {  	v45 =	vbroadcast v10, $0x6;
	v9 =	vmul.f32 v31, v60;
	v60 =	vld [tilespmem:s22+$0xFFFFFED0]  }
0x30c: {  	v51 =	vmul.f32 $2.000000030e-01, v26;
	v62 =	vmul.f32 v62, v63;
	v63 =	vld [tilespmem:s22+$0xFFFFFFF0]  }
0x30d: {  	[tilespmem:s17+$0xFFFFFF40] =	vst v8;
	v34 =	vbroadcast v24, $0x6;
	v6 =	vbroadcast v27, $0x7;
	v46 =	vld [tilespmem:s18+$0xFFFFFE10]  }
0x30e: {  	v36 =	vmul.f32 v42, v36;
	v8 =	vmax.f32 v26, v51;
	v26 =	vld [tilespmem:s22+$0x110];
	v31 =	vbroadcast v25, $0x5;
	[tilespmem:s19+$0x210] =	vst v9  }
0x30f: {  	v27 =	vmul.f32 $1.442695020e+00, v8;
	v8 =	vbroadcast v25, $0x7;
	v57 =	vld [tilespmem:s18+$0x220]  }
0x310: {  	[tilespmem:s17+$0xF0] =	vst v21;
	v17 =	vadd.f32 v52, v17;
	v9 =	vbroadcast v25, $0x6;
	v30 =	vmul.f32 v30, v40  }
0x311: {  	[tilespmem:s17+$0x60] =	vst v19;
	(erf) = vpow2.f32 v27;
	v24 =	vadd.f32 v61, v60;
	v55 =	vadd.f32 v49, v63  }
0x312: {  	[tilespmem:s17+$0xFFFFFE30] =	vst v15;
	v22 =	vadd.f32 v22, v53;
	v29 =	vmul.f32 v29, v31;
	v31 =	vmul.f32 v46, v39  }
0x313: {  	v56 =	vld [tilespmem:s22+$0x1A0];
	v23 =	vadd.f32 v23, v54;
	[tilespmem:s19+$0x50] =	vst v30;
	v25 =	vmul.f32 $2.000000030e-01, v24;
	v30 =	vmul.f32 $2.000000030e-01, v55  }
0x314: {  	[tilespmem:s19+$0xFFFFFFC0] =	vst v35;
	v27 =	vld [tilespmem:s8+$0x20];
	v26 =	vadd.f32 v28, v26;
	v16 =	vmul.f32 v57, v16;
	v57 =	vmul.f32 $2.000000030e-01, v22  }
0x315: {  	v58 =	vld [tilespmem:s15+$0xFFFFFF50];
	[tilespmem:s19+$0xFFFFFEA0] =	vst v37;
	v14 =	vmax.f32 v24, v25;
	v25 =	vmax.f32 v55, v30;
	v30 =	vmul.f32 $2.000000030e-01, v23  }
0x316: {  	v38 =	vld [tilespmem:s18+$0xFFFFFFD0];
	v22 =	vmax.f32 v22, v57;
	v14 =	vmul.f32 $1.442695020e+00, v14;
	[tilespmem:s19+$0x220] =	vst v16;
	v16 =	vmul.f32 $2.000000030e-01, v26  }
0x317: {  	v21 =	vmul.f32 $2.000000030e-01, v17;
	v28 =	vld [tilespmem:s18+$0xFFFFFEB0];
	[tilespmem:s19+$0xFFFFFE10] =	vst v31;
	v22 =	vmul.f32 $1.442695020e+00, v22  }
0x318: {  	[tilespmem:s17+$0x180] =	vst v20;
	v24 =	vld [tilespmem:s18+$0xFFFFFE20];
	(erf) = vpow2.f32 v14;
	v14 =	vmax.f32 v23, v30;
	v16 =	vmax.f32 v26, v16  }
0x319: {  	[tilespmem:s19+$0xE0] =	vst v62;
	v40 =	vld [tilespmem:s18+$0x60];
	v25 =	vmul.f32 $1.442695020e+00, v25;
	v23 =	vadd.f32 v27, v56;
	v14 =	vmul.f32 $1.442695020e+00, v14  }
0x31a: {  	[tilespmem:s19+$0xFFFFFF30] =	vst v36;
	v39 =	vld [tilespmem:s18+$0xF0];
	(erf) = vpow2.f32 v22;
	v22 =	vmul.f32 $1.442695020e+00, v16  }
0x31b: {  	s23 =	simm.s32 $0x7080;
	[tilespmem:s19+$0x170] =	vst v29;
	v29 =	vld [tilespmem:s18+$0xFFFFFF40];
	v19 =	vmul.f32 $2.000000030e-01, v23;
	(erf) = vpow2.f32 v25;
	v16 =	vpop (erf)  }
0x31c: {  	v15 =	vmax.f32 v17, v21;
	v20 =	vld [tilespmem:s18+$0x180];
	v25 =	vmul.f32 v58, v13;
	(erf) = vpow2.f32 v14;
	[tilespmem:s23+$0x230] =	vst v16  }
0x31d: {  	[tilespmem:s17+$0xFFFFFFD0] =	vst v59;
	v14 =	vmul.f32 v24, v45;
	v19 =	vmax.f32 v23, v19;
	(erf) = vpow2.f32 v22;
	v21 =	vld [tilespmem:s22+$0x1B0]  }
0x31e: {  	v13 =	vld [tilespmem:s15+$0xFFFFFFE0];
	v22 =	vmul.f32 v28, v47;
	v17 =	vmul.f32 $1.442695020e+00, v19  }
0x31f: {  	v10 =	vbroadcast v10, $0x7;
	v15 =	vmul.f32 $1.442695020e+00, v15;
	[tilespmem:s19+$0xFFFFFE20] =	vst v14;
	v14 =	vld [tilespmem:s15+$0x70]  }
0x320: {  	v24 =	vbroadcast v16, $0x0;
	v19 =	vld [tilespmem:s18+$0xFFFFFE30];
	[tilespmem:s19+$0xFFFFFEB0] =	vst v22;
	(erf) = vpow2.f32 v17  }
0x321: {  	[tilespmem:s17+$0xFFFFFEC0] =	vst v18;
	v17 =	vmul.f32 v29, v48;
	v23 =	vld [tilespmem:s18+$0xFFFFFEC0];
	(erf) = vpow2.f32 v15;
	v18 =	vpop (erf)  }
0x322: {  	v34 =	vmul.f32 v38, v34;
	v15 =	vld [tilespmem:s15+$0x100];
	[tilespmem:s23+$0xFFFFFED0] =	vst v18;
	v22 =	vmul.f32 v24, v21  }
0x323: {  	v33 =	vmul.f32 v40, v33;
	v32 =	vmul.f32 v39, v32;
	[tilespmem:s19+$0xFFFFFF40] =	vst v17;
	v21 =	vpop (erf);
	v29 =	vld [tilespmem:s22+$0xFFFFFE50]  }
0x324: {  	v61 =	vbroadcast v16, $0x1;
	v27 =	vbroadcast v18, $0x0;
	v26 =	vld [tilespmem:s18+$0xFFFFFF50];
	[tilespmem:s23+$0xFFFFFF60] =	vst v21  }
0x325: {  	v28 =	vbroadcast v18, $0x1;
	v35 =	vbroadcast v18, $0x2;
	v17 =	vpop (erf);
	v31 =	vld [tilespmem:s22+$0xFFFFFEE0];
	[tilespmem:s23+$0x1B0] =	vst v22  }
0x326: {  	v30 =	vbroadcast v21, $0x0;
	v36 =	vbroadcast v21, $0x1;
	[tilespmem:s23+$0xFFFFFFF0] =	vst v17;
	v59 =	vld [tilespmem:s22+$0x1C0];
	v22 =	vpop (erf)  }
0x327: {  	v42 =	vbroadcast v21, $0x2;
	v37 =	vbroadcast v17, $0x0;
	v45 =	vld [tilespmem:s22+$0xFFFFFF70];
	[tilespmem:s23+$0x80] =	vst v22;
	v24 =	vpop (erf)  }
0x328: {  	v41 =	vbroadcast v17, $0x1;
	v27 =	vmul.f32 v27, v29;
	v29 =	vld [tilespmem:s22+$0x0];
	[tilespmem:s23+$0x110] =	vst v24  }
0x329: {  	[tilespmem:s17+$0xFFFFFF50] =	vst v25;
	v43 =	vbroadcast v17, $0x2;
	v58 =	vbroadcast v17, $0x4;
	v25 =	vpop (erf);
	v60 =	vld [tilespmem:s22+$0x90]  }
0x32a: {  	v46 =	vbroadcast v22, $0x0;
	v62 =	vmul.f32 v30, v31;
	[tilespmem:s23+$0x1A0] =	vst v25;
	v31 =	vpop (erf);
	v30 =	vld [tilespmem:s15+$0x190]  }
0x32b: {  	v47 =	vbroadcast v22, $0x1;
	[tilespmem:s23+$0xFFFFFE40] =	vst v31;
	v55 =	vld [tilespmem:s22+$0x120];
	v44 =	vmul.f32 v61, v59  }
0x32c: {  	v48 =	vbroadcast v24, $0x0;
	v50 =	vbroadcast v24, $0x1;
	[tilespmem:s23+$0xFFFFFE50] =	vst v27;
	v63 =	vld [tilespmem:s22+$0xFFFFFDC0]  }
0x32d: {  	v52 =	vbroadcast v24, $0x2;
	v27 =	vmul.f32 v37, v45;
	v37 =	vld [tilespmem:s22+$0xFFFFFE60];
	[tilespmem:s23+$0x1C0] =	vst v44  }
0x32e: {  	v53 =	vbroadcast v25, $0x0;
	[tilespmem:s23+$0xFFFFFEE0] =	vst v62;
	v29 =	vmul.f32 v46, v29;
	v61 =	vld [tilespmem:s22+$0x1D0]  }
0x32f: {  	v54 =	vbroadcast v31, $0x0;
	v62 =	vld [tilespmem:s22+$0xFFFFFEF0];
	[tilespmem:s23+$0xFFFFFF70] =	vst v27;
	v60 =	vmul.f32 v48, v60  }
0x330: {  	v49 =	vbroadcast v24, $0x4;
	v57 =	vld [tilespmem:s22+$0xFFFFFF80];
	[tilespmem:s23+$0x0] =	vst v29;
	v29 =	vmul.f32 v53, v55  }
0x331: {  	v59 =	vbroadcast v16, $0x2;
	v51 =	vmul.f32 v54, v63;
	v63 =	vld [tilespmem:s22+$0x10];
	[tilespmem:s23+$0x90] =	vst v60  }
0x332: {  	v56 =	vbroadcast v31, $0x1;
	v28 =	vmul.f32 v28, v37;
	v37 =	vld [tilespmem:s22+$0xA0];
	[tilespmem:s23+$0x120] =	vst v29  }
0x333: {  	v45 =	vbroadcast v25, $0x1;
	[tilespmem:s23+$0xFFFFFDC0] =	vst v51;
	v60 =	vld [tilespmem:s22+$0x130];
	v46 =	vmul.f32 v59, v61  }
0x334: {  	v44 =	vbroadcast v31, $0x2;
	[tilespmem:s23+$0xFFFFFE60] =	vst v28;
	v28 =	vmul.f32 v36, v62;
	v61 =	vld [tilespmem:s22+$0xFFFFFDD0]  }
0x335: {  	v27 =	vbroadcast v22, $0x2;
	v41 =	vmul.f32 v41, v57;
	v62 =	vld [tilespmem:s22+$0xFFFFFE70];
	[tilespmem:s23+$0x1D0] =	vst v46  }
0x336: {  	v53 =	vbroadcast v25, $0x2;
	[tilespmem:s23+$0xFFFFFEF0] =	vst v28;
	v28 =	vmul.f32 v47, v63;
	v47 =	vld [tilespmem:s22+$0x1E0]  }
0x337: {  	v55 =	vbroadcast v31, $0x3;
	[tilespmem:s23+$0xFFFFFF80] =	vst v41;
	v63 =	vld [tilespmem:s22+$0xFFFFFF00];
	v37 =	vmul.f32 v50, v37  }
0x338: {  	v54 =	vbroadcast v21, $0x4;
	v41 =	vld [tilespmem:s22+$0xFFFFFF90];
	[tilespmem:s23+$0x10] =	vst v28;
	v28 =	vmul.f32 v45, v60  }
0x339: {  	v48 =	vmul.f32 v56, v61;
	v60 =	vld [tilespmem:s22+$0x20];
	[tilespmem:s23+$0xA0] =	vst v37;
	v61 =	vbroadcast v16, $0x3  }
0x33a: {  	v29 =	vbroadcast v18, $0x3;
	v35 =	vmul.f32 v35, v62;
	v62 =	vld [tilespmem:s22+$0xB0];
	[tilespmem:s23+$0x130] =	vst v28  }
0x33b: {  	v36 =	vbroadcast v21, $0x3;
	[tilespmem:s23+$0xFFFFFDD0] =	vst v48;
	v48 =	vld [tilespmem:s22+$0x140];
	v37 =	vmul.f32 v47, v61  }
0x33c: {  	v57 =	vbroadcast v17, $0x3;
	[tilespmem:s23+$0xFFFFFE70] =	vst v35;
	v63 =	vmul.f32 v42, v63;
	v47 =	vld [tilespmem:s22+$0xFFFFFDE0]  }
0x33d: {  	v51 =	vbroadcast v22, $0x4;
	v41 =	vmul.f32 v43, v41;
	v42 =	vld [tilespmem:s22+$0xFFFFFE80];
	[tilespmem:s23+$0x1E0] =	vst v37  }
0x33e: {  	v59 =	vbroadcast v18, $0x5;
	[tilespmem:s23+$0xFFFFFF00] =	vst v63;
	v27 =	vmul.f32 v27, v60;
	v60 =	vld [tilespmem:s22+$0x1F0]  }
0x33f: {  	v46 =	vbroadcast v22, $0x3;
	[tilespmem:s23+$0xFFFFFF90] =	vst v41;
	v61 =	vld [tilespmem:s22+$0xFFFFFF10];
	v62 =	vmul.f32 v52, v62  }
0x340: {  	v50 =	vbroadcast v24, $0x3;
	v43 =	vld [tilespmem:s22+$0xFFFFFFA0];
	[tilespmem:s23+$0x20] =	vst v27;
	v27 =	vmul.f32 v53, v48  }
0x341: {  	v63 =	vbroadcast v16, $0x4;
	v44 =	vmul.f32 v44, v47;
	v47 =	vld [tilespmem:s22+$0x30];
	[tilespmem:s23+$0xB0] =	vst v62  }
0x342: {  	v45 =	vbroadcast v25, $0x3;
	v29 =	vmul.f32 v42, v29;
	v53 =	vld [tilespmem:s22+$0xC0];
	[tilespmem:s23+$0x140] =	vst v27  }
0x343: {  	v56 =	vbroadcast v31, $0x4;
	[tilespmem:s23+$0xFFFFFDE0] =	vst v44;
	v27 =	vld [tilespmem:s22+$0x150];
	v35 =	vmul.f32 v60, v63  }
0x344: {  	v28 =	vbroadcast v18, $0x4;
	[tilespmem:s23+$0xFFFFFE80] =	vst v29;
	v29 =	vmul.f32 v61, v36;
	v48 =	vld [tilespmem:s22+$0xFFFFFDF0]  }
0x345: {  	v41 =	vbroadcast v31, $0x5;
	v57 =	vmul.f32 v43, v57;
	v37 =	vld [tilespmem:s22+$0xFFFFFE90];
	[tilespmem:s23+$0x1F0] =	vst v35  }
0x346: {  	v52 =	vbroadcast v25, $0x4;
	[tilespmem:s23+$0xFFFFFF10] =	vst v29;
	v29 =	vmul.f32 v47, v46;
	v46 =	vld [tilespmem:s22+$0x200]  }
0x347: {  	v42 =	vbroadcast v22, $0x5;
	[tilespmem:s23+$0xFFFFFFA0] =	vst v57;
	v47 =	vld [tilespmem:s22+$0xFFFFFF20];
	v61 =	vmul.f32 v53, v50  }
0x348: {  	v60 =	vbroadcast v21, $0x5;
	v62 =	vld [tilespmem:s22+$0xFFFFFFB0];
	[tilespmem:s23+$0x30] =	vst v29;
	v27 =	vmul.f32 v27, v45  }
0x349: {  	v63 =	vbroadcast v16, $0x5;
	v29 =	vmul.f32 v48, v55;
	v48 =	vld [tilespmem:s22+$0x40];
	[tilespmem:s23+$0xC0] =	vst v61  }
0x34a: {  	v44 =	vbroadcast v17, $0x5;
	v28 =	vmul.f32 v37, v28;
	v55 =	vld [tilespmem:s22+$0xD0];
	[tilespmem:s23+$0x150] =	vst v27  }
0x34b: {  	v43 =	vbroadcast v24, $0x5;
	[tilespmem:s23+$0xFFFFFDF0] =	vst v29;
	v57 =	vld [tilespmem:s22+$0x160];
	v29 =	vmul.f32 v46, v63  }
0x34c: {  	v36 =	vbroadcast v31, $0x6;
	[tilespmem:s23+$0xFFFFFE90] =	vst v28;
	v28 =	vmul.f32 v47, v54;
	v61 =	vld [tilespmem:s22+$0xFFFFFE00]  }
0x34d: {  	v35 =	vbroadcast v18, $0x6;
	v62 =	vmul.f32 v62, v58;
	v47 =	vld [tilespmem:s22+$0xFFFFFEA0];
	[tilespmem:s23+$0x200] =	vst v29  }
0x34e: {  	v45 =	vbroadcast v25, $0x5;
	[tilespmem:s23+$0xFFFFFF20] =	vst v28;
	v63 =	vmul.f32 v48, v51;
	v51 =	vld [tilespmem:s22+$0x210]  }
0x34f: {  	v37 =	vbroadcast v21, $0x6;
	[tilespmem:s23+$0xFFFFFFB0] =	vst v62;
	v54 =	vld [tilespmem:s22+$0xFFFFFF30];
	v55 =	vmul.f32 v55, v49  }
0x350: {  	v27 =	vbroadcast v17, $0x6;
	v48 =	vld [tilespmem:s22+$0xFFFFFFC0];
	[tilespmem:s23+$0x40] =	vst v63;
	v58 =	vmul.f32 v57, v52  }
0x351: {  	v62 =	vbroadcast v16, $0x6;
	v61 =	vmul.f32 v61, v56;
	v49 =	vld [tilespmem:s22+$0x50];
	[tilespmem:s23+$0xD0] =	vst v55  }
0x352: {  	v46 =	vbroadcast v25, $0x6;
	v63 =	vmul.f32 v47, v59;
	v47 =	vld [tilespmem:s22+$0xE0];
	[tilespmem:s23+$0x160] =	vst v58  }
0x353: {  	v28 =	vbroadcast v22, $0x6;
	[tilespmem:s23+$0xFFFFFE00] =	vst v61;
	v38 =	vld [tilespmem:s22+$0x170];
	v50 =	vmul.f32 v51, v62  }
0x354: {  	s9 =	simm.s32 $0x4300;
	s15 =	simm.s32 $0x10;
	v29 =	vbroadcast v24, $0x6;
	[tilespmem:s23+$0xFFFFFEA0] =	vst v63;
	v51 =	vmul.f32 v54, v60;
	v40 =	vld [tilespmem:s22+$0xFFFFFE10]  }
.LBB2_7:
0x355: {  	v39 =	vld [tilespmem:s9+$0x230];
	v44 =	vmul.f32 v48, v44;
	[tilespmem:s23+$0x210] =	vst v50;
	v20 =	vmul.f32 v20, v9;
	v9 =	vmov v46  }
0x356: {  	v31 =	vbroadcast v31, $0x7;
	s8 =	sadd.s32 $0x80, s8;
	[tilespmem:s23+$0xFFFFFF30] =	vst v51;
	v42 =	vmul.f32 v49, v42;
	v46 =	vld [tilespmem:s22+$0x220]  }
0x357: {  	s15 =	sadd.s32 $0x8, s15;
	v18 =	vbroadcast v18, $0x7;
	v48 =	vld [tilespmem:s8+$0x30];
	[tilespmem:s23+$0xFFFFFFC0] =	vst v44;
	v43 =	vmul.f32 v47, v43  }
0x358: {  	v21 =	vbroadcast v21, $0x7;
	p0 =	slt.u32 s15, $0x48;
	v44 =	vld [tilespmem:s8+$0xFFFFFFC0];
	[tilespmem:s23+$0x50] =	vst v42;
	v38 =	vmul.f32 v38, v45  }
0x359: {  	v16 =	vbroadcast v16, $0x7;
	v42 =	vld [tilespmem:s9+$0xFFFFFED0];
	v40 =	vmul.f32 v40, v41;
	[tilespmem:s23+$0xE0] =	vst v43  }
0x35a: {  	v17 =	vbroadcast v17, $0x7;
	v22 =	vbroadcast v22, $0x7;
	v41 =	vld [tilespmem:s8+$0xFFFFFFD0];
	[tilespmem:s23+$0x170] =	vst v38  }
0x35b: {  	v24 =	vbroadcast v24, $0x7;
	v38 =	vld [tilespmem:s9+$0xFFFFFF60];
	[tilespmem:s23+$0xFFFFFE10] =	vst v40;
	v16 =	vmul.f32 v46, v16  }
0x35c: {  	v25 =	vbroadcast v25, $0x7;
	v19 =	vmul.f32 v19, v10;
	v10 =	vmovc v31;
	v40 =	vld [tilespmem:s8+$0xFFFFFFE0];
	v39 =	vadd.f32 v48, v39;
	[tilespmem:s19+$0xFFFFFFD0] =	vst v34  }
0x35d: {  	v31 =	vld [tilespmem:s9+$0xFFFFFFF0];
	[tilespmem:s23+$0x220] =	vst v16;
	v16 =	vmul.f32 v23, v11;
	v23 =	vmul.f32 v26, v12;
	v11 =	vmovc v18;
	v12 =	vmov v21  }
0x35e: {  	v13 =	vmul.f32 v13, v1;
	v1 =	vmovc v7;
	v7 =	vmov v17;
	v18 =	vld [tilespmem:s8+$0xFFFFFFF0];
	v21 =	vmul.f32 $2.000000030e-01, v39;
	[tilespmem:s19+$0x60] =	vst v33  }
0x35f: {  	v14 =	vmul.f32 v14, v2;
	v15 =	vmul.f32 v15, v4;
	v17 =	vadd.f32 v41, v42;
	v26 =	vld [tilespmem:s9+$0x80];
	[tilespmem:s19+$0xF0] =	vst v32  }
0x360: {  	v2 =	vmovc v6;
	v6 =	vmov v22;
	v32 =	vld [tilespmem:s8+$0x0];
	v34 =	vmax.f32 v39, v21;
	[tilespmem:s19+$0x180] =	vst v20;
	v20 =	vmul.f32 v30, v3  }
0x361: {  	v4 =	vmovc v5;
	v5 =	vmovc v24;
	v21 =	vmul.f32 $2.000000030e-01, v17;
	v22 =	vadd.f32 v40, v38;
	v30 =	vld [tilespmem:s9+$0x110];
	v33 =	vmul.f32 $1.442695020e+00, v34;
	[tilespmem:s19+$0xFFFFFE30] =	vst v19  }
0x362: {  	v3 =	vmov v8;
	v8 =	vmov v25;
	v19 =	vld [tilespmem:s8+$0x10];
	[tilespmem:s19+$0xFFFFFEC0] =	vst v16  }
0x363: {  	v16 =	vmul.f32 $2.000000030e-01, v22;
	v18 =	vadd.f32 v18, v31;
	v24 =	vld [tilespmem:s9+$0x1A0];
	(erf) = vpow2.f32 v33;
	[tilespmem:s19+$0xFFFFFF50] =	vst v23  }
0x364: {  	v17 =	vmax.f32 v17, v21;
	v21 =	vld [tilespmem:s8+$0x20];
	[tilespmem:s17+$0xFFFFFFE0] =	vst v13  }
0x365: {  	v13 =	vld [tilespmem:s9+$0xFFFFFE40];
	v16 =	vmax.f32 v22, v16;
	v22 =	vmul.f32 $2.000000030e-01, v18;
	v23 =	vadd.f32 v32, v26;
	[tilespmem:s17+$0x70] =	vst v14  }
0x366: {  	v14 =	vmul.f32 $1.442695020e+00, v17;
	v16 =	vmul.f32 $1.442695020e+00, v16;
	v17 =	vld [tilespmem:s22+$0xFFFFFE20];
	[tilespmem:s17+$0x100] =	vst v15  }
0x367: {  	v15 =	vmax.f32 v18, v22;
	v18 =	vmul.f32 $2.000000030e-01, v23;
	v19 =	vadd.f32 v19, v30;
	v22 =	vld [tilespmem:s22+$0xFFFFFEB0];
	[tilespmem:s17+$0x190] =	vst v20;
	s17 =	smov.u32 s19;
	s19 =	smov.u32 s23  }
0x368: {  	v15 =	vmul.f32 $1.442695020e+00, v15;
	(erf) = vpow2.f32 v14;
	v25 =	vld [tilespmem:s22+$0xFFFFFF40]  }
0x369: {  	v14 =	vmax.f32 v23, v18;
	v18 =	vmul.f32 $2.000000030e-01, v19;
	v21 =	vadd.f32 v21, v24;
	v34 =	vld [tilespmem:s22+$0xFFFFFFD0]  }
0x36a: {  	v23 =	vadd.f32 v44, v13;
	v13 =	vmul.f32 $1.442695020e+00, v14;
	(erf) = vpow2.f32 v16;
	v33 =	vld [tilespmem:s22+$0x60]  }
0x36b: {  	s23 =	sadd.s32 $0x480, s23;
	v14 =	vmax.f32 v19, v18;
	v18 =	vmul.f32 $2.000000030e-01, v21;
	(erf) = vpow2.f32 v15;
	v32 =	vld [tilespmem:s22+$0xF0]  }
0x36c: {  	v15 =	vmul.f32 $2.000000030e-01, v23;
	v14 =	vmul.f32 $1.442695020e+00, v14;
	v16 =	vpop (erf);
	v20 =	vld [tilespmem:s22+$0x180]  }
0x36d: {  	v17 =	vmul.f32 v17, v36;
	v18 =	vmax.f32 v21, v18;
	[tilespmem:s23+$0x230] =	vst v16;
	(erf) = vpow2.f32 v13;
	v13 =	vld [tilespmem:s18+$0xFFFFFFE0]  }
0x36e: {  	v15 =	vmax.f32 v23, v15;
	v23 =	vmul.f32 $1.442695020e+00, v18;
	v21 =	vld [tilespmem:s9+$0x1B0];
	(erf) = vpow2.f32 v14  }
0x36f: {  	v15 =	vmul.f32 $1.442695020e+00, v15;
	[tilespmem:s19+$0xFFFFFE20] =	vst v17;
	v17 =	vmul.f32 v22, v35;
	v14 =	vld [tilespmem:s18+$0x70]  }
0x370: {  	v22 =	vmul.f32 v25, v37;
	(erf) = vpow2.f32 v23;
	v19 =	vld [tilespmem:s22+$0xFFFFFE30]  }
0x371: {  	v24 =	vbroadcast v16, $0x0;
	(erf) = vpow2.f32 v15;
	v18 =	vpop (erf);
	[tilespmem:s19+$0xFFFFFEB0] =	vst v17;
	v15 =	vld [tilespmem:s18+$0x100]  }
0x372: {  	[tilespmem:s23+$0xFFFFFED0] =	vst v18;
	v25 =	vbroadcast v18, $0x0;
	v35 =	vbroadcast v18, $0x1;
	v23 =	vld [tilespmem:s22+$0xFFFFFEC0]  }
0x373: {  	v36 =	vbroadcast v18, $0x2;
	v30 =	vld [tilespmem:s9+$0xFFFFFE50];
	v24 =	vmul.f32 v24, v21;
	v21 =	vpop (erf);
	[tilespmem:s19+$0xFFFFFF40] =	vst v22  }
0x374: {  	[tilespmem:s23+$0xFFFFFF60] =	vst v21;
	v31 =	vbroadcast v21, $0x0;
	v37 =	vbroadcast v21, $0x1;
	v17 =	vpop (erf);
	v26 =	vld [tilespmem:s22+$0xFFFFFF50]  }
0x375: {  	v38 =	vld [tilespmem:s9+$0xFFFFFEE0];
	v39 =	vbroadcast v17, $0x0;
	v40 =	vbroadcast v17, $0x1;
	[tilespmem:s23+$0x1B0] =	vst v24  }
0x376: {  	v41 =	vbroadcast v21, $0x2;
	v42 =	vbroadcast v17, $0x2;
	[tilespmem:s23+$0xFFFFFFF0] =	vst v17;
	v43 =	vld [tilespmem:s9+$0x1C0];
	v22 =	vpop (erf)  }
0x377: {  	v44 =	vld [tilespmem:s9+$0xFFFFFF70];
	[tilespmem:s23+$0x80] =	vst v22;
	v45 =	vbroadcast v22, $0x0;
	v46 =	vbroadcast v22, $0x1;
	v24 =	vpop (erf)  }
0x378: {  	v47 =	vmul.f32 v25, v30;
	v48 =	vld [tilespmem:s9+$0x0];
	[tilespmem:s23+$0x110] =	vst v24;
	v49 =	vbroadcast v24, $0x0  }
0x379: {  	v52 =	vbroadcast v16, $0x1;
	v51 =	vbroadcast v24, $0x1;
	v50 =	vld [tilespmem:s9+$0x90];
	v25 =	vpop (erf)  }
0x37a: {  	v38 =	vmul.f32 v31, v38;
	[tilespmem:s23+$0x1A0] =	vst v25;
	v53 =	vbroadcast v25, $0x0;
	v31 =	vpop (erf);
	v30 =	vld [tilespmem:s18+$0x190];
	s18 =	smov.u32 s22;
	s22 =	smov.u32 s9  }
0x37b: {  	[tilespmem:s23+$0xFFFFFE40] =	vst v31;
	v54 =	vbroadcast v31, $0x0;
	v55 =	vld [tilespmem:s9+$0x120];
	v43 =	vmul.f32 v52, v43  }
0x37c: {  	v56 =	vbroadcast v31, $0x1;
	v52 =	vld [tilespmem:s9+$0xFFFFFDC0];
	[tilespmem:s23+$0xFFFFFE50] =	vst v47;
	v39 =	vmul.f32 v39, v44  }
0x37d: {  	v47 =	vbroadcast v25, $0x1;
	v44 =	vld [tilespmem:s9+$0xFFFFFE60];
	v45 =	vmul.f32 v45, v48;
	[tilespmem:s23+$0x1C0] =	vst v43  }
0x37e: {  	v43 =	vbroadcast v31, $0x2;
	[tilespmem:s23+$0xFFFFFEE0] =	vst v38;
	v38 =	vmul.f32 v49, v50;
	v48 =	vld [tilespmem:s9+$0x1D0]  }
0x37f: {  	v50 =	vbroadcast v24, $0x2;
	v49 =	vld [tilespmem:s9+$0xFFFFFEF0];
	[tilespmem:s23+$0xFFFFFF70] =	vst v39;
	v39 =	vbroadcast v22, $0x2  }
0x380: {  	v57 =	vld [tilespmem:s9+$0xFFFFFF80];
	[tilespmem:s23+$0x0] =	vst v45;
	v45 =	vmul.f32 v53, v55;
	v53 =	vbroadcast v25, $0x2  }
0x381: {  	v52 =	vmul.f32 v54, v52;
	v54 =	vld [tilespmem:s9+$0x10];
	[tilespmem:s23+$0x90] =	vst v38;
	v38 =	vbroadcast v16, $0x2  }
0x382: {  	v55 =	vbroadcast v31, $0x3;
	v35 =	vmul.f32 v35, v44;
	v44 =	vld [tilespmem:s9+$0xA0];
	[tilespmem:s23+$0x120] =	vst v45  }
0x383: {  	v45 =	vbroadcast v18, $0x3;
	[tilespmem:s23+$0xFFFFFDC0] =	vst v52;
	v52 =	vld [tilespmem:s9+$0x130];
	v38 =	vmul.f32 v38, v48  }
0x384: {  	v48 =	vld [tilespmem:s9+$0xFFFFFDD0];
	[tilespmem:s23+$0xFFFFFE60] =	vst v35;
	v35 =	vmul.f32 v37, v49;
	v37 =	vbroadcast v21, $0x3  }
0x385: {  	v49 =	vld [tilespmem:s9+$0xFFFFFE70];
	v40 =	vmul.f32 v40, v57;
	v57 =	vbroadcast v17, $0x3;
	[tilespmem:s23+$0x1D0] =	vst v38  }
0x386: {  	v38 =	vbroadcast v22, $0x3;
	[tilespmem:s23+$0xFFFFFEF0] =	vst v35;
	v35 =	vmul.f32 v46, v54;
	v46 =	vld [tilespmem:s9+$0x1E0]  }
0x387: {  	v54 =	vld [tilespmem:s9+$0xFFFFFF00];
	[tilespmem:s23+$0xFFFFFF80] =	vst v40;
	v40 =	vmul.f32 v51, v44;
	v51 =	vbroadcast v24, $0x3  }
0x388: {  	v44 =	vld [tilespmem:s9+$0xFFFFFF90];
	[tilespmem:s23+$0x10] =	vst v35;
	v35 =	vmul.f32 v47, v52;
	v47 =	vbroadcast v25, $0x3  }
0x389: {  	v48 =	vmul.f32 v56, v48;
	v52 =	vld [tilespmem:s9+$0x20];
	[tilespmem:s23+$0xA0] =	vst v40;
	v40 =	vbroadcast v16, $0x3  }
0x38a: {  	v56 =	vbroadcast v31, $0x4;
	v36 =	vmul.f32 v36, v49;
	v49 =	vld [tilespmem:s9+$0xB0];
	[tilespmem:s23+$0x130] =	vst v35  }
0x38b: {  	v35 =	vbroadcast v18, $0x4;
	[tilespmem:s23+$0xFFFFFDD0] =	vst v48;
	v48 =	vld [tilespmem:s9+$0x140];
	v40 =	vmul.f32 v46, v40  }
0x38c: {  	v46 =	vld [tilespmem:s9+$0xFFFFFDE0];
	[tilespmem:s23+$0xFFFFFE70] =	vst v36;
	v36 =	vmul.f32 v41, v54;
	v54 =	vbroadcast v21, $0x4  }
0x38d: {  	v59 =	vbroadcast v17, $0x4;
	v58 =	vld [tilespmem:s9+$0xFFFFFE80];
	v41 =	vmul.f32 v42, v44;
	[tilespmem:s23+$0x1E0] =	vst v40  }
0x38e: {  	[tilespmem:s23+$0xFFFFFF00] =	vst v36;
	v36 =	vmul.f32 v39, v52;
	v39 =	vbroadcast v22, $0x4;
	v40 =	vld [tilespmem:s9+$0x1F0]  }
0x38f: {  	v42 =	vld [tilespmem:s9+$0xFFFFFF10];
	[tilespmem:s23+$0xFFFFFF90] =	vst v41;
	v41 =	vmul.f32 v50, v49;
	v49 =	vbroadcast v24, $0x4  }
0x390: {  	v50 =	vbroadcast v25, $0x4;
	v44 =	vld [tilespmem:s9+$0xFFFFFFA0];
	[tilespmem:s23+$0x20] =	vst v36;
	v36 =	vmul.f32 v53, v48  }
0x391: {  	v48 =	vbroadcast v16, $0x4;
	v43 =	vmul.f32 v43, v46;
	v46 =	vld [tilespmem:s9+$0x30];
	[tilespmem:s23+$0xB0] =	vst v41  }
0x392: {  	v41 =	vbroadcast v31, $0x5;
	v45 =	vmul.f32 v58, v45;
	v52 =	vld [tilespmem:s9+$0xC0];
	[tilespmem:s23+$0x140] =	vst v36  }
0x393: {  	v53 =	vbroadcast v18, $0x5;
	[tilespmem:s23+$0xFFFFFDE0] =	vst v43;
	v36 =	vld [tilespmem:s9+$0x150];
	v40 =	vmul.f32 v40, v48  }
0x394: {  	v58 =	vbroadcast v21, $0x5;
	v48 =	vld [tilespmem:s9+$0xFFFFFDF0];
	[tilespmem:s23+$0xFFFFFE80] =	vst v45;
	v37 =	vmul.f32 v42, v37  }
0x395: {  	v60 =	vld [tilespmem:s9+$0xFFFFFE90];
	v43 =	vmul.f32 v44, v57;
	v44 =	vbroadcast v17, $0x5;
	[tilespmem:s23+$0x1F0] =	vst v40  }
0x396: {  	v42 =	vbroadcast v22, $0x5;
	[tilespmem:s23+$0xFFFFFF10] =	vst v37;
	v37 =	vmul.f32 v46, v38;
	v38 =	vld [tilespmem:s9+$0x200]  }
0x397: {  	v40 =	vld [tilespmem:s9+$0xFFFFFF20];
	[tilespmem:s23+$0xFFFFFFA0] =	vst v43;
	v46 =	vmul.f32 v52, v51;
	v43 =	vbroadcast v24, $0x5  }
0x398: {  	v45 =	vbroadcast v25, $0x5;
	v51 =	vld [tilespmem:s9+$0xFFFFFFB0];
	[tilespmem:s23+$0x30] =	vst v37;
	v37 =	vmul.f32 v36, v47  }
0x399: {  	v47 =	vmul.f32 v48, v55;
	v48 =	vld [tilespmem:s9+$0x40];
	[tilespmem:s23+$0xC0] =	vst v46;
	v46 =	vbroadcast v16, $0x5  }
0x39a: {  	v36 =	vbroadcast v31, $0x6;
	v52 =	vmul.f32 v60, v35;
	v55 =	vld [tilespmem:s9+$0xD0];
	[tilespmem:s23+$0x150] =	vst v37  }
0x39b: {  	v35 =	vbroadcast v18, $0x6;
	[tilespmem:s23+$0xFFFFFDF0] =	vst v47;
	v47 =	vld [tilespmem:s9+$0x160];
	v38 =	vmul.f32 v38, v46  }
0x39c: {  	v37 =	vbroadcast v21, $0x6;
	v57 =	vld [tilespmem:s9+$0xFFFFFE00];
	[tilespmem:s23+$0xFFFFFE90] =	vst v52;
	v40 =	vmul.f32 v40, v54  }
0x39d: {  	v52 =	vld [tilespmem:s9+$0xFFFFFEA0];
	v46 =	vmul.f32 v51, v59;
	v51 =	vbroadcast v17, $0x6;
	[tilespmem:s23+$0x200] =	vst v38  }
0x39e: {  	[tilespmem:s23+$0xFFFFFF20] =	vst v40;
	v38 =	vmul.f32 v48, v39;
	v39 =	vbroadcast v22, $0x6;
	v40 =	vld [tilespmem:s9+$0x210]  }
0x39f: {  	v59 =	vbroadcast v24, $0x6;
	v54 =	vld [tilespmem:s9+$0xFFFFFF30];
	[tilespmem:s23+$0xFFFFFFB0] =	vst v46;
	v55 =	vmul.f32 v55, v49  }
.Ltmp2:
0x3a0: {  	v46 =	vbroadcast v25, $0x6;
	v48 =	vld [tilespmem:s9+$0xFFFFFFC0];
	[tilespmem:s23+$0x40] =	vst v38;
	v38 =	vmul.f32 v47, v50;
	(pc) =	sbr.rel @p0 .LBB2_7-.Ltmp2, $4  }
0x3a1: {  	v50 =	vmul.f32 v57, v56;
	v49 =	vld [tilespmem:s9+$0x50];
	[tilespmem:s23+$0xD0] =	vst v55;
	v55 =	vbroadcast v16, $0x6  }
0x3a2: {  	v34 =	vmul.f32 v34, v27;
	v27 =	vmov v51;
	v52 =	vmul.f32 v52, v53;
	v47 =	vld [tilespmem:s9+$0xE0];
	[tilespmem:s23+$0x160] =	vst v38  }
0x3a3: {  	v33 =	vmul.f32 v33, v28;
	v28 =	vmov v39;
	[tilespmem:s23+$0xFFFFFE00] =	vst v50;
	v38 =	vld [tilespmem:s9+$0x170];
	v50 =	vmul.f32 v40, v55  }
0x3a4: {  	v32 =	vmul.f32 v32, v29;
	v29 =	vmov v59;
	s9 =	sadd.s32 $0x480, s9;
	v40 =	vld [tilespmem:s22+$0xFFFFFE10];
	[tilespmem:s23+$0xFFFFFEA0] =	vst v52;
	v51 =	vmul.f32 v54, v58  }
0x3a5: {  	[tilespmem:s23+$0x210] =	vst v50  }
0x3a6: {  	[tilespmem:s19+$0xFFFFFFD0] =	vst v34  }
0x3a7: {  	[tilespmem:s19+$0x60] =	vst v33  }
0x3a8: {  	v39 =	vmul.f32 v48, v44;
	[tilespmem:s23+$0xFFFFFF30] =	vst v51  }
0x3a9: {  	v9 =	vmul.f32 v20, v9;
	[tilespmem:s19+$0xF0] =	vst v32  }
0x3aa: {  	v10 =	vmul.f32 v19, v10;
	[tilespmem:s23+$0xFFFFFFC0] =	vst v39  }
0x3ab: {  	v11 =	vmul.f32 v23, v11;
	[tilespmem:s19+$0x180] =	vst v9  }
0x3ac: {  	v12 =	vmul.f32 v26, v12;
	[tilespmem:s19+$0xFFFFFE30] =	vst v10  }
0x3ad: {  	v1 =	vmul.f32 v13, v1;
	[tilespmem:s19+$0xFFFFFEC0] =	vst v11  }
0x3ae: {  	v2 =	vmul.f32 v14, v2;
	[tilespmem:s19+$0xFFFFFF50] =	vst v12  }
0x3af: {  	v4 =	vmul.f32 v15, v4;
	[tilespmem:s17+$0xFFFFFFE0] =	vst v1  }
0x3b0: {  	v48 =	vld [tilespmem:s22+$0xFFFFFEB0];
	v3 =	vmul.f32 v30, v3;
	[tilespmem:s17+$0x70] =	vst v2  }
0x3b1: {  	v42 =	vmul.f32 v49, v42;
	v62 =	vld [tilespmem:s22+$0x220];
	[tilespmem:s17+$0x100] =	vst v4  }
0x3b2: {  	v63 =	vmul.f32 v47, v43;
	v49 =	vld [tilespmem:s22+$0xFFFFFF40];
	[tilespmem:s17+$0x190] =	vst v3  }
0x3b3: {  	v55 =	vld [tilespmem:s18+$0xFFFFFFE0];
	[tilespmem:s23+$0x50] =	vst v42;
	v40 =	vmul.f32 v40, v41  }
0x3b4: {  	v16 =	vbroadcast v16, $0x7;
	v38 =	vmul.f32 v38, v45;
	v1 =	vld [tilespmem:s22+$0xFFFFFFD0];
	[tilespmem:s23+$0xE0] =	vst v63  }
0x3b5: {  	v2 =	vld [tilespmem:s22+$0x60];
	v10 =	vmul.f32 v48, v35;
	[tilespmem:s23+$0xFFFFFE10] =	vst v40  }
0x3b6: {  	[tilespmem:s23+$0x170] =	vst v38;
	v16 =	vmul.f32 v62, v16;
	v47 =	vld [tilespmem:s22+$0xFFFFFE20]  }
0x3b7: {  	v50 =	vld [tilespmem:s22+$0xF0];
	v52 =	vmul.f32 v49, v37;
	[tilespmem:s23+$0xFFFFFEB0] =	vst v10  }
0x3b8: {  	v51 =	vld [tilespmem:s22+$0x180];
	v7 =	vmul.f32 v55, v7;
	[tilespmem:s23+$0x220] =	vst v16  }
0x3b9: {  	v10 =	vld [tilespmem:s22+$0xFFFFFEC0];
	v1 =	vmul.f32 v1, v27;
	[tilespmem:s23+$0xFFFFFF40] =	vst v52  }
0x3ba: {  	[tilespmem:s19+$0xFFFFFFE0] =	vst v7;
	v2 =	vmul.f32 v2, v28;
	v3 =	vld [tilespmem:s22+$0xFFFFFF50]  }
0x3bb: {  	v56 =	vld [tilespmem:s18+$0x70];
	[tilespmem:s23+$0xFFFFFFD0] =	vst v1;
	v9 =	vmul.f32 v47, v36  }
0x3bc: {  	v57 =	vld [tilespmem:s18+$0x100];
	v4 =	vmul.f32 v50, v29;
	v1 =	vbroadcast v18, $0x7;
	[tilespmem:s23+$0x60] =	vst v2  }
0x3bd: {  	v58 =	vld [tilespmem:s18+$0x190];
	v12 =	vmul.f32 v51, v46;
	v2 =	vbroadcast v21, $0x7;
	[tilespmem:s23+$0xFFFFFE20] =	vst v9  }
0x3be: {  	[tilespmem:s23+$0xF0] =	vst v4;
	v1 =	vmul.f32 v10, v1;
	v53 =	vld [tilespmem:s22+$0xFFFFFE30]  }
0x3bf: {  	[tilespmem:s23+$0x180] =	vst v12;
	v2 =	vmul.f32 v3, v2;
	v3 =	vld [tilespmem:s22+$0xFFFFFFE0]  }
0x3c0: {  	v6 =	vmul.f32 v56, v6;
	[tilespmem:s23+$0xFFFFFEC0] =	vst v1;
	v1 =	vld [tilespmem:s22+$0x70]  }
0x3c1: {  	v54 =	vbroadcast v31, $0x7;
	v5 =	vmul.f32 v57, v5;
	[tilespmem:s23+$0xFFFFFF50] =	vst v2;
	v2 =	vld [tilespmem:s22+$0x100]  }
0x3c2: {  	v59 =	vbroadcast v17, $0x7;
	[tilespmem:s19+$0x70] =	vst v6;
	v4 =	vmul.f32 v58, v8;
	v60 =	vld [tilespmem:s22+$0x190]  }
0x3c3: {  	v61 =	vbroadcast v22, $0x7;
	[tilespmem:s19+$0x100] =	vst v5;
	v9 =	vmul.f32 v53, v54  }
0x3c4: {  	v62 =	vbroadcast v24, $0x7;
	[tilespmem:s19+$0x190] =	vst v4;
	v3 =	vmul.f32 v3, v59  }
0x3c5: {  	v63 =	vbroadcast v25, $0x7;
	v1 =	vmul.f32 v1, v61;
	[tilespmem:s23+$0xFFFFFE30] =	vst v9  }
0x3c6: {  	v2 =	vmul.f32 v2, v62;
	[tilespmem:s23+$0xFFFFFFE0] =	vst v3  }
0x3c7: {  	s8 =	sshll.u32 s16, $0x1;
	v3 =	vmul.f32 v60, v63;
	[tilespmem:s23+$0x70] =	vst v1  }
0x3c8: {  	s8 =	smin.u32 s8, $0x79;
	[tilespmem:s23+$0x100] =	vst v2  }
0x3c9: {  	s16 =	sadd.s32 $0x1, s16;
	s8 =	smul.u32 $0x50, s8;
	[tilespmem:s23+$0x190] =	vst v3  }
0x3ca: {  	[spmem:s3] =	stream.indirect.scatter.add.f32 [tilespmem:s24], [sflag:$0x7], $0x90, s0, s26, $0xb8;
	[tilespmem:$0x1F1D0] =	vst v63  }
0x3cb: {  	p0 =	sne.s32 s16, $0x3E;
	s8 =	sadd.s32 s8, s21;
	_ =	swait.ge [sflag:s25], $0x2D00  }
.Ltmp3:
0x3cc: {  	s8 =	sshrl.u32 s8, $0x3;
	[sflag:s25] =	ssyncset.done $0x0;
	(pc) =	sbr.rel @p0 .LBB2_4-.Ltmp3, $4  }
0x3cd: {  	s9 =	sadd.s32 s5, s8;
	[sflag:s25] =	ssyncadd.s32 $0xFFFFD300  }
0x3ce: {  	[tilespmem:s31], [sflag:$0x6] =	stream.linear.gather [hbm4b:s9+s4], $0x50, $0x38;
	[tilespmem:$0x1F1D0] =	vst v63  }
0x3cf: {  	s8 =	sadd.s32 s2, s8  }
0x3d0: {  	[tilespmem:s0], [sflag:$0x6] =	stream.linear.gather [hbm4b:s8+s4], $0x50, $0x38;
	[tilespmem:$0x1F1D0] =	vst v63  }
0x3d1: {  	_ =	swait.ge [sflag:s1], $0x50  }
0x3d2: {  	[sflag:s1] =	ssyncset.done $0x0  }
0x3d3: {  	[sflag:s1] =	ssyncadd.s32 $0xFFFFFFB0  }
0x3d4: {  	_ =	swait.ge [sflag:s1], $0x50  }
0x3d5: {  	[sflag:s1] =	ssyncset.done $0x0  }
0x3d6: {  	[sflag:s1] =	ssyncadd.s32 $0xFFFFFFB0  }
0x3d7: {  	_ =	swait.ge [sflag:s11], $0x2D00  }
0x3d8: {  	[sflag:s11] =	ssyncset.done $0x0  }
0x3d9: {  	[sflag:s11] =	ssyncadd.s32 $0xFFFFD300  }
0x3da: {  	_ =	swait.ge [sflag:s12], $0x500  }
0x3db: {  	[sflag:s12] =	ssyncset.done $0x0  }
0x3dc: {  	s15 =	simm.s32 $0x2E0;
	[sflag:s12] =	ssyncadd.s32 $0xFFFFFB00  }
0x3dd: {  	s8 =	simm.s32 $0x2DE0;
	v1 =	vld [tilespmem:s15+$0x230]  }
0x3de: {  	v2 =	vld [tilespmem:s8+$0x30];
	_ =	sdelay $0x1  }
0x3df: {  	v3 =	vld [tilespmem:s8+$0xFFFFFFC0]  }
0x3e0: {  	v4 =	vld [tilespmem:s15+$0xFFFFFED0]  }
0x3e1: {  	v5 =	vld [tilespmem:s8+$0xFFFFFFD0]  }
0x3e2: {  	v6 =	vld [tilespmem:s15+$0xFFFFFF60];
	v1 =	vadd.f32 v2, v1  }
0x3e3: {  	v7 =	vld [tilespmem:s8+$0xFFFFFFE0]  }
0x3e4: {  	v8 =	vld [tilespmem:s8+$0xFFFFFFF0];
	v9 =	vmul.f32 $2.000000030e-01, v1  }
0x3e5: {  	v10 =	vld [tilespmem:s15+$0x80]  }
0x3e6: {  	v2 =	vld [tilespmem:s15+$0xFFFFFFF0];
	v1 =	vmax.f32 v1, v9  }
0x3e7: {  	v11 =	vld [tilespmem:s8+$0x0];
	v1 =	vmul.f32 $1.442695020e+00, v1  }
0x3e8: {  	v12 =	vld [tilespmem:s15+$0x1A0];
	v4 =	vadd.f32 v5, v4  }
0x3e9: {  	v5 =	vld [tilespmem:s15+$0x110];
	v6 =	vadd.f32 v7, v6;
	(erf) = vpow2.f32 v1  }
0x3ea: {  	v7 =	vld [tilespmem:s8+$0x10];
	v9 =	vmul.f32 $2.000000030e-01, v4  }
0x3eb: {  	v2 =	vadd.f32 v8, v2;
	v8 =	vld [tilespmem:s8+$0x20];
	v1 =	vmul.f32 $2.000000030e-01, v6  }
0x3ec: {  	v4 =	vmax.f32 v4, v9;
	v9 =	vld [tilespmem:s15+$0xFFFFFE40]  }
0x3ed: {  	v4 =	vmul.f32 $1.442695020e+00, v4;
	v1 =	vmax.f32 v6, v1  }
0x3ee: {  	v10 =	vadd.f32 v11, v10;
	v6 =	vmul.f32 $2.000000030e-01, v2;
	v1 =	vmul.f32 $1.442695020e+00, v1  }
0x3ef: {  	v5 =	vadd.f32 v7, v5;
	(erf) = vpow2.f32 v4  }
0x3f0: {  	v4 =	vadd.f32 v8, v12;
	v2 =	vmax.f32 v2, v6;
	v6 =	vmul.f32 $2.000000030e-01, v10  }
0x3f1: {  	v7 =	vmul.f32 $2.000000030e-01, v5;
	v3 =	vadd.f32 v3, v9;
	v2 =	vmul.f32 $1.442695020e+00, v2  }
0x3f2: {  	s16 =	simm.s32 $0x6780;
	v8 =	vmul.f32 $2.000000030e-01, v4;
	(erf) = vpow2.f32 v1;
	v6 =	vmax.f32 v10, v6;
	v1 =	vpop (erf)  }
0x3f3: {  	v5 =	vmax.f32 v5, v7;
	v7 =	vmul.f32 $2.000000030e-01, v3;
	v6 =	vmul.f32 $1.442695020e+00, v6;
	[tilespmem:s16+$0x230] =	vst v1  }
0x3f4: {  	v4 =	vmax.f32 v4, v8;
	(erf) = vpow2.f32 v2;
	v2 =	vmul.f32 $1.442695020e+00, v5;
	v5 =	vld [tilespmem:s15+$0x1B0]  }
0x3f5: {  	s17 =	simm.s32 $0x760;
	v3 =	vmax.f32 v3, v7;
	v4 =	vmul.f32 $1.442695020e+00, v4;
	(erf) = vpow2.f32 v6  }
0x3f6: {  	s23 =	simm.s32 $0x2E60;
	v25 =	vld [tilespmem:s17+$0xFFFFFED0];
	(erf) = vpow2.f32 v2;
	v2 =	vmul.f32 $1.442695020e+00, v3  }
0x3f7: {  	v28 =	vld [tilespmem:s23+$0xFFFFFFD0];
	v3 =	vbroadcast v1, $0x0;
	(erf) = vpow2.f32 v4  }
0x3f8: {  	v31 =	vld [tilespmem:s17+$0xFFFFFF60];
	(erf) = vpow2.f32 v2  }
0x3f9: {  	v34 =	vld [tilespmem:s23+$0xFFFFFFE0];
	v2 =	vmul.f32 v3, v5  }
0x3fa: {  	v36 =	vld [tilespmem:s17+$0xFFFFFFF0];
	v4 =	vpop (erf)  }
0x3fb: {  	v38 =	vld [tilespmem:s23+$0xFFFFFFF0];
	[tilespmem:s16+$0xFFFFFED0] =	vst v4  }
0x3fc: {  	v5 =	vld [tilespmem:s15+$0xFFFFFE50];
	v3 =	vpop (erf);
	[tilespmem:s16+$0x1B0] =	vst v2  }
0x3fd: {  	v25 =	vadd.f32 v28, v25;
	v11 =	vbroadcast v4, $0x0;
	[tilespmem:s16+$0xFFFFFF60] =	vst v3;
	v6 =	vld [tilespmem:s15+$0x1C0];
	v2 =	vpop (erf)  }
0x3fe: {  	v7 =	vld [tilespmem:s15+$0xFFFFFEE0];
	[tilespmem:s16+$0xFFFFFFF0] =	vst v2;
	v9 =	vpop (erf)  }
0x3ff: {  	v62 =	vmul.f32 $2.000000030e-01, v25;
	v12 =	vld [tilespmem:s15+$0xFFFFFF70];
	[tilespmem:s16+$0x80] =	vst v9;
	v10 =	vpop (erf)  }
0x400: {  	v14 =	vbroadcast v1, $0x1;
	v37 =	vbroadcast v1, $0x6;
	v13 =	vld [tilespmem:s15+$0x0];
	[tilespmem:s16+$0x110] =	vst v10;
	v8 =	vpop (erf)  }
0x401: {  	v15 =	vbroadcast v3, $0x0;
	v5 =	vmul.f32 v11, v5;
	v16 =	vld [tilespmem:s15+$0x90];
	[tilespmem:s16+$0x1A0] =	vst v8;
	v11 =	vpop (erf)  }
0x402: {  	v17 =	vbroadcast v2, $0x0;
	v6 =	vmul.f32 v14, v6;
	[tilespmem:s16+$0xFFFFFE40] =	vst v11;
	v18 =	vld [tilespmem:s15+$0x120]  }
0x403: {  	v7 =	vmul.f32 v15, v7;
	[tilespmem:s16+$0xFFFFFE50] =	vst v5;
	v14 =	vbroadcast v9, $0x0;
	v15 =	vld [tilespmem:s15+$0xFFFFFDC0]  }
0x404: {  	v5 =	vbroadcast v10, $0x0;
	[tilespmem:s16+$0x1C0] =	vst v6;
	v12 =	vmul.f32 v17, v12;
	v17 =	vld [tilespmem:s15+$0xFFFFFE60]  }
0x405: {  	[tilespmem:s16+$0xFFFFFEE0] =	vst v7;
	v6 =	vbroadcast v8, $0x0;
	v7 =	vld [tilespmem:s15+$0x1D0];
	v13 =	vmul.f32 v14, v13  }
0x406: {  	v14 =	vbroadcast v11, $0x0;
	v5 =	vmul.f32 v5, v16;
	v16 =	vld [tilespmem:s15+$0xFFFFFEF0];
	[tilespmem:s16+$0xFFFFFF70] =	vst v12  }
0x407: {  	v12 =	vbroadcast v4, $0x1;
	v19 =	vld [tilespmem:s15+$0xFFFFFF80];
	[tilespmem:s16+$0x0] =	vst v13;
	v6 =	vmul.f32 v6, v18  }
0x408: {  	v13 =	vmul.f32 v14, v15;
	v14 =	vld [tilespmem:s15+$0x10];
	[tilespmem:s16+$0x90] =	vst v5;
	v5 =	vbroadcast v1, $0x2  }
0x409: {  	v15 =	vbroadcast v3, $0x1;
	v12 =	vmul.f32 v12, v17;
	v17 =	vld [tilespmem:s15+$0xA0];
	[tilespmem:s16+$0x120] =	vst v6  }
0x40a: {  	v6 =	vbroadcast v2, $0x1;
	[tilespmem:s16+$0xFFFFFDC0] =	vst v13;
	v13 =	vld [tilespmem:s15+$0x130];
	v5 =	vmul.f32 v5, v7  }
0x40b: {  	v7 =	vbroadcast v9, $0x1;
	v18 =	vld [tilespmem:s15+$0xFFFFFDD0];
	[tilespmem:s16+$0xFFFFFE60] =	vst v12;
	v12 =	vmul.f32 v15, v16  }
0x40c: {  	v15 =	vbroadcast v10, $0x1;
	v16 =	vld [tilespmem:s15+$0xFFFFFE70];
	v6 =	vmul.f32 v6, v19;
	[tilespmem:s16+$0x1D0] =	vst v5  }
0x40d: {  	v5 =	vbroadcast v8, $0x1;
	[tilespmem:s16+$0xFFFFFEF0] =	vst v12;
	v7 =	vmul.f32 v7, v14;
	v12 =	vld [tilespmem:s15+$0x1E0]  }
0x40e: {  	v14 =	vbroadcast v11, $0x1;
	v19 =	vld [tilespmem:s15+$0xFFFFFF00];
	[tilespmem:s16+$0xFFFFFF80] =	vst v6;
	v6 =	vmul.f32 v15, v17  }
0x40f: {  	v15 =	vbroadcast v4, $0x2;
	v17 =	vld [tilespmem:s15+$0xFFFFFF90];
	[tilespmem:s16+$0x10] =	vst v7;
	v5 =	vmul.f32 v5, v13  }
0x410: {  	v7 =	vmul.f32 v14, v18;
	v13 =	vld [tilespmem:s15+$0x20];
	[tilespmem:s16+$0xA0] =	vst v6;
	v6 =	vbroadcast v1, $0x3  }
0x411: {  	v14 =	vbroadcast v3, $0x2;
	v15 =	vmul.f32 v15, v16;
	v16 =	vld [tilespmem:s15+$0xB0];
	[tilespmem:s16+$0x130] =	vst v5  }
0x412: {  	v5 =	vbroadcast v2, $0x2;
	[tilespmem:s16+$0xFFFFFDD0] =	vst v7;
	v7 =	vld [tilespmem:s15+$0x140];
	v6 =	vmul.f32 v12, v6  }
0x413: {  	v12 =	vbroadcast v9, $0x2;
	v18 =	vld [tilespmem:s15+$0xFFFFFDE0];
	[tilespmem:s16+$0xFFFFFE70] =	vst v15;
	v14 =	vmul.f32 v14, v19  }
0x414: {  	v15 =	vbroadcast v10, $0x2;
	v19 =	vld [tilespmem:s15+$0xFFFFFE80];
	v5 =	vmul.f32 v5, v17;
	[tilespmem:s16+$0x1E0] =	vst v6  }
0x415: {  	v6 =	vbroadcast v8, $0x2;
	[tilespmem:s16+$0xFFFFFF00] =	vst v14;
	v12 =	vmul.f32 v12, v13;
	v13 =	vld [tilespmem:s15+$0x1F0]  }
0x416: {  	v14 =	vbroadcast v11, $0x2;
	v17 =	vld [tilespmem:s15+$0xFFFFFF10];
	[tilespmem:s16+$0xFFFFFF90] =	vst v5;
	v5 =	vmul.f32 v15, v16  }
0x417: {  	v15 =	vbroadcast v4, $0x3;
	v16 =	vld [tilespmem:s15+$0xFFFFFFA0];
	[tilespmem:s16+$0x20] =	vst v12;
	v6 =	vmul.f32 v6, v7  }
0x418: {  	v7 =	vmul.f32 v14, v18;
	v12 =	vld [tilespmem:s15+$0x30];
	[tilespmem:s16+$0xB0] =	vst v5;
	v5 =	vbroadcast v1, $0x4  }
0x419: {  	v14 =	vbroadcast v3, $0x3;
	v15 =	vmul.f32 v19, v15;
	v18 =	vld [tilespmem:s15+$0xC0];
	[tilespmem:s16+$0x140] =	vst v6  }
0x41a: {  	v6 =	vbroadcast v2, $0x3;
	[tilespmem:s16+$0xFFFFFDE0] =	vst v7;
	v7 =	vld [tilespmem:s15+$0x150];
	v5 =	vmul.f32 v13, v5  }
0x41b: {  	v13 =	vbroadcast v9, $0x3;
	v19 =	vld [tilespmem:s15+$0xFFFFFDF0];
	[tilespmem:s16+$0xFFFFFE80] =	vst v15;
	v14 =	vmul.f32 v17, v14  }
0x41c: {  	v15 =	vbroadcast v10, $0x3;
	v17 =	vld [tilespmem:s15+$0xFFFFFE90];
	v6 =	vmul.f32 v16, v6;
	[tilespmem:s16+$0x1F0] =	vst v5  }
0x41d: {  	v5 =	vbroadcast v8, $0x3;
	[tilespmem:s16+$0xFFFFFF10] =	vst v14;
	v12 =	vmul.f32 v12, v13;
	v13 =	vld [tilespmem:s15+$0x200]  }
0x41e: {  	v14 =	vbroadcast v11, $0x3;
	v16 =	vld [tilespmem:s15+$0xFFFFFF20];
	[tilespmem:s16+$0xFFFFFFA0] =	vst v6;
	v6 =	vmul.f32 v18, v15  }
0x41f: {  	v15 =	vbroadcast v4, $0x4;
	v18 =	vld [tilespmem:s15+$0xFFFFFFB0];
	[tilespmem:s16+$0x30] =	vst v12;
	v5 =	vmul.f32 v7, v5  }
0x420: {  	v7 =	vmul.f32 v19, v14;
	v12 =	vld [tilespmem:s15+$0x40];
	[tilespmem:s16+$0xC0] =	vst v6;
	v6 =	vbroadcast v1, $0x5  }
0x421: {  	v14 =	vbroadcast v3, $0x4;
	v15 =	vmul.f32 v17, v15;
	v17 =	vld [tilespmem:s15+$0xD0];
	[tilespmem:s16+$0x150] =	vst v5  }
0x422: {  	v5 =	vbroadcast v2, $0x4;
	[tilespmem:s16+$0xFFFFFDF0] =	vst v7;
	v7 =	vld [tilespmem:s15+$0x160];
	v6 =	vmul.f32 v13, v6  }
0x423: {  	v13 =	vbroadcast v9, $0x4;
	v19 =	vld [tilespmem:s15+$0xFFFFFE00];
	[tilespmem:s16+$0xFFFFFE90] =	vst v15;
	v14 =	vmul.f32 v16, v14  }
0x424: {  	v15 =	vbroadcast v10, $0x4;
	v16 =	vld [tilespmem:s15+$0xFFFFFEA0];
	v5 =	vmul.f32 v18, v5;
	[tilespmem:s16+$0x200] =	vst v6  }
0x425: {  	v6 =	vbroadcast v8, $0x4;
	[tilespmem:s16+$0xFFFFFF20] =	vst v14;
	v12 =	vmul.f32 v12, v13;
	v13 =	vld [tilespmem:s15+$0x210]  }
0x426: {  	v21 =	vbroadcast v4, $0x5;
	v18 =	vld [tilespmem:s15+$0xFFFFFF30];
	[tilespmem:s16+$0xFFFFFFB0] =	vst v5;
	v5 =	vmul.f32 v17, v15  }
0x427: {  	v32 =	vbroadcast v4, $0x6;
	v15 =	vld [tilespmem:s15+$0xFFFFFFC0];
	[tilespmem:s16+$0x40] =	vst v12;
	v6 =	vmul.f32 v7, v6  }
0x428: {  	v23 =	vbroadcast v3, $0x5;
	v33 =	vbroadcast v3, $0x6;
	[tilespmem:s16+$0xD0] =	vst v5;
	v5 =	vld [tilespmem:s17+$0x230]  }
0x429: {  	v24 =	vbroadcast v2, $0x5;
	v14 =	vbroadcast v11, $0x4;
	[tilespmem:s16+$0x160] =	vst v6;
	v6 =	vld [tilespmem:s23+$0x30]  }
0x42a: {  	v26 =	vbroadcast v9, $0x5;
	v27 =	vbroadcast v10, $0x5;
	v12 =	vld [tilespmem:s15+$0x50]  }
0x42b: {  	v29 =	vbroadcast v8, $0x5;
	v7 =	vmul.f32 v19, v14;
	v14 =	vld [tilespmem:s15+$0xE0]  }
0x42c: {  	v20 =	vbroadcast v11, $0x5;
	v16 =	vmul.f32 v16, v21;
	v21 =	vld [tilespmem:s17+$0x80]  }
0x42d: {  	v30 =	vbroadcast v11, $0x6;
	[tilespmem:s16+$0xFFFFFE00] =	vst v7;
	v17 =	vld [tilespmem:s15+$0x170];
	v7 =	vbroadcast v10, $0x6  }
0x42e: {  	v13 =	vmul.f32 v13, v37;
	v19 =	vld [tilespmem:s15+$0xFFFFFE10];
	v18 =	vmul.f32 v18, v23;
	v35 =	vadd.f32 v6, v5  }
0x42f: {  	v23 =	vld [tilespmem:s23+$0x0];
	v15 =	vmul.f32 v15, v24;
	v12 =	vmul.f32 v12, v26;
	v26 =	vadd.f32 v34, v31  }
0x430: {  	v28 =	vld [tilespmem:s23+$0x10];
	v14 =	vmul.f32 v14, v27;
	v27 =	vadd.f32 v38, v36;
	v39 =	vmul.f32 $2.000000030e-01, v35  }
0x431: {  	v24 =	vld [tilespmem:s17+$0x110];
	v6 =	vbroadcast v2, $0x6;
	v63 =	vmul.f32 $2.000000030e-01, v26  }
0x432: {  	v22 =	vld [tilespmem:s23+$0xFFFFFFC0];
	v17 =	vmul.f32 v17, v29;
	v41 =	vmul.f32 $2.000000030e-01, v27;
	v35 =	vmax.f32 v35, v39  }
0x433: {  	v40 =	vld [tilespmem:s23+$0x20];
	[tilespmem:s16+$0xFFFFFEA0] =	vst v16;
	v19 =	vmul.f32 v19, v20;
	v20 =	vmax.f32 v25, v62;
	v35 =	vmul.f32 $1.442695020e+00, v35  }
0x434: {  	[tilespmem:s16+$0x210] =	vst v13;
	v13 =	vld [tilespmem:s15+$0xFFFFFEB0];
	v21 =	vadd.f32 v23, v21;
	v23 =	vmax.f32 v26, v63;
	v20 =	vmul.f32 $1.442695020e+00, v20  }
0x435: {  	v31 =	vld [tilespmem:s17+$0x1A0];
	v25 =	vmax.f32 v27, v41;
	[tilespmem:s16+$0xFFFFFE10] =	vst v19;
	v19 =	vmul.f32 $1.442695020e+00, v23;
	(erf) = vpow2.f32 v35  }
0x436: {  	v29 =	vld [tilespmem:s17+$0xFFFFFE40];
	v23 =	vadd.f32 v28, v24;
	v24 =	vmul.f32 $1.442695020e+00, v25;
	(erf) = vpow2.f32 v20  }
0x437: {  	v26 =	vmul.f32 $2.000000030e-01, v21;
	v25 =	vld [tilespmem:s15+$0xFFFFFE20];
	(erf) = vpow2.f32 v19  }
0x438: {  	[tilespmem:s16+$0xFFFFFF30] =	vst v18;
	v16 =	vmul.f32 $2.000000030e-01, v23;
	(erf) = vpow2.f32 v24  }
0x439: {  	v5 =	vbroadcast v9, $0x6;
	[tilespmem:s16+$0xFFFFFFC0] =	vst v15;
	v13 =	vmul.f32 v13, v32  }
0x43a: {  	[tilespmem:s16+$0x50] =	vst v12;
	v20 =	vmax.f32 v21, v26;
	v21 =	vadd.f32 v40, v31;
	v18 =	vmax.f32 v23, v16  }
0x43b: {  	[tilespmem:s16+$0xE0] =	vst v14;
	v22 =	vadd.f32 v22, v29;
	v20 =	vmul.f32 $1.442695020e+00, v20;
	v18 =	vmul.f32 $1.442695020e+00, v18  }
0x43c: {  	v12 =	vld [tilespmem:s15+$0xFFFFFFD0];
	[tilespmem:s16+$0x170] =	vst v17;
	v19 =	vmul.f32 $2.000000030e-01, v21;
	v24 =	vmul.f32 v25, v30  }
0x43d: {  	v27 =	vld [tilespmem:s15+$0x220];
	[tilespmem:s16+$0xFFFFFEB0] =	vst v13;
	v23 =	vmul.f32 $2.000000030e-01, v22;
	(erf) = vpow2.f32 v20  }
0x43e: {  	s18 =	simm.s32 $0x6C00;
	v14 =	vbroadcast v4, $0x7;
	v28 =	vld [tilespmem:s15+$0xFFFFFF40];
	v19 =	vmax.f32 v21, v19;
	(erf) = vpow2.f32 v18;
	[tilespmem:s16+$0xFFFFFE20] =	vst v24;
	v16 =	vpop (erf)  }
0x43f: {  	v13 =	vbroadcast v3, $0x7;
	v15 =	vmax.f32 v22, v23;
	v20 =	vmul.f32 $1.442695020e+00, v19;
	v17 =	vld [tilespmem:s15+$0xFFFFFE30];
	[tilespmem:s18+$0x230] =	vst v16;
	v22 =	vpop (erf)  }
0x440: {  	v3 =	vbroadcast v1, $0x7;
	v15 =	vmul.f32 $1.442695020e+00, v15;
	v23 =	vld [tilespmem:s17+$0x1B0];
	v26 =	vpop (erf)  }
0x441: {  	v1 =	vbroadcast v2, $0x7;
	v21 =	vld [tilespmem:s15+$0xF0];
	(erf) = vpow2.f32 v20;
	v24 =	vpop (erf)  }
0x442: {  	v19 =	vld [tilespmem:s15+$0x60];
	(erf) = vpow2.f32 v15;
	v15 =	vbroadcast v11, $0x7;
	[tilespmem:s18+$0xFFFFFFF0] =	vst v24  }
0x443: {  	v2 =	vbroadcast v9, $0x7;
	v18 =	vbroadcast v16, $0x0;
	v42 =	vld [tilespmem:s17+$0xFFFFFF70]  }
0x444: {  	v20 =	vbroadcast v8, $0x6;
	v11 =	vld [tilespmem:s15+$0x180];
	[tilespmem:s18+$0xFFFFFED0] =	vst v22;
	v15 =	vmul.f32 v17, v15  }
0x445: {  	s19 =	simm.s32 $0xBE0;
	v9 =	vld [tilespmem:s17+$0xFFFFFE50];
	v47 =	vbroadcast v24, $0x0;
	v4 =	vmul.f32 v18, v23  }
0x446: {  	[tilespmem:s18+$0xFFFFFF60] =	vst v26;
	v17 =	vld [tilespmem:s19+$0xFFFFFE40];
	v23 =	vmul.f32 v27, v3;
	v3 =	vbroadcast v8, $0x7;
	v27 =	vpop (erf)  }
0x447: {  	v30 =	vld [tilespmem:s17+$0xFFFFFEE0];
	v8 =	vmul.f32 v28, v33;
	v28 =	vpop (erf);
	[tilespmem:s18+$0x1B0] =	vst v4;
	v4 =	vbroadcast v10, $0x7  }
0x448: {  	v10 =	vbroadcast v22, $0x0;
	[tilespmem:s18+$0x110] =	vst v28;
	v29 =	vld [tilespmem:s17+$0x1C0];
	v32 =	vmul.f32 v47, v42  }
0x449: {  	[tilespmem:s18+$0x80] =	vst v27;
	v46 =	vld [tilespmem:s17+$0x90]  }
0x44a: {  	v45 =	vbroadcast v26, $0x0;
	v43 =	vld [tilespmem:s17+$0x0];
	v25 =	vpop (erf);
	v9 =	vmul.f32 v10, v9;
	[tilespmem:s18+$0xFFFFFF70] =	vst v32  }
0x44b: {  	v44 =	vbroadcast v16, $0x1;
	[tilespmem:s18+$0x1A0] =	vst v25;
	v40 =	vld [tilespmem:s17+$0xFFFFFF80]  }
0x44c: {  	v30 =	vmul.f32 v45, v30;
	v48 =	vld [tilespmem:s17+$0x120];
	v10 =	vpop (erf);
	[tilespmem:s18+$0xFFFFFE50] =	vst v9;
	v9 =	vbroadcast v28, $0x0  }
0x44d: {  	v49 =	vbroadcast v27, $0x0;
	[tilespmem:s18+$0xFFFFFE40] =	vst v10;
	v51 =	vld [tilespmem:s17+$0xFFFFFE60];
	v29 =	vmul.f32 v44, v29  }
0x44e: {  	v57 =	vbroadcast v24, $0x1;
	[tilespmem:s18+$0xFFFFFEE0] =	vst v30;
	v50 =	vld [tilespmem:s17+$0xFFFFFDC0];
	v9 =	vmul.f32 v9, v46  }
0x44f: {  	v53 =	vld [tilespmem:s17+$0xFFFFFEF0];
	v34 =	vmul.f32 v49, v43;
	[tilespmem:s18+$0x1C0] =	vst v29;
	v29 =	vbroadcast v25, $0x0  }
0x450: {  	v31 =	vbroadcast v22, $0x1;
	[tilespmem:s18+$0x90] =	vst v9;
	v30 =	vld [tilespmem:s17+$0x1D0];
	v36 =	vmul.f32 v57, v40  }
0x451: {  	v52 =	vbroadcast v10, $0x0;
	[tilespmem:s18+$0x0] =	vst v34;
	v58 =	vld [tilespmem:s17+$0xA0];
	v29 =	vmul.f32 v29, v48  }
0x452: {  	v54 =	vbroadcast v26, $0x1;
	v56 =	vld [tilespmem:s17+$0x10];
	v31 =	vmul.f32 v31, v51;
	[tilespmem:s18+$0xFFFFFF80] =	vst v36  }
0x453: {  	v9 =	vbroadcast v16, $0x2;
	v55 =	vmul.f32 v52, v50;
	[tilespmem:s18+$0x120] =	vst v29;
	v46 =	vld [tilespmem:s17+$0xFFFFFF90]  }
0x454: {  	v61 =	vbroadcast v28, $0x1;
	[tilespmem:s18+$0xFFFFFE60] =	vst v31;
	v31 =	vmul.f32 v54, v53;
	v59 =	vld [tilespmem:s17+$0x130]  }
0x455: {  	[tilespmem:s18+$0xFFFFFDC0] =	vst v55;
	v62 =	vld [tilespmem:s17+$0xFFFFFE70];
	v9 =	vmul.f32 v9, v30;
	v30 =	vbroadcast v27, $0x1  }
0x456: {  	v45 =	vbroadcast v24, $0x2;
	v60 =	vld [tilespmem:s17+$0xFFFFFDD0];
	[tilespmem:s18+$0xFFFFFEF0] =	vst v31;
	v32 =	vmul.f32 v61, v58  }
0x457: {  	v18 =	vld [tilespmem:s15+$0xFFFFFEC0];
	[tilespmem:s18+$0x1D0] =	vst v9;
	v9 =	vbroadcast v25, $0x1;
	v30 =	vmul.f32 v30, v56  }
0x458: {  	v33 =	vbroadcast v22, $0x2;
	v44 =	vld [tilespmem:s17+$0xFFFFFF00];
	[tilespmem:s18+$0xA0] =	vst v32;
	v36 =	vmul.f32 v45, v46  }
0x459: {  	v63 =	vbroadcast v10, $0x1;
	v31 =	vld [tilespmem:s17+$0x1E0];
	[tilespmem:s18+$0x10] =	vst v30;
	v9 =	vmul.f32 v9, v59  }
0x45a: {  	v50 =	vld [tilespmem:s17+$0xB0];
	v33 =	vmul.f32 v33, v62;
	[tilespmem:s18+$0xFFFFFF90] =	vst v36  }
0x45b: {  	v29 =	vbroadcast v26, $0x2;
	v30 =	vmul.f32 v63, v60;
	v47 =	vld [tilespmem:s17+$0x20];
	[tilespmem:s18+$0x130] =	vst v9  }
0x45c: {  	v48 =	vbroadcast v16, $0x3;
	[tilespmem:s18+$0xFFFFFE70] =	vst v33;
	v58 =	vld [tilespmem:s17+$0xFFFFFFA0]  }
0x45d: {  	v51 =	vbroadcast v28, $0x2;
	v29 =	vmul.f32 v29, v44;
	[tilespmem:s18+$0xFFFFFDD0] =	vst v30;
	v30 =	vld [tilespmem:s17+$0x140]  }
0x45e: {  	[tilespmem:s16+$0x220] =	vst v23;
	v9 =	vbroadcast v27, $0x2;
	v54 =	vld [tilespmem:s17+$0xFFFFFE80];
	v31 =	vmul.f32 v31, v48  }
0x45f: {  	s8 =	simm.s32 $0x2EE0;
	v61 =	vbroadcast v24, $0x3;
	v52 =	vld [tilespmem:s17+$0xFFFFFDE0];
	[tilespmem:s18+$0xFFFFFF00] =	vst v29;
	v32 =	vmul.f32 v51, v50  }
0x460: {  	v23 =	vld [tilespmem:s8+$0x0];
	v53 =	vbroadcast v25, $0x2;
	[tilespmem:s18+$0x1E0] =	vst v31;
	v9 =	vmul.f32 v9, v47  }
0x461: {  	v55 =	vbroadcast v22, $0x3;
	v56 =	vld [tilespmem:s17+$0xFFFFFF10];
	[tilespmem:s18+$0xB0] =	vst v32;
	v35 =	vmul.f32 v58, v61  }
0x462: {  	v49 =	vbroadcast v10, $0x2;
	v29 =	vld [tilespmem:s17+$0x1F0];
	[tilespmem:s18+$0x20] =	vst v9;
	v9 =	vmul.f32 v53, v30  }
0x463: {  	v62 =	vld [tilespmem:s17+$0xC0];
	v34 =	vmul.f32 v54, v55;
	[tilespmem:s18+$0xFFFFFFA0] =	vst v35  }
0x464: {  	v57 =	vbroadcast v26, $0x3;
	v30 =	vmul.f32 v49, v52;
	v59 =	vld [tilespmem:s17+$0x30];
	[tilespmem:s18+$0x140] =	vst v9  }
0x465: {  	v60 =	vbroadcast v16, $0x4;
	[tilespmem:s18+$0xFFFFFE80] =	vst v34;
	v52 =	vld [tilespmem:s17+$0xFFFFFFB0]  }
0x466: {  	v63 =	vbroadcast v28, $0x3;
	v45 =	vmul.f32 v56, v57;
	[tilespmem:s18+$0xFFFFFDE0] =	vst v30;
	v30 =	vld [tilespmem:s17+$0x150]  }
0x467: {  	v21 =	vmul.f32 v21, v7;
	v47 =	vld [tilespmem:s17+$0xFFFFFE90];
	v29 =	vmul.f32 v29, v60  }
0x468: {  	v41 =	vbroadcast v22, $0x5;
	v44 =	vld [tilespmem:s17+$0xFFFFFDF0];
	[tilespmem:s18+$0xFFFFFF10] =	vst v45;
	v32 =	vmul.f32 v62, v63  }
0x469: {  	v19 =	vmul.f32 v19, v5;
	v7 =	vbroadcast v24, $0x7;
	v50 =	vld [tilespmem:s17+$0xFFFFFF20];
	[tilespmem:s18+$0x1F0] =	vst v29  }
0x46a: {  	v20 =	vmul.f32 v11, v20;
	v54 =	vbroadcast v24, $0x4;
	[tilespmem:s18+$0xC0] =	vst v32;
	v48 =	vld [tilespmem:s17+$0x200]  }
0x46b: {  	v11 =	vbroadcast v22, $0x7;
	v9 =	vbroadcast v27, $0x3;
	v55 =	vld [tilespmem:s17+$0xD0]  }
0x46c: {  	v49 =	vbroadcast v22, $0x4;
	v36 =	vmul.f32 v52, v54;
	v52 =	vld [tilespmem:s8+$0xFFFFFFC0]  }
0x46d: {  	v46 =	vbroadcast v25, $0x3;
	v9 =	vmul.f32 v59, v9;
	v54 =	vld [tilespmem:s19+$0x80]  }
0x46e: {  	v31 =	vbroadcast v10, $0x3;
	v34 =	vmul.f32 v47, v49;
	v49 =	vld [tilespmem:s19+$0x230]  }
0x46f: {  	[tilespmem:s18+$0x30] =	vst v9;
	v9 =	vmul.f32 v30, v46;
	v47 =	vbroadcast v22, $0x6;
	v22 =	vld [tilespmem:s8+$0xFFFFFFE0]  }
0x470: {  	v51 =	vbroadcast v26, $0x4;
	v30 =	vmul.f32 v44, v31;
	v31 =	vld [tilespmem:s17+$0x40];
	[tilespmem:s18+$0xFFFFFFB0] =	vst v36  }
0x471: {  	v5 =	vbroadcast v28, $0x7;
	v18 =	vmul.f32 v18, v14;
	[tilespmem:s18+$0x150] =	vst v9;
	v63 =	vld [tilespmem:s17+$0xFFFFFFC0]  }
0x472: {  	v39 =	vbroadcast v10, $0x5;
	[tilespmem:s18+$0xFFFFFE90] =	vst v34;
	v58 =	vmul.f32 v50, v51;
	v51 =	vld [tilespmem:s8+$0x30]  }
0x473: {  	v33 =	vbroadcast v27, $0x6;
	v53 =	vbroadcast v16, $0x5;
	[tilespmem:s18+$0xFFFFFDF0] =	vst v30;
	v30 =	vld [tilespmem:s17+$0x160]  }
0x474: {  	v56 =	vbroadcast v28, $0x4;
	v62 =	vbroadcast v26, $0x5;
	v60 =	vld [tilespmem:s17+$0xFFFFFEA0]  }
0x475: {  	v45 =	vbroadcast v10, $0x6;
	v29 =	vbroadcast v10, $0x4;
	v57 =	vld [tilespmem:s17+$0xFFFFFE00]  }
0x476: {  	v32 =	vmul.f32 v48, v53;
	[tilespmem:s18+$0xFFFFFF20] =	vst v58;
	v61 =	vmul.f32 v55, v56;
	v53 =	vld [tilespmem:s19+$0xFFFFFF60]  }
0x477: {  	v59 =	vbroadcast v25, $0x4;
	v9 =	vbroadcast v27, $0x4;
	v42 =	vld [tilespmem:s17+$0xFFFFFF30]  }
0x478: {  	v10 =	vbroadcast v10, $0x7;
	v44 =	vbroadcast v28, $0x5;
	[tilespmem:s18+$0xD0] =	vst v61;
	v61 =	vld [tilespmem:s8+$0xFFFFFFD0]  }
0x479: {  	[tilespmem:s18+$0x200] =	vst v32;
	v9 =	vmul.f32 v31, v9;
	v32 =	vbroadcast v28, $0x6;
	v28 =	vld [tilespmem:s8+$0x10]  }
0x47a: {  	v34 =	vbroadcast v24, $0x6;
	v56 =	vbroadcast v16, $0x6;
	v31 =	vld [tilespmem:s17+$0x210]  }
0x47b: {  	v48 =	vbroadcast v26, $0x6;
	v43 =	vld [tilespmem:s17+$0xE0];
	[tilespmem:s18+$0x40] =	vst v9;
	v9 =	vmul.f32 v30, v59  }
0x47c: {  	v37 =	vmul.f32 v60, v41;
	v59 =	vmul.f32 v12, v6;
	v60 =	vld [tilespmem:s19+$0xFFFFFED0]  }
0x47d: {  	[tilespmem:s16+$0xF0] =	vst v21;
	v12 =	vbroadcast v26, $0x7;
	v26 =	vadd.f32 v51, v49;
	v49 =	vld [tilespmem:s8+$0xFFFFFFF0];
	v29 =	vmul.f32 v57, v29  }
0x47e: {  	v58 =	vbroadcast v27, $0x5;
	v30 =	vld [tilespmem:s17+$0x50];
	v57 =	vbroadcast v24, $0x5;
	[tilespmem:s18+$0x160] =	vst v9  }
0x47f: {  	v17 =	vadd.f32 v52, v17;
	v51 =	vmul.f32 $2.000000030e-01, v26;
	[tilespmem:s18+$0xFFFFFE00] =	vst v29;
	v29 =	vld [tilespmem:s17+$0x170];
	v9 =	vmul.f32 v31, v56  }
0x480: {  	[tilespmem:s16+$0xFFFFFF40] =	vst v8;
	v16 =	vbroadcast v16, $0x7;
	v22 =	vadd.f32 v22, v53;
	v35 =	vmul.f32 v63, v57;
	v63 =	vld [tilespmem:s19+$0xFFFFFFF0]  }
0x481: {  	v21 =	vmul.f32 $2.000000030e-01, v17;
	v6 =	vbroadcast v27, $0x7;
	v8 =	vmax.f32 v26, v51;
	v26 =	vld [tilespmem:s19+$0x110];
	[tilespmem:s18+$0x210] =	vst v9  }
0x482: {  	v36 =	vmul.f32 v42, v62;
	v57 =	vmul.f32 $2.000000030e-01, v22;
	v50 =	vld [tilespmem:s17+$0x220]  }
0x483: {  	v31 =	vbroadcast v25, $0x5;
	v46 =	vld [tilespmem:s17+$0xFFFFFE10];
	v27 =	vmul.f32 $1.442695020e+00, v8  }
0x484: {  	[tilespmem:s16+$0x60] =	vst v19;
	v62 =	vmul.f32 v43, v44;
	v24 =	vadd.f32 v61, v60;
	v8 =	vbroadcast v25, $0x7  }
0x485: {  	[tilespmem:s16+$0xFFFFFE30] =	vst v15;
	v23 =	vadd.f32 v23, v54;
	v9 =	vbroadcast v25, $0x6;
	(erf) = vpow2.f32 v27  }
0x486: {  	[tilespmem:s18+$0xFFFFFEA0] =	vst v37;
	v56 =	vld [tilespmem:s19+$0x1A0];
	v30 =	vmul.f32 v30, v58;
	v25 =	vmul.f32 $2.000000030e-01, v24;
	v55 =	vadd.f32 v49, v63  }
0x487: {  	[tilespmem:s18+$0xFFFFFFC0] =	vst v35;
	v27 =	vld [tilespmem:s8+$0x20];
	v29 =	vmul.f32 v29, v31;
	v26 =	vadd.f32 v28, v26;
	v16 =	vmul.f32 v50, v16  }
0x488: {  	v58 =	vld [tilespmem:s15+$0xFFFFFF50];
	[tilespmem:s18+$0x50] =	vst v30;
	v31 =	vmul.f32 v46, v39;
	v14 =	vmax.f32 v24, v25;
	v30 =	vmul.f32 $2.000000030e-01, v55  }
0x489: {  	v38 =	vld [tilespmem:s17+$0xFFFFFFD0];
	v14 =	vmul.f32 $1.442695020e+00, v14;
	[tilespmem:s18+$0x220] =	vst v16;
	v16 =	vmul.f32 $2.000000030e-01, v26  }
0x48a: {  	v22 =	vmax.f32 v22, v57;
	v28 =	vld [tilespmem:s17+$0xFFFFFEB0];
	[tilespmem:s18+$0xFFFFFE10] =	vst v31;
	v25 =	vmax.f32 v55, v30;
	v30 =	vmul.f32 $2.000000030e-01, v23  }
0x48b: {  	[tilespmem:s16+$0x180] =	vst v20;
	v22 =	vmul.f32 $1.442695020e+00, v22;
	v24 =	vld [tilespmem:s17+$0xFFFFFE20];
	(erf) = vpow2.f32 v14;
	v16 =	vmax.f32 v26, v16  }
0x48c: {  	[tilespmem:s18+$0xE0] =	vst v62;
	v40 =	vld [tilespmem:s17+$0x60];
	v25 =	vmul.f32 $1.442695020e+00, v25;
	v14 =	vmax.f32 v23, v30;
	v23 =	vadd.f32 v27, v56  }
0x48d: {  	s22 =	simm.s32 $0x7080;
	[tilespmem:s18+$0xFFFFFF30] =	vst v36;
	v39 =	vld [tilespmem:s17+$0xF0];
	(erf) = vpow2.f32 v22;
	v14 =	vmul.f32 $1.442695020e+00, v14  }
0x48e: {  	[tilespmem:s18+$0x170] =	vst v29;
	v29 =	vld [tilespmem:s17+$0xFFFFFF40];
	v19 =	vmul.f32 $2.000000030e-01, v23;
	v22 =	vmul.f32 $1.442695020e+00, v16;
	v16 =	vpop (erf)  }
0x48f: {  	v15 =	vmax.f32 v17, v21;
	v20 =	vld [tilespmem:s17+$0x180];
	(erf) = vpow2.f32 v25;
	v25 =	vmul.f32 v58, v13;
	[tilespmem:s22+$0x230] =	vst v16  }
0x490: {  	[tilespmem:s16+$0xFFFFFFD0] =	vst v59;
	(erf) = vpow2.f32 v14;
	v14 =	vmul.f32 v24, v45;
	v19 =	vmax.f32 v23, v19;
	v21 =	vld [tilespmem:s19+$0x1B0]  }
0x491: {  	v13 =	vld [tilespmem:s15+$0xFFFFFFE0];
	v17 =	vmul.f32 $1.442695020e+00, v19;
	(erf) = vpow2.f32 v22  }
0x492: {  	v15 =	vmul.f32 $1.442695020e+00, v15;
	[tilespmem:s18+$0xFFFFFE20] =	vst v14;
	v22 =	vmul.f32 v28, v47;
	v14 =	vld [tilespmem:s15+$0x70]  }
0x493: {  	[tilespmem:s16+$0xFFFFFEC0] =	vst v18;
	v19 =	vld [tilespmem:s17+$0xFFFFFE30];
	v24 =	vbroadcast v16, $0x0;
	(erf) = vpow2.f32 v17  }
0x494: {  	v17 =	vmul.f32 v29, v48;
	v18 =	vpop (erf);
	[tilespmem:s18+$0xFFFFFEB0] =	vst v22;
	(erf) = vpow2.f32 v15;
	v15 =	vld [tilespmem:s15+$0x100]  }
0x495: {  	v34 =	vmul.f32 v38, v34;
	[tilespmem:s22+$0xFFFFFED0] =	vst v18;
	v23 =	vld [tilespmem:s17+$0xFFFFFEC0];
	v22 =	vmul.f32 v24, v21  }
0x496: {  	v33 =	vmul.f32 v40, v33;
	v32 =	vmul.f32 v39, v32;
	v29 =	vld [tilespmem:s19+$0xFFFFFE50];
	[tilespmem:s18+$0xFFFFFF40] =	vst v17;
	v21 =	vpop (erf)  }
0x497: {  	v61 =	vbroadcast v16, $0x1;
	v27 =	vbroadcast v18, $0x0;
	v26 =	vld [tilespmem:s17+$0xFFFFFF50];
	[tilespmem:s22+$0xFFFFFF60] =	vst v21  }
0x498: {  	v28 =	vbroadcast v18, $0x1;
	v35 =	vbroadcast v18, $0x2;
	v17 =	vpop (erf);
	v31 =	vld [tilespmem:s19+$0xFFFFFEE0];
	[tilespmem:s22+$0x1B0] =	vst v22  }
0x499: {  	v30 =	vbroadcast v21, $0x0;
	v36 =	vbroadcast v21, $0x1;
	[tilespmem:s22+$0xFFFFFFF0] =	vst v17;
	v59 =	vld [tilespmem:s19+$0x1C0];
	v22 =	vpop (erf)  }
0x49a: {  	v42 =	vbroadcast v21, $0x2;
	v37 =	vbroadcast v17, $0x0;
	v45 =	vld [tilespmem:s19+$0xFFFFFF70];
	[tilespmem:s22+$0x80] =	vst v22;
	v24 =	vpop (erf)  }
0x49b: {  	v41 =	vbroadcast v17, $0x1;
	v27 =	vmul.f32 v27, v29;
	v29 =	vld [tilespmem:s19+$0x0];
	[tilespmem:s22+$0x110] =	vst v24  }
0x49c: {  	[tilespmem:s16+$0xFFFFFF50] =	vst v25;
	v43 =	vbroadcast v17, $0x2;
	v58 =	vbroadcast v17, $0x4;
	v25 =	vpop (erf);
	v60 =	vld [tilespmem:s19+$0x90]  }
0x49d: {  	v46 =	vbroadcast v22, $0x0;
	v62 =	vmul.f32 v30, v31;
	[tilespmem:s22+$0x1A0] =	vst v25;
	v31 =	vpop (erf);
	v30 =	vld [tilespmem:s15+$0x190]  }
0x49e: {  	v47 =	vbroadcast v22, $0x1;
	[tilespmem:s22+$0xFFFFFE40] =	vst v31;
	v55 =	vld [tilespmem:s19+$0x120];
	v44 =	vmul.f32 v61, v59  }
0x49f: {  	[tilespmem:s22+$0xFFFFFE50] =	vst v27;
	v48 =	vbroadcast v24, $0x0;
	v50 =	vbroadcast v24, $0x1;
	v63 =	vld [tilespmem:s19+$0xFFFFFDC0]  }
0x4a0: {  	v52 =	vbroadcast v24, $0x2;
	v27 =	vmul.f32 v37, v45;
	v37 =	vld [tilespmem:s19+$0xFFFFFE60];
	[tilespmem:s22+$0x1C0] =	vst v44  }
0x4a1: {  	v53 =	vbroadcast v25, $0x0;
	[tilespmem:s22+$0xFFFFFEE0] =	vst v62;
	v29 =	vmul.f32 v46, v29;
	v61 =	vld [tilespmem:s19+$0x1D0]  }
0x4a2: {  	v54 =	vbroadcast v31, $0x0;
	v62 =	vld [tilespmem:s19+$0xFFFFFEF0];
	[tilespmem:s22+$0xFFFFFF70] =	vst v27;
	v60 =	vmul.f32 v48, v60  }
0x4a3: {  	v49 =	vbroadcast v24, $0x4;
	v57 =	vld [tilespmem:s19+$0xFFFFFF80];
	[tilespmem:s22+$0x0] =	vst v29;
	v29 =	vmul.f32 v53, v55  }
0x4a4: {  	v59 =	vbroadcast v16, $0x2;
	v51 =	vmul.f32 v54, v63;
	v63 =	vld [tilespmem:s19+$0x10];
	[tilespmem:s22+$0x90] =	vst v60  }
0x4a5: {  	v56 =	vbroadcast v31, $0x1;
	v28 =	vmul.f32 v28, v37;
	v37 =	vld [tilespmem:s19+$0xA0];
	[tilespmem:s22+$0x120] =	vst v29  }
0x4a6: {  	v45 =	vbroadcast v25, $0x1;
	[tilespmem:s22+$0xFFFFFDC0] =	vst v51;
	v60 =	vld [tilespmem:s19+$0x130];
	v46 =	vmul.f32 v59, v61  }
0x4a7: {  	v44 =	vbroadcast v31, $0x2;
	[tilespmem:s22+$0xFFFFFE60] =	vst v28;
	v28 =	vmul.f32 v36, v62;
	v61 =	vld [tilespmem:s19+$0xFFFFFDD0]  }
0x4a8: {  	v27 =	vbroadcast v22, $0x2;
	v62 =	vld [tilespmem:s19+$0xFFFFFE70];
	v41 =	vmul.f32 v41, v57;
	[tilespmem:s22+$0x1D0] =	vst v46  }
0x4a9: {  	v53 =	vbroadcast v25, $0x2;
	[tilespmem:s22+$0xFFFFFEF0] =	vst v28;
	v28 =	vmul.f32 v47, v63;
	v47 =	vld [tilespmem:s19+$0x1E0]  }
0x4aa: {  	v55 =	vbroadcast v31, $0x3;
	[tilespmem:s22+$0xFFFFFF80] =	vst v41;
	v63 =	vld [tilespmem:s19+$0xFFFFFF00];
	v37 =	vmul.f32 v50, v37  }
0x4ab: {  	v54 =	vbroadcast v21, $0x4;
	v41 =	vld [tilespmem:s19+$0xFFFFFF90];
	[tilespmem:s22+$0x10] =	vst v28;
	v28 =	vmul.f32 v45, v60  }
0x4ac: {  	v48 =	vmul.f32 v56, v61;
	v60 =	vld [tilespmem:s19+$0x20];
	[tilespmem:s22+$0xA0] =	vst v37;
	v61 =	vbroadcast v16, $0x3  }
0x4ad: {  	v29 =	vbroadcast v18, $0x3;
	v35 =	vmul.f32 v35, v62;
	v62 =	vld [tilespmem:s19+$0xB0];
	[tilespmem:s22+$0x130] =	vst v28  }
0x4ae: {  	v36 =	vbroadcast v21, $0x3;
	[tilespmem:s22+$0xFFFFFDD0] =	vst v48;
	v48 =	vld [tilespmem:s19+$0x140];
	v37 =	vmul.f32 v47, v61  }
0x4af: {  	v57 =	vbroadcast v17, $0x3;
	[tilespmem:s22+$0xFFFFFE70] =	vst v35;
	v63 =	vmul.f32 v42, v63;
	v47 =	vld [tilespmem:s19+$0xFFFFFDE0]  }
0x4b0: {  	v51 =	vbroadcast v22, $0x4;
	v42 =	vld [tilespmem:s19+$0xFFFFFE80];
	v41 =	vmul.f32 v43, v41;
	[tilespmem:s22+$0x1E0] =	vst v37  }
0x4b1: {  	v59 =	vbroadcast v18, $0x5;
	[tilespmem:s22+$0xFFFFFF00] =	vst v63;
	v27 =	vmul.f32 v27, v60;
	v60 =	vld [tilespmem:s19+$0x1F0]  }
0x4b2: {  	v46 =	vbroadcast v22, $0x3;
	[tilespmem:s22+$0xFFFFFF90] =	vst v41;
	v61 =	vld [tilespmem:s19+$0xFFFFFF10];
	v62 =	vmul.f32 v52, v62  }
0x4b3: {  	v50 =	vbroadcast v24, $0x3;
	v43 =	vld [tilespmem:s19+$0xFFFFFFA0];
	[tilespmem:s22+$0x20] =	vst v27;
	v27 =	vmul.f32 v53, v48  }
0x4b4: {  	v63 =	vbroadcast v16, $0x4;
	v44 =	vmul.f32 v44, v47;
	v47 =	vld [tilespmem:s19+$0x30];
	[tilespmem:s22+$0xB0] =	vst v62  }
0x4b5: {  	v45 =	vbroadcast v25, $0x3;
	v29 =	vmul.f32 v42, v29;
	v53 =	vld [tilespmem:s19+$0xC0];
	[tilespmem:s22+$0x140] =	vst v27  }
0x4b6: {  	v56 =	vbroadcast v31, $0x4;
	[tilespmem:s22+$0xFFFFFDE0] =	vst v44;
	v27 =	vld [tilespmem:s19+$0x150];
	v35 =	vmul.f32 v60, v63  }
0x4b7: {  	v28 =	vbroadcast v18, $0x4;
	[tilespmem:s22+$0xFFFFFE80] =	vst v29;
	v29 =	vmul.f32 v61, v36;
	v48 =	vld [tilespmem:s19+$0xFFFFFDF0]  }
0x4b8: {  	v41 =	vbroadcast v31, $0x5;
	v37 =	vld [tilespmem:s19+$0xFFFFFE90];
	v57 =	vmul.f32 v43, v57;
	[tilespmem:s22+$0x1F0] =	vst v35  }
0x4b9: {  	v52 =	vbroadcast v25, $0x4;
	[tilespmem:s22+$0xFFFFFF10] =	vst v29;
	v29 =	vmul.f32 v47, v46;
	v46 =	vld [tilespmem:s19+$0x200]  }
0x4ba: {  	v42 =	vbroadcast v22, $0x5;
	[tilespmem:s22+$0xFFFFFFA0] =	vst v57;
	v47 =	vld [tilespmem:s19+$0xFFFFFF20];
	v61 =	vmul.f32 v53, v50  }
0x4bb: {  	v60 =	vbroadcast v21, $0x5;
	v62 =	vld [tilespmem:s19+$0xFFFFFFB0];
	[tilespmem:s22+$0x30] =	vst v29;
	v27 =	vmul.f32 v27, v45  }
0x4bc: {  	v63 =	vbroadcast v16, $0x5;
	v29 =	vmul.f32 v48, v55;
	v48 =	vld [tilespmem:s19+$0x40];
	[tilespmem:s22+$0xC0] =	vst v61  }
0x4bd: {  	v44 =	vbroadcast v17, $0x5;
	v28 =	vmul.f32 v37, v28;
	v55 =	vld [tilespmem:s19+$0xD0];
	[tilespmem:s22+$0x150] =	vst v27  }
0x4be: {  	v43 =	vbroadcast v24, $0x5;
	[tilespmem:s22+$0xFFFFFDF0] =	vst v29;
	v57 =	vld [tilespmem:s19+$0x160];
	v29 =	vmul.f32 v46, v63  }
0x4bf: {  	v36 =	vbroadcast v31, $0x6;
	[tilespmem:s22+$0xFFFFFE90] =	vst v28;
	v28 =	vmul.f32 v47, v54;
	v61 =	vld [tilespmem:s19+$0xFFFFFE00]  }
0x4c0: {  	v35 =	vbroadcast v18, $0x6;
	v47 =	vld [tilespmem:s19+$0xFFFFFEA0];
	v62 =	vmul.f32 v62, v58;
	[tilespmem:s22+$0x200] =	vst v29  }
0x4c1: {  	v45 =	vbroadcast v25, $0x5;
	[tilespmem:s22+$0xFFFFFF20] =	vst v28;
	v63 =	vmul.f32 v48, v51;
	v51 =	vld [tilespmem:s19+$0x210]  }
0x4c2: {  	v37 =	vbroadcast v21, $0x6;
	[tilespmem:s22+$0xFFFFFFB0] =	vst v62;
	v54 =	vld [tilespmem:s19+$0xFFFFFF30];
	v55 =	vmul.f32 v55, v49  }
0x4c3: {  	v27 =	vbroadcast v17, $0x6;
	v48 =	vld [tilespmem:s19+$0xFFFFFFC0];
	[tilespmem:s22+$0x40] =	vst v63;
	v58 =	vmul.f32 v57, v52  }
0x4c4: {  	v62 =	vbroadcast v16, $0x6;
	v61 =	vmul.f32 v61, v56;
	v49 =	vld [tilespmem:s19+$0x50];
	[tilespmem:s22+$0xD0] =	vst v55  }
0x4c5: {  	v46 =	vbroadcast v25, $0x6;
	v63 =	vmul.f32 v47, v59;
	v47 =	vld [tilespmem:s19+$0xE0];
	[tilespmem:s22+$0x160] =	vst v58  }
0x4c6: {  	v28 =	vbroadcast v22, $0x6;
	[tilespmem:s22+$0xFFFFFE00] =	vst v61;
	v38 =	vld [tilespmem:s19+$0x170];
	v50 =	vmul.f32 v51, v62  }
0x4c7: {  	s9 =	simm.s32 $0x1060;
	s15 =	simm.s32 $0x10;
	v29 =	vbroadcast v24, $0x6;
	[tilespmem:s22+$0xFFFFFEA0] =	vst v63;
	v51 =	vmul.f32 v54, v60;
	v40 =	vld [tilespmem:s19+$0xFFFFFE10]  }
.LBB2_10:
0x4c8: {  	v39 =	vld [tilespmem:s9+$0x230];
	v44 =	vmul.f32 v48, v44;
	[tilespmem:s22+$0x210] =	vst v50;
	v20 =	vmul.f32 v20, v9;
	v9 =	vmov v46  }
0x4c9: {  	v31 =	vbroadcast v31, $0x7;
	s8 =	sadd.s32 $0x80, s8;
	[tilespmem:s22+$0xFFFFFF30] =	vst v51;
	v42 =	vmul.f32 v49, v42;
	v46 =	vld [tilespmem:s19+$0x220]  }
0x4ca: {  	s15 =	sadd.s32 $0x8, s15;
	v18 =	vbroadcast v18, $0x7;
	v48 =	vld [tilespmem:s8+$0x30];
	[tilespmem:s22+$0xFFFFFFC0] =	vst v44;
	v43 =	vmul.f32 v47, v43  }
0x4cb: {  	v21 =	vbroadcast v21, $0x7;
	p0 =	slt.u32 s15, $0x48;
	v44 =	vld [tilespmem:s8+$0xFFFFFFC0];
	[tilespmem:s22+$0x50] =	vst v42;
	v38 =	vmul.f32 v38, v45  }
0x4cc: {  	v16 =	vbroadcast v16, $0x7;
	v42 =	vld [tilespmem:s9+$0xFFFFFED0];
	v40 =	vmul.f32 v40, v41;
	[tilespmem:s22+$0xE0] =	vst v43  }
0x4cd: {  	v17 =	vbroadcast v17, $0x7;
	v22 =	vbroadcast v22, $0x7;
	v41 =	vld [tilespmem:s8+$0xFFFFFFD0];
	[tilespmem:s22+$0x170] =	vst v38  }
0x4ce: {  	v24 =	vbroadcast v24, $0x7;
	v38 =	vld [tilespmem:s9+$0xFFFFFF60];
	[tilespmem:s22+$0xFFFFFE10] =	vst v40;
	v16 =	vmul.f32 v46, v16  }
0x4cf: {  	v25 =	vbroadcast v25, $0x7;
	v19 =	vmul.f32 v19, v10;
	v10 =	vmovc v31;
	v40 =	vld [tilespmem:s8+$0xFFFFFFE0];
	v39 =	vadd.f32 v48, v39;
	[tilespmem:s18+$0xFFFFFFD0] =	vst v34  }
0x4d0: {  	v31 =	vld [tilespmem:s9+$0xFFFFFFF0];
	[tilespmem:s22+$0x220] =	vst v16;
	v16 =	vmul.f32 v23, v11;
	v23 =	vmul.f32 v26, v12;
	v11 =	vmovc v18;
	v12 =	vmov v21  }
0x4d1: {  	v13 =	vmul.f32 v13, v1;
	v1 =	vmovc v7;
	v7 =	vmov v17;
	v18 =	vld [tilespmem:s8+$0xFFFFFFF0];
	v21 =	vmul.f32 $2.000000030e-01, v39;
	[tilespmem:s18+$0x60] =	vst v33  }
0x4d2: {  	v14 =	vmul.f32 v14, v2;
	v15 =	vmul.f32 v15, v4;
	v17 =	vadd.f32 v41, v42;
	v26 =	vld [tilespmem:s9+$0x80];
	[tilespmem:s18+$0xF0] =	vst v32  }
0x4d3: {  	v2 =	vmovc v6;
	v6 =	vmov v22;
	v32 =	vld [tilespmem:s8+$0x0];
	v34 =	vmax.f32 v39, v21;
	[tilespmem:s18+$0x180] =	vst v20;
	v20 =	vmul.f32 v30, v3  }
0x4d4: {  	v4 =	vmovc v5;
	v5 =	vmovc v24;
	v21 =	vmul.f32 $2.000000030e-01, v17;
	v22 =	vadd.f32 v40, v38;
	v30 =	vld [tilespmem:s9+$0x110];
	v33 =	vmul.f32 $1.442695020e+00, v34;
	[tilespmem:s18+$0xFFFFFE30] =	vst v19  }
0x4d5: {  	v3 =	vmov v8;
	v8 =	vmov v25;
	v19 =	vld [tilespmem:s8+$0x10];
	[tilespmem:s18+$0xFFFFFEC0] =	vst v16  }
0x4d6: {  	v16 =	vmul.f32 $2.000000030e-01, v22;
	v18 =	vadd.f32 v18, v31;
	v24 =	vld [tilespmem:s9+$0x1A0];
	(erf) = vpow2.f32 v33;
	[tilespmem:s18+$0xFFFFFF50] =	vst v23  }
0x4d7: {  	v17 =	vmax.f32 v17, v21;
	v21 =	vld [tilespmem:s8+$0x20];
	[tilespmem:s16+$0xFFFFFFE0] =	vst v13  }
0x4d8: {  	v13 =	vld [tilespmem:s9+$0xFFFFFE40];
	v16 =	vmax.f32 v22, v16;
	v22 =	vmul.f32 $2.000000030e-01, v18;
	v23 =	vadd.f32 v32, v26;
	[tilespmem:s16+$0x70] =	vst v14  }
0x4d9: {  	v14 =	vmul.f32 $1.442695020e+00, v17;
	v16 =	vmul.f32 $1.442695020e+00, v16;
	v17 =	vld [tilespmem:s19+$0xFFFFFE20];
	[tilespmem:s16+$0x100] =	vst v15  }
0x4da: {  	v15 =	vmax.f32 v18, v22;
	v18 =	vmul.f32 $2.000000030e-01, v23;
	v19 =	vadd.f32 v19, v30;
	v22 =	vld [tilespmem:s19+$0xFFFFFEB0];
	[tilespmem:s16+$0x190] =	vst v20;
	s16 =	smov.u32 s18;
	s18 =	smov.u32 s22  }
0x4db: {  	v15 =	vmul.f32 $1.442695020e+00, v15;
	(erf) = vpow2.f32 v14;
	v25 =	vld [tilespmem:s19+$0xFFFFFF40]  }
0x4dc: {  	v14 =	vmax.f32 v23, v18;
	v18 =	vmul.f32 $2.000000030e-01, v19;
	v21 =	vadd.f32 v21, v24;
	v34 =	vld [tilespmem:s19+$0xFFFFFFD0]  }
0x4dd: {  	v23 =	vadd.f32 v44, v13;
	v13 =	vmul.f32 $1.442695020e+00, v14;
	(erf) = vpow2.f32 v16;
	v33 =	vld [tilespmem:s19+$0x60]  }
0x4de: {  	s22 =	sadd.s32 $0x480, s22;
	v14 =	vmax.f32 v19, v18;
	v18 =	vmul.f32 $2.000000030e-01, v21;
	(erf) = vpow2.f32 v15;
	v32 =	vld [tilespmem:s19+$0xF0]  }
0x4df: {  	v15 =	vmul.f32 $2.000000030e-01, v23;
	v14 =	vmul.f32 $1.442695020e+00, v14;
	v16 =	vpop (erf);
	v20 =	vld [tilespmem:s19+$0x180]  }
0x4e0: {  	v17 =	vmul.f32 v17, v36;
	v18 =	vmax.f32 v21, v18;
	[tilespmem:s22+$0x230] =	vst v16;
	(erf) = vpow2.f32 v13;
	v13 =	vld [tilespmem:s17+$0xFFFFFFE0]  }
0x4e1: {  	v15 =	vmax.f32 v23, v15;
	v23 =	vmul.f32 $1.442695020e+00, v18;
	v21 =	vld [tilespmem:s9+$0x1B0];
	(erf) = vpow2.f32 v14  }
0x4e2: {  	v15 =	vmul.f32 $1.442695020e+00, v15;
	[tilespmem:s18+$0xFFFFFE20] =	vst v17;
	v17 =	vmul.f32 v22, v35;
	v14 =	vld [tilespmem:s17+$0x70]  }
0x4e3: {  	v22 =	vmul.f32 v25, v37;
	(erf) = vpow2.f32 v23;
	v19 =	vld [tilespmem:s19+$0xFFFFFE30]  }
0x4e4: {  	v24 =	vbroadcast v16, $0x0;
	(erf) = vpow2.f32 v15;
	v18 =	vpop (erf);
	[tilespmem:s18+$0xFFFFFEB0] =	vst v17;
	v15 =	vld [tilespmem:s17+$0x100]  }
0x4e5: {  	[tilespmem:s22+$0xFFFFFED0] =	vst v18;
	v25 =	vbroadcast v18, $0x0;
	v35 =	vbroadcast v18, $0x1;
	v23 =	vld [tilespmem:s19+$0xFFFFFEC0]  }
0x4e6: {  	v36 =	vbroadcast v18, $0x2;
	v30 =	vld [tilespmem:s9+$0xFFFFFE50];
	v24 =	vmul.f32 v24, v21;
	v21 =	vpop (erf);
	[tilespmem:s18+$0xFFFFFF40] =	vst v22  }
0x4e7: {  	[tilespmem:s22+$0xFFFFFF60] =	vst v21;
	v31 =	vbroadcast v21, $0x0;
	v37 =	vbroadcast v21, $0x1;
	v17 =	vpop (erf);
	v26 =	vld [tilespmem:s19+$0xFFFFFF50]  }
0x4e8: {  	v38 =	vld [tilespmem:s9+$0xFFFFFEE0];
	v39 =	vbroadcast v17, $0x0;
	v40 =	vbroadcast v17, $0x1;
	[tilespmem:s22+$0x1B0] =	vst v24  }
0x4e9: {  	v41 =	vbroadcast v21, $0x2;
	v42 =	vbroadcast v17, $0x2;
	[tilespmem:s22+$0xFFFFFFF0] =	vst v17;
	v43 =	vld [tilespmem:s9+$0x1C0];
	v22 =	vpop (erf)  }
0x4ea: {  	v44 =	vld [tilespmem:s9+$0xFFFFFF70];
	[tilespmem:s22+$0x80] =	vst v22;
	v45 =	vbroadcast v22, $0x0;
	v46 =	vbroadcast v22, $0x1;
	v24 =	vpop (erf)  }
0x4eb: {  	v47 =	vmul.f32 v25, v30;
	v48 =	vld [tilespmem:s9+$0x0];
	[tilespmem:s22+$0x110] =	vst v24;
	v49 =	vbroadcast v24, $0x0  }
0x4ec: {  	v52 =	vbroadcast v16, $0x1;
	v51 =	vbroadcast v24, $0x1;
	v50 =	vld [tilespmem:s9+$0x90];
	v25 =	vpop (erf)  }
0x4ed: {  	v38 =	vmul.f32 v31, v38;
	[tilespmem:s22+$0x1A0] =	vst v25;
	v53 =	vbroadcast v25, $0x0;
	v31 =	vpop (erf);
	v30 =	vld [tilespmem:s17+$0x190];
	s17 =	smov.u32 s19;
	s19 =	smov.u32 s9  }
0x4ee: {  	[tilespmem:s22+$0xFFFFFE40] =	vst v31;
	v54 =	vbroadcast v31, $0x0;
	v55 =	vld [tilespmem:s9+$0x120];
	v43 =	vmul.f32 v52, v43  }
0x4ef: {  	v56 =	vbroadcast v31, $0x1;
	v52 =	vld [tilespmem:s9+$0xFFFFFDC0];
	[tilespmem:s22+$0xFFFFFE50] =	vst v47;
	v39 =	vmul.f32 v39, v44  }
0x4f0: {  	v47 =	vbroadcast v25, $0x1;
	v44 =	vld [tilespmem:s9+$0xFFFFFE60];
	v45 =	vmul.f32 v45, v48;
	[tilespmem:s22+$0x1C0] =	vst v43  }
0x4f1: {  	v43 =	vbroadcast v31, $0x2;
	[tilespmem:s22+$0xFFFFFEE0] =	vst v38;
	v38 =	vmul.f32 v49, v50;
	v48 =	vld [tilespmem:s9+$0x1D0]  }
0x4f2: {  	v50 =	vbroadcast v24, $0x2;
	v49 =	vld [tilespmem:s9+$0xFFFFFEF0];
	[tilespmem:s22+$0xFFFFFF70] =	vst v39;
	v39 =	vbroadcast v22, $0x2  }
0x4f3: {  	v57 =	vld [tilespmem:s9+$0xFFFFFF80];
	[tilespmem:s22+$0x0] =	vst v45;
	v45 =	vmul.f32 v53, v55;
	v53 =	vbroadcast v25, $0x2  }
0x4f4: {  	v52 =	vmul.f32 v54, v52;
	v54 =	vld [tilespmem:s9+$0x10];
	[tilespmem:s22+$0x90] =	vst v38;
	v38 =	vbroadcast v16, $0x2  }
0x4f5: {  	v55 =	vbroadcast v31, $0x3;
	v35 =	vmul.f32 v35, v44;
	v44 =	vld [tilespmem:s9+$0xA0];
	[tilespmem:s22+$0x120] =	vst v45  }
0x4f6: {  	v45 =	vbroadcast v18, $0x3;
	[tilespmem:s22+$0xFFFFFDC0] =	vst v52;
	v52 =	vld [tilespmem:s9+$0x130];
	v38 =	vmul.f32 v38, v48  }
0x4f7: {  	v48 =	vld [tilespmem:s9+$0xFFFFFDD0];
	[tilespmem:s22+$0xFFFFFE60] =	vst v35;
	v35 =	vmul.f32 v37, v49;
	v37 =	vbroadcast v21, $0x3  }
0x4f8: {  	v49 =	vld [tilespmem:s9+$0xFFFFFE70];
	v40 =	vmul.f32 v40, v57;
	v57 =	vbroadcast v17, $0x3;
	[tilespmem:s22+$0x1D0] =	vst v38  }
0x4f9: {  	v38 =	vbroadcast v22, $0x3;
	[tilespmem:s22+$0xFFFFFEF0] =	vst v35;
	v35 =	vmul.f32 v46, v54;
	v46 =	vld [tilespmem:s9+$0x1E0]  }
0x4fa: {  	v54 =	vld [tilespmem:s9+$0xFFFFFF00];
	[tilespmem:s22+$0xFFFFFF80] =	vst v40;
	v40 =	vmul.f32 v51, v44;
	v51 =	vbroadcast v24, $0x3  }
0x4fb: {  	v44 =	vld [tilespmem:s9+$0xFFFFFF90];
	[tilespmem:s22+$0x10] =	vst v35;
	v35 =	vmul.f32 v47, v52;
	v47 =	vbroadcast v25, $0x3  }
0x4fc: {  	v48 =	vmul.f32 v56, v48;
	v52 =	vld [tilespmem:s9+$0x20];
	[tilespmem:s22+$0xA0] =	vst v40;
	v40 =	vbroadcast v16, $0x3  }
0x4fd: {  	v56 =	vbroadcast v31, $0x4;
	v36 =	vmul.f32 v36, v49;
	v49 =	vld [tilespmem:s9+$0xB0];
	[tilespmem:s22+$0x130] =	vst v35  }
0x4fe: {  	v35 =	vbroadcast v18, $0x4;
	[tilespmem:s22+$0xFFFFFDD0] =	vst v48;
	v48 =	vld [tilespmem:s9+$0x140];
	v40 =	vmul.f32 v46, v40  }
0x4ff: {  	v46 =	vld [tilespmem:s9+$0xFFFFFDE0];
	[tilespmem:s22+$0xFFFFFE70] =	vst v36;
	v36 =	vmul.f32 v41, v54;
	v54 =	vbroadcast v21, $0x4  }
0x500: {  	v59 =	vbroadcast v17, $0x4;
	v58 =	vld [tilespmem:s9+$0xFFFFFE80];
	v41 =	vmul.f32 v42, v44;
	[tilespmem:s22+$0x1E0] =	vst v40  }
0x501: {  	[tilespmem:s22+$0xFFFFFF00] =	vst v36;
	v36 =	vmul.f32 v39, v52;
	v39 =	vbroadcast v22, $0x4;
	v40 =	vld [tilespmem:s9+$0x1F0]  }
0x502: {  	v42 =	vld [tilespmem:s9+$0xFFFFFF10];
	[tilespmem:s22+$0xFFFFFF90] =	vst v41;
	v41 =	vmul.f32 v50, v49;
	v49 =	vbroadcast v24, $0x4  }
0x503: {  	v50 =	vbroadcast v25, $0x4;
	v44 =	vld [tilespmem:s9+$0xFFFFFFA0];
	[tilespmem:s22+$0x20] =	vst v36;
	v36 =	vmul.f32 v53, v48  }
0x504: {  	v48 =	vbroadcast v16, $0x4;
	v43 =	vmul.f32 v43, v46;
	v46 =	vld [tilespmem:s9+$0x30];
	[tilespmem:s22+$0xB0] =	vst v41  }
0x505: {  	v41 =	vbroadcast v31, $0x5;
	v45 =	vmul.f32 v58, v45;
	v52 =	vld [tilespmem:s9+$0xC0];
	[tilespmem:s22+$0x140] =	vst v36  }
0x506: {  	v53 =	vbroadcast v18, $0x5;
	[tilespmem:s22+$0xFFFFFDE0] =	vst v43;
	v36 =	vld [tilespmem:s9+$0x150];
	v40 =	vmul.f32 v40, v48  }
0x507: {  	v58 =	vbroadcast v21, $0x5;
	v48 =	vld [tilespmem:s9+$0xFFFFFDF0];
	[tilespmem:s22+$0xFFFFFE80] =	vst v45;
	v37 =	vmul.f32 v42, v37  }
0x508: {  	v60 =	vld [tilespmem:s9+$0xFFFFFE90];
	v43 =	vmul.f32 v44, v57;
	v44 =	vbroadcast v17, $0x5;
	[tilespmem:s22+$0x1F0] =	vst v40  }
0x509: {  	v42 =	vbroadcast v22, $0x5;
	[tilespmem:s22+$0xFFFFFF10] =	vst v37;
	v37 =	vmul.f32 v46, v38;
	v38 =	vld [tilespmem:s9+$0x200]  }
0x50a: {  	v40 =	vld [tilespmem:s9+$0xFFFFFF20];
	[tilespmem:s22+$0xFFFFFFA0] =	vst v43;
	v46 =	vmul.f32 v52, v51;
	v43 =	vbroadcast v24, $0x5  }
0x50b: {  	v45 =	vbroadcast v25, $0x5;
	v51 =	vld [tilespmem:s9+$0xFFFFFFB0];
	[tilespmem:s22+$0x30] =	vst v37;
	v37 =	vmul.f32 v36, v47  }
0x50c: {  	v47 =	vmul.f32 v48, v55;
	v48 =	vld [tilespmem:s9+$0x40];
	[tilespmem:s22+$0xC0] =	vst v46;
	v46 =	vbroadcast v16, $0x5  }
0x50d: {  	v36 =	vbroadcast v31, $0x6;
	v52 =	vmul.f32 v60, v35;
	v55 =	vld [tilespmem:s9+$0xD0];
	[tilespmem:s22+$0x150] =	vst v37  }
0x50e: {  	v35 =	vbroadcast v18, $0x6;
	[tilespmem:s22+$0xFFFFFDF0] =	vst v47;
	v47 =	vld [tilespmem:s9+$0x160];
	v38 =	vmul.f32 v38, v46  }
0x50f: {  	v37 =	vbroadcast v21, $0x6;
	v57 =	vld [tilespmem:s9+$0xFFFFFE00];
	[tilespmem:s22+$0xFFFFFE90] =	vst v52;
	v40 =	vmul.f32 v40, v54  }
0x510: {  	v52 =	vld [tilespmem:s9+$0xFFFFFEA0];
	v46 =	vmul.f32 v51, v59;
	v51 =	vbroadcast v17, $0x6;
	[tilespmem:s22+$0x200] =	vst v38  }
0x511: {  	[tilespmem:s22+$0xFFFFFF20] =	vst v40;
	v38 =	vmul.f32 v48, v39;
	v39 =	vbroadcast v22, $0x6;
	v40 =	vld [tilespmem:s9+$0x210]  }
0x512: {  	v59 =	vbroadcast v24, $0x6;
	v54 =	vld [tilespmem:s9+$0xFFFFFF30];
	[tilespmem:s22+$0xFFFFFFB0] =	vst v46;
	v55 =	vmul.f32 v55, v49  }
.Ltmp4:
0x513: {  	v46 =	vbroadcast v25, $0x6;
	v48 =	vld [tilespmem:s9+$0xFFFFFFC0];
	[tilespmem:s22+$0x40] =	vst v38;
	v38 =	vmul.f32 v47, v50;
	(pc) =	sbr.rel @p0 .LBB2_10-.Ltmp4, $4  }
0x514: {  	v50 =	vmul.f32 v57, v56;
	v49 =	vld [tilespmem:s9+$0x50];
	[tilespmem:s22+$0xD0] =	vst v55;
	v55 =	vbroadcast v16, $0x6  }
0x515: {  	v34 =	vmul.f32 v34, v27;
	v27 =	vmov v51;
	v52 =	vmul.f32 v52, v53;
	v47 =	vld [tilespmem:s9+$0xE0];
	[tilespmem:s22+$0x160] =	vst v38  }
0x516: {  	v33 =	vmul.f32 v33, v28;
	v28 =	vmov v39;
	[tilespmem:s22+$0xFFFFFE00] =	vst v50;
	v38 =	vld [tilespmem:s9+$0x170];
	v50 =	vmul.f32 v40, v55  }
0x517: {  	v32 =	vmul.f32 v32, v29;
	v29 =	vmov v59;
	s9 =	sadd.s32 $0x480, s9;
	v40 =	vld [tilespmem:s19+$0xFFFFFE10];
	[tilespmem:s22+$0xFFFFFEA0] =	vst v52;
	v51 =	vmul.f32 v54, v58  }
0x518: {  	[tilespmem:s22+$0x210] =	vst v50  }
0x519: {  	[tilespmem:s18+$0xFFFFFFD0] =	vst v34  }
0x51a: {  	[tilespmem:s18+$0x60] =	vst v33  }
0x51b: {  	v39 =	vmul.f32 v48, v44;
	[tilespmem:s22+$0xFFFFFF30] =	vst v51  }
0x51c: {  	v9 =	vmul.f32 v20, v9;
	[tilespmem:s18+$0xF0] =	vst v32  }
0x51d: {  	v10 =	vmul.f32 v19, v10;
	[tilespmem:s22+$0xFFFFFFC0] =	vst v39  }
0x51e: {  	v11 =	vmul.f32 v23, v11;
	[tilespmem:s18+$0x180] =	vst v9  }
0x51f: {  	v12 =	vmul.f32 v26, v12;
	[tilespmem:s18+$0xFFFFFE30] =	vst v10  }
0x520: {  	v1 =	vmul.f32 v13, v1;
	[tilespmem:s18+$0xFFFFFEC0] =	vst v11  }
0x521: {  	v2 =	vmul.f32 v14, v2;
	[tilespmem:s18+$0xFFFFFF50] =	vst v12  }
0x522: {  	v4 =	vmul.f32 v15, v4;
	[tilespmem:s16+$0xFFFFFFE0] =	vst v1  }
0x523: {  	v48 =	vld [tilespmem:s19+$0xFFFFFEB0];
	v3 =	vmul.f32 v30, v3;
	[tilespmem:s16+$0x70] =	vst v2  }
0x524: {  	v42 =	vmul.f32 v49, v42;
	v62 =	vld [tilespmem:s19+$0x220];
	[tilespmem:s16+$0x100] =	vst v4  }
0x525: {  	v63 =	vmul.f32 v47, v43;
	v49 =	vld [tilespmem:s19+$0xFFFFFF40];
	[tilespmem:s16+$0x190] =	vst v3  }
0x526: {  	v55 =	vld [tilespmem:s17+$0xFFFFFFE0];
	[tilespmem:s22+$0x50] =	vst v42;
	v40 =	vmul.f32 v40, v41  }
0x527: {  	v16 =	vbroadcast v16, $0x7;
	v38 =	vmul.f32 v38, v45;
	v1 =	vld [tilespmem:s19+$0xFFFFFFD0];
	[tilespmem:s22+$0xE0] =	vst v63  }
0x528: {  	v2 =	vld [tilespmem:s19+$0x60];
	v10 =	vmul.f32 v48, v35;
	[tilespmem:s22+$0xFFFFFE10] =	vst v40  }
0x529: {  	[tilespmem:s22+$0x170] =	vst v38;
	v16 =	vmul.f32 v62, v16;
	v47 =	vld [tilespmem:s19+$0xFFFFFE20]  }
0x52a: {  	v50 =	vld [tilespmem:s19+$0xF0];
	v52 =	vmul.f32 v49, v37;
	[tilespmem:s22+$0xFFFFFEB0] =	vst v10  }
0x52b: {  	v51 =	vld [tilespmem:s19+$0x180];
	v7 =	vmul.f32 v55, v7;
	[tilespmem:s22+$0x220] =	vst v16  }
0x52c: {  	v10 =	vld [tilespmem:s19+$0xFFFFFEC0];
	v1 =	vmul.f32 v1, v27;
	[tilespmem:s22+$0xFFFFFF40] =	vst v52  }
0x52d: {  	[tilespmem:s18+$0xFFFFFFE0] =	vst v7;
	v2 =	vmul.f32 v2, v28;
	v3 =	vld [tilespmem:s19+$0xFFFFFF50]  }
0x52e: {  	v56 =	vld [tilespmem:s17+$0x70];
	[tilespmem:s22+$0xFFFFFFD0] =	vst v1;
	v9 =	vmul.f32 v47, v36  }
0x52f: {  	v57 =	vld [tilespmem:s17+$0x100];
	v4 =	vmul.f32 v50, v29;
	v1 =	vbroadcast v18, $0x7;
	[tilespmem:s22+$0x60] =	vst v2  }
0x530: {  	v58 =	vld [tilespmem:s17+$0x190];
	v12 =	vmul.f32 v51, v46;
	v2 =	vbroadcast v21, $0x7;
	[tilespmem:s22+$0xFFFFFE20] =	vst v9  }
0x531: {  	[tilespmem:s22+$0xF0] =	vst v4;
	v1 =	vmul.f32 v10, v1;
	v53 =	vld [tilespmem:s19+$0xFFFFFE30]  }
0x532: {  	[tilespmem:s22+$0x180] =	vst v12;
	v2 =	vmul.f32 v3, v2;
	v3 =	vld [tilespmem:s19+$0xFFFFFFE0]  }
0x533: {  	v6 =	vmul.f32 v56, v6;
	[tilespmem:s22+$0xFFFFFEC0] =	vst v1;
	v1 =	vld [tilespmem:s19+$0x70]  }
0x534: {  	v54 =	vbroadcast v31, $0x7;
	v5 =	vmul.f32 v57, v5;
	[tilespmem:s22+$0xFFFFFF50] =	vst v2;
	v2 =	vld [tilespmem:s19+$0x100]  }
0x535: {  	v59 =	vbroadcast v17, $0x7;
	[tilespmem:s18+$0x70] =	vst v6;
	v4 =	vmul.f32 v58, v8;
	v60 =	vld [tilespmem:s19+$0x190]  }
0x536: {  	v61 =	vbroadcast v22, $0x7;
	[tilespmem:s18+$0x100] =	vst v5;
	v9 =	vmul.f32 v53, v54  }
0x537: {  	v62 =	vbroadcast v24, $0x7;
	[tilespmem:s18+$0x190] =	vst v4;
	v3 =	vmul.f32 v3, v59  }
0x538: {  	v63 =	vbroadcast v25, $0x7;
	v1 =	vmul.f32 v1, v61;
	[tilespmem:s22+$0xFFFFFE30] =	vst v9  }
0x539: {  	v2 =	vmul.f32 v2, v62;
	[tilespmem:s22+$0xFFFFFFE0] =	vst v3  }
0x53a: {  	v3 =	vmul.f32 v60, v63;
	[tilespmem:s22+$0x70] =	vst v1  }
0x53b: {  	[tilespmem:s22+$0x100] =	vst v2  }
0x53c: {  	[tilespmem:s22+$0x190] =	vst v3  }
0x53d: {  	[spmem:s3] =	stream.indirect.scatter.add.f32 [tilespmem:s24], [sflag:$0x7], $0x90, s26, s26, $0xb8;
	[tilespmem:$0x1F1D0] =	vst v63  }
0x53e: {  	_ =	swait.ge [sflag:s25], $0x2D00  }
0x53f: {  	[sflag:s25] =	ssyncset.done $0x0  }
0x540: {  	[sflag:s25] =	ssyncadd.s32 $0xFFFFD300  }
0x541: {  	s8 =	stileid.u32;
	[bflag:$0x0] =	sbarrier.arrive $0xFFFF  }
0x542: {  	s8 =	sshll.u32 s8, $0x6;
	s15 =	rddreg [dreg:$0x4]  }
0x543: {  	s8 =	sor.u32 $0x1C07, s8;
	s19 =	rddreg [dreg:$0x10];
	s9 =	sshrl.u32 s15, $0x3  }
0x544: {  	[hbm:s19], [sflag:s8] =	dma.local [spmem:s9], $0x2BF2  }
0x545: {  	_ =	swait.ge [sflag:s25], $0x2BF2  }
0x546: {  	s22 =	rddreg [dreg:$0x12]  }
0x547: {  	s23 =	rddreg [dreg:$0x11];
	s9 =	sadd.s32 $0x1, s22  }
0x548: {  	p0 =	sne.s32 s9, s23  }
.Ltmp5:
0x549: {  	_ = 	snop;
	(pc) =	sbr.rel @p0 .LBB2_1-.Ltmp5, $3  }
0x54a: {  	_ =	sdelay $0x1  }
0x54b: {  	[sflag:s25] =	ssyncset.done $0x0  }
0x54c: {  	[sflag:s25] =	ssyncadd.s32 $0xFFFFD40E  }
0x54d: {  	_ =	sfence.sel $0x180000  }
0x54e: {  	[bflag:$0x0] =	sbarrier.arrive $0xFFFF  }
0x54f: {  	_ =	strace $0x90000047  }
0x550: {  	s0 =	stileid.u32;
	[bflag:$0x2] =	sbarrier.arrive $0xFFFF  }
0x551: {  	p0 =	sne.s32 s0, $0x0;
	s0 =	rddreg [dreg:$0x3]  }
0x552: {  	s0 =	sadd.s32 @!p0 $0x100000, s0  }
0x553: {  	[sflag:s0] =	ssyncadd.tile.s32 @!p0 $0x1;
	_ =	shalt  }
.Lfunc_end2:
_tile_overlayer_lowered:
.L_overlay_start_2:
0x554: {  	(tag) =	ssettag $0x2  }
0x555: {  	s0 =	rddreg [dreg:$0x0];
	s2 =	stileid.u32  }
0x556: {  	s1 =	rddreg [dreg:$0x1];
	p0 =	sne.s32 s2, $0x0  }
0x557: {  	s3 =	rddreg [dreg:$0x2];
	[bflag:$0x3] =	sbarrier.arrive $0xFFFF;
	s2 =	simm.s32 @!p0 $0x1C07  }
0x558: {  	[timem:s3], [sflag:s2] =	dma.local @!p0 [hbm:s0], s1  }
0x559: {  	s0 =	simm.s32 @!p0 $0x7  }
0x55a: {  	_ =	swait.ge @!p0 [sflag:s0], s1  }
0x55b: {  	s1 =	ssub.s32 @!p0 $0x0, s1;
	[sflag:s0] =	ssyncset.done @!p0 $0x0  }
0x55c: {  	[sflag:s0] =	ssyncadd.s32 @!p0 s1  }
0x55d: {  	[bflag:$0x3] =	sbarrier.arrive $0xFFFF  }
0x55e: {  	_ =	shalt  }

</sc_bundles>
